<compile_context>
chip_gen: v7x
topology: tpu7x:2x2x1
jax: 0.10.2.dev20260603
libtpu: 0.0.44.dev20260713+nightly
codegen_flags: <defaults>
</compile_context>

<pallas_src>
import functools

import jax
import jax.numpy as jnp
from jax import lax
from jax.experimental import pallas as pl
from jax.experimental.pallas import tpu as pltpu
from jax.experimental.pallas import tpu_sc as plsc

N = 10000
E = 320000
D_IN = 128
H = 8
D_OUT = 16
D_E = 16
N_NT = 3
N_ET = 4
HD = H * D_OUT

NC = 2
NS = 16
NW = NC * NS
EPW = E // NW
C = 80
NCHUNK = EPW // C
N_PAD = 10240
RPS = N_PAD // NS

BR = 400
NB = N // BR


def _tc_proj_body(feat_ref, fcw_ref, wlr_ref, nt_ref, ef_ref, fcew_ref,
                  ae_ref, g_ref, fs_ref, elr_ref, ee_ref):
    x = feat_ref[...]
    fs = jnp.dot(x, fcw_ref[...], preferred_element_type=jnp.float32)
    fs_ref[...] = fs
    nt = nt_ref[...]
    acc = jnp.zeros((BR, 2 * H), jnp.float32)
    for t in range(N_NT):
        elr_t = jnp.dot(fs, wlr_ref[t], preferred_element_type=jnp.float32)
        acc = acc + jnp.where(nt == t, elr_t, 0.0)
    elr_ref[...] = acc

    @pl.when(pl.program_id(0) == 0)
    def _():
        t1 = jnp.dot(ef_ref[...], fcew_ref[...],
                     preferred_element_type=jnp.float32)
        ee_ref[...] = jnp.dot(t1 * ae_ref[...], g_ref[...],
                              preferred_element_type=jnp.float32)


def _tc_inv_body(dp_ref, inv_ref):
    inv_ref[...] = 1.0 / jnp.maximum(dp_ref[0] + dp_ref[1], 1e-16)


def _tc_add_body(rp_ref, o_ref):
    o_ref[...] = rp_ref[0] + rp_ref[1]


def _hb(h):
    return jnp.full((16,), h, jnp.int32)


def _sc_a_body(src3_h, dst3_h, et3_h, elr_h, ee_h, z8_h,
               ex_o, dp_o,
               six, dix, tix, el0, er0, el1, er1, ee_v, ex_v, dsh,
               sem0, sem1, sem2):
    c = lax.axis_index("c")
    s = lax.axis_index("s")
    wid = s * NC + c
    lane = lax.iota(jnp.int32, 16)
    pltpu.sync_copy(z8_h.at[pl.ds(s * RPS, RPS)], dsh.at[pl.ds(s * RPS, RPS)])
    pltpu.sync_copy(ee_h, ee_v)
    pltpu.sync_copy(src3_h.at[wid], six)
    pltpu.sync_copy(dst3_h.at[wid], dix)
    pltpu.sync_copy(et3_h.at[wid], tix)
    plsc.subcore_barrier()
    base0 = wid * EPW

    def issue(k, elb, erb, sem):
        pltpu.async_copy(elr_h.at[six.at[k]], elb, sem)
        pltpu.async_copy(elr_h.at[dix.at[k]], erb, sem)

    def wait(k, elb, erb, sem):
        pltpu.make_async_copy(elr_h.at[six.at[k]], elb, sem).wait()
        pltpu.make_async_copy(elr_h.at[dix.at[k]], erb, sem).wait()

    def compute(k, elb, erb):
        base = base0 + k * C

        def grp(j, carry2):
            rows = j * 16 + lane
            etv = tix[k, pl.ds(j * 16, 16)]
            for h in range(H):
                ev = (plsc.load_gather(elb, [rows, _hb(h)])
                      + plsc.load_gather(erb, [rows, _hb(h + 8)])
                      + plsc.load_gather(ee_v, [etv, _hb(h)]))
                ev = jnp.where(ev >= 0.0, ev, 0.2 * ev)
                plsc.store_scatter(ex_v, [rows, _hb(h)], jnp.exp(ev))
            return carry2

        lax.fori_loop(0, C // 16, grp, 0)
        pltpu.async_copy(ex_v, ex_o.at[pl.ds(base, C)], sem2)
        pltpu.sync_copy(ex_v, dsh.at[dix.at[k]], add=True)
        pltpu.make_async_copy(ex_v, ex_o.at[pl.ds(base, C)], sem2).wait()

    issue(0, el0, er0, sem0)

    def body(i, carry):
        k0 = 2 * i
        issue(k0 + 1, el1, er1, sem1)
        wait(k0, el0, er0, sem0)
        compute(k0, el0, er0)
        issue(k0 + 2, el0, er0, sem0)
        wait(k0 + 1, el1, er1, sem1)
        compute(k0 + 1, el1, er1)
        return carry

    lax.fori_loop(0, (NCHUNK - 1) // 2, body, 0)
    wait(NCHUNK - 1, el0, er0, sem0)
    compute(NCHUNK - 1, el0, er0)
    plsc.subcore_barrier()
    pltpu.sync_copy(dsh.at[pl.ds(s * RPS, RPS)],
                    dp_o.at[c, pl.ds(s * RPS, RPS)])


def _sc_b_body(src3_h, dst3_h, ex_h, inv_h, fs_h,
               a_o, rp_o,
               six, dix, ex0, iv0, f0, ex1, iv1, f1, a_v, rsh,
               sem0, sem1, sem2):
    c = lax.axis_index("c")
    s = lax.axis_index("s")
    wid = s * NC + c
    zv = jnp.zeros((16,), jnp.float32)

    def zrow(r, carry):
        for h in range(H):
            f0[r, pl.ds(h * D_OUT, D_OUT)] = zv
        return carry

    lax.fori_loop(0, C, zrow, 0)
    for m in range(RPS // C):
        pltpu.sync_copy(f0, rsh.at[pl.ds(s * RPS + m * C, C)])
    pltpu.sync_copy(src3_h.at[wid], six)
    pltpu.sync_copy(dst3_h.at[wid], dix)
    plsc.subcore_barrier()
    lane = lax.iota(jnp.int32, 16)
    base0 = wid * EPW

    def issue(k, fb, eb, ib, sem):
        base = base0 + k * C
        pltpu.async_copy(fs_h.at[six.at[k]], fb, sem)
        pltpu.async_copy(ex_h.at[pl.ds(base, C)], eb, sem)
        pltpu.async_copy(inv_h.at[dix.at[k]], ib, sem)

    def wait(k, fb, eb, ib, sem):
        base = base0 + k * C
        pltpu.make_async_copy(fs_h.at[six.at[k]], fb, sem).wait()
        pltpu.make_async_copy(ex_h.at[pl.ds(base, C)], eb, sem).wait()
        pltpu.make_async_copy(inv_h.at[dix.at[k]], ib, sem).wait()

    def compute(k, fb, eb, ib):
        base = base0 + k * C

        def grp(j, carry2):
            rows = j * 16 + lane
            r2 = rows >> 1
            cb = (rows & 1) * 8
            for h in range(H):
                av = (plsc.load_gather(eb, [rows, _hb(h)])
                      * plsc.load_gather(ib, [rows, _hb(h)]))
                plsc.store_scatter(a_v, [r2, cb + _hb(h)], av)
            return carry2

        lax.fori_loop(0, C // 16, grp, 0)
        pltpu.async_copy(a_v, a_o.at[pl.ds(base // 2, C // 2)], sem2)

        def pair(j, carry2):
            arow = a_v[j, :]
            for e01 in range(2):
                e = 2 * j + e01
                for h in range(H):
                    asp = jnp.broadcast_to(arow[e01 * 8 + h], (16,))
                    fb[e, pl.ds(h * D_OUT, D_OUT)] = (
                        fb[e, pl.ds(h * D_OUT, D_OUT)] * asp)
            return carry2

        lax.fori_loop(0, C // 2, pair, 0)
        pltpu.sync_copy(fb, rsh.at[dix.at[k]], add=True)
        pltpu.make_async_copy(a_v, a_o.at[pl.ds(base // 2, C // 2)], sem2).wait()

    issue(0, f0, ex0, iv0, sem0)

    def body(i, carry):
        k0 = 2 * i
        issue(k0 + 1, f1, ex1, iv1, sem1)
        wait(k0, f0, ex0, iv0, sem0)
        compute(k0, f0, ex0, iv0)
        issue(k0 + 2, f0, ex0, iv0, sem0)
        wait(k0 + 1, f1, ex1, iv1, sem1)
        compute(k0 + 1, f1, ex1, iv1)
        return carry

    lax.fori_loop(0, (NCHUNK - 1) // 2, body, 0)
    wait(NCHUNK - 1, f0, ex0, iv0, sem0)
    compute(NCHUNK - 1, f0, ex0, iv0)
    plsc.subcore_barrier()
    pltpu.sync_copy(rsh.at[pl.ds(s * RPS, RPS)],
                    rp_o.at[c, pl.ds(s * RPS, RPS)])


def kernel(feat, edge_index, node_type, edge_type, fc_W, fc_e_W, edge_emb,
           attn_l, attn_r, attn_e):
    f32 = jnp.float32
    src3 = edge_index[0].reshape(NW, NCHUNK, C)
    dst3 = edge_index[1].reshape(NW, NCHUNK, C)
    et3 = edge_type.reshape(NW, NCHUNK, C)
    nt_col = node_type.reshape(N, 1)

    eyeH = jnp.eye(H, dtype=f32)
    wl3 = jnp.einsum("thd,hk->thdk", attn_l, eyeH).reshape(N_NT, HD, H)
    wr3 = jnp.einsum("thd,hk->thdk", attn_r, eyeH).reshape(N_NT, HD, H)
    wlr = jnp.concatenate([wl3, wr3], axis=2)

    tf = jnp.arange(N_ET, dtype=f32)[:, None]
    ef_p = jnp.pad(tf * edge_emb, ((0, 8 - N_ET), (0, 0)))
    ae_p = jnp.pad(attn_e.reshape(N_ET, H * D_E), ((0, 8 - N_ET), (0, 0)))
    g_p = jnp.pad(jnp.repeat(eyeH, D_E, axis=0), ((0, 0), (0, HD - H)))

    fs, elr, ee_full = pl.pallas_call(
        _tc_proj_body,
        grid=(NB,),
        in_specs=[
            pl.BlockSpec((BR, D_IN), lambda i: (i, 0)),
            pl.BlockSpec((D_IN, HD), lambda i: (0, 0)),
            pl.BlockSpec((N_NT, HD, 2 * H), lambda i: (0, 0, 0)),
            pl.BlockSpec((BR, 1), lambda i: (i, 0)),
            pl.BlockSpec((8, D_E), lambda i: (0, 0)),
            pl.BlockSpec((D_E, H * D_E), lambda i: (0, 0)),
            pl.BlockSpec((8, H * D_E), lambda i: (0, 0)),
            pl.BlockSpec((H * D_E, HD), lambda i: (0, 0)),
        ],
        out_specs=[
            pl.BlockSpec((BR, HD), lambda i: (i, 0)),
            pl.BlockSpec((BR, 2 * H), lambda i: (i, 0)),
            pl.BlockSpec((8, HD), lambda i: (0, 0)),
        ],
        out_shape=[
            jax.ShapeDtypeStruct((N, HD), f32),
            jax.ShapeDtypeStruct((N, 2 * H), f32),
            jax.ShapeDtypeStruct((8, HD), f32),
        ],
    )(feat, fc_W, wlr, nt_col, ef_p, fc_e_W, ae_p, g_p)
    ee_table = ee_full[:N_ET, :H]

    z8 = jnp.zeros((N_PAD, H), f32)
    mesh = plsc.VectorSubcoreMesh(core_axis_name="c", subcore_axis_name="s")
    sc_params = pltpu.CompilerParams(needs_layout_passes=False,
                                     use_tc_tiling_on_sc=False)

    pass_a = pl.kernel(
        _sc_a_body,
        mesh=mesh,
        compiler_params=sc_params,
        out_type=[
            jax.ShapeDtypeStruct((E, H), f32),
            jax.ShapeDtypeStruct((NC, N_PAD, H), f32),
        ],
        scratch_types=[
            pltpu.VMEM((NCHUNK, C), jnp.int32),
            pltpu.VMEM((NCHUNK, C), jnp.int32),
            pltpu.VMEM((NCHUNK, C), jnp.int32),
            pltpu.VMEM((C, 2 * H), f32),
            pltpu.VMEM((C, 2 * H), f32),
            pltpu.VMEM((C, 2 * H), f32),
            pltpu.VMEM((C, 2 * H), f32),
            pltpu.VMEM((N_ET, H), f32),
            pltpu.VMEM((C, H), f32),
            pltpu.VMEM_SHARED((N_PAD, H), f32),
            pltpu.SemaphoreType.DMA,
            pltpu.SemaphoreType.DMA,
            pltpu.SemaphoreType.DMA,
        ],
    )
    ex, dparts = pass_a(src3, dst3, et3, elr, ee_table, z8)

    inv = pl.pallas_call(
        _tc_inv_body,
        grid=(8,),
        in_specs=[pl.BlockSpec((NC, N_PAD // 8, H), lambda i: (0, i, 0))],
        out_specs=pl.BlockSpec((N_PAD // 8, H), lambda i: (i, 0)),
        out_shape=jax.ShapeDtypeStruct((N_PAD, H), f32),
    )(dparts)

    pass_b = pl.kernel(
        _sc_b_body,
        mesh=mesh,
        compiler_params=sc_params,
        out_type=[
            jax.ShapeDtypeStruct((E // 2, 2 * H), f32),
            jax.ShapeDtypeStruct((NC, N_PAD, HD), f32),
        ],
        scratch_types=[
            pltpu.VMEM((NCHUNK, C), jnp.int32),
            pltpu.VMEM((NCHUNK, C), jnp.int32),
            pltpu.VMEM((C, H), f32),
            pltpu.VMEM((C, H), f32),
            pltpu.VMEM((C, HD), f32),
            pltpu.VMEM((C, H), f32),
            pltpu.VMEM((C, H), f32),
            pltpu.VMEM((C, HD), f32),
            pltpu.VMEM((C // 2, 16), f32),
            pltpu.VMEM_SHARED((N_PAD, HD), f32),
            pltpu.SemaphoreType.DMA,
            pltpu.SemaphoreType.DMA,
            pltpu.SemaphoreType.DMA,
        ],
    )
    a_flat, rparts = pass_b(src3, dst3, ex, inv, fs)

    rst_flat = pl.pallas_call(
        _tc_add_body,
        grid=(NB,),
        in_specs=[pl.BlockSpec((NC, BR, HD), lambda i: (0, i, 0))],
        out_specs=pl.BlockSpec((BR, HD), lambda i: (i, 0)),
        out_shape=jax.ShapeDtypeStruct((N, HD), f32),
    )(rparts)

    return rst_flat.reshape(N, H, D_OUT), a_flat.reshape(E, H, 1)

# --- scband reference (transcript-rebuilt; emitter-appended) ---
"""Pipeline reference for scband-my-gatconv-85375359910105 (READ-ONLY COPY).

The authoritative reference and input builder live on the scoring server;
editing this copy changes nothing except your own understanding.
"""

import jax, jax.numpy as jnp
import numpy as np

N, E, D_IN, H, D_OUT, D_E, N_NT, N_ET = 10000, 320000, 128, 8, 16, 16, 3, 4


def setup_inputs(seed: int = 0):
    key = jax.random.key(seed)
    ks = jax.random.split(key, 12)
    g = 1.4142135623730951  # relu gain used by reset_parameters
    inp = {}
    inp["feat"] = jax.random.normal(ks[0], (N, D_IN), jnp.float32)
    inp["edge_index"] = jax.random.randint(ks[1], (2, E), 0, N, jnp.int32)
    inp["node_type"] = jnp.sort(jax.random.randint(ks[2], (N,), 0, N_NT, jnp.int32))
    inp["edge_type"] = jax.random.randint(ks[3], (E,), 0, N_ET, jnp.int32)
    inp["fc_W"] = jax.random.normal(ks[4], (D_IN, H * D_OUT), jnp.float32) * (g * (2.0 / (D_IN + H * D_OUT)) ** 0.5)
    inp["fc_e_W"] = jax.random.normal(ks[5], (D_E, H * D_E), jnp.float32) * (g * (2.0 / (D_E + H * D_E)) ** 0.5)
    inp["edge_emb"] = jax.random.normal(ks[6], (N_ET, D_E), jnp.float32) * (g * (2.0 / (1 + D_E)) ** 0.5)
    inp["attn_l"] = jax.random.normal(ks[7], (N_NT, H, D_OUT), jnp.float32) * 0.1
    inp["attn_r"] = jax.random.normal(ks[8], (N_NT, H, D_OUT), jnp.float32) * 0.1
    inp["attn_e"] = jax.random.normal(ks[9], (N_ET, H, D_E), jnp.float32) * 0.1
    return inp


def reference(feat, edge_index, node_type, edge_type, fc_W, fc_e_W, edge_emb, attn_l, attn_r, attn_e):
    n = feat.shape[0]
    # fc: project node features, shared src/dst (homogeneous graph path)
    feat_src = (feat @ fc_W).reshape(n, H, D_OUT)
    feat_dst = feat_src
    # per-node-type attention vectors (n_count slicing == gather by node_type)
    el = (feat_src * attn_l[node_type]).sum(-1, keepdims=True)  # [N,H,1]
    er = (feat_dst * attn_r[node_type]).sum(-1, keepdims=True)  # [N,H,1]
    # per-edge-type embedding: etype_id * edge_emb[etype], then fc_e and attn_e
    ef = edge_type.astype(feat.dtype)[:, None] * edge_emb[edge_type]  # [E,D_E]
    ee = ((ef @ fc_e_W).reshape(-1, H, D_E) * attn_e[edge_type]).sum(-1, keepdims=True)  # [E,H,1]
    src, dst = edge_index[0], edge_index[1]
    # u_add_v + edge term, leaky relu
    e = jax.nn.leaky_relu(el[src] + er[dst] + ee, 0.2).squeeze(-1)  # [E,H]
    # edge_softmax over incoming edges of each dst node
    m = jax.ops.segment_max(e, dst, num_segments=n)
    m = jnp.where(jnp.isfinite(m), m, 0.0)
    ex = jnp.exp(e - m[dst])
    denom = jax.ops.segment_sum(ex, dst, num_segments=n)
    a = ex / jnp.maximum(denom[dst], 1e-16)  # [E,H]
    # u_mul_e + sum aggregation
    rst = jax.ops.segment_sum(feat_src[src] * a[..., None], dst, num_segments=n)  # [N,H,D_OUT]
    return rst, a[..., None]

if __name__ == "__main__":
    import jax
    _d = setup_inputs()
    print(jax.jit(kernel)(*tuple(_d.values())))

</pallas_src>

<mosaic_0001>
#map = affine_map<(d0, d1) -> (0, 0, 0)>
#map1 = affine_map<(d0, d1) -> (0, 0)>
module attributes {stable_mosaic.version = 14 : i64} {
  func.func @_sc_b_body(%arg0: i32, %arg1: i32, %arg2: memref<32x125x80xi32, #tpu.memory_space<hbm>>, %arg3: memref<32x125x80xi32, #tpu.memory_space<hbm>>, %arg4: memref<320000x8xf32, #tpu.memory_space<hbm>>, %arg5: memref<10240x8xf32, #tpu.memory_space<hbm>>, %arg6: memref<10000x128xf32, #tpu.memory_space<hbm>>, %arg7: memref<160000x16xf32, #tpu.memory_space<hbm>>, %arg8: memref<2x10240x128xf32, #tpu.memory_space<hbm>>, %arg9: memref<125x80xi32, #tpu.memory_space<vmem>>, %arg10: memref<125x80xi32, #tpu.memory_space<vmem>>, %arg11: memref<80x8xf32, #tpu.memory_space<vmem>>, %arg12: memref<80x8xf32, #tpu.memory_space<vmem>>, %arg13: memref<80x128xf32, #tpu.memory_space<vmem>>, %arg14: memref<80x8xf32, #tpu.memory_space<vmem>>, %arg15: memref<80x8xf32, #tpu.memory_space<vmem>>, %arg16: memref<80x128xf32, #tpu.memory_space<vmem>>, %arg17: memref<40x16xf32, #tpu.memory_space<vmem>>, %arg18: memref<10240x128xf32, #tpu.memory_space<vmem_shared>>, %arg19: memref<!tpu.dma_semaphore, #tpu.memory_space<semaphore_mem>>, %arg20: memref<!tpu.dma_semaphore, #tpu.memory_space<semaphore_mem>>, %arg21: memref<!tpu.dma_semaphore, #tpu.memory_space<semaphore_mem>>) attributes {dimension_semantics = [#tpu.dimension_semantics<core_parallel>, #tpu.dimension_semantics<subcore_parallel>], iteration_bounds = array<i64: 2, 16>, scalar_prefetch = 0 : i64, scratch_operands = 13 : i64, tpu.core_type = #tpu.core_type<sc_vector_subcore>, window_params = [{transform_indices = #map}, {transform_indices = #map}, {transform_indices = #map1}, {transform_indices = #map1}, {transform_indices = #map1}, {transform_indices = #map1}, {transform_indices = #map}]} {
    %mul3A = arith.constant 2 : i32
    %mul3A_0 = arith.muli %arg1, %mul3A : i32
    %add3A = arith.addi %mul3A_0, %arg0 : i32
    %broadcast_in_dim3A = arith.constant 0.000000e+00 : f32
    %broadcast_in_dim3A_1 = vector.broadcast %broadcast_in_dim3A : f32 to vector<16xf32>
    %scan3A = arith.constant 0 : i32
    %scan3A_2 = arith.constant 0 : i32
    %scan3A_3 = arith.constant 80 : i32
    %scan3A_4 = arith.addi %scan3A_2, %scan3A_3 : i32
    %scan3A_5 = arith.constant 1 : i32
    scf.for %scan3A_152 = %scan3A_2 to %scan3A_4 step %scan3A_5  : i32 {
      %swap3A = arith.index_cast %scan3A_152 : i32 to index
      %swap3A_153 = arith.constant 0 : index
      %swap3A_154 = tpu.vector_load %arg13[%swap3A, %swap3A_153] {strides = array<i32>} : memref<80x128xf32, #tpu.memory_space<vmem>>, vector<16xf32>,
      tpu.vector_store %arg13[%swap3A, %swap3A_153], %broadcast_in_dim3A_1 {strides = array<i32>} : memref<80x128xf32, #tpu.memory_space<vmem>>, vector<16xf32>,
      %swap3A_155 = arith.index_cast %scan3A_152 : i32 to index
      %swap3A_156 = arith.constant 16 : index
      %swap3A_157 = tpu.vector_load %arg13[%swap3A_155, %swap3A_156] {strides = array<i32>} : memref<80x128xf32, #tpu.memory_space<vmem>>, vector<16xf32>,
      tpu.vector_store %arg13[%swap3A_155, %swap3A_156], %broadcast_in_dim3A_1 {strides = array<i32>} : memref<80x128xf32, #tpu.memory_space<vmem>>, vector<16xf32>,
      %swap3A_158 = arith.index_cast %scan3A_152 : i32 to index
      %swap3A_159 = arith.constant 32 : index
      %swap3A_160 = tpu.vector_load %arg13[%swap3A_158, %swap3A_159] {strides = array<i32>} : memref<80x128xf32, #tpu.memory_space<vmem>>, vector<16xf32>,
      tpu.vector_store %arg13[%swap3A_158, %swap3A_159], %broadcast_in_dim3A_1 {strides = array<i32>} : memref<80x128xf32, #tpu.memory_space<vmem>>, vector<16xf32>,
      %swap3A_161 = arith.index_cast %scan3A_152 : i32 to index
      %swap3A_162 = arith.constant 48 : index
      %swap3A_163 = tpu.vector_load %arg13[%swap3A_161, %swap3A_162] {strides = array<i32>} : memref<80x128xf32, #tpu.memory_space<vmem>>, vector<16xf32>,
      tpu.vector_store %arg13[%swap3A_161, %swap3A_162], %broadcast_in_dim3A_1 {strides = array<i32>} : memref<80x128xf32, #tpu.memory_space<vmem>>, vector<16xf32>,
      %swap3A_164 = arith.index_cast %scan3A_152 : i32 to index
      %swap3A_165 = arith.constant 64 : index
      %swap3A_166 = tpu.vector_load %arg13[%swap3A_164, %swap3A_165] {strides = array<i32>} : memref<80x128xf32, #tpu.memory_space<vmem>>, vector<16xf32>,
      tpu.vector_store %arg13[%swap3A_164, %swap3A_165], %broadcast_in_dim3A_1 {strides = array<i32>} : memref<80x128xf32, #tpu.memory_space<vmem>>, vector<16xf32>,
      %swap3A_167 = arith.index_cast %scan3A_152 : i32 to index
      %swap3A_168 = arith.constant 80 : index
      %swap3A_169 = tpu.vector_load %arg13[%swap3A_167, %swap3A_168] {strides = array<i32>} : memref<80x128xf32, #tpu.memory_space<vmem>>, vector<16xf32>,
      tpu.vector_store %arg13[%swap3A_167, %swap3A_168], %broadcast_in_dim3A_1 {strides = array<i32>} : memref<80x128xf32, #tpu.memory_space<vmem>>, vector<16xf32>,
      %swap3A_170 = arith.index_cast %scan3A_152 : i32 to index
      %swap3A_171 = arith.constant 96 : index
      %swap3A_172 = tpu.vector_load %arg13[%swap3A_170, %swap3A_171] {strides = array<i32>} : memref<80x128xf32, #tpu.memory_space<vmem>>, vector<16xf32>,
      tpu.vector_store %arg13[%swap3A_170, %swap3A_171], %broadcast_in_dim3A_1 {strides = array<i32>} : memref<80x128xf32, #tpu.memory_space<vmem>>, vector<16xf32>,
      %swap3A_173 = arith.index_cast %scan3A_152 : i32 to index
      %swap3A_174 = arith.constant 112 : index
      %swap3A_175 = tpu.vector_load %arg13[%swap3A_173, %swap3A_174] {strides = array<i32>} : memref<80x128xf32, #tpu.memory_space<vmem>>, vector<16xf32>,
      tpu.vector_store %arg13[%swap3A_173, %swap3A_174], %broadcast_in_dim3A_1 {strides = array<i32>} : memref<80x128xf32, #tpu.memory_space<vmem>>, vector<16xf32>,
    }
    %scan3A_6 = arith.constant 80 : i32
    %mul3A_7 = arith.constant 640 : i32
    %mul3A_8 = arith.muli %arg1, %mul3A_7 : i32
    %add3A_9 = arith.constant 0 : i32
    %add3A_10 = arith.addi %mul3A_8, %add3A_9 : i32
    "tpu.region"() ({
      %run_scoped3A_152 = tpu.sem_alloc : memref<!tpu.dma_semaphore, #tpu.memory_space<semaphore_mem>>
      %dma_start3A_153 = arith.constant 0 : i32
      %dma_start3A_154 = tpu.memref_slice %arg18[%add3A_10, %dma_start3A_153] : memref<10240x128xf32, #tpu.memory_space<vmem_shared>> -> memref<80x128xf32, #tpu.memory_space<vmem_shared>>
      %dma_start3A_155 = arith.constant 0 : i32
      %dma_start3A_156 = tpu.memref_slice %arg18[%add3A_10, %dma_start3A_155] : memref<10240x128xf32, #tpu.memory_space<vmem_shared>> -> memref<80x128xf32, #tpu.memory_space<vmem_shared>>
      tpu.enqueue_dma source(%arg13 : memref<80x128xf32, #tpu.memory_space<vmem>>) target(%dma_start3A_156 : memref<80x128xf32, #tpu.memory_space<vmem_shared>>) target_semaphore(%run_scoped3A_152 : memref<!tpu.dma_semaphore, #tpu.memory_space<semaphore_mem>>)
      %dma_wait3A_157 = arith.constant 0 : i32
      %dma_wait3A_158 = tpu.memref_slice %arg18[%add3A_10, %dma_wait3A_157] : memref<10240x128xf32, #tpu.memory_space<vmem_shared>> -> memref<80x128xf32, #tpu.memory_space<vmem_shared>>
      %dma_wait3A_159 = arith.constant 0 : i32
      %dma_wait3A_160 = tpu.memref_slice %arg18[%add3A_10, %dma_wait3A_159] : memref<10240x128xf32, #tpu.memory_space<vmem_shared>> -> memref<80x128xf32, #tpu.memory_space<vmem_shared>>
      tpu.wait_dma2 semaphore(%run_scoped3A_152 : memref<!tpu.dma_semaphore, #tpu.memory_space<semaphore_mem>>) src(%arg13 : memref<80x128xf32, #tpu.memory_space<vmem>>) dst(%dma_wait3A_160 : memref<80x128xf32, #tpu.memory_space<vmem_shared>>)
      tpu.yield
    }) : () -> ()
    %mul3A_11 = arith.constant 640 : i32
    %mul3A_12 = arith.muli %arg1, %mul3A_11 : i32
    %add3A_13 = arith.constant 80 : i32
    %add3A_14 = arith.addi %mul3A_12, %add3A_13 : i32
    "tpu.region"() ({
      %run_scoped3A_152 = tpu.sem_alloc : memref<!tpu.dma_semaphore, #tpu.memory_space<semaphore_mem>>
      %dma_start3A_153 = arith.constant 0 : i32
      %dma_start3A_154 = tpu.memref_slice %arg18[%add3A_14, %dma_start3A_153] : memref<10240x128xf32, #tpu.memory_space<vmem_shared>> -> memref<80x128xf32, #tpu.memory_space<vmem_shared>>
      %dma_start3A_155 = arith.constant 0 : i32
      %dma_start3A_156 = tpu.memref_slice %arg18[%add3A_14, %dma_start3A_155] : memref<10240x128xf32, #tpu.memory_space<vmem_shared>> -> memref<80x128xf32, #tpu.memory_space<vmem_shared>>
      tpu.enqueue_dma source(%arg13 : memref<80x128xf32, #tpu.memory_space<vmem>>) target(%dma_start3A_156 : memref<80x128xf32, #tpu.memory_space<vmem_shared>>) target_semaphore(%run_scoped3A_152 : memref<!tpu.dma_semaphore, #tpu.memory_space<semaphore_mem>>)
      %dma_wait3A_157 = arith.constant 0 : i32
      %dma_wait3A_158 = tpu.memref_slice %arg18[%add3A_14, %dma_wait3A_157] : memref<10240x128xf32, #tpu.memory_space<vmem_shared>> -> memref<80x128xf32, #tpu.memory_space<vmem_shared>>
      %dma_wait3A_159 = arith.constant 0 : i32
      %dma_wait3A_160 = tpu.memref_slice %arg18[%add3A_14, %dma_wait3A_159] : memref<10240x128xf32, #tpu.memory_space<vmem_shared>> -> memref<80x128xf32, #tpu.memory_space<vmem_shared>>
      tpu.wait_dma2 semaphore(%run_scoped3A_152 : memref<!tpu.dma_semaphore, #tpu.memory_space<semaphore_mem>>) src(%arg13 : memref<80x128xf32, #tpu.memory_space<vmem>>) dst(%dma_wait3A_160 : memref<80x128xf32, #tpu.memory_space<vmem_shared>>)
      tpu.yield
    }) : () -> ()
    %mul3A_15 = arith.constant 640 : i32
    %mul3A_16 = arith.muli %arg1, %mul3A_15 : i32
    %add3A_17 = arith.constant 160 : i32
    %add3A_18 = arith.addi %mul3A_16, %add3A_17 : i32
    "tpu.region"() ({
      %run_scoped3A_152 = tpu.sem_alloc : memref<!tpu.dma_semaphore, #tpu.memory_space<semaphore_mem>>
      %dma_start3A_153 = arith.constant 0 : i32
      %dma_start3A_154 = tpu.memref_slice %arg18[%add3A_18, %dma_start3A_153] : memref<10240x128xf32, #tpu.memory_space<vmem_shared>> -> memref<80x128xf32, #tpu.memory_space<vmem_shared>>
      %dma_start3A_155 = arith.constant 0 : i32
      %dma_start3A_156 = tpu.memref_slice %arg18[%add3A_18, %dma_start3A_155] : memref<10240x128xf32, #tpu.memory_space<vmem_shared>> -> memref<80x128xf32, #tpu.memory_space<vmem_shared>>
      tpu.enqueue_dma source(%arg13 : memref<80x128xf32, #tpu.memory_space<vmem>>) target(%dma_start3A_156 : memref<80x128xf32, #tpu.memory_space<vmem_shared>>) target_semaphore(%run_scoped3A_152 : memref<!tpu.dma_semaphore, #tpu.memory_space<semaphore_mem>>)
      %dma_wait3A_157 = arith.constant 0 : i32
      %dma_wait3A_158 = tpu.memref_slice %arg18[%add3A_18, %dma_wait3A_157] : memref<10240x128xf32, #tpu.memory_space<vmem_shared>> -> memref<80x128xf32, #tpu.memory_space<vmem_shared>>
      %dma_wait3A_159 = arith.constant 0 : i32
      %dma_wait3A_160 = tpu.memref_slice %arg18[%add3A_18, %dma_wait3A_159] : memref<10240x128xf32, #tpu.memory_space<vmem_shared>> -> memref<80x128xf32, #tpu.memory_space<vmem_shared>>
      tpu.wait_dma2 semaphore(%run_scoped3A_152 : memref<!tpu.dma_semaphore, #tpu.memory_space<semaphore_mem>>) src(%arg13 : memref<80x128xf32, #tpu.memory_space<vmem>>) dst(%dma_wait3A_160 : memref<80x128xf32, #tpu.memory_space<vmem_shared>>)
      tpu.yield
    }) : () -> ()
    %mul3A_19 = arith.constant 640 : i32
    %mul3A_20 = arith.muli %arg1, %mul3A_19 : i32
    %add3A_21 = arith.constant 240 : i32
    %add3A_22 = arith.addi %mul3A_20, %add3A_21 : i32
    "tpu.region"() ({
      %run_scoped3A_152 = tpu.sem_alloc : memref<!tpu.dma_semaphore, #tpu.memory_space<semaphore_mem>>
      %dma_start3A_153 = arith.constant 0 : i32
      %dma_start3A_154 = tpu.memref_slice %arg18[%add3A_22, %dma_start3A_153] : memref<10240x128xf32, #tpu.memory_space<vmem_shared>> -> memref<80x128xf32, #tpu.memory_space<vmem_shared>>
      %dma_start3A_155 = arith.constant 0 : i32
      %dma_start3A_156 = tpu.memref_slice %arg18[%add3A_22, %dma_start3A_155] : memref<10240x128xf32, #tpu.memory_space<vmem_shared>> -> memref<80x128xf32, #tpu.memory_space<vmem_shared>>
      tpu.enqueue_dma source(%arg13 : memref<80x128xf32, #tpu.memory_space<vmem>>) target(%dma_start3A_156 : memref<80x128xf32, #tpu.memory_space<vmem_shared>>) target_semaphore(%run_scoped3A_152 : memref<!tpu.dma_semaphore, #tpu.memory_space<semaphore_mem>>)
      %dma_wait3A_157 = arith.constant 0 : i32
      %dma_wait3A_158 = tpu.memref_slice %arg18[%add3A_22, %dma_wait3A_157] : memref<10240x128xf32, #tpu.memory_space<vmem_shared>> -> memref<80x128xf32, #tpu.memory_space<vmem_shared>>
      %dma_wait3A_159 = arith.constant 0 : i32
      %dma_wait3A_160 = tpu.memref_slice %arg18[%add3A_22, %dma_wait3A_159] : memref<10240x128xf32, #tpu.memory_space<vmem_shared>> -> memref<80x128xf32, #tpu.memory_space<vmem_shared>>
      tpu.wait_dma2 semaphore(%run_scoped3A_152 : memref<!tpu.dma_semaphore, #tpu.memory_space<semaphore_mem>>) src(%arg13 : memref<80x128xf32, #tpu.memory_space<vmem>>) dst(%dma_wait3A_160 : memref<80x128xf32, #tpu.memory_space<vmem_shared>>)
      tpu.yield
    }) : () -> ()
    %mul3A_23 = arith.constant 640 : i32
    %mul3A_24 = arith.muli %arg1, %mul3A_23 : i32
    %add3A_25 = arith.constant 320 : i32
    %add3A_26 = arith.addi %mul3A_24, %add3A_25 : i32
    "tpu.region"() ({
      %run_scoped3A_152 = tpu.sem_alloc : memref<!tpu.dma_semaphore, #tpu.memory_space<semaphore_mem>>
      %dma_start3A_153 = arith.constant 0 : i32
      %dma_start3A_154 = tpu.memref_slice %arg18[%add3A_26, %dma_start3A_153] : memref<10240x128xf32, #tpu.memory_space<vmem_shared>> -> memref<80x128xf32, #tpu.memory_space<vmem_shared>>
      %dma_start3A_155 = arith.constant 0 : i32
      %dma_start3A_156 = tpu.memref_slice %arg18[%add3A_26, %dma_start3A_155] : memref<10240x128xf32, #tpu.memory_space<vmem_shared>> -> memref<80x128xf32, #tpu.memory_space<vmem_shared>>
      tpu.enqueue_dma source(%arg13 : memref<80x128xf32, #tpu.memory_space<vmem>>) target(%dma_start3A_156 : memref<80x128xf32, #tpu.memory_space<vmem_shared>>) target_semaphore(%run_scoped3A_152 : memref<!tpu.dma_semaphore, #tpu.memory_space<semaphore_mem>>)
      %dma_wait3A_157 = arith.constant 0 : i32
      %dma_wait3A_158 = tpu.memref_slice %arg18[%add3A_26, %dma_wait3A_157] : memref<10240x128xf32, #tpu.memory_space<vmem_shared>> -> memref<80x128xf32, #tpu.memory_space<vmem_shared>>
      %dma_wait3A_159 = arith.constant 0 : i32
      %dma_wait3A_160 = tpu.memref_slice %arg18[%add3A_26, %dma_wait3A_159] : memref<10240x128xf32, #tpu.memory_space<vmem_shared>> -> memref<80x128xf32, #tpu.memory_space<vmem_shared>>
      tpu.wait_dma2 semaphore(%run_scoped3A_152 : memref<!tpu.dma_semaphore, #tpu.memory_space<semaphore_mem>>) src(%arg13 : memref<80x128xf32, #tpu.memory_space<vmem>>) dst(%dma_wait3A_160 : memref<80x128xf32, #tpu.memory_space<vmem_shared>>)
      tpu.yield
    }) : () -> ()
    %mul3A_27 = arith.constant 640 : i32
    %mul3A_28 = arith.muli %arg1, %mul3A_27 : i32
    %add3A_29 = arith.constant 400 : i32
    %add3A_30 = arith.addi %mul3A_28, %add3A_29 : i32
    "tpu.region"() ({
      %run_scoped3A_152 = tpu.sem_alloc : memref<!tpu.dma_semaphore, #tpu.memory_space<semaphore_mem>>
      %dma_start3A_153 = arith.constant 0 : i32
      %dma_start3A_154 = tpu.memref_slice %arg18[%add3A_30, %dma_start3A_153] : memref<10240x128xf32, #tpu.memory_space<vmem_shared>> -> memref<80x128xf32, #tpu.memory_space<vmem_shared>>
      %dma_start3A_155 = arith.constant 0 : i32
      %dma_start3A_156 = tpu.memref_slice %arg18[%add3A_30, %dma_start3A_155] : memref<10240x128xf32, #tpu.memory_space<vmem_shared>> -> memref<80x128xf32, #tpu.memory_space<vmem_shared>>
      tpu.enqueue_dma source(%arg13 : memref<80x128xf32, #tpu.memory_space<vmem>>) target(%dma_start3A_156 : memref<80x128xf32, #tpu.memory_space<vmem_shared>>) target_semaphore(%run_scoped3A_152 : memref<!tpu.dma_semaphore, #tpu.memory_space<semaphore_mem>>)
      %dma_wait3A_157 = arith.constant 0 : i32
      %dma_wait3A_158 = tpu.memref_slice %arg18[%add3A_30, %dma_wait3A_157] : memref<10240x128xf32, #tpu.memory_space<vmem_shared>> -> memref<80x128xf32, #tpu.memory_space<vmem_shared>>
      %dma_wait3A_159 = arith.constant 0 : i32
      %dma_wait3A_160 = tpu.memref_slice %arg18[%add3A_30, %dma_wait3A_159] : memref<10240x128xf32, #tpu.memory_space<vmem_shared>> -> memref<80x128xf32, #tpu.memory_space<vmem_shared>>
      tpu.wait_dma2 semaphore(%run_scoped3A_152 : memref<!tpu.dma_semaphore, #tpu.memory_space<semaphore_mem>>) src(%arg13 : memref<80x128xf32, #tpu.memory_space<vmem>>) dst(%dma_wait3A_160 : memref<80x128xf32, #tpu.memory_space<vmem_shared>>)
      tpu.yield
    }) : () -> ()
    %mul3A_31 = arith.constant 640 : i32
    %mul3A_32 = arith.muli %arg1, %mul3A_31 : i32
    %add3A_33 = arith.constant 480 : i32
    %add3A_34 = arith.addi %mul3A_32, %add3A_33 : i32
    "tpu.region"() ({
      %run_scoped3A_152 = tpu.sem_alloc : memref<!tpu.dma_semaphore, #tpu.memory_space<semaphore_mem>>
      %dma_start3A_153 = arith.constant 0 : i32
      %dma_start3A_154 = tpu.memref_slice %arg18[%add3A_34, %dma_start3A_153] : memref<10240x128xf32, #tpu.memory_space<vmem_shared>> -> memref<80x128xf32, #tpu.memory_space<vmem_shared>>
      %dma_start3A_155 = arith.constant 0 : i32
      %dma_start3A_156 = tpu.memref_slice %arg18[%add3A_34, %dma_start3A_155] : memref<10240x128xf32, #tpu.memory_space<vmem_shared>> -> memref<80x128xf32, #tpu.memory_space<vmem_shared>>
      tpu.enqueue_dma source(%arg13 : memref<80x128xf32, #tpu.memory_space<vmem>>) target(%dma_start3A_156 : memref<80x128xf32, #tpu.memory_space<vmem_shared>>) target_semaphore(%run_scoped3A_152 : memref<!tpu.dma_semaphore, #tpu.memory_space<semaphore_mem>>)
      %dma_wait3A_157 = arith.constant 0 : i32
      %dma_wait3A_158 = tpu.memref_slice %arg18[%add3A_34, %dma_wait3A_157] : memref<10240x128xf32, #tpu.memory_space<vmem_shared>> -> memref<80x128xf32, #tpu.memory_space<vmem_shared>>
      %dma_wait3A_159 = arith.constant 0 : i32
      %dma_wait3A_160 = tpu.memref_slice %arg18[%add3A_34, %dma_wait3A_159] : memref<10240x128xf32, #tpu.memory_space<vmem_shared>> -> memref<80x128xf32, #tpu.memory_space<vmem_shared>>
      tpu.wait_dma2 semaphore(%run_scoped3A_152 : memref<!tpu.dma_semaphore, #tpu.memory_space<semaphore_mem>>) src(%arg13 : memref<80x128xf32, #tpu.memory_space<vmem>>) dst(%dma_wait3A_160 : memref<80x128xf32, #tpu.memory_space<vmem_shared>>)
      tpu.yield
    }) : () -> ()
    %mul3A_35 = arith.constant 640 : i32
    %mul3A_36 = arith.muli %arg1, %mul3A_35 : i32
    %add3A_37 = arith.constant 560 : i32
    %add3A_38 = arith.addi %mul3A_36, %add3A_37 : i32
    "tpu.region"() ({
      %run_scoped3A_152 = tpu.sem_alloc : memref<!tpu.dma_semaphore, #tpu.memory_space<semaphore_mem>>
      %dma_start3A_153 = arith.constant 0 : i32
      %dma_start3A_154 = tpu.memref_slice %arg18[%add3A_38, %dma_start3A_153] : memref<10240x128xf32, #tpu.memory_space<vmem_shared>> -> memref<80x128xf32, #tpu.memory_space<vmem_shared>>
      %dma_start3A_155 = arith.constant 0 : i32
      %dma_start3A_156 = tpu.memref_slice %arg18[%add3A_38, %dma_start3A_155] : memref<10240x128xf32, #tpu.memory_space<vmem_shared>> -> memref<80x128xf32, #tpu.memory_space<vmem_shared>>
      tpu.enqueue_dma source(%arg13 : memref<80x128xf32, #tpu.memory_space<vmem>>) target(%dma_start3A_156 : memref<80x128xf32, #tpu.memory_space<vmem_shared>>) target_semaphore(%run_scoped3A_152 : memref<!tpu.dma_semaphore, #tpu.memory_space<semaphore_mem>>)
      %dma_wait3A_157 = arith.constant 0 : i32
      %dma_wait3A_158 = tpu.memref_slice %arg18[%add3A_38, %dma_wait3A_157] : memref<10240x128xf32, #tpu.memory_space<vmem_shared>> -> memref<80x128xf32, #tpu.memory_space<vmem_shared>>
      %dma_wait3A_159 = arith.constant 0 : i32
      %dma_wait3A_160 = tpu.memref_slice %arg18[%add3A_38, %dma_wait3A_159] : memref<10240x128xf32, #tpu.memory_space<vmem_shared>> -> memref<80x128xf32, #tpu.memory_space<vmem_shared>>
      tpu.wait_dma2 semaphore(%run_scoped3A_152 : memref<!tpu.dma_semaphore, #tpu.memory_space<semaphore_mem>>) src(%arg13 : memref<80x128xf32, #tpu.memory_space<vmem>>) dst(%dma_wait3A_160 : memref<80x128xf32, #tpu.memory_space<vmem_shared>>)
      tpu.yield
    }) : () -> ()
    "tpu.region"() ({
      %run_scoped3A_152 = tpu.sem_alloc : memref<!tpu.dma_semaphore, #tpu.memory_space<semaphore_mem>>
      %dma_start3A_153 = arith.constant 0 : i32
      %dma_start3A_154 = arith.constant 0 : i32
      %dma_start3A_155 = tpu.memref_slice %arg2[%add3A, %dma_start3A_153, %dma_start3A_154] : memref<32x125x80xi32, #tpu.memory_space<hbm>> -> memref<1x125x80xi32, #tpu.memory_space<hbm>>
      %dma_start3A_156 = tpu.memref_squeeze %dma_start3A_155 : memref<1x125x80xi32, #tpu.memory_space<hbm>> -> memref<125x80xi32, #tpu.memory_space<hbm>>
      %dma_start3A_157 = arith.constant 0 : i32
      %dma_start3A_158 = arith.constant 0 : i32
      %dma_start3A_159 = tpu.memref_slice %arg2[%add3A, %dma_start3A_157, %dma_start3A_158] : memref<32x125x80xi32, #tpu.memory_space<hbm>> -> memref<1x125x80xi32, #tpu.memory_space<hbm>>
      %dma_start3A_160 = tpu.memref_squeeze %dma_start3A_159 : memref<1x125x80xi32, #tpu.memory_space<hbm>> -> memref<125x80xi32, #tpu.memory_space<hbm>>
      tpu.enqueue_dma source(%dma_start3A_160 : memref<125x80xi32, #tpu.memory_space<hbm>>) target(%arg9 : memref<125x80xi32, #tpu.memory_space<vmem>>) target_semaphore(%run_scoped3A_152 : memref<!tpu.dma_semaphore, #tpu.memory_space<semaphore_mem>>)
      %dma_wait3A_161 = arith.constant 0 : i32
      %dma_wait3A_162 = arith.constant 0 : i32
      %dma_wait3A_163 = tpu.memref_slice %arg2[%add3A, %dma_wait3A_161, %dma_wait3A_162] : memref<32x125x80xi32, #tpu.memory_space<hbm>> -> memref<1x125x80xi32, #tpu.memory_space<hbm>>
      %dma_wait3A_164 = tpu.memref_squeeze %dma_wait3A_163 : memref<1x125x80xi32, #tpu.memory_space<hbm>> -> memref<125x80xi32, #tpu.memory_space<hbm>>
      %dma_wait3A_165 = arith.constant 0 : i32
      %dma_wait3A_166 = arith.constant 0 : i32
      %dma_wait3A_167 = tpu.memref_slice %arg2[%add3A, %dma_wait3A_165, %dma_wait3A_166] : memref<32x125x80xi32, #tpu.memory_space<hbm>> -> memref<1x125x80xi32, #tpu.memory_space<hbm>>
      %dma_wait3A_168 = tpu.memref_squeeze %dma_wait3A_167 : memref<1x125x80xi32, #tpu.memory_space<hbm>> -> memref<125x80xi32, #tpu.memory_space<hbm>>
      tpu.wait_dma2 semaphore(%run_scoped3A_152 : memref<!tpu.dma_semaphore, #tpu.memory_space<semaphore_mem>>) src(%dma_wait3A_168 : memref<125x80xi32, #tpu.memory_space<hbm>>) dst(%arg9 : memref<125x80xi32, #tpu.memory_space<vmem>>)
      tpu.yield
    }) : () -> ()
    "tpu.region"() ({
      %run_scoped3A_152 = tpu.sem_alloc : memref<!tpu.dma_semaphore, #tpu.memory_space<semaphore_mem>>
      %dma_start3A_153 = arith.constant 0 : i32
      %dma_start3A_154 = arith.constant 0 : i32
      %dma_start3A_155 = tpu.memref_slice %arg3[%add3A, %dma_start3A_153, %dma_start3A_154] : memref<32x125x80xi32, #tpu.memory_space<hbm>> -> memref<1x125x80xi32, #tpu.memory_space<hbm>>
      %dma_start3A_156 = tpu.memref_squeeze %dma_start3A_155 : memref<1x125x80xi32, #tpu.memory_space<hbm>> -> memref<125x80xi32, #tpu.memory_space<hbm>>
      %dma_start3A_157 = arith.constant 0 : i32
      %dma_start3A_158 = arith.constant 0 : i32
      %dma_start3A_159 = tpu.memref_slice %arg3[%add3A, %dma_start3A_157, %dma_start3A_158] : memref<32x125x80xi32, #tpu.memory_space<hbm>> -> memref<1x125x80xi32, #tpu.memory_space<hbm>>
      %dma_start3A_160 = tpu.memref_squeeze %dma_start3A_159 : memref<1x125x80xi32, #tpu.memory_space<hbm>> -> memref<125x80xi32, #tpu.memory_space<hbm>>
      tpu.enqueue_dma source(%dma_start3A_160 : memref<125x80xi32, #tpu.memory_space<hbm>>) target(%arg10 : memref<125x80xi32, #tpu.memory_space<vmem>>) target_semaphore(%run_scoped3A_152 : memref<!tpu.dma_semaphore, #tpu.memory_space<semaphore_mem>>)
      %dma_wait3A_161 = arith.constant 0 : i32
      %dma_wait3A_162 = arith.constant 0 : i32
      %dma_wait3A_163 = tpu.memref_slice %arg3[%add3A, %dma_wait3A_161, %dma_wait3A_162] : memref<32x125x80xi32, #tpu.memory_space<hbm>> -> memref<1x125x80xi32, #tpu.memory_space<hbm>>
      %dma_wait3A_164 = tpu.memref_squeeze %dma_wait3A_163 : memref<1x125x80xi32, #tpu.memory_space<hbm>> -> memref<125x80xi32, #tpu.memory_space<hbm>>
      %dma_wait3A_165 = arith.constant 0 : i32
      %dma_wait3A_166 = arith.constant 0 : i32
      %dma_wait3A_167 = tpu.memref_slice %arg3[%add3A, %dma_wait3A_165, %dma_wait3A_166] : memref<32x125x80xi32, #tpu.memory_space<hbm>> -> memref<1x125x80xi32, #tpu.memory_space<hbm>>
      %dma_wait3A_168 = tpu.memref_squeeze %dma_wait3A_167 : memref<1x125x80xi32, #tpu.memory_space<hbm>> -> memref<125x80xi32, #tpu.memory_space<hbm>>
      tpu.wait_dma2 semaphore(%run_scoped3A_152 : memref<!tpu.dma_semaphore, #tpu.memory_space<semaphore_mem>>) src(%dma_wait3A_168 : memref<125x80xi32, #tpu.memory_space<hbm>>) dst(%arg10 : memref<125x80xi32, #tpu.memory_space<vmem>>)
      tpu.yield
    }) : () -> ()
    %barrier3A = arith.constant 0 : index
    tpu.barrier barrier_id(%barrier3A)
    %iota3A = tpu.iota {dimensions = array<i32: 0>} : vector<16xi32>
    %mul3A_39 = arith.constant 10000 : i32
    %mul3A_40 = arith.muli %add3A, %mul3A_39 : i32
    %add3A_41 = arith.constant 0 : i32
    %add3A_42 = arith.addi %mul3A_40, %add3A_41 : i32
    %dma_start3A = arith.constant 0 : i32
    %dma_start3A_43 = arith.constant 0 : i32
    %dma_start3A_44 = tpu.memref_slice %arg9[%dma_start3A, %dma_start3A_43] : memref<125x80xi32, #tpu.memory_space<vmem>> -> memref<1x80xi32, #tpu.memory_space<vmem>>
    %dma_start3A_45 = tpu.memref_squeeze %dma_start3A_44 : memref<1x80xi32, #tpu.memory_space<vmem>> -> memref<80xi32, #tpu.memory_space<vmem>>
    %dma_start3A_46 = arith.constant 0 : i32
    %dma_start3A_47 = arith.constant 0 : i32
    %dma_start3A_48 = tpu.memref_slice %arg6[%dma_start3A_46, %dma_start3A_47] : memref<10000x128xf32, #tpu.memory_space<hbm>> -> memref<10000x128xf32, #tpu.memory_space<hbm>>
    tpu.enqueue_indirect_dma source(%dma_start3A_48 : memref<10000x128xf32, #tpu.memory_space<hbm>>) target(%arg13 : memref<80x128xf32, #tpu.memory_space<vmem>>) offsets(%dma_start3A_45 : memref<80xi32, #tpu.memory_space<vmem>>) semaphore(%arg19 : memref<!tpu.dma_semaphore, #tpu.memory_space<semaphore_mem>>)
    %dma_start3A_49 = arith.constant 0 : i32
    %dma_start3A_50 = tpu.memref_slice %arg4[%add3A_42, %dma_start3A_49] : memref<320000x8xf32, #tpu.memory_space<hbm>> -> memref<80x8xf32, #tpu.memory_space<hbm>>
    %dma_start3A_51 = arith.constant 0 : i32
    %dma_start3A_52 = tpu.memref_slice %arg4[%add3A_42, %dma_start3A_51] : memref<320000x8xf32, #tpu.memory_space<hbm>> -> memref<80x8xf32, #tpu.memory_space<hbm>>
    tpu.enqueue_dma source(%dma_start3A_52 : memref<80x8xf32, #tpu.memory_space<hbm>>) target(%arg11 : memref<80x8xf32, #tpu.memory_space<vmem>>) target_semaphore(%arg19 : memref<!tpu.dma_semaphore, #tpu.memory_space<semaphore_mem>>)
    %dma_start3A_53 = arith.constant 0 : i32
    %dma_start3A_54 = arith.constant 0 : i32
    %dma_start3A_55 = tpu.memref_slice %arg10[%dma_start3A_53, %dma_start3A_54] : memref<125x80xi32, #tpu.memory_space<vmem>> -> memref<1x80xi32, #tpu.memory_space<vmem>>
    %dma_start3A_56 = tpu.memref_squeeze %dma_start3A_55 : memref<1x80xi32, #tpu.memory_space<vmem>> -> memref<80xi32, #tpu.memory_space<vmem>>
    %dma_start3A_57 = arith.constant 0 : i32
    %dma_start3A_58 = arith.constant 0 : i32
    %dma_start3A_59 = tpu.memref_slice %arg5[%dma_start3A_57, %dma_start3A_58] : memref<10240x8xf32, #tpu.memory_space<hbm>> -> memref<10240x8xf32, #tpu.memory_space<hbm>>
    tpu.enqueue_indirect_dma source(%dma_start3A_59 : memref<10240x8xf32, #tpu.memory_space<hbm>>) target(%arg12 : memref<80x8xf32, #tpu.memory_space<vmem>>) offsets(%dma_start3A_56 : memref<80xi32, #tpu.memory_space<vmem>>) semaphore(%arg19 : memref<!tpu.dma_semaphore, #tpu.memory_space<semaphore_mem>>)
    %scan3A_60 = arith.constant 0 : i32
    %scan3A_61 = arith.constant 0 : i32
    %scan3A_62 = arith.constant 62 : i32
    %scan3A_63 = arith.addi %scan3A_61, %scan3A_62 : i32
    %scan3A_64 = arith.constant 1 : i32
    scf.for %scan3A_152 = %scan3A_61 to %scan3A_63 step %scan3A_64  : i32 {
      %mul3A_153 = arith.constant 2 : i32
      %mul3A_154 = arith.muli %mul3A_153, %scan3A_152 : i32
      %add3A_155 = arith.constant 1 : i32
      %add3A_156 = arith.addi %mul3A_154, %add3A_155 : i32
      %mul3A_157 = arith.constant 80 : i32
      %mul3A_158 = arith.muli %add3A_156, %mul3A_157 : i32
      %add3A_159 = arith.addi %mul3A_40, %mul3A_158 : i32
      %dma_start3A_160 = arith.constant 0 : i32
      %dma_start3A_161 = tpu.memref_slice %arg9[%add3A_156, %dma_start3A_160] : memref<125x80xi32, #tpu.memory_space<vmem>> -> memref<1x80xi32, #tpu.memory_space<vmem>>
      %dma_start3A_162 = tpu.memref_squeeze %dma_start3A_161 : memref<1x80xi32, #tpu.memory_space<vmem>> -> memref<80xi32, #tpu.memory_space<vmem>>
      %dma_start3A_163 = arith.constant 0 : i32
      %dma_start3A_164 = arith.constant 0 : i32
      %dma_start3A_165 = tpu.memref_slice %arg6[%dma_start3A_163, %dma_start3A_164] : memref<10000x128xf32, #tpu.memory_space<hbm>> -> memref<10000x128xf32, #tpu.memory_space<hbm>>
      tpu.enqueue_indirect_dma source(%dma_start3A_165 : memref<10000x128xf32, #tpu.memory_space<hbm>>) target(%arg16 : memref<80x128xf32, #tpu.memory_space<vmem>>) offsets(%dma_start3A_162 : memref<80xi32, #tpu.memory_space<vmem>>) semaphore(%arg20 : memref<!tpu.dma_semaphore, #tpu.memory_space<semaphore_mem>>)
      %dma_start3A_166 = arith.constant 0 : i32
      %dma_start3A_167 = tpu.memref_slice %arg4[%add3A_159, %dma_start3A_166] : memref<320000x8xf32, #tpu.memory_space<hbm>> -> memref<80x8xf32, #tpu.memory_space<hbm>>
      %dma_start3A_168 = arith.constant 0 : i32
      %dma_start3A_169 = tpu.memref_slice %arg4[%add3A_159, %dma_start3A_168] : memref<320000x8xf32, #tpu.memory_space<hbm>> -> memref<80x8xf32, #tpu.memory_space<hbm>>
      tpu.enqueue_dma source(%dma_start3A_169 : memref<80x8xf32, #tpu.memory_space<hbm>>) target(%arg14 : memref<80x8xf32, #tpu.memory_space<vmem>>) target_semaphore(%arg20 : memref<!tpu.dma_semaphore, #tpu.memory_space<semaphore_mem>>)
      %dma_start3A_170 = arith.constant 0 : i32
      %dma_start3A_171 = tpu.memref_slice %arg10[%add3A_156, %dma_start3A_170] : memref<125x80xi32, #tpu.memory_space<vmem>> -> memref<1x80xi32, #tpu.memory_space<vmem>>
      %dma_start3A_172 = tpu.memref_squeeze %dma_start3A_171 : memref<1x80xi32, #tpu.memory_space<vmem>> -> memref<80xi32, #tpu.memory_space<vmem>>
      %dma_start3A_173 = arith.constant 0 : i32
      %dma_start3A_174 = arith.constant 0 : i32
      %dma_start3A_175 = tpu.memref_slice %arg5[%dma_start3A_173, %dma_start3A_174] : memref<10240x8xf32, #tpu.memory_space<hbm>> -> memref<10240x8xf32, #tpu.memory_space<hbm>>
      tpu.enqueue_indirect_dma source(%dma_start3A_175 : memref<10240x8xf32, #tpu.memory_space<hbm>>) target(%arg15 : memref<80x8xf32, #tpu.memory_space<vmem>>) offsets(%dma_start3A_172 : memref<80xi32, #tpu.memory_space<vmem>>) semaphore(%arg20 : memref<!tpu.dma_semaphore, #tpu.memory_space<semaphore_mem>>)
      %mul3A_176 = arith.constant 80 : i32
      %mul3A_177 = arith.muli %mul3A_154, %mul3A_176 : i32
      %add3A_178 = arith.addi %mul3A_40, %mul3A_177 : i32
      %dma_wait3A_179 = arith.constant 0 : i32
      %dma_wait3A_180 = tpu.memref_slice %arg9[%mul3A_154, %dma_wait3A_179] : memref<125x80xi32, #tpu.memory_space<vmem>> -> memref<1x80xi32, #tpu.memory_space<vmem>>
      %dma_wait3A_181 = tpu.memref_squeeze %dma_wait3A_180 : memref<1x80xi32, #tpu.memory_space<vmem>> -> memref<80xi32, #tpu.memory_space<vmem>>
      %dma_wait3A_182 = arith.constant 0 : i32
      %dma_wait3A_183 = arith.constant 0 : i32
      %dma_wait3A_184 = tpu.memref_slice %arg6[%dma_wait3A_182, %dma_wait3A_183] : memref<10000x128xf32, #tpu.memory_space<hbm>> -> memref<10000x128xf32, #tpu.memory_space<hbm>>
      tpu.wait_indirect_dma semaphore(%arg19 : memref<!tpu.dma_semaphore, #tpu.memory_space<semaphore_mem>>) src(%dma_wait3A_184 : memref<10000x128xf32, #tpu.memory_space<hbm>>) dst(%arg13 : memref<80x128xf32, #tpu.memory_space<vmem>>)
      %dma_wait3A_185 = arith.constant 0 : i32
      %dma_wait3A_186 = tpu.memref_slice %arg4[%add3A_178, %dma_wait3A_185] : memref<320000x8xf32, #tpu.memory_space<hbm>> -> memref<80x8xf32, #tpu.memory_space<hbm>>
      %dma_wait3A_187 = arith.constant 0 : i32
      %dma_wait3A_188 = tpu.memref_slice %arg4[%add3A_178, %dma_wait3A_187] : memref<320000x8xf32, #tpu.memory_space<hbm>> -> memref<80x8xf32, #tpu.memory_space<hbm>>
      tpu.wait_dma2 semaphore(%arg19 : memref<!tpu.dma_semaphore, #tpu.memory_space<semaphore_mem>>) src(%dma_wait3A_188 : memref<80x8xf32, #tpu.memory_space<hbm>>) dst(%arg11 : memref<80x8xf32, #tpu.memory_space<vmem>>)
      %dma_wait3A_189 = arith.constant 0 : i32
      %dma_wait3A_190 = tpu.memref_slice %arg10[%mul3A_154, %dma_wait3A_189] : memref<125x80xi32, #tpu.memory_space<vmem>> -> memref<1x80xi32, #tpu.memory_space<vmem>>
      %dma_wait3A_191 = tpu.memref_squeeze %dma_wait3A_190 : memref<1x80xi32, #tpu.memory_space<vmem>> -> memref<80xi32, #tpu.memory_space<vmem>>
      %dma_wait3A_192 = arith.constant 0 : i32
      %dma_wait3A_193 = arith.constant 0 : i32
      %dma_wait3A_194 = tpu.memref_slice %arg5[%dma_wait3A_192, %dma_wait3A_193] : memref<10240x8xf32, #tpu.memory_space<hbm>> -> memref<10240x8xf32, #tpu.memory_space<hbm>>
      tpu.wait_indirect_dma semaphore(%arg19 : memref<!tpu.dma_semaphore, #tpu.memory_space<semaphore_mem>>) src(%dma_wait3A_194 : memref<10240x8xf32, #tpu.memory_space<hbm>>) dst(%arg12 : memref<80x8xf32, #tpu.memory_space<vmem>>)
      %mul3A_195 = arith.constant 80 : i32
      %mul3A_196 = arith.muli %mul3A_154, %mul3A_195 : i32
      %add3A_197 = arith.addi %mul3A_40, %mul3A_196 : i32
      %scan3A_198 = arith.constant 0 : i32
      %scan3A_199 = arith.constant 0 : i32
      %scan3A_200 = arith.constant 5 : i32
      %scan3A_201 = arith.addi %scan3A_199, %scan3A_200 : i32
      %scan3A_202 = arith.constant 1 : i32
      scf.for %scan3A_381 = %scan3A_199 to %scan3A_201 step %scan3A_202  : i32 {
        %mul3A_382 = arith.constant 16 : i32
        %mul3A_383 = arith.muli %scan3A_381, %mul3A_382 : i32
        %add3A_384 = vector.broadcast %mul3A_383 : i32 to vector<16xi32>
        %add3A_385 = arith.addi %add3A_384, %iota3A : vector<16xi32>
        %shift_right_arithmetic3A = arith.constant 1 : i32
        %shift_right_arithmetic3A_386 = vector.broadcast %shift_right_arithmetic3A : i32 to vector<16xi32>
        %shift_right_arithmetic3A_387 = arith.shrsi %add3A_385, %shift_right_arithmetic3A_386 : vector<16xi32>
        %and3A_388 = arith.constant 1 : i32
        %and3A_389 = vector.broadcast %and3A_388 : i32 to vector<16xi32>
        %and3A_390 = arith.andi %add3A_385, %and3A_389 : vector<16xi32>
        %mul3A_391 = arith.constant 8 : i32
        %mul3A_392 = vector.broadcast %mul3A_391 : i32 to vector<16xi32>
        %mul3A_393 = arith.muli %and3A_390, %mul3A_392 : vector<16xi32>
        %broadcast_in_dim3A_394 = arith.constant 0 : i32
        %broadcast_in_dim3A_395 = vector.broadcast %broadcast_in_dim3A_394 : i32 to vector<16xi32>
        %gather3A = tpu.vector_load_idx %arg11[%add3A_385, %broadcast_in_dim3A_395] : memref<80x8xf32, #tpu.memory_space<vmem>>[vector<16xi32>, vector<16xi32>], vector<16xf32>,
        %broadcast_in_dim3A_396 = arith.constant 0 : i32
        %broadcast_in_dim3A_397 = vector.broadcast %broadcast_in_dim3A_396 : i32 to vector<16xi32>
        %gather3A_398 = tpu.vector_load_idx %arg12[%add3A_385, %broadcast_in_dim3A_397] : memref<80x8xf32, #tpu.memory_space<vmem>>[vector<16xi32>, vector<16xi32>], vector<16xf32>,
        %mul3A_399 = arith.mulf %gather3A, %gather3A_398 : vector<16xf32>
        %broadcast_in_dim3A_400 = arith.constant 0 : i32
        %broadcast_in_dim3A_401 = vector.broadcast %broadcast_in_dim3A_400 : i32 to vector<16xi32>
        %add3A_402 = arith.addi %mul3A_393, %broadcast_in_dim3A_401 : vector<16xi32>
        tpu.vector_store_idx %arg17[%shift_right_arithmetic3A_387, %add3A_402], %mul3A_399 : memref<40x16xf32, #tpu.memory_space<vmem>>[vector<16xi32>, vector<16xi32>], vector<16xf32>,
        %broadcast_in_dim3A_403 = arith.constant 1 : i32
        %broadcast_in_dim3A_404 = vector.broadcast %broadcast_in_dim3A_403 : i32 to vector<16xi32>
        %gather3A_405 = tpu.vector_load_idx %arg11[%add3A_385, %broadcast_in_dim3A_404] : memref<80x8xf32, #tpu.memory_space<vmem>>[vector<16xi32>, vector<16xi32>], vector<16xf32>,
        %broadcast_in_dim3A_406 = arith.constant 1 : i32
        %broadcast_in_dim3A_407 = vector.broadcast %broadcast_in_dim3A_406 : i32 to vector<16xi32>
        %gather3A_408 = tpu.vector_load_idx %arg12[%add3A_385, %broadcast_in_dim3A_407] : memref<80x8xf32, #tpu.memory_space<vmem>>[vector<16xi32>, vector<16xi32>], vector<16xf32>,
        %mul3A_409 = arith.mulf %gather3A_405, %gather3A_408 : vector<16xf32>
        %broadcast_in_dim3A_410 = arith.constant 1 : i32
        %broadcast_in_dim3A_411 = vector.broadcast %broadcast_in_dim3A_410 : i32 to vector<16xi32>
        %add3A_412 = arith.addi %mul3A_393, %broadcast_in_dim3A_411 : vector<16xi32>
        tpu.vector_store_idx %arg17[%shift_right_arithmetic3A_387, %add3A_412], %mul3A_409 : memref<40x16xf32, #tpu.memory_space<vmem>>[vector<16xi32>, vector<16xi32>], vector<16xf32>,
        %broadcast_in_dim3A_413 = arith.constant 2 : i32
        %broadcast_in_dim3A_414 = vector.broadcast %broadcast_in_dim3A_413 : i32 to vector<16xi32>
        %gather3A_415 = tpu.vector_load_idx %arg11[%add3A_385, %broadcast_in_dim3A_414] : memref<80x8xf32, #tpu.memory_space<vmem>>[vector<16xi32>, vector<16xi32>], vector<16xf32>,
        %broadcast_in_dim3A_416 = arith.constant 2 : i32
        %broadcast_in_dim3A_417 = vector.broadcast %broadcast_in_dim3A_416 : i32 to vector<16xi32>
        %gather3A_418 = tpu.vector_load_idx %arg12[%add3A_385, %broadcast_in_dim3A_417] : memref<80x8xf32, #tpu.memory_space<vmem>>[vector<16xi32>, vector<16xi32>], vector<16xf32>,
        %mul3A_419 = arith.mulf %gather3A_415, %gather3A_418 : vector<16xf32>
        %broadcast_in_dim3A_420 = arith.constant 2 : i32
        %broadcast_in_dim3A_421 = vector.broadcast %broadcast_in_dim3A_420 : i32 to vector<16xi32>
        %add3A_422 = arith.addi %mul3A_393, %broadcast_in_dim3A_421 : vector<16xi32>
        tpu.vector_store_idx %arg17[%shift_right_arithmetic3A_387, %add3A_422], %mul3A_419 : memref<40x16xf32, #tpu.memory_space<vmem>>[vector<16xi32>, vector<16xi32>], vector<16xf32>,
        %broadcast_in_dim3A_423 = arith.constant 3 : i32
        %broadcast_in_dim3A_424 = vector.broadcast %broadcast_in_dim3A_423 : i32 to vector<16xi32>
        %gather3A_425 = tpu.vector_load_idx %arg11[%add3A_385, %broadcast_in_dim3A_424] : memref<80x8xf32, #tpu.memory_space<vmem>>[vector<16xi32>, vector<16xi32>], vector<16xf32>,
        %broadcast_in_dim3A_426 = arith.constant 3 : i32
        %broadcast_in_dim3A_427 = vector.broadcast %broadcast_in_dim3A_426 : i32 to vector<16xi32>
        %gather3A_428 = tpu.vector_load_idx %arg12[%add3A_385, %broadcast_in_dim3A_427] : memref<80x8xf32, #tpu.memory_space<vmem>>[vector<16xi32>, vector<16xi32>], vector<16xf32>,
        %mul3A_429 = arith.mulf %gather3A_425, %gather3A_428 : vector<16xf32>
        %broadcast_in_dim3A_430 = arith.constant 3 : i32
        %broadcast_in_dim3A_431 = vector.broadcast %broadcast_in_dim3A_430 : i32 to vector<16xi32>
        %add3A_432 = arith.addi %mul3A_393, %broadcast_in_dim3A_431 : vector<16xi32>
        tpu.vector_store_idx %arg17[%shift_right_arithmetic3A_387, %add3A_432], %mul3A_429 : memref<40x16xf32, #tpu.memory_space<vmem>>[vector<16xi32>, vector<16xi32>], vector<16xf32>,
        %broadcast_in_dim3A_433 = arith.constant 4 : i32
        %broadcast_in_dim3A_434 = vector.broadcast %broadcast_in_dim3A_433 : i32 to vector<16xi32>
        %gather3A_435 = tpu.vector_load_idx %arg11[%add3A_385, %broadcast_in_dim3A_434] : memref<80x8xf32, #tpu.memory_space<vmem>>[vector<16xi32>, vector<16xi32>], vector<16xf32>,
        %broadcast_in_dim3A_436 = arith.constant 4 : i32
        %broadcast_in_dim3A_437 = vector.broadcast %broadcast_in_dim3A_436 : i32 to vector<16xi32>
        %gather3A_438 = tpu.vector_load_idx %arg12[%add3A_385, %broadcast_in_dim3A_437] : memref<80x8xf32, #tpu.memory_space<vmem>>[vector<16xi32>, vector<16xi32>], vector<16xf32>,
        %mul3A_439 = arith.mulf %gather3A_435, %gather3A_438 : vector<16xf32>
        %broadcast_in_dim3A_440 = arith.constant 4 : i32
        %broadcast_in_dim3A_441 = vector.broadcast %broadcast_in_dim3A_440 : i32 to vector<16xi32>
        %add3A_442 = arith.addi %mul3A_393, %broadcast_in_dim3A_441 : vector<16xi32>
        tpu.vector_store_idx %arg17[%shift_right_arithmetic3A_387, %add3A_442], %mul3A_439 : memref<40x16xf32, #tpu.memory_space<vmem>>[vector<16xi32>, vector<16xi32>], vector<16xf32>,
        %broadcast_in_dim3A_443 = arith.constant 5 : i32
        %broadcast_in_dim3A_444 = vector.broadcast %broadcast_in_dim3A_443 : i32 to vector<16xi32>
        %gather3A_445 = tpu.vector_load_idx %arg11[%add3A_385, %broadcast_in_dim3A_444] : memref<80x8xf32, #tpu.memory_space<vmem>>[vector<16xi32>, vector<16xi32>], vector<16xf32>,
        %broadcast_in_dim3A_446 = arith.constant 5 : i32
        %broadcast_in_dim3A_447 = vector.broadcast %broadcast_in_dim3A_446 : i32 to vector<16xi32>
        %gather3A_448 = tpu.vector_load_idx %arg12[%add3A_385, %broadcast_in_dim3A_447] : memref<80x8xf32, #tpu.memory_space<vmem>>[vector<16xi32>, vector<16xi32>], vector<16xf32>,
        %mul3A_449 = arith.mulf %gather3A_445, %gather3A_448 : vector<16xf32>
        %broadcast_in_dim3A_450 = arith.constant 5 : i32
        %broadcast_in_dim3A_451 = vector.broadcast %broadcast_in_dim3A_450 : i32 to vector<16xi32>
        %add3A_452 = arith.addi %mul3A_393, %broadcast_in_dim3A_451 : vector<16xi32>
        tpu.vector_store_idx %arg17[%shift_right_arithmetic3A_387, %add3A_452], %mul3A_449 : memref<40x16xf32, #tpu.memory_space<vmem>>[vector<16xi32>, vector<16xi32>], vector<16xf32>,
        %broadcast_in_dim3A_453 = arith.constant 6 : i32
        %broadcast_in_dim3A_454 = vector.broadcast %broadcast_in_dim3A_453 : i32 to vector<16xi32>
        %gather3A_455 = tpu.vector_load_idx %arg11[%add3A_385, %broadcast_in_dim3A_454] : memref<80x8xf32, #tpu.memory_space<vmem>>[vector<16xi32>, vector<16xi32>], vector<16xf32>,
        %broadcast_in_dim3A_456 = arith.constant 6 : i32
        %broadcast_in_dim3A_457 = vector.broadcast %broadcast_in_dim3A_456 : i32 to vector<16xi32>
        %gather3A_458 = tpu.vector_load_idx %arg12[%add3A_385, %broadcast_in_dim3A_457] : memref<80x8xf32, #tpu.memory_space<vmem>>[vector<16xi32>, vector<16xi32>], vector<16xf32>,
        %mul3A_459 = arith.mulf %gather3A_455, %gather3A_458 : vector<16xf32>
        %broadcast_in_dim3A_460 = arith.constant 6 : i32
        %broadcast_in_dim3A_461 = vector.broadcast %broadcast_in_dim3A_460 : i32 to vector<16xi32>
        %add3A_462 = arith.addi %mul3A_393, %broadcast_in_dim3A_461 : vector<16xi32>
        tpu.vector_store_idx %arg17[%shift_right_arithmetic3A_387, %add3A_462], %mul3A_459 : memref<40x16xf32, #tpu.memory_space<vmem>>[vector<16xi32>, vector<16xi32>], vector<16xf32>,
        %broadcast_in_dim3A_463 = arith.constant 7 : i32
        %broadcast_in_dim3A_464 = vector.broadcast %broadcast_in_dim3A_463 : i32 to vector<16xi32>
        %gather3A_465 = tpu.vector_load_idx %arg11[%add3A_385, %broadcast_in_dim3A_464] : memref<80x8xf32, #tpu.memory_space<vmem>>[vector<16xi32>, vector<16xi32>], vector<16xf32>,
        %broadcast_in_dim3A_466 = arith.constant 7 : i32
        %broadcast_in_dim3A_467 = vector.broadcast %broadcast_in_dim3A_466 : i32 to vector<16xi32>
        %gather3A_468 = tpu.vector_load_idx %arg12[%add3A_385, %broadcast_in_dim3A_467] : memref<80x8xf32, #tpu.memory_space<vmem>>[vector<16xi32>, vector<16xi32>], vector<16xf32>,
        %mul3A_469 = arith.mulf %gather3A_465, %gather3A_468 : vector<16xf32>
        %broadcast_in_dim3A_470 = arith.constant 7 : i32
        %broadcast_in_dim3A_471 = vector.broadcast %broadcast_in_dim3A_470 : i32 to vector<16xi32>
        %add3A_472 = arith.addi %mul3A_393, %broadcast_in_dim3A_471 : vector<16xi32>
        tpu.vector_store_idx %arg17[%shift_right_arithmetic3A_387, %add3A_472], %mul3A_469 : memref<40x16xf32, #tpu.memory_space<vmem>>[vector<16xi32>, vector<16xi32>], vector<16xf32>,
      }
      %scan3A_203 = arith.constant 5 : i32
      %jit3A_204 = arith.constant 2 : i32
      %div3A_205 = arith.divsi %add3A_197, %jit3A_204 : i32
      %sign3A_206 = arith.constant 0 : i32
      %sign3A_207 = arith.cmpi sgt, %add3A_197, %sign3A_206 : i32
      %sign3A_208 = arith.extui %sign3A_207 : i1 to i32
      %sign3A_209 = arith.constant 0 : i32
      %sign3A_210 = arith.cmpi slt, %add3A_197, %sign3A_209 : i32
      %sign3A_211 = arith.extui %sign3A_210 : i1 to i32
      %sign3A_212 = arith.subi %sign3A_208, %sign3A_211 : i32
      %sign3A_213 = arith.constant 0 : i32
      %sign3A_214 = arith.cmpi sgt, %jit3A_204, %sign3A_213 : i32
      %sign3A_215 = arith.extui %sign3A_214 : i1 to i32
      %sign3A_216 = arith.constant 0 : i32
      %sign3A_217 = arith.cmpi slt, %jit3A_204, %sign3A_216 : i32
      %sign3A_218 = arith.extui %sign3A_217 : i1 to i32
      %sign3A_219 = arith.subi %sign3A_215, %sign3A_218 : i32
      %ne3A_220 = arith.cmpi ne, %sign3A_212, %sign3A_219 : i32
      %rem3A_221 = arith.remsi %add3A_197, %jit3A_204 : i32
      %ne3A_222 = arith.constant 0 : i32
      %ne3A_223 = arith.cmpi ne, %rem3A_221, %ne3A_222 : i32
      %and3A_224 = arith.andi %ne3A_220, %ne3A_223 : i1
      %sub3A_225 = arith.constant 1 : i32
      %sub3A_226 = arith.subi %div3A_205, %sub3A_225 : i32
      %select_n3A_227 = arith.select %and3A_224, %sub3A_226, %div3A_205 : i32
      %dma_start3A_228 = arith.constant 0 : i32
      %dma_start3A_229 = tpu.memref_slice %arg7[%select_n3A_227, %dma_start3A_228] : memref<160000x16xf32, #tpu.memory_space<hbm>> -> memref<40x16xf32, #tpu.memory_space<hbm>>
      %dma_start3A_230 = arith.constant 0 : i32
      %dma_start3A_231 = tpu.memref_slice %arg7[%select_n3A_227, %dma_start3A_230] : memref<160000x16xf32, #tpu.memory_space<hbm>> -> memref<40x16xf32, #tpu.memory_space<hbm>>
      tpu.enqueue_dma source(%arg17 : memref<40x16xf32, #tpu.memory_space<vmem>>) target(%dma_start3A_231 : memref<40x16xf32, #tpu.memory_space<hbm>>) target_semaphore(%arg21 : memref<!tpu.dma_semaphore, #tpu.memory_space<semaphore_mem>>)
      %scan3A_232 = arith.constant 0 : i32
      %scan3A_233 = arith.constant 0 : i32
      %scan3A_234 = arith.constant 40 : i32
      %scan3A_235 = arith.addi %scan3A_233, %scan3A_234 : i32
      %scan3A_236 = arith.constant 1 : i32
      scf.for %scan3A_381 = %scan3A_233 to %scan3A_235 step %scan3A_236  : i32 {
        %get3A = arith.index_cast %scan3A_381 : i32 to index
        %get3A_382 = arith.constant 0 : index
        %get3A_383 = tpu.vector_load %arg17[%get3A, %get3A_382] {strides = array<i32>} : memref<40x16xf32, #tpu.memory_space<vmem>>, vector<16xf32>,
        %mul3A_384 = arith.constant 2 : i32
        %mul3A_385 = arith.muli %mul3A_384, %scan3A_381 : i32
        %add3A_386 = arith.constant 0 : i32
        %add3A_387 = arith.addi %mul3A_385, %add3A_386 : i32
        %slice3A = vector.extract_strided_slice %get3A_383 {offsets = [0], sizes = [1], strides = [1]} : vector<16xf32> to vector<1xf32>
        %squeeze3A = vector.extract %slice3A[0] : f32 from vector<1xf32>
        %broadcast_in_dim3A_388 = vector.broadcast %squeeze3A : f32 to vector<16xf32>
        %get3A_389 = arith.index_cast %add3A_387 : i32 to index
        %get3A_390 = arith.constant 0 : index
        %get3A_391 = tpu.vector_load %arg13[%get3A_389, %get3A_390] {strides = array<i32>} : memref<80x128xf32, #tpu.memory_space<vmem>>, vector<16xf32>,
        %mul3A_392 = arith.mulf %get3A_391, %broadcast_in_dim3A_388 : vector<16xf32>
        %swap3A = arith.index_cast %add3A_387 : i32 to index
        %swap3A_393 = arith.constant 0 : index
        %swap3A_394 = tpu.vector_load %arg13[%swap3A, %swap3A_393] {strides = array<i32>} : memref<80x128xf32, #tpu.memory_space<vmem>>, vector<16xf32>,
        tpu.vector_store %arg13[%swap3A, %swap3A_393], %mul3A_392 {strides = array<i32>} : memref<80x128xf32, #tpu.memory_space<vmem>>, vector<16xf32>,
        %slice3A_395 = vector.extract_strided_slice %get3A_383 {offsets = [1], sizes = [1], strides = [1]} : vector<16xf32> to vector<1xf32>
        %squeeze3A_396 = vector.extract %slice3A_395[0] : f32 from vector<1xf32>
        %broadcast_in_dim3A_397 = vector.broadcast %squeeze3A_396 : f32 to vector<16xf32>
        %get3A_398 = arith.index_cast %add3A_387 : i32 to index
        %get3A_399 = arith.constant 16 : index
        %get3A_400 = tpu.vector_load %arg13[%get3A_398, %get3A_399] {strides = array<i32>} : memref<80x128xf32, #tpu.memory_space<vmem>>, vector<16xf32>,
        %mul3A_401 = arith.mulf %get3A_400, %broadcast_in_dim3A_397 : vector<16xf32>
        %swap3A_402 = arith.index_cast %add3A_387 : i32 to index
        %swap3A_403 = arith.constant 16 : index
        %swap3A_404 = tpu.vector_load %arg13[%swap3A_402, %swap3A_403] {strides = array<i32>} : memref<80x128xf32, #tpu.memory_space<vmem>>, vector<16xf32>,
        tpu.vector_store %arg13[%swap3A_402, %swap3A_403], %mul3A_401 {strides = array<i32>} : memref<80x128xf32, #tpu.memory_space<vmem>>, vector<16xf32>,
        %slice3A_405 = vector.extract_strided_slice %get3A_383 {offsets = [2], sizes = [1], strides = [1]} : vector<16xf32> to vector<1xf32>
        %squeeze3A_406 = vector.extract %slice3A_405[0] : f32 from vector<1xf32>
        %broadcast_in_dim3A_407 = vector.broadcast %squeeze3A_406 : f32 to vector<16xf32>
        %get3A_408 = arith.index_cast %add3A_387 : i32 to index
        %get3A_409 = arith.constant 32 : index
        %get3A_410 = tpu.vector_load %arg13[%get3A_408, %get3A_409] {strides = array<i32>} : memref<80x128xf32, #tpu.memory_space<vmem>>, vector<16xf32>,
        %mul3A_411 = arith.mulf %get3A_410, %broadcast_in_dim3A_407 : vector<16xf32>
        %swap3A_412 = arith.index_cast %add3A_387 : i32 to index
        %swap3A_413 = arith.constant 32 : index
        %swap3A_414 = tpu.vector_load %arg13[%swap3A_412, %swap3A_413] {strides = array<i32>} : memref<80x128xf32, #tpu.memory_space<vmem>>, vector<16xf32>,
        tpu.vector_store %arg13[%swap3A_412, %swap3A_413], %mul3A_411 {strides = array<i32>} : memref<80x128xf32, #tpu.memory_space<vmem>>, vector<16xf32>,
        %slice3A_415 = vector.extract_strided_slice %get3A_383 {offsets = [3], sizes = [1], strides = [1]} : vector<16xf32> to vector<1xf32>
        %squeeze3A_416 = vector.extract %slice3A_415[0] : f32 from vector<1xf32>
        %broadcast_in_dim3A_417 = vector.broadcast %squeeze3A_416 : f32 to vector<16xf32>
        %get3A_418 = arith.index_cast %add3A_387 : i32 to index
        %get3A_419 = arith.constant 48 : index
        %get3A_420 = tpu.vector_load %arg13[%get3A_418, %get3A_419] {strides = array<i32>} : memref<80x128xf32, #tpu.memory_space<vmem>>, vector<16xf32>,
        %mul3A_421 = arith.mulf %get3A_420, %broadcast_in_dim3A_417 : vector<16xf32>
        %swap3A_422 = arith.index_cast %add3A_387 : i32 to index
        %swap3A_423 = arith.constant 48 : index
        %swap3A_424 = tpu.vector_load %arg13[%swap3A_422, %swap3A_423] {strides = array<i32>} : memref<80x128xf32, #tpu.memory_space<vmem>>, vector<16xf32>,
        tpu.vector_store %arg13[%swap3A_422, %swap3A_423], %mul3A_421 {strides = array<i32>} : memref<80x128xf32, #tpu.memory_space<vmem>>, vector<16xf32>,
        %slice3A_425 = vector.extract_strided_slice %get3A_383 {offsets = [4], sizes = [1], strides = [1]} : vector<16xf32> to vector<1xf32>
        %squeeze3A_426 = vector.extract %slice3A_425[0] : f32 from vector<1xf32>
        %broadcast_in_dim3A_427 = vector.broadcast %squeeze3A_426 : f32 to vector<16xf32>
        %get3A_428 = arith.index_cast %add3A_387 : i32 to index
        %get3A_429 = arith.constant 64 : index
        %get3A_430 = tpu.vector_load %arg13[%get3A_428, %get3A_429] {strides = array<i32>} : memref<80x128xf32, #tpu.memory_space<vmem>>, vector<16xf32>,
        %mul3A_431 = arith.mulf %get3A_430, %broadcast_in_dim3A_427 : vector<16xf32>
        %swap3A_432 = arith.index_cast %add3A_387 : i32 to index
        %swap3A_433 = arith.constant 64 : index
        %swap3A_434 = tpu.vector_load %arg13[%swap3A_432, %swap3A_433] {strides = array<i32>} : memref<80x128xf32, #tpu.memory_space<vmem>>, vector<16xf32>,
        tpu.vector_store %arg13[%swap3A_432, %swap3A_433], %mul3A_431 {strides = array<i32>} : memref<80x128xf32, #tpu.memory_space<vmem>>, vector<16xf32>,
        %slice3A_435 = vector.extract_strided_slice %get3A_383 {offsets = [5], sizes = [1], strides = [1]} : vector<16xf32> to vector<1xf32>
        %squeeze3A_436 = vector.extract %slice3A_435[0] : f32 from vector<1xf32>
        %broadcast_in_dim3A_437 = vector.broadcast %squeeze3A_436 : f32 to vector<16xf32>
        %get3A_438 = arith.index_cast %add3A_387 : i32 to index
        %get3A_439 = arith.constant 80 : index
        %get3A_440 = tpu.vector_load %arg13[%get3A_438, %get3A_439] {strides = array<i32>} : memref<80x128xf32, #tpu.memory_space<vmem>>, vector<16xf32>,
        %mul3A_441 = arith.mulf %get3A_440, %broadcast_in_dim3A_437 : vector<16xf32>
        %swap3A_442 = arith.index_cast %add3A_387 : i32 to index
        %swap3A_443 = arith.constant 80 : index
        %swap3A_444 = tpu.vector_load %arg13[%swap3A_442, %swap3A_443] {strides = array<i32>} : memref<80x128xf32, #tpu.memory_space<vmem>>, vector<16xf32>,
        tpu.vector_store %arg13[%swap3A_442, %swap3A_443], %mul3A_441 {strides = array<i32>} : memref<80x128xf32, #tpu.memory_space<vmem>>, vector<16xf32>,
        %slice3A_445 = vector.extract_strided_slice %get3A_383 {offsets = [6], sizes = [1], strides = [1]} : vector<16xf32> to vector<1xf32>
        %squeeze3A_446 = vector.extract %slice3A_445[0] : f32 from vector<1xf32>
        %broadcast_in_dim3A_447 = vector.broadcast %squeeze3A_446 : f32 to vector<16xf32>
        %get3A_448 = arith.index_cast %add3A_387 : i32 to index
        %get3A_449 = arith.constant 96 : index
        %get3A_450 = tpu.vector_load %arg13[%get3A_448, %get3A_449] {strides = array<i32>} : memref<80x128xf32, #tpu.memory_space<vmem>>, vector<16xf32>,
        %mul3A_451 = arith.mulf %get3A_450, %broadcast_in_dim3A_447 : vector<16xf32>
        %swap3A_452 = arith.index_cast %add3A_387 : i32 to index
        %swap3A_453 = arith.constant 96 : index
        %swap3A_454 = tpu.vector_load %arg13[%swap3A_452, %swap3A_453] {strides = array<i32>} : memref<80x128xf32, #tpu.memory_space<vmem>>, vector<16xf32>,
        tpu.vector_store %arg13[%swap3A_452, %swap3A_453], %mul3A_451 {strides = array<i32>} : memref<80x128xf32, #tpu.memory_space<vmem>>, vector<16xf32>,
        %slice3A_455 = vector.extract_strided_slice %get3A_383 {offsets = [7], sizes = [1], strides = [1]} : vector<16xf32> to vector<1xf32>
        %squeeze3A_456 = vector.extract %slice3A_455[0] : f32 from vector<1xf32>
        %broadcast_in_dim3A_457 = vector.broadcast %squeeze3A_456 : f32 to vector<16xf32>
        %get3A_458 = arith.index_cast %add3A_387 : i32 to index
        %get3A_459 = arith.constant 112 : index
        %get3A_460 = tpu.vector_load %arg13[%get3A_458, %get3A_459] {strides = array<i32>} : memref<80x128xf32, #tpu.memory_space<vmem>>, vector<16xf32>,
        %mul3A_461 = arith.mulf %get3A_460, %broadcast_in_dim3A_457 : vector<16xf32>
        %swap3A_462 = arith.index_cast %add3A_387 : i32 to index
        %swap3A_463 = arith.constant 112 : index
        %swap3A_464 = tpu.vector_load %arg13[%swap3A_462, %swap3A_463] {strides = array<i32>} : memref<80x128xf32, #tpu.memory_space<vmem>>, vector<16xf32>,
        tpu.vector_store %arg13[%swap3A_462, %swap3A_463], %mul3A_461 {strides = array<i32>} : memref<80x128xf32, #tpu.memory_space<vmem>>, vector<16xf32>,
        %mul3A_465 = arith.constant 2 : i32
        %mul3A_466 = arith.muli %mul3A_465, %scan3A_381 : i32
        %add3A_467 = arith.constant 1 : i32
        %add3A_468 = arith.addi %mul3A_466, %add3A_467 : i32
        %slice3A_469 = vector.extract_strided_slice %get3A_383 {offsets = [8], sizes = [1], strides = [1]} : vector<16xf32> to vector<1xf32>
        %squeeze3A_470 = vector.extract %slice3A_469[0] : f32 from vector<1xf32>
        %broadcast_in_dim3A_471 = vector.broadcast %squeeze3A_470 : f32 to vector<16xf32>
        %get3A_472 = arith.index_cast %add3A_468 : i32 to index
        %get3A_473 = arith.constant 0 : index
        %get3A_474 = tpu.vector_load %arg13[%get3A_472, %get3A_473] {strides = array<i32>} : memref<80x128xf32, #tpu.memory_space<vmem>>, vector<16xf32>,
        %mul3A_475 = arith.mulf %get3A_474, %broadcast_in_dim3A_471 : vector<16xf32>
        %swap3A_476 = arith.index_cast %add3A_468 : i32 to index
        %swap3A_477 = arith.constant 0 : index
        %swap3A_478 = tpu.vector_load %arg13[%swap3A_476, %swap3A_477] {strides = array<i32>} : memref<80x128xf32, #tpu.memory_space<vmem>>, vector<16xf32>,
        tpu.vector_store %arg13[%swap3A_476, %swap3A_477], %mul3A_475 {strides = array<i32>} : memref<80x128xf32, #tpu.memory_space<vmem>>, vector<16xf32>,
        %slice3A_479 = vector.extract_strided_slice %get3A_383 {offsets = [9], sizes = [1], strides = [1]} : vector<16xf32> to vector<1xf32>
        %squeeze3A_480 = vector.extract %slice3A_479[0] : f32 from vector<1xf32>
        %broadcast_in_dim3A_481 = vector.broadcast %squeeze3A_480 : f32 to vector<16xf32>
        %get3A_482 = arith.index_cast %add3A_468 : i32 to index
        %get3A_483 = arith.constant 16 : index
        %get3A_484 = tpu.vector_load %arg13[%get3A_482, %get3A_483] {strides = array<i32>} : memref<80x128xf32, #tpu.memory_space<vmem>>, vector<16xf32>,
        %mul3A_485 = arith.mulf %get3A_484, %broadcast_in_dim3A_481 : vector<16xf32>
        %swap3A_486 = arith.index_cast %add3A_468 : i32 to index
        %swap3A_487 = arith.constant 16 : index
        %swap3A_488 = tpu.vector_load %arg13[%swap3A_486, %swap3A_487] {strides = array<i32>} : memref<80x128xf32, #tpu.memory_space<vmem>>, vector<16xf32>,
        tpu.vector_store %arg13[%swap3A_486, %swap3A_487], %mul3A_485 {strides = array<i32>} : memref<80x128xf32, #tpu.memory_space<vmem>>, vector<16xf32>,
        %slice3A_489 = vector.extract_strided_slice %get3A_383 {offsets = [10], sizes = [1], strides = [1]} : vector<16xf32> to vector<1xf32>
        %squeeze3A_490 = vector.extract %slice3A_489[0] : f32 from vector<1xf32>
        %broadcast_in_dim3A_491 = vector.broadcast %squeeze3A_490 : f32 to vector<16xf32>
        %get3A_492 = arith.index_cast %add3A_468 : i32 to index
        %get3A_493 = arith.constant 32 : index
        %get3A_494 = tpu.vector_load %arg13[%get3A_492, %get3A_493] {strides = array<i32>} : memref<80x128xf32, #tpu.memory_space<vmem>>, vector<16xf32>,
        %mul3A_495 = arith.mulf %get3A_494, %broadcast_in_dim3A_491 : vector<16xf32>
        %swap3A_496 = arith.index_cast %add3A_468 : i32 to index
        %swap3A_497 = arith.constant 32 : index
        %swap3A_498 = tpu.vector_load %arg13[%swap3A_496, %swap3A_497] {strides = array<i32>} : memref<80x128xf32, #tpu.memory_space<vmem>>, vector<16xf32>,
        tpu.vector_store %arg13[%swap3A_496, %swap3A_497], %mul3A_495 {strides = array<i32>} : memref<80x128xf32, #tpu.memory_space<vmem>>, vector<16xf32>,
        %slice3A_499 = vector.extract_strided_slice %get3A_383 {offsets = [11], sizes = [1], strides = [1]} : vector<16xf32> to vector<1xf32>
        %squeeze3A_500 = vector.extract %slice3A_499[0] : f32 from vector<1xf32>
        %broadcast_in_dim3A_501 = vector.broadcast %squeeze3A_500 : f32 to vector<16xf32>
        %get3A_502 = arith.index_cast %add3A_468 : i32 to index
        %get3A_503 = arith.constant 48 : index
        %get3A_504 = tpu.vector_load %arg13[%get3A_502, %get3A_503] {strides = array<i32>} : memref<80x128xf32, #tpu.memory_space<vmem>>, vector<16xf32>,
        %mul3A_505 = arith.mulf %get3A_504, %broadcast_in_dim3A_501 : vector<16xf32>
        %swap3A_506 = arith.index_cast %add3A_468 : i32 to index
        %swap3A_507 = arith.constant 48 : index
        %swap3A_508 = tpu.vector_load %arg13[%swap3A_506, %swap3A_507] {strides = array<i32>} : memref<80x128xf32, #tpu.memory_space<vmem>>, vector<16xf32>,
        tpu.vector_store %arg13[%swap3A_506, %swap3A_507], %mul3A_505 {strides = array<i32>} : memref<80x128xf32, #tpu.memory_space<vmem>>, vector<16xf32>,
        %slice3A_509 = vector.extract_strided_slice %get3A_383 {offsets = [12], sizes = [1], strides = [1]} : vector<16xf32> to vector<1xf32>
        %squeeze3A_510 = vector.extract %slice3A_509[0] : f32 from vector<1xf32>
        %broadcast_in_dim3A_511 = vector.broadcast %squeeze3A_510 : f32 to vector<16xf32>
        %get3A_512 = arith.index_cast %add3A_468 : i32 to index
        %get3A_513 = arith.constant 64 : index
        %get3A_514 = tpu.vector_load %arg13[%get3A_512, %get3A_513] {strides = array<i32>} : memref<80x128xf32, #tpu.memory_space<vmem>>, vector<16xf32>,
        %mul3A_515 = arith.mulf %get3A_514, %broadcast_in_dim3A_511 : vector<16xf32>
        %swap3A_516 = arith.index_cast %add3A_468 : i32 to index
        %swap3A_517 = arith.constant 64 : index
        %swap3A_518 = tpu.vector_load %arg13[%swap3A_516, %swap3A_517] {strides = array<i32>} : memref<80x128xf32, #tpu.memory_space<vmem>>, vector<16xf32>,
        tpu.vector_store %arg13[%swap3A_516, %swap3A_517], %mul3A_515 {strides = array<i32>} : memref<80x128xf32, #tpu.memory_space<vmem>>, vector<16xf32>,
        %slice3A_519 = vector.extract_strided_slice %get3A_383 {offsets = [13], sizes = [1], strides = [1]} : vector<16xf32> to vector<1xf32>
        %squeeze3A_520 = vector.extract %slice3A_519[0] : f32 from vector<1xf32>
        %broadcast_in_dim3A_521 = vector.broadcast %squeeze3A_520 : f32 to vector<16xf32>
        %get3A_522 = arith.index_cast %add3A_468 : i32 to index
        %get3A_523 = arith.constant 80 : index
        %get3A_524 = tpu.vector_load %arg13[%get3A_522, %get3A_523] {strides = array<i32>} : memref<80x128xf32, #tpu.memory_space<vmem>>, vector<16xf32>,
        %mul3A_525 = arith.mulf %get3A_524, %broadcast_in_dim3A_521 : vector<16xf32>
        %swap3A_526 = arith.index_cast %add3A_468 : i32 to index
        %swap3A_527 = arith.constant 80 : index
        %swap3A_528 = tpu.vector_load %arg13[%swap3A_526, %swap3A_527] {strides = array<i32>} : memref<80x128xf32, #tpu.memory_space<vmem>>, vector<16xf32>,
        tpu.vector_store %arg13[%swap3A_526, %swap3A_527], %mul3A_525 {strides = array<i32>} : memref<80x128xf32, #tpu.memory_space<vmem>>, vector<16xf32>,
        %slice3A_529 = vector.extract_strided_slice %get3A_383 {offsets = [14], sizes = [1], strides = [1]} : vector<16xf32> to vector<1xf32>
        %squeeze3A_530 = vector.extract %slice3A_529[0] : f32 from vector<1xf32>
        %broadcast_in_dim3A_531 = vector.broadcast %squeeze3A_530 : f32 to vector<16xf32>
        %get3A_532 = arith.index_cast %add3A_468 : i32 to index
        %get3A_533 = arith.constant 96 : index
        %get3A_534 = tpu.vector_load %arg13[%get3A_532, %get3A_533] {strides = array<i32>} : memref<80x128xf32, #tpu.memory_space<vmem>>, vector<16xf32>,
        %mul3A_535 = arith.mulf %get3A_534, %broadcast_in_dim3A_531 : vector<16xf32>
        %swap3A_536 = arith.index_cast %add3A_468 : i32 to index
        %swap3A_537 = arith.constant 96 : index
        %swap3A_538 = tpu.vector_load %arg13[%swap3A_536, %swap3A_537] {strides = array<i32>} : memref<80x128xf32, #tpu.memory_space<vmem>>, vector<16xf32>,
        tpu.vector_store %arg13[%swap3A_536, %swap3A_537], %mul3A_535 {strides = array<i32>} : memref<80x128xf32, #tpu.memory_space<vmem>>, vector<16xf32>,
        %slice3A_539 = vector.extract_strided_slice %get3A_383 {offsets = [15], sizes = [1], strides = [1]} : vector<16xf32> to vector<1xf32>
        %squeeze3A_540 = vector.extract %slice3A_539[0] : f32 from vector<1xf32>
        %broadcast_in_dim3A_541 = vector.broadcast %squeeze3A_540 : f32 to vector<16xf32>
        %get3A_542 = arith.index_cast %add3A_468 : i32 to index
        %get3A_543 = arith.constant 112 : index
        %get3A_544 = tpu.vector_load %arg13[%get3A_542, %get3A_543] {strides = array<i32>} : memref<80x128xf32, #tpu.memory_space<vmem>>, vector<16xf32>,
        %mul3A_545 = arith.mulf %get3A_544, %broadcast_in_dim3A_541 : vector<16xf32>
        %swap3A_546 = arith.index_cast %add3A_468 : i32 to index
        %swap3A_547 = arith.constant 112 : index
        %swap3A_548 = tpu.vector_load %arg13[%swap3A_546, %swap3A_547] {strides = array<i32>} : memref<80x128xf32, #tpu.memory_space<vmem>>, vector<16xf32>,
        tpu.vector_store %arg13[%swap3A_546, %swap3A_547], %mul3A_545 {strides = array<i32>} : memref<80x128xf32, #tpu.memory_space<vmem>>, vector<16xf32>,
      }
      %scan3A_237 = arith.constant 40 : i32
      "tpu.region"() ({
        %run_scoped3A_381 = tpu.sem_alloc : memref<!tpu.dma_semaphore, #tpu.memory_space<semaphore_mem>>
        %dma_start3A_382 = arith.constant 0 : i32
        %dma_start3A_383 = tpu.memref_slice %arg10[%mul3A_154, %dma_start3A_382] : memref<125x80xi32, #tpu.memory_space<vmem>> -> memref<1x80xi32, #tpu.memory_space<vmem>>
        %dma_start3A_384 = tpu.memref_squeeze %dma_start3A_383 : memref<1x80xi32, #tpu.memory_space<vmem>> -> memref<80xi32, #tpu.memory_space<vmem>>
        %dma_start3A_385 = arith.constant 0 : i32
        %dma_start3A_386 = arith.constant 0 : i32
        %dma_start3A_387 = tpu.memref_slice %arg18[%dma_start3A_385, %dma_start3A_386] : memref<10240x128xf32, #tpu.memory_space<vmem_shared>> -> memref<10240x128xf32, #tpu.memory_space<vmem_shared>>
        tpu.enqueue_indirect_dma source(%arg13 : memref<80x128xf32, #tpu.memory_space<vmem>>) target(%dma_start3A_387 : memref<10240x128xf32, #tpu.memory_space<vmem_shared>>) offsets(%dma_start3A_384 : memref<80xi32, #tpu.memory_space<vmem>>) semaphore(%run_scoped3A_381 : memref<!tpu.dma_semaphore, #tpu.memory_space<semaphore_mem>>) {add = true}
        %dma_wait3A_388 = arith.constant 0 : i32
        %dma_wait3A_389 = tpu.memref_slice %arg10[%mul3A_154, %dma_wait3A_388] : memref<125x80xi32, #tpu.memory_space<vmem>> -> memref<1x80xi32, #tpu.memory_space<vmem>>
        %dma_wait3A_390 = tpu.memref_squeeze %dma_wait3A_389 : memref<1x80xi32, #tpu.memory_space<vmem>> -> memref<80xi32, #tpu.memory_space<vmem>>
        %dma_wait3A_391 = arith.constant 0 : i32
        %dma_wait3A_392 = arith.constant 0 : i32
        %dma_wait3A_393 = tpu.memref_slice %arg18[%dma_wait3A_391, %dma_wait3A_392] : memref<10240x128xf32, #tpu.memory_space<vmem_shared>> -> memref<10240x128xf32, #tpu.memory_space<vmem_shared>>
        tpu.wait_indirect_dma semaphore(%run_scoped3A_381 : memref<!tpu.dma_semaphore, #tpu.memory_space<semaphore_mem>>) src(%arg13 : memref<80x128xf32, #tpu.memory_space<vmem>>) dst(%dma_wait3A_393 : memref<10240x128xf32, #tpu.memory_space<vmem_shared>>)
        tpu.yield
      }) : () -> ()
      %jit3A_238 = arith.constant 2 : i32
      %div3A_239 = arith.divsi %add3A_197, %jit3A_238 : i32
      %sign3A_240 = arith.constant 0 : i32
      %sign3A_241 = arith.cmpi sgt, %add3A_197, %sign3A_240 : i32
      %sign3A_242 = arith.extui %sign3A_241 : i1 to i32
      %sign3A_243 = arith.constant 0 : i32
      %sign3A_244 = arith.cmpi slt, %add3A_197, %sign3A_243 : i32
      %sign3A_245 = arith.extui %sign3A_244 : i1 to i32
      %sign3A_246 = arith.subi %sign3A_242, %sign3A_245 : i32
      %sign3A_247 = arith.constant 0 : i32
      %sign3A_248 = arith.cmpi sgt, %jit3A_238, %sign3A_247 : i32
      %sign3A_249 = arith.extui %sign3A_248 : i1 to i32
      %sign3A_250 = arith.constant 0 : i32
      %sign3A_251 = arith.cmpi slt, %jit3A_238, %sign3A_250 : i32
      %sign3A_252 = arith.extui %sign3A_251 : i1 to i32
      %sign3A_253 = arith.subi %sign3A_249, %sign3A_252 : i32
      %ne3A_254 = arith.cmpi ne, %sign3A_246, %sign3A_253 : i32
      %rem3A_255 = arith.remsi %add3A_197, %jit3A_238 : i32
      %ne3A_256 = arith.constant 0 : i32
      %ne3A_257 = arith.cmpi ne, %rem3A_255, %ne3A_256 : i32
      %and3A_258 = arith.andi %ne3A_254, %ne3A_257 : i1
      %sub3A_259 = arith.constant 1 : i32
      %sub3A_260 = arith.subi %div3A_239, %sub3A_259 : i32
      %select_n3A_261 = arith.select %and3A_258, %sub3A_260, %div3A_239 : i32
      %dma_wait3A_262 = arith.constant 0 : i32
      %dma_wait3A_263 = tpu.memref_slice %arg7[%select_n3A_261, %dma_wait3A_262] : memref<160000x16xf32, #tpu.memory_space<hbm>> -> memref<40x16xf32, #tpu.memory_space<hbm>>
      %dma_wait3A_264 = arith.constant 0 : i32
      %dma_wait3A_265 = tpu.memref_slice %arg7[%select_n3A_261, %dma_wait3A_264] : memref<160000x16xf32, #tpu.memory_space<hbm>> -> memref<40x16xf32, #tpu.memory_space<hbm>>
      tpu.wait_dma2 semaphore(%arg21 : memref<!tpu.dma_semaphore, #tpu.memory_space<semaphore_mem>>) src(%arg17 : memref<40x16xf32, #tpu.memory_space<vmem>>) dst(%dma_wait3A_265 : memref<40x16xf32, #tpu.memory_space<hbm>>)
      %add3A_266 = arith.constant 2 : i32
      %add3A_267 = arith.addi %mul3A_154, %add3A_266 : i32
      %mul3A_268 = arith.constant 80 : i32
      %mul3A_269 = arith.muli %add3A_267, %mul3A_268 : i32
      %add3A_270 = arith.addi %mul3A_40, %mul3A_269 : i32
      %dma_start3A_271 = arith.constant 0 : i32
      %dma_start3A_272 = tpu.memref_slice %arg9[%add3A_267, %dma_start3A_271] : memref<125x80xi32, #tpu.memory_space<vmem>> -> memref<1x80xi32, #tpu.memory_space<vmem>>
      %dma_start3A_273 = tpu.memref_squeeze %dma_start3A_272 : memref<1x80xi32, #tpu.memory_space<vmem>> -> memref<80xi32, #tpu.memory_space<vmem>>
      %dma_start3A_274 = arith.constant 0 : i32
      %dma_start3A_275 = arith.constant 0 : i32
      %dma_start3A_276 = tpu.memref_slice %arg6[%dma_start3A_274, %dma_start3A_275] : memref<10000x128xf32, #tpu.memory_space<hbm>> -> memref<10000x128xf32, #tpu.memory_space<hbm>>
      tpu.enqueue_indirect_dma source(%dma_start3A_276 : memref<10000x128xf32, #tpu.memory_space<hbm>>) target(%arg13 : memref<80x128xf32, #tpu.memory_space<vmem>>) offsets(%dma_start3A_273 : memref<80xi32, #tpu.memory_space<vmem>>) semaphore(%arg19 : memref<!tpu.dma_semaphore, #tpu.memory_space<semaphore_mem>>)
      %dma_start3A_277 = arith.constant 0 : i32
      %dma_start3A_278 = tpu.memref_slice %arg4[%add3A_270, %dma_start3A_277] : memref<320000x8xf32, #tpu.memory_space<hbm>> -> memref<80x8xf32, #tpu.memory_space<hbm>>
      %dma_start3A_279 = arith.constant 0 : i32
      %dma_start3A_280 = tpu.memref_slice %arg4[%add3A_270, %dma_start3A_279] : memref<320000x8xf32, #tpu.memory_space<hbm>> -> memref<80x8xf32, #tpu.memory_space<hbm>>
      tpu.enqueue_dma source(%dma_start3A_280 : memref<80x8xf32, #tpu.memory_space<hbm>>) target(%arg11 : memref<80x8xf32, #tpu.memory_space<vmem>>) target_semaphore(%arg19 : memref<!tpu.dma_semaphore, #tpu.memory_space<semaphore_mem>>)
      %dma_start3A_281 = arith.constant 0 : i32
      %dma_start3A_282 = tpu.memref_slice %arg10[%add3A_267, %dma_start3A_281] : memref<125x80xi32, #tpu.memory_space<vmem>> -> memref<1x80xi32, #tpu.memory_space<vmem>>
      %dma_start3A_283 = tpu.memref_squeeze %dma_start3A_282 : memref<1x80xi32, #tpu.memory_space<vmem>> -> memref<80xi32, #tpu.memory_space<vmem>>
      %dma_start3A_284 = arith.constant 0 : i32
      %dma_start3A_285 = arith.constant 0 : i32
      %dma_start3A_286 = tpu.memref_slice %arg5[%dma_start3A_284, %dma_start3A_285] : memref<10240x8xf32, #tpu.memory_space<hbm>> -> memref<10240x8xf32, #tpu.memory_space<hbm>>
      tpu.enqueue_indirect_dma source(%dma_start3A_286 : memref<10240x8xf32, #tpu.memory_space<hbm>>) target(%arg12 : memref<80x8xf32, #tpu.memory_space<vmem>>) offsets(%dma_start3A_283 : memref<80xi32, #tpu.memory_space<vmem>>) semaphore(%arg19 : memref<!tpu.dma_semaphore, #tpu.memory_space<semaphore_mem>>)
      %add3A_287 = arith.constant 1 : i32
      %add3A_288 = arith.addi %mul3A_154, %add3A_287 : i32
      %mul3A_289 = arith.constant 80 : i32
      %mul3A_290 = arith.muli %add3A_288, %mul3A_289 : i32
      %add3A_291 = arith.addi %mul3A_40, %mul3A_290 : i32
      %dma_wait3A_292 = arith.constant 0 : i32
      %dma_wait3A_293 = tpu.memref_slice %arg9[%add3A_288, %dma_wait3A_292] : memref<125x80xi32, #tpu.memory_space<vmem>> -> memref<1x80xi32, #tpu.memory_space<vmem>>
      %dma_wait3A_294 = tpu.memref_squeeze %dma_wait3A_293 : memref<1x80xi32, #tpu.memory_space<vmem>> -> memref<80xi32, #tpu.memory_space<vmem>>
      %dma_wait3A_295 = arith.constant 0 : i32
      %dma_wait3A_296 = arith.constant 0 : i32
      %dma_wait3A_297 = tpu.memref_slice %arg6[%dma_wait3A_295, %dma_wait3A_296] : memref<10000x128xf32, #tpu.memory_space<hbm>> -> memref<10000x128xf32, #tpu.memory_space<hbm>>
      tpu.wait_indirect_dma semaphore(%arg20 : memref<!tpu.dma_semaphore, #tpu.memory_space<semaphore_mem>>) src(%dma_wait3A_297 : memref<10000x128xf32, #tpu.memory_space<hbm>>) dst(%arg16 : memref<80x128xf32, #tpu.memory_space<vmem>>)
      %dma_wait3A_298 = arith.constant 0 : i32
      %dma_wait3A_299 = tpu.memref_slice %arg4[%add3A_291, %dma_wait3A_298] : memref<320000x8xf32, #tpu.memory_space<hbm>> -> memref<80x8xf32, #tpu.memory_space<hbm>>
      %dma_wait3A_300 = arith.constant 0 : i32
      %dma_wait3A_301 = tpu.memref_slice %arg4[%add3A_291, %dma_wait3A_300] : memref<320000x8xf32, #tpu.memory_space<hbm>> -> memref<80x8xf32, #tpu.memory_space<hbm>>
      tpu.wait_dma2 semaphore(%arg20 : memref<!tpu.dma_semaphore, #tpu.memory_space<semaphore_mem>>) src(%dma_wait3A_301 : memref<80x8xf32, #tpu.memory_space<hbm>>) dst(%arg14 : memref<80x8xf32, #tpu.memory_space<vmem>>)
      %dma_wait3A_302 = arith.constant 0 : i32
      %dma_wait3A_303 = tpu.memref_slice %arg10[%add3A_288, %dma_wait3A_302] : memref<125x80xi32, #tpu.memory_space<vmem>> -> memref<1x80xi32, #tpu.memory_space<vmem>>
      %dma_wait3A_304 = tpu.memref_squeeze %dma_wait3A_303 : memref<1x80xi32, #tpu.memory_space<vmem>> -> memref<80xi32, #tpu.memory_space<vmem>>
      %dma_wait3A_305 = arith.constant 0 : i32
      %dma_wait3A_306 = arith.constant 0 : i32
      %dma_wait3A_307 = tpu.memref_slice %arg5[%dma_wait3A_305, %dma_wait3A_306] : memref<10240x8xf32, #tpu.memory_space<hbm>> -> memref<10240x8xf32, #tpu.memory_space<hbm>>
      tpu.wait_indirect_dma semaphore(%arg20 : memref<!tpu.dma_semaphore, #tpu.memory_space<semaphore_mem>>) src(%dma_wait3A_307 : memref<10240x8xf32, #tpu.memory_space<hbm>>) dst(%arg15 : memref<80x8xf32, #tpu.memory_space<vmem>>)
      %add3A_308 = arith.constant 1 : i32
      %add3A_309 = arith.addi %mul3A_154, %add3A_308 : i32
      %mul3A_310 = arith.constant 80 : i32
      %mul3A_311 = arith.muli %add3A_309, %mul3A_310 : i32
      %add3A_312 = arith.addi %mul3A_40, %mul3A_311 : i32
      %scan3A_313 = arith.constant 0 : i32
      %scan3A_314 = arith.constant 0 : i32
      %scan3A_315 = arith.constant 5 : i32
      %scan3A_316 = arith.addi %scan3A_314, %scan3A_315 : i32
      %scan3A_317 = arith.constant 1 : i32
      scf.for %scan3A_381 = %scan3A_314 to %scan3A_316 step %scan3A_317  : i32 {
        %mul3A_382 = arith.constant 16 : i32
        %mul3A_383 = arith.muli %scan3A_381, %mul3A_382 : i32
        %add3A_384 = vector.broadcast %mul3A_383 : i32 to vector<16xi32>
        %add3A_385 = arith.addi %add3A_384, %iota3A : vector<16xi32>
        %shift_right_arithmetic3A = arith.constant 1 : i32
        %shift_right_arithmetic3A_386 = vector.broadcast %shift_right_arithmetic3A : i32 to vector<16xi32>
        %shift_right_arithmetic3A_387 = arith.shrsi %add3A_385, %shift_right_arithmetic3A_386 : vector<16xi32>
        %and3A_388 = arith.constant 1 : i32
        %and3A_389 = vector.broadcast %and3A_388 : i32 to vector<16xi32>
        %and3A_390 = arith.andi %add3A_385, %and3A_389 : vector<16xi32>
        %mul3A_391 = arith.constant 8 : i32
        %mul3A_392 = vector.broadcast %mul3A_391 : i32 to vector<16xi32>
        %mul3A_393 = arith.muli %and3A_390, %mul3A_392 : vector<16xi32>
        %broadcast_in_dim3A_394 = arith.constant 0 : i32
        %broadcast_in_dim3A_395 = vector.broadcast %broadcast_in_dim3A_394 : i32 to vector<16xi32>
        %gather3A = tpu.vector_load_idx %arg14[%add3A_385, %broadcast_in_dim3A_395] : memref<80x8xf32, #tpu.memory_space<vmem>>[vector<16xi32>, vector<16xi32>], vector<16xf32>,
        %broadcast_in_dim3A_396 = arith.constant 0 : i32
        %broadcast_in_dim3A_397 = vector.broadcast %broadcast_in_dim3A_396 : i32 to vector<16xi32>
        %gather3A_398 = tpu.vector_load_idx %arg15[%add3A_385, %broadcast_in_dim3A_397] : memref<80x8xf32, #tpu.memory_space<vmem>>[vector<16xi32>, vector<16xi32>], vector<16xf32>,
        %mul3A_399 = arith.mulf %gather3A, %gather3A_398 : vector<16xf32>
        %broadcast_in_dim3A_400 = arith.constant 0 : i32
        %broadcast_in_dim3A_401 = vector.broadcast %broadcast_in_dim3A_400 : i32 to vector<16xi32>
        %add3A_402 = arith.addi %mul3A_393, %broadcast_in_dim3A_401 : vector<16xi32>
        tpu.vector_store_idx %arg17[%shift_right_arithmetic3A_387, %add3A_402], %mul3A_399 : memref<40x16xf32, #tpu.memory_space<vmem>>[vector<16xi32>, vector<16xi32>], vector<16xf32>,
        %broadcast_in_dim3A_403 = arith.constant 1 : i32
        %broadcast_in_dim3A_404 = vector.broadcast %broadcast_in_dim3A_403 : i32 to vector<16xi32>
        %gather3A_405 = tpu.vector_load_idx %arg14[%add3A_385, %broadcast_in_dim3A_404] : memref<80x8xf32, #tpu.memory_space<vmem>>[vector<16xi32>, vector<16xi32>], vector<16xf32>,
        %broadcast_in_dim3A_406 = arith.constant 1 : i32
        %broadcast_in_dim3A_407 = vector.broadcast %broadcast_in_dim3A_406 : i32 to vector<16xi32>
        %gather3A_408 = tpu.vector_load_idx %arg15[%add3A_385, %broadcast_in_dim3A_407] : memref<80x8xf32, #tpu.memory_space<vmem>>[vector<16xi32>, vector<16xi32>], vector<16xf32>,
        %mul3A_409 = arith.mulf %gather3A_405, %gather3A_408 : vector<16xf32>
        %broadcast_in_dim3A_410 = arith.constant 1 : i32
        %broadcast_in_dim3A_411 = vector.broadcast %broadcast_in_dim3A_410 : i32 to vector<16xi32>
        %add3A_412 = arith.addi %mul3A_393, %broadcast_in_dim3A_411 : vector<16xi32>
        tpu.vector_store_idx %arg17[%shift_right_arithmetic3A_387, %add3A_412], %mul3A_409 : memref<40x16xf32, #tpu.memory_space<vmem>>[vector<16xi32>, vector<16xi32>], vector<16xf32>,
        %broadcast_in_dim3A_413 = arith.constant 2 : i32
        %broadcast_in_dim3A_414 = vector.broadcast %broadcast_in_dim3A_413 : i32 to vector<16xi32>
        %gather3A_415 = tpu.vector_load_idx %arg14[%add3A_385, %broadcast_in_dim3A_414] : memref<80x8xf32, #tpu.memory_space<vmem>>[vector<16xi32>, vector<16xi32>], vector<16xf32>,
        %broadcast_in_dim3A_416 = arith.constant 2 : i32
        %broadcast_in_dim3A_417 = vector.broadcast %broadcast_in_dim3A_416 : i32 to vector<16xi32>
        %gather3A_418 = tpu.vector_load_idx %arg15[%add3A_385, %broadcast_in_dim3A_417] : memref<80x8xf32, #tpu.memory_space<vmem>>[vector<16xi32>, vector<16xi32>], vector<16xf32>,
        %mul3A_419 = arith.mulf %gather3A_415, %gather3A_418 : vector<16xf32>
        %broadcast_in_dim3A_420 = arith.constant 2 : i32
        %broadcast_in_dim3A_421 = vector.broadcast %broadcast_in_dim3A_420 : i32 to vector<16xi32>
        %add3A_422 = arith.addi %mul3A_393, %broadcast_in_dim3A_421 : vector<16xi32>
        tpu.vector_store_idx %arg17[%shift_right_arithmetic3A_387, %add3A_422], %mul3A_419 : memref<40x16xf32, #tpu.memory_space<vmem>>[vector<16xi32>, vector<16xi32>], vector<16xf32>,
        %broadcast_in_dim3A_423 = arith.constant 3 : i32
        %broadcast_in_dim3A_424 = vector.broadcast %broadcast_in_dim3A_423 : i32 to vector<16xi32>
        %gather3A_425 = tpu.vector_load_idx %arg14[%add3A_385, %broadcast_in_dim3A_424] : memref<80x8xf32, #tpu.memory_space<vmem>>[vector<16xi32>, vector<16xi32>], vector<16xf32>,
        %broadcast_in_dim3A_426 = arith.constant 3 : i32
        %broadcast_in_dim3A_427 = vector.broadcast %broadcast_in_dim3A_426 : i32 to vector<16xi32>
        %gather3A_428 = tpu.vector_load_idx %arg15[%add3A_385, %broadcast_in_dim3A_427] : memref<80x8xf32, #tpu.memory_space<vmem>>[vector<16xi32>, vector<16xi32>], vector<16xf32>,
        %mul3A_429 = arith.mulf %gather3A_425, %gather3A_428 : vector<16xf32>
        %broadcast_in_dim3A_430 = arith.constant 3 : i32
        %broadcast_in_dim3A_431 = vector.broadcast %broadcast_in_dim3A_430 : i32 to vector<16xi32>
        %add3A_432 = arith.addi %mul3A_393, %broadcast_in_dim3A_431 : vector<16xi32>
        tpu.vector_store_idx %arg17[%shift_right_arithmetic3A_387, %add3A_432], %mul3A_429 : memref<40x16xf32, #tpu.memory_space<vmem>>[vector<16xi32>, vector<16xi32>], vector<16xf32>,
        %broadcast_in_dim3A_433 = arith.constant 4 : i32
        %broadcast_in_dim3A_434 = vector.broadcast %broadcast_in_dim3A_433 : i32 to vector<16xi32>
        %gather3A_435 = tpu.vector_load_idx %arg14[%add3A_385, %broadcast_in_dim3A_434] : memref<80x8xf32, #tpu.memory_space<vmem>>[vector<16xi32>, vector<16xi32>], vector<16xf32>,
        %broadcast_in_dim3A_436 = arith.constant 4 : i32
        %broadcast_in_dim3A_437 = vector.broadcast %broadcast_in_dim3A_436 : i32 to vector<16xi32>
        %gather3A_438 = tpu.vector_load_idx %arg15[%add3A_385, %broadcast_in_dim3A_437] : memref<80x8xf32, #tpu.memory_space<vmem>>[vector<16xi32>, vector<16xi32>], vector<16xf32>,
        %mul3A_439 = arith.mulf %gather3A_435, %gather3A_438 : vector<16xf32>
        %broadcast_in_dim3A_440 = arith.constant 4 : i32
        %broadcast_in_dim3A_441 = vector.broadcast %broadcast_in_dim3A_440 : i32 to vector<16xi32>
        %add3A_442 = arith.addi %mul3A_393, %broadcast_in_dim3A_441 : vector<16xi32>
        tpu.vector_store_idx %arg17[%shift_right_arithmetic3A_387, %add3A_442], %mul3A_439 : memref<40x16xf32, #tpu.memory_space<vmem>>[vector<16xi32>, vector<16xi32>], vector<16xf32>,
        %broadcast_in_dim3A_443 = arith.constant 5 : i32
        %broadcast_in_dim3A_444 = vector.broadcast %broadcast_in_dim3A_443 : i32 to vector<16xi32>
        %gather3A_445 = tpu.vector_load_idx %arg14[%add3A_385, %broadcast_in_dim3A_444] : memref<80x8xf32, #tpu.memory_space<vmem>>[vector<16xi32>, vector<16xi32>], vector<16xf32>,
        %broadcast_in_dim3A_446 = arith.constant 5 : i32
        %broadcast_in_dim3A_447 = vector.broadcast %broadcast_in_dim3A_446 : i32 to vector<16xi32>
        %gather3A_448 = tpu.vector_load_idx %arg15[%add3A_385, %broadcast_in_dim3A_447] : memref<80x8xf32, #tpu.memory_space<vmem>>[vector<16xi32>, vector<16xi32>], vector<16xf32>,
        %mul3A_449 = arith.mulf %gather3A_445, %gather3A_448 : vector<16xf32>
        %broadcast_in_dim3A_450 = arith.constant 5 : i32
        %broadcast_in_dim3A_451 = vector.broadcast %broadcast_in_dim3A_450 : i32 to vector<16xi32>
        %add3A_452 = arith.addi %mul3A_393, %broadcast_in_dim3A_451 : vector<16xi32>
        tpu.vector_store_idx %arg17[%shift_right_arithmetic3A_387, %add3A_452], %mul3A_449 : memref<40x16xf32, #tpu.memory_space<vmem>>[vector<16xi32>, vector<16xi32>], vector<16xf32>,
        %broadcast_in_dim3A_453 = arith.constant 6 : i32
        %broadcast_in_dim3A_454 = vector.broadcast %broadcast_in_dim3A_453 : i32 to vector<16xi32>
        %gather3A_455 = tpu.vector_load_idx %arg14[%add3A_385, %broadcast_in_dim3A_454] : memref<80x8xf32, #tpu.memory_space<vmem>>[vector<16xi32>, vector<16xi32>], vector<16xf32>,
        %broadcast_in_dim3A_456 = arith.constant 6 : i32
        %broadcast_in_dim3A_457 = vector.broadcast %broadcast_in_dim3A_456 : i32 to vector<16xi32>
        %gather3A_458 = tpu.vector_load_idx %arg15[%add3A_385, %broadcast_in_dim3A_457] : memref<80x8xf32, #tpu.memory_space<vmem>>[vector<16xi32>, vector<16xi32>], vector<16xf32>,
        %mul3A_459 = arith.mulf %gather3A_455, %gather3A_458 : vector<16xf32>
        %broadcast_in_dim3A_460 = arith.constant 6 : i32
        %broadcast_in_dim3A_461 = vector.broadcast %broadcast_in_dim3A_460 : i32 to vector<16xi32>
        %add3A_462 = arith.addi %mul3A_393, %broadcast_in_dim3A_461 : vector<16xi32>
        tpu.vector_store_idx %arg17[%shift_right_arithmetic3A_387, %add3A_462], %mul3A_459 : memref<40x16xf32, #tpu.memory_space<vmem>>[vector<16xi32>, vector<16xi32>], vector<16xf32>,
        %broadcast_in_dim3A_463 = arith.constant 7 : i32
        %broadcast_in_dim3A_464 = vector.broadcast %broadcast_in_dim3A_463 : i32 to vector<16xi32>
        %gather3A_465 = tpu.vector_load_idx %arg14[%add3A_385, %broadcast_in_dim3A_464] : memref<80x8xf32, #tpu.memory_space<vmem>>[vector<16xi32>, vector<16xi32>], vector<16xf32>,
        %broadcast_in_dim3A_466 = arith.constant 7 : i32
        %broadcast_in_dim3A_467 = vector.broadcast %broadcast_in_dim3A_466 : i32 to vector<16xi32>
        %gather3A_468 = tpu.vector_load_idx %arg15[%add3A_385, %broadcast_in_dim3A_467] : memref<80x8xf32, #tpu.memory_space<vmem>>[vector<16xi32>, vector<16xi32>], vector<16xf32>,
        %mul3A_469 = arith.mulf %gather3A_465, %gather3A_468 : vector<16xf32>
        %broadcast_in_dim3A_470 = arith.constant 7 : i32
        %broadcast_in_dim3A_471 = vector.broadcast %broadcast_in_dim3A_470 : i32 to vector<16xi32>
        %add3A_472 = arith.addi %mul3A_393, %broadcast_in_dim3A_471 : vector<16xi32>
        tpu.vector_store_idx %arg17[%shift_right_arithmetic3A_387, %add3A_472], %mul3A_469 : memref<40x16xf32, #tpu.memory_space<vmem>>[vector<16xi32>, vector<16xi32>], vector<16xf32>,
      }
      %scan3A_318 = arith.constant 5 : i32
      %jit3A_319 = arith.constant 2 : i32
      %div3A_320 = arith.divsi %add3A_312, %jit3A_319 : i32
      %sign3A_321 = arith.constant 0 : i32
      %sign3A_322 = arith.cmpi sgt, %add3A_312, %sign3A_321 : i32
      %sign3A_323 = arith.extui %sign3A_322 : i1 to i32
      %sign3A_324 = arith.constant 0 : i32
      %sign3A_325 = arith.cmpi slt, %add3A_312, %sign3A_324 : i32
      %sign3A_326 = arith.extui %sign3A_325 : i1 to i32
      %sign3A_327 = arith.subi %sign3A_323, %sign3A_326 : i32
      %sign3A_328 = arith.constant 0 : i32
      %sign3A_329 = arith.cmpi sgt, %jit3A_319, %sign3A_328 : i32
      %sign3A_330 = arith.extui %sign3A_329 : i1 to i32
      %sign3A_331 = arith.constant 0 : i32
      %sign3A_332 = arith.cmpi slt, %jit3A_319, %sign3A_331 : i32
      %sign3A_333 = arith.extui %sign3A_332 : i1 to i32
      %sign3A_334 = arith.subi %sign3A_330, %sign3A_333 : i32
      %ne3A_335 = arith.cmpi ne, %sign3A_327, %sign3A_334 : i32
      %rem3A_336 = arith.remsi %add3A_312, %jit3A_319 : i32
      %ne3A_337 = arith.constant 0 : i32
      %ne3A_338 = arith.cmpi ne, %rem3A_336, %ne3A_337 : i32
      %and3A_339 = arith.andi %ne3A_335, %ne3A_338 : i1
      %sub3A_340 = arith.constant 1 : i32
      %sub3A_341 = arith.subi %div3A_320, %sub3A_340 : i32
      %select_n3A_342 = arith.select %and3A_339, %sub3A_341, %div3A_320 : i32
      %dma_start3A_343 = arith.constant 0 : i32
      %dma_start3A_344 = tpu.memref_slice %arg7[%select_n3A_342, %dma_start3A_343] : memref<160000x16xf32, #tpu.memory_space<hbm>> -> memref<40x16xf32, #tpu.memory_space<hbm>>
      %dma_start3A_345 = arith.constant 0 : i32
      %dma_start3A_346 = tpu.memref_slice %arg7[%select_n3A_342, %dma_start3A_345] : memref<160000x16xf32, #tpu.memory_space<hbm>> -> memref<40x16xf32, #tpu.memory_space<hbm>>
      tpu.enqueue_dma source(%arg17 : memref<40x16xf32, #tpu.memory_space<vmem>>) target(%dma_start3A_346 : memref<40x16xf32, #tpu.memory_space<hbm>>) target_semaphore(%arg21 : memref<!tpu.dma_semaphore, #tpu.memory_space<semaphore_mem>>)
      %scan3A_347 = arith.constant 0 : i32
      %scan3A_348 = arith.constant 0 : i32
      %scan3A_349 = arith.constant 40 : i32
      %scan3A_350 = arith.addi %scan3A_348, %scan3A_349 : i32
      %scan3A_351 = arith.constant 1 : i32
      scf.for %scan3A_381 = %scan3A_348 to %scan3A_350 step %scan3A_351  : i32 {
        %get3A = arith.index_cast %scan3A_381 : i32 to index
        %get3A_382 = arith.constant 0 : index
        %get3A_383 = tpu.vector_load %arg17[%get3A, %get3A_382] {strides = array<i32>} : memref<40x16xf32, #tpu.memory_space<vmem>>, vector<16xf32>,
        %mul3A_384 = arith.constant 2 : i32
        %mul3A_385 = arith.muli %mul3A_384, %scan3A_381 : i32
        %add3A_386 = arith.constant 0 : i32
        %add3A_387 = arith.addi %mul3A_385, %add3A_386 : i32
        %slice3A = vector.extract_strided_slice %get3A_383 {offsets = [0], sizes = [1], strides = [1]} : vector<16xf32> to vector<1xf32>
        %squeeze3A = vector.extract %slice3A[0] : f32 from vector<1xf32>
        %broadcast_in_dim3A_388 = vector.broadcast %squeeze3A : f32 to vector<16xf32>
        %get3A_389 = arith.index_cast %add3A_387 : i32 to index
        %get3A_390 = arith.constant 0 : index
        %get3A_391 = tpu.vector_load %arg16[%get3A_389, %get3A_390] {strides = array<i32>} : memref<80x128xf32, #tpu.memory_space<vmem>>, vector<16xf32>,
        %mul3A_392 = arith.mulf %get3A_391, %broadcast_in_dim3A_388 : vector<16xf32>
        %swap3A = arith.index_cast %add3A_387 : i32 to index
        %swap3A_393 = arith.constant 0 : index
        %swap3A_394 = tpu.vector_load %arg16[%swap3A, %swap3A_393] {strides = array<i32>} : memref<80x128xf32, #tpu.memory_space<vmem>>, vector<16xf32>,
        tpu.vector_store %arg16[%swap3A, %swap3A_393], %mul3A_392 {strides = array<i32>} : memref<80x128xf32, #tpu.memory_space<vmem>>, vector<16xf32>,
        %slice3A_395 = vector.extract_strided_slice %get3A_383 {offsets = [1], sizes = [1], strides = [1]} : vector<16xf32> to vector<1xf32>
        %squeeze3A_396 = vector.extract %slice3A_395[0] : f32 from vector<1xf32>
        %broadcast_in_dim3A_397 = vector.broadcast %squeeze3A_396 : f32 to vector<16xf32>
        %get3A_398 = arith.index_cast %add3A_387 : i32 to index
        %get3A_399 = arith.constant 16 : index
        %get3A_400 = tpu.vector_load %arg16[%get3A_398, %get3A_399] {strides = array<i32>} : memref<80x128xf32, #tpu.memory_space<vmem>>, vector<16xf32>,
        %mul3A_401 = arith.mulf %get3A_400, %broadcast_in_dim3A_397 : vector<16xf32>
        %swap3A_402 = arith.index_cast %add3A_387 : i32 to index
        %swap3A_403 = arith.constant 16 : index
        %swap3A_404 = tpu.vector_load %arg16[%swap3A_402, %swap3A_403] {strides = array<i32>} : memref<80x128xf32, #tpu.memory_space<vmem>>, vector<16xf32>,
        tpu.vector_store %arg16[%swap3A_402, %swap3A_403], %mul3A_401 {strides = array<i32>} : memref<80x128xf32, #tpu.memory_space<vmem>>, vector<16xf32>,
        %slice3A_405 = vector.extract_strided_slice %get3A_383 {offsets = [2], sizes = [1], strides = [1]} : vector<16xf32> to vector<1xf32>
        %squeeze3A_406 = vector.extract %slice3A_405[0] : f32 from vector<1xf32>
        %broadcast_in_dim3A_407 = vector.broadcast %squeeze3A_406 : f32 to vector<16xf32>
        %get3A_408 = arith.index_cast %add3A_387 : i32 to index
        %get3A_409 = arith.constant 32 : index
        %get3A_410 = tpu.vector_load %arg16[%get3A_408, %get3A_409] {strides = array<i32>} : memref<80x128xf32, #tpu.memory_space<vmem>>, vector<16xf32>,
        %mul3A_411 = arith.mulf %get3A_410, %broadcast_in_dim3A_407 : vector<16xf32>
        %swap3A_412 = arith.index_cast %add3A_387 : i32 to index
        %swap3A_413 = arith.constant 32 : index
        %swap3A_414 = tpu.vector_load %arg16[%swap3A_412, %swap3A_413] {strides = array<i32>} : memref<80x128xf32, #tpu.memory_space<vmem>>, vector<16xf32>,
        tpu.vector_store %arg16[%swap3A_412, %swap3A_413], %mul3A_411 {strides = array<i32>} : memref<80x128xf32, #tpu.memory_space<vmem>>, vector<16xf32>,
        %slice3A_415 = vector.extract_strided_slice %get3A_383 {offsets = [3], sizes = [1], strides = [1]} : vector<16xf32> to vector<1xf32>
        %squeeze3A_416 = vector.extract %slice3A_415[0] : f32 from vector<1xf32>
        %broadcast_in_dim3A_417 = vector.broadcast %squeeze3A_416 : f32 to vector<16xf32>
        %get3A_418 = arith.index_cast %add3A_387 : i32 to index
        %get3A_419 = arith.constant 48 : index
        %get3A_420 = tpu.vector_load %arg16[%get3A_418, %get3A_419] {strides = array<i32>} : memref<80x128xf32, #tpu.memory_space<vmem>>, vector<16xf32>,
        %mul3A_421 = arith.mulf %get3A_420, %broadcast_in_dim3A_417 : vector<16xf32>
        %swap3A_422 = arith.index_cast %add3A_387 : i32 to index
        %swap3A_423 = arith.constant 48 : index
        %swap3A_424 = tpu.vector_load %arg16[%swap3A_422, %swap3A_423] {strides = array<i32>} : memref<80x128xf32, #tpu.memory_space<vmem>>, vector<16xf32>,
        tpu.vector_store %arg16[%swap3A_422, %swap3A_423], %mul3A_421 {strides = array<i32>} : memref<80x128xf32, #tpu.memory_space<vmem>>, vector<16xf32>,
        %slice3A_425 = vector.extract_strided_slice %get3A_383 {offsets = [4], sizes = [1], strides = [1]} : vector<16xf32> to vector<1xf32>
        %squeeze3A_426 = vector.extract %slice3A_425[0] : f32 from vector<1xf32>
        %broadcast_in_dim3A_427 = vector.broadcast %squeeze3A_426 : f32 to vector<16xf32>
        %get3A_428 = arith.index_cast %add3A_387 : i32 to index
        %get3A_429 = arith.constant 64 : index
        %get3A_430 = tpu.vector_load %arg16[%get3A_428, %get3A_429] {strides = array<i32>} : memref<80x128xf32, #tpu.memory_space<vmem>>, vector<16xf32>,
        %mul3A_431 = arith.mulf %get3A_430, %broadcast_in_dim3A_427 : vector<16xf32>
        %swap3A_432 = arith.index_cast %add3A_387 : i32 to index
        %swap3A_433 = arith.constant 64 : index
        %swap3A_434 = tpu.vector_load %arg16[%swap3A_432, %swap3A_433] {strides = array<i32>} : memref<80x128xf32, #tpu.memory_space<vmem>>, vector<16xf32>,
        tpu.vector_store %arg16[%swap3A_432, %swap3A_433], %mul3A_431 {strides = array<i32>} : memref<80x128xf32, #tpu.memory_space<vmem>>, vector<16xf32>,
        %slice3A_435 = vector.extract_strided_slice %get3A_383 {offsets = [5], sizes = [1], strides = [1]} : vector<16xf32> to vector<1xf32>
        %squeeze3A_436 = vector.extract %slice3A_435[0] : f32 from vector<1xf32>
        %broadcast_in_dim3A_437 = vector.broadcast %squeeze3A_436 : f32 to vector<16xf32>
        %get3A_438 = arith.index_cast %add3A_387 : i32 to index
        %get3A_439 = arith.constant 80 : index
        %get3A_440 = tpu.vector_load %arg16[%get3A_438, %get3A_439] {strides = array<i32>} : memref<80x128xf32, #tpu.memory_space<vmem>>, vector<16xf32>,
        %mul3A_441 = arith.mulf %get3A_440, %broadcast_in_dim3A_437 : vector<16xf32>
        %swap3A_442 = arith.index_cast %add3A_387 : i32 to index
        %swap3A_443 = arith.constant 80 : index
        %swap3A_444 = tpu.vector_load %arg16[%swap3A_442, %swap3A_443] {strides = array<i32>} : memref<80x128xf32, #tpu.memory_space<vmem>>, vector<16xf32>,
        tpu.vector_store %arg16[%swap3A_442, %swap3A_443], %mul3A_441 {strides = array<i32>} : memref<80x128xf32, #tpu.memory_space<vmem>>, vector<16xf32>,
        %slice3A_445 = vector.extract_strided_slice %get3A_383 {offsets = [6], sizes = [1], strides = [1]} : vector<16xf32> to vector<1xf32>
        %squeeze3A_446 = vector.extract %slice3A_445[0] : f32 from vector<1xf32>
        %broadcast_in_dim3A_447 = vector.broadcast %squeeze3A_446 : f32 to vector<16xf32>
        %get3A_448 = arith.index_cast %add3A_387 : i32 to index
        %get3A_449 = arith.constant 96 : index
        %get3A_450 = tpu.vector_load %arg16[%get3A_448, %get3A_449] {strides = array<i32>} : memref<80x128xf32, #tpu.memory_space<vmem>>, vector<16xf32>,
        %mul3A_451 = arith.mulf %get3A_450, %broadcast_in_dim3A_447 : vector<16xf32>
        %swap3A_452 = arith.index_cast %add3A_387 : i32 to index
        %swap3A_453 = arith.constant 96 : index
        %swap3A_454 = tpu.vector_load %arg16[%swap3A_452, %swap3A_453] {strides = array<i32>} : memref<80x128xf32, #tpu.memory_space<vmem>>, vector<16xf32>,
        tpu.vector_store %arg16[%swap3A_452, %swap3A_453], %mul3A_451 {strides = array<i32>} : memref<80x128xf32, #tpu.memory_space<vmem>>, vector<16xf32>,
        %slice3A_455 = vector.extract_strided_slice %get3A_383 {offsets = [7], sizes = [1], strides = [1]} : vector<16xf32> to vector<1xf32>
        %squeeze3A_456 = vector.extract %slice3A_455[0] : f32 from vector<1xf32>
        %broadcast_in_dim3A_457 = vector.broadcast %squeeze3A_456 : f32 to vector<16xf32>
        %get3A_458 = arith.index_cast %add3A_387 : i32 to index
        %get3A_459 = arith.constant 112 : index
        %get3A_460 = tpu.vector_load %arg16[%get3A_458, %get3A_459] {strides = array<i32>} : memref<80x128xf32, #tpu.memory_space<vmem>>, vector<16xf32>,
        %mul3A_461 = arith.mulf %get3A_460, %broadcast_in_dim3A_457 : vector<16xf32>
        %swap3A_462 = arith.index_cast %add3A_387 : i32 to index
        %swap3A_463 = arith.constant 112 : index
        %swap3A_464 = tpu.vector_load %arg16[%swap3A_462, %swap3A_463] {strides = array<i32>} : memref<80x128xf32, #tpu.memory_space<vmem>>, vector<16xf32>,
        tpu.vector_store %arg16[%swap3A_462, %swap3A_463], %mul3A_461 {strides = array<i32>} : memref<80x128xf32, #tpu.memory_space<vmem>>, vector<16xf32>,
        %mul3A_465 = arith.constant 2 : i32
        %mul3A_466 = arith.muli %mul3A_465, %scan3A_381 : i32
        %add3A_467 = arith.constant 1 : i32
        %add3A_468 = arith.addi %mul3A_466, %add3A_467 : i32
        %slice3A_469 = vector.extract_strided_slice %get3A_383 {offsets = [8], sizes = [1], strides = [1]} : vector<16xf32> to vector<1xf32>
        %squeeze3A_470 = vector.extract %slice3A_469[0] : f32 from vector<1xf32>
        %broadcast_in_dim3A_471 = vector.broadcast %squeeze3A_470 : f32 to vector<16xf32>
        %get3A_472 = arith.index_cast %add3A_468 : i32 to index
        %get3A_473 = arith.constant 0 : index
        %get3A_474 = tpu.vector_load %arg16[%get3A_472, %get3A_473] {strides = array<i32>} : memref<80x128xf32, #tpu.memory_space<vmem>>, vector<16xf32>,
        %mul3A_475 = arith.mulf %get3A_474, %broadcast_in_dim3A_471 : vector<16xf32>
        %swap3A_476 = arith.index_cast %add3A_468 : i32 to index
        %swap3A_477 = arith.constant 0 : index
        %swap3A_478 = tpu.vector_load %arg16[%swap3A_476, %swap3A_477] {strides = array<i32>} : memref<80x128xf32, #tpu.memory_space<vmem>>, vector<16xf32>,
        tpu.vector_store %arg16[%swap3A_476, %swap3A_477], %mul3A_475 {strides = array<i32>} : memref<80x128xf32, #tpu.memory_space<vmem>>, vector<16xf32>,
        %slice3A_479 = vector.extract_strided_slice %get3A_383 {offsets = [9], sizes = [1], strides = [1]} : vector<16xf32> to vector<1xf32>
        %squeeze3A_480 = vector.extract %slice3A_479[0] : f32 from vector<1xf32>
        %broadcast_in_dim3A_481 = vector.broadcast %squeeze3A_480 : f32 to vector<16xf32>
        %get3A_482 = arith.index_cast %add3A_468 : i32 to index
        %get3A_483 = arith.constant 16 : index
        %get3A_484 = tpu.vector_load %arg16[%get3A_482, %get3A_483] {strides = array<i32>} : memref<80x128xf32, #tpu.memory_space<vmem>>, vector<16xf32>,
        %mul3A_485 = arith.mulf %get3A_484, %broadcast_in_dim3A_481 : vector<16xf32>
        %swap3A_486 = arith.index_cast %add3A_468 : i32 to index
        %swap3A_487 = arith.constant 16 : index
        %swap3A_488 = tpu.vector_load %arg16[%swap3A_486, %swap3A_487] {strides = array<i32>} : memref<80x128xf32, #tpu.memory_space<vmem>>, vector<16xf32>,
        tpu.vector_store %arg16[%swap3A_486, %swap3A_487], %mul3A_485 {strides = array<i32>} : memref<80x128xf32, #tpu.memory_space<vmem>>, vector<16xf32>,
        %slice3A_489 = vector.extract_strided_slice %get3A_383 {offsets = [10], sizes = [1], strides = [1]} : vector<16xf32> to vector<1xf32>
        %squeeze3A_490 = vector.extract %slice3A_489[0] : f32 from vector<1xf32>
        %broadcast_in_dim3A_491 = vector.broadcast %squeeze3A_490 : f32 to vector<16xf32>
        %get3A_492 = arith.index_cast %add3A_468 : i32 to index
        %get3A_493 = arith.constant 32 : index
        %get3A_494 = tpu.vector_load %arg16[%get3A_492, %get3A_493] {strides = array<i32>} : memref<80x128xf32, #tpu.memory_space<vmem>>, vector<16xf32>,
        %mul3A_495 = arith.mulf %get3A_494, %broadcast_in_dim3A_491 : vector<16xf32>
        %swap3A_496 = arith.index_cast %add3A_468 : i32 to index
        %swap3A_497 = arith.constant 32 : index
        %swap3A_498 = tpu.vector_load %arg16[%swap3A_496, %swap3A_497] {strides = array<i32>} : memref<80x128xf32, #tpu.memory_space<vmem>>, vector<16xf32>,
        tpu.vector_store %arg16[%swap3A_496, %swap3A_497], %mul3A_495 {strides = array<i32>} : memref<80x128xf32, #tpu.memory_space<vmem>>, vector<16xf32>,
        %slice3A_499 = vector.extract_strided_slice %get3A_383 {offsets = [11], sizes = [1], strides = [1]} : vector<16xf32> to vector<1xf32>
        %squeeze3A_500 = vector.extract %slice3A_499[0] : f32 from vector<1xf32>
        %broadcast_in_dim3A_501 = vector.broadcast %squeeze3A_500 : f32 to vector<16xf32>
        %get3A_502 = arith.index_cast %add3A_468 : i32 to index
        %get3A_503 = arith.constant 48 : index
        %get3A_504 = tpu.vector_load %arg16[%get3A_502, %get3A_503] {strides = array<i32>} : memref<80x128xf32, #tpu.memory_space<vmem>>, vector<16xf32>,
        %mul3A_505 = arith.mulf %get3A_504, %broadcast_in_dim3A_501 : vector<16xf32>
        %swap3A_506 = arith.index_cast %add3A_468 : i32 to index
        %swap3A_507 = arith.constant 48 : index
        %swap3A_508 = tpu.vector_load %arg16[%swap3A_506, %swap3A_507] {strides = array<i32>} : memref<80x128xf32, #tpu.memory_space<vmem>>, vector<16xf32>,
        tpu.vector_store %arg16[%swap3A_506, %swap3A_507], %mul3A_505 {strides = array<i32>} : memref<80x128xf32, #tpu.memory_space<vmem>>, vector<16xf32>,
        %slice3A_509 = vector.extract_strided_slice %get3A_383 {offsets = [12], sizes = [1], strides = [1]} : vector<16xf32> to vector<1xf32>
        %squeeze3A_510 = vector.extract %slice3A_509[0] : f32 from vector<1xf32>
        %broadcast_in_dim3A_511 = vector.broadcast %squeeze3A_510 : f32 to vector<16xf32>
        %get3A_512 = arith.index_cast %add3A_468 : i32 to index
        %get3A_513 = arith.constant 64 : index
        %get3A_514 = tpu.vector_load %arg16[%get3A_512, %get3A_513] {strides = array<i32>} : memref<80x128xf32, #tpu.memory_space<vmem>>, vector<16xf32>,
        %mul3A_515 = arith.mulf %get3A_514, %broadcast_in_dim3A_511 : vector<16xf32>
        %swap3A_516 = arith.index_cast %add3A_468 : i32 to index
        %swap3A_517 = arith.constant 64 : index
        %swap3A_518 = tpu.vector_load %arg16[%swap3A_516, %swap3A_517] {strides = array<i32>} : memref<80x128xf32, #tpu.memory_space<vmem>>, vector<16xf32>,
        tpu.vector_store %arg16[%swap3A_516, %swap3A_517], %mul3A_515 {strides = array<i32>} : memref<80x128xf32, #tpu.memory_space<vmem>>, vector<16xf32>,
        %slice3A_519 = vector.extract_strided_slice %get3A_383 {offsets = [13], sizes = [1], strides = [1]} : vector<16xf32> to vector<1xf32>
        %squeeze3A_520 = vector.extract %slice3A_519[0] : f32 from vector<1xf32>
        %broadcast_in_dim3A_521 = vector.broadcast %squeeze3A_520 : f32 to vector<16xf32>
        %get3A_522 = arith.index_cast %add3A_468 : i32 to index
        %get3A_523 = arith.constant 80 : index
        %get3A_524 = tpu.vector_load %arg16[%get3A_522, %get3A_523] {strides = array<i32>} : memref<80x128xf32, #tpu.memory_space<vmem>>, vector<16xf32>,
        %mul3A_525 = arith.mulf %get3A_524, %broadcast_in_dim3A_521 : vector<16xf32>
        %swap3A_526 = arith.index_cast %add3A_468 : i32 to index
        %swap3A_527 = arith.constant 80 : index
        %swap3A_528 = tpu.vector_load %arg16[%swap3A_526, %swap3A_527] {strides = array<i32>} : memref<80x128xf32, #tpu.memory_space<vmem>>, vector<16xf32>,
        tpu.vector_store %arg16[%swap3A_526, %swap3A_527], %mul3A_525 {strides = array<i32>} : memref<80x128xf32, #tpu.memory_space<vmem>>, vector<16xf32>,
        %slice3A_529 = vector.extract_strided_slice %get3A_383 {offsets = [14], sizes = [1], strides = [1]} : vector<16xf32> to vector<1xf32>
        %squeeze3A_530 = vector.extract %slice3A_529[0] : f32 from vector<1xf32>
        %broadcast_in_dim3A_531 = vector.broadcast %squeeze3A_530 : f32 to vector<16xf32>
        %get3A_532 = arith.index_cast %add3A_468 : i32 to index
        %get3A_533 = arith.constant 96 : index
        %get3A_534 = tpu.vector_load %arg16[%get3A_532, %get3A_533] {strides = array<i32>} : memref<80x128xf32, #tpu.memory_space<vmem>>, vector<16xf32>,
        %mul3A_535 = arith.mulf %get3A_534, %broadcast_in_dim3A_531 : vector<16xf32>
        %swap3A_536 = arith.index_cast %add3A_468 : i32 to index
        %swap3A_537 = arith.constant 96 : index
        %swap3A_538 = tpu.vector_load %arg16[%swap3A_536, %swap3A_537] {strides = array<i32>} : memref<80x128xf32, #tpu.memory_space<vmem>>, vector<16xf32>,
        tpu.vector_store %arg16[%swap3A_536, %swap3A_537], %mul3A_535 {strides = array<i32>} : memref<80x128xf32, #tpu.memory_space<vmem>>, vector<16xf32>,
        %slice3A_539 = vector.extract_strided_slice %get3A_383 {offsets = [15], sizes = [1], strides = [1]} : vector<16xf32> to vector<1xf32>
        %squeeze3A_540 = vector.extract %slice3A_539[0] : f32 from vector<1xf32>
        %broadcast_in_dim3A_541 = vector.broadcast %squeeze3A_540 : f32 to vector<16xf32>
        %get3A_542 = arith.index_cast %add3A_468 : i32 to index
        %get3A_543 = arith.constant 112 : index
        %get3A_544 = tpu.vector_load %arg16[%get3A_542, %get3A_543] {strides = array<i32>} : memref<80x128xf32, #tpu.memory_space<vmem>>, vector<16xf32>,
        %mul3A_545 = arith.mulf %get3A_544, %broadcast_in_dim3A_541 : vector<16xf32>
        %swap3A_546 = arith.index_cast %add3A_468 : i32 to index
        %swap3A_547 = arith.constant 112 : index
        %swap3A_548 = tpu.vector_load %arg16[%swap3A_546, %swap3A_547] {strides = array<i32>} : memref<80x128xf32, #tpu.memory_space<vmem>>, vector<16xf32>,
        tpu.vector_store %arg16[%swap3A_546, %swap3A_547], %mul3A_545 {strides = array<i32>} : memref<80x128xf32, #tpu.memory_space<vmem>>, vector<16xf32>,
      }
      %scan3A_352 = arith.constant 40 : i32
      "tpu.region"() ({
        %run_scoped3A_381 = tpu.sem_alloc : memref<!tpu.dma_semaphore, #tpu.memory_space<semaphore_mem>>
        %dma_start3A_382 = arith.constant 0 : i32
        %dma_start3A_383 = tpu.memref_slice %arg10[%add3A_309, %dma_start3A_382] : memref<125x80xi32, #tpu.memory_space<vmem>> -> memref<1x80xi32, #tpu.memory_space<vmem>>
        %dma_start3A_384 = tpu.memref_squeeze %dma_start3A_383 : memref<1x80xi32, #tpu.memory_space<vmem>> -> memref<80xi32, #tpu.memory_space<vmem>>
        %dma_start3A_385 = arith.constant 0 : i32
        %dma_start3A_386 = arith.constant 0 : i32
        %dma_start3A_387 = tpu.memref_slice %arg18[%dma_start3A_385, %dma_start3A_386] : memref<10240x128xf32, #tpu.memory_space<vmem_shared>> -> memref<10240x128xf32, #tpu.memory_space<vmem_shared>>
        tpu.enqueue_indirect_dma source(%arg16 : memref<80x128xf32, #tpu.memory_space<vmem>>) target(%dma_start3A_387 : memref<10240x128xf32, #tpu.memory_space<vmem_shared>>) offsets(%dma_start3A_384 : memref<80xi32, #tpu.memory_space<vmem>>) semaphore(%run_scoped3A_381 : memref<!tpu.dma_semaphore, #tpu.memory_space<semaphore_mem>>) {add = true}
        %dma_wait3A_388 = arith.constant 0 : i32
        %dma_wait3A_389 = tpu.memref_slice %arg10[%add3A_309, %dma_wait3A_388] : memref<125x80xi32, #tpu.memory_space<vmem>> -> memref<1x80xi32, #tpu.memory_space<vmem>>
        %dma_wait3A_390 = tpu.memref_squeeze %dma_wait3A_389 : memref<1x80xi32, #tpu.memory_space<vmem>> -> memref<80xi32, #tpu.memory_space<vmem>>
        %dma_wait3A_391 = arith.constant 0 : i32
        %dma_wait3A_392 = arith.constant 0 : i32
        %dma_wait3A_393 = tpu.memref_slice %arg18[%dma_wait3A_391, %dma_wait3A_392] : memref<10240x128xf32, #tpu.memory_space<vmem_shared>> -> memref<10240x128xf32, #tpu.memory_space<vmem_shared>>
        tpu.wait_indirect_dma semaphore(%run_scoped3A_381 : memref<!tpu.dma_semaphore, #tpu.memory_space<semaphore_mem>>) src(%arg16 : memref<80x128xf32, #tpu.memory_space<vmem>>) dst(%dma_wait3A_393 : memref<10240x128xf32, #tpu.memory_space<vmem_shared>>)
        tpu.yield
      }) : () -> ()
      %jit3A_353 = arith.constant 2 : i32
      %div3A_354 = arith.divsi %add3A_312, %jit3A_353 : i32
      %sign3A_355 = arith.constant 0 : i32
      %sign3A_356 = arith.cmpi sgt, %add3A_312, %sign3A_355 : i32
      %sign3A_357 = arith.extui %sign3A_356 : i1 to i32
      %sign3A_358 = arith.constant 0 : i32
      %sign3A_359 = arith.cmpi slt, %add3A_312, %sign3A_358 : i32
      %sign3A_360 = arith.extui %sign3A_359 : i1 to i32
      %sign3A_361 = arith.subi %sign3A_357, %sign3A_360 : i32
      %sign3A_362 = arith.constant 0 : i32
      %sign3A_363 = arith.cmpi sgt, %jit3A_353, %sign3A_362 : i32
      %sign3A_364 = arith.extui %sign3A_363 : i1 to i32
      %sign3A_365 = arith.constant 0 : i32
      %sign3A_366 = arith.cmpi slt, %jit3A_353, %sign3A_365 : i32
      %sign3A_367 = arith.extui %sign3A_366 : i1 to i32
      %sign3A_368 = arith.subi %sign3A_364, %sign3A_367 : i32
      %ne3A_369 = arith.cmpi ne, %sign3A_361, %sign3A_368 : i32
      %rem3A_370 = arith.remsi %add3A_312, %jit3A_353 : i32
      %ne3A_371 = arith.constant 0 : i32
      %ne3A_372 = arith.cmpi ne, %rem3A_370, %ne3A_371 : i32
      %and3A_373 = arith.andi %ne3A_369, %ne3A_372 : i1
      %sub3A_374 = arith.constant 1 : i32
      %sub3A_375 = arith.subi %div3A_354, %sub3A_374 : i32
      %select_n3A_376 = arith.select %and3A_373, %sub3A_375, %div3A_354 : i32
      %dma_wait3A_377 = arith.constant 0 : i32
      %dma_wait3A_378 = tpu.memref_slice %arg7[%select_n3A_376, %dma_wait3A_377] : memref<160000x16xf32, #tpu.memory_space<hbm>> -> memref<40x16xf32, #tpu.memory_space<hbm>>
      %dma_wait3A_379 = arith.constant 0 : i32
      %dma_wait3A_380 = tpu.memref_slice %arg7[%select_n3A_376, %dma_wait3A_379] : memref<160000x16xf32, #tpu.memory_space<hbm>> -> memref<40x16xf32, #tpu.memory_space<hbm>>
      tpu.wait_dma2 semaphore(%arg21 : memref<!tpu.dma_semaphore, #tpu.memory_space<semaphore_mem>>) src(%arg17 : memref<40x16xf32, #tpu.memory_space<vmem>>) dst(%dma_wait3A_380 : memref<40x16xf32, #tpu.memory_space<hbm>>)
    }
    %scan3A_65 = arith.constant 62 : i32
    %add3A_66 = arith.constant 9920 : i32
    %add3A_67 = arith.addi %mul3A_40, %add3A_66 : i32
    %dma_wait3A = arith.constant 124 : i32
    %dma_wait3A_68 = arith.constant 0 : i32
    %dma_wait3A_69 = tpu.memref_slice %arg9[%dma_wait3A, %dma_wait3A_68] : memref<125x80xi32, #tpu.memory_space<vmem>> -> memref<1x80xi32, #tpu.memory_space<vmem>>
    %dma_wait3A_70 = tpu.memref_squeeze %dma_wait3A_69 : memref<1x80xi32, #tpu.memory_space<vmem>> -> memref<80xi32, #tpu.memory_space<vmem>>
    %dma_wait3A_71 = arith.constant 0 : i32
    %dma_wait3A_72 = arith.constant 0 : i32
    %dma_wait3A_73 = tpu.memref_slice %arg6[%dma_wait3A_71, %dma_wait3A_72] : memref<10000x128xf32, #tpu.memory_space<hbm>> -> memref<10000x128xf32, #tpu.memory_space<hbm>>
    tpu.wait_indirect_dma semaphore(%arg19 : memref<!tpu.dma_semaphore, #tpu.memory_space<semaphore_mem>>) src(%dma_wait3A_73 : memref<10000x128xf32, #tpu.memory_space<hbm>>) dst(%arg13 : memref<80x128xf32, #tpu.memory_space<vmem>>)
    %dma_wait3A_74 = arith.constant 0 : i32
    %dma_wait3A_75 = tpu.memref_slice %arg4[%add3A_67, %dma_wait3A_74] : memref<320000x8xf32, #tpu.memory_space<hbm>> -> memref<80x8xf32, #tpu.memory_space<hbm>>
    %dma_wait3A_76 = arith.constant 0 : i32
    %dma_wait3A_77 = tpu.memref_slice %arg4[%add3A_67, %dma_wait3A_76] : memref<320000x8xf32, #tpu.memory_space<hbm>> -> memref<80x8xf32, #tpu.memory_space<hbm>>
    tpu.wait_dma2 semaphore(%arg19 : memref<!tpu.dma_semaphore, #tpu.memory_space<semaphore_mem>>) src(%dma_wait3A_77 : memref<80x8xf32, #tpu.memory_space<hbm>>) dst(%arg11 : memref<80x8xf32, #tpu.memory_space<vmem>>)
    %dma_wait3A_78 = arith.constant 124 : i32
    %dma_wait3A_79 = arith.constant 0 : i32
    %dma_wait3A_80 = tpu.memref_slice %arg10[%dma_wait3A_78, %dma_wait3A_79] : memref<125x80xi32, #tpu.memory_space<vmem>> -> memref<1x80xi32, #tpu.memory_space<vmem>>
    %dma_wait3A_81 = tpu.memref_squeeze %dma_wait3A_80 : memref<1x80xi32, #tpu.memory_space<vmem>> -> memref<80xi32, #tpu.memory_space<vmem>>
    %dma_wait3A_82 = arith.constant 0 : i32
    %dma_wait3A_83 = arith.constant 0 : i32
    %dma_wait3A_84 = tpu.memref_slice %arg5[%dma_wait3A_82, %dma_wait3A_83] : memref<10240x8xf32, #tpu.memory_space<hbm>> -> memref<10240x8xf32, #tpu.memory_space<hbm>>
    tpu.wait_indirect_dma semaphore(%arg19 : memref<!tpu.dma_semaphore, #tpu.memory_space<semaphore_mem>>) src(%dma_wait3A_84 : memref<10240x8xf32, #tpu.memory_space<hbm>>) dst(%arg12 : memref<80x8xf32, #tpu.memory_space<vmem>>)
    %add3A_85 = arith.constant 9920 : i32
    %add3A_86 = arith.addi %mul3A_40, %add3A_85 : i32
    %scan3A_87 = arith.constant 0 : i32
    %scan3A_88 = arith.constant 0 : i32
    %scan3A_89 = arith.constant 5 : i32
    %scan3A_90 = arith.addi %scan3A_88, %scan3A_89 : i32
    %scan3A_91 = arith.constant 1 : i32
    scf.for %scan3A_152 = %scan3A_88 to %scan3A_90 step %scan3A_91  : i32 {
      %mul3A_153 = arith.constant 16 : i32
      %mul3A_154 = arith.muli %scan3A_152, %mul3A_153 : i32
      %add3A_155 = vector.broadcast %mul3A_154 : i32 to vector<16xi32>
      %add3A_156 = arith.addi %add3A_155, %iota3A : vector<16xi32>
      %shift_right_arithmetic3A = arith.constant 1 : i32
      %shift_right_arithmetic3A_157 = vector.broadcast %shift_right_arithmetic3A : i32 to vector<16xi32>
      %shift_right_arithmetic3A_158 = arith.shrsi %add3A_156, %shift_right_arithmetic3A_157 : vector<16xi32>
      %and3A_159 = arith.constant 1 : i32
      %and3A_160 = vector.broadcast %and3A_159 : i32 to vector<16xi32>
      %and3A_161 = arith.andi %add3A_156, %and3A_160 : vector<16xi32>
      %mul3A_162 = arith.constant 8 : i32
      %mul3A_163 = vector.broadcast %mul3A_162 : i32 to vector<16xi32>
      %mul3A_164 = arith.muli %and3A_161, %mul3A_163 : vector<16xi32>
      %broadcast_in_dim3A_165 = arith.constant 0 : i32
      %broadcast_in_dim3A_166 = vector.broadcast %broadcast_in_dim3A_165 : i32 to vector<16xi32>
      %gather3A = tpu.vector_load_idx %arg11[%add3A_156, %broadcast_in_dim3A_166] : memref<80x8xf32, #tpu.memory_space<vmem>>[vector<16xi32>, vector<16xi32>], vector<16xf32>,
      %broadcast_in_dim3A_167 = arith.constant 0 : i32
      %broadcast_in_dim3A_168 = vector.broadcast %broadcast_in_dim3A_167 : i32 to vector<16xi32>
      %gather3A_169 = tpu.vector_load_idx %arg12[%add3A_156, %broadcast_in_dim3A_168] : memref<80x8xf32, #tpu.memory_space<vmem>>[vector<16xi32>, vector<16xi32>], vector<16xf32>,
      %mul3A_170 = arith.mulf %gather3A, %gather3A_169 : vector<16xf32>
      %broadcast_in_dim3A_171 = arith.constant 0 : i32
      %broadcast_in_dim3A_172 = vector.broadcast %broadcast_in_dim3A_171 : i32 to vector<16xi32>
      %add3A_173 = arith.addi %mul3A_164, %broadcast_in_dim3A_172 : vector<16xi32>
      tpu.vector_store_idx %arg17[%shift_right_arithmetic3A_158, %add3A_173], %mul3A_170 : memref<40x16xf32, #tpu.memory_space<vmem>>[vector<16xi32>, vector<16xi32>], vector<16xf32>,
      %broadcast_in_dim3A_174 = arith.constant 1 : i32
      %broadcast_in_dim3A_175 = vector.broadcast %broadcast_in_dim3A_174 : i32 to vector<16xi32>
      %gather3A_176 = tpu.vector_load_idx %arg11[%add3A_156, %broadcast_in_dim3A_175] : memref<80x8xf32, #tpu.memory_space<vmem>>[vector<16xi32>, vector<16xi32>], vector<16xf32>,
      %broadcast_in_dim3A_177 = arith.constant 1 : i32
      %broadcast_in_dim3A_178 = vector.broadcast %broadcast_in_dim3A_177 : i32 to vector<16xi32>
      %gather3A_179 = tpu.vector_load_idx %arg12[%add3A_156, %broadcast_in_dim3A_178] : memref<80x8xf32, #tpu.memory_space<vmem>>[vector<16xi32>, vector<16xi32>], vector<16xf32>,
      %mul3A_180 = arith.mulf %gather3A_176, %gather3A_179 : vector<16xf32>
      %broadcast_in_dim3A_181 = arith.constant 1 : i32
      %broadcast_in_dim3A_182 = vector.broadcast %broadcast_in_dim3A_181 : i32 to vector<16xi32>
      %add3A_183 = arith.addi %mul3A_164, %broadcast_in_dim3A_182 : vector<16xi32>
      tpu.vector_store_idx %arg17[%shift_right_arithmetic3A_158, %add3A_183], %mul3A_180 : memref<40x16xf32, #tpu.memory_space<vmem>>[vector<16xi32>, vector<16xi32>], vector<16xf32>,
      %broadcast_in_dim3A_184 = arith.constant 2 : i32
      %broadcast_in_dim3A_185 = vector.broadcast %broadcast_in_dim3A_184 : i32 to vector<16xi32>
      %gather3A_186 = tpu.vector_load_idx %arg11[%add3A_156, %broadcast_in_dim3A_185] : memref<80x8xf32, #tpu.memory_space<vmem>>[vector<16xi32>, vector<16xi32>], vector<16xf32>,
      %broadcast_in_dim3A_187 = arith.constant 2 : i32
      %broadcast_in_dim3A_188 = vector.broadcast %broadcast_in_dim3A_187 : i32 to vector<16xi32>
      %gather3A_189 = tpu.vector_load_idx %arg12[%add3A_156, %broadcast_in_dim3A_188] : memref<80x8xf32, #tpu.memory_space<vmem>>[vector<16xi32>, vector<16xi32>], vector<16xf32>,
      %mul3A_190 = arith.mulf %gather3A_186, %gather3A_189 : vector<16xf32>
      %broadcast_in_dim3A_191 = arith.constant 2 : i32
      %broadcast_in_dim3A_192 = vector.broadcast %broadcast_in_dim3A_191 : i32 to vector<16xi32>
      %add3A_193 = arith.addi %mul3A_164, %broadcast_in_dim3A_192 : vector<16xi32>
      tpu.vector_store_idx %arg17[%shift_right_arithmetic3A_158, %add3A_193], %mul3A_190 : memref<40x16xf32, #tpu.memory_space<vmem>>[vector<16xi32>, vector<16xi32>], vector<16xf32>,
      %broadcast_in_dim3A_194 = arith.constant 3 : i32
      %broadcast_in_dim3A_195 = vector.broadcast %broadcast_in_dim3A_194 : i32 to vector<16xi32>
      %gather3A_196 = tpu.vector_load_idx %arg11[%add3A_156, %broadcast_in_dim3A_195] : memref<80x8xf32, #tpu.memory_space<vmem>>[vector<16xi32>, vector<16xi32>], vector<16xf32>,
      %broadcast_in_dim3A_197 = arith.constant 3 : i32
      %broadcast_in_dim3A_198 = vector.broadcast %broadcast_in_dim3A_197 : i32 to vector<16xi32>
      %gather3A_199 = tpu.vector_load_idx %arg12[%add3A_156, %broadcast_in_dim3A_198] : memref<80x8xf32, #tpu.memory_space<vmem>>[vector<16xi32>, vector<16xi32>], vector<16xf32>,
      %mul3A_200 = arith.mulf %gather3A_196, %gather3A_199 : vector<16xf32>
      %broadcast_in_dim3A_201 = arith.constant 3 : i32
      %broadcast_in_dim3A_202 = vector.broadcast %broadcast_in_dim3A_201 : i32 to vector<16xi32>
      %add3A_203 = arith.addi %mul3A_164, %broadcast_in_dim3A_202 : vector<16xi32>
      tpu.vector_store_idx %arg17[%shift_right_arithmetic3A_158, %add3A_203], %mul3A_200 : memref<40x16xf32, #tpu.memory_space<vmem>>[vector<16xi32>, vector<16xi32>], vector<16xf32>,
      %broadcast_in_dim3A_204 = arith.constant 4 : i32
      %broadcast_in_dim3A_205 = vector.broadcast %broadcast_in_dim3A_204 : i32 to vector<16xi32>
      %gather3A_206 = tpu.vector_load_idx %arg11[%add3A_156, %broadcast_in_dim3A_205] : memref<80x8xf32, #tpu.memory_space<vmem>>[vector<16xi32>, vector<16xi32>], vector<16xf32>,
      %broadcast_in_dim3A_207 = arith.constant 4 : i32
      %broadcast_in_dim3A_208 = vector.broadcast %broadcast_in_dim3A_207 : i32 to vector<16xi32>
      %gather3A_209 = tpu.vector_load_idx %arg12[%add3A_156, %broadcast_in_dim3A_208] : memref<80x8xf32, #tpu.memory_space<vmem>>[vector<16xi32>, vector<16xi32>], vector<16xf32>,
      %mul3A_210 = arith.mulf %gather3A_206, %gather3A_209 : vector<16xf32>
      %broadcast_in_dim3A_211 = arith.constant 4 : i32
      %broadcast_in_dim3A_212 = vector.broadcast %broadcast_in_dim3A_211 : i32 to vector<16xi32>
      %add3A_213 = arith.addi %mul3A_164, %broadcast_in_dim3A_212 : vector<16xi32>
      tpu.vector_store_idx %arg17[%shift_right_arithmetic3A_158, %add3A_213], %mul3A_210 : memref<40x16xf32, #tpu.memory_space<vmem>>[vector<16xi32>, vector<16xi32>], vector<16xf32>,
      %broadcast_in_dim3A_214 = arith.constant 5 : i32
      %broadcast_in_dim3A_215 = vector.broadcast %broadcast_in_dim3A_214 : i32 to vector<16xi32>
      %gather3A_216 = tpu.vector_load_idx %arg11[%add3A_156, %broadcast_in_dim3A_215] : memref<80x8xf32, #tpu.memory_space<vmem>>[vector<16xi32>, vector<16xi32>], vector<16xf32>,
      %broadcast_in_dim3A_217 = arith.constant 5 : i32
      %broadcast_in_dim3A_218 = vector.broadcast %broadcast_in_dim3A_217 : i32 to vector<16xi32>
      %gather3A_219 = tpu.vector_load_idx %arg12[%add3A_156, %broadcast_in_dim3A_218] : memref<80x8xf32, #tpu.memory_space<vmem>>[vector<16xi32>, vector<16xi32>], vector<16xf32>,
      %mul3A_220 = arith.mulf %gather3A_216, %gather3A_219 : vector<16xf32>
      %broadcast_in_dim3A_221 = arith.constant 5 : i32
      %broadcast_in_dim3A_222 = vector.broadcast %broadcast_in_dim3A_221 : i32 to vector<16xi32>
      %add3A_223 = arith.addi %mul3A_164, %broadcast_in_dim3A_222 : vector<16xi32>
      tpu.vector_store_idx %arg17[%shift_right_arithmetic3A_158, %add3A_223], %mul3A_220 : memref<40x16xf32, #tpu.memory_space<vmem>>[vector<16xi32>, vector<16xi32>], vector<16xf32>,
      %broadcast_in_dim3A_224 = arith.constant 6 : i32
      %broadcast_in_dim3A_225 = vector.broadcast %broadcast_in_dim3A_224 : i32 to vector<16xi32>
      %gather3A_226 = tpu.vector_load_idx %arg11[%add3A_156, %broadcast_in_dim3A_225] : memref<80x8xf32, #tpu.memory_space<vmem>>[vector<16xi32>, vector<16xi32>], vector<16xf32>,
      %broadcast_in_dim3A_227 = arith.constant 6 : i32
      %broadcast_in_dim3A_228 = vector.broadcast %broadcast_in_dim3A_227 : i32 to vector<16xi32>
      %gather3A_229 = tpu.vector_load_idx %arg12[%add3A_156, %broadcast_in_dim3A_228] : memref<80x8xf32, #tpu.memory_space<vmem>>[vector<16xi32>, vector<16xi32>], vector<16xf32>,
      %mul3A_230 = arith.mulf %gather3A_226, %gather3A_229 : vector<16xf32>
      %broadcast_in_dim3A_231 = arith.constant 6 : i32
      %broadcast_in_dim3A_232 = vector.broadcast %broadcast_in_dim3A_231 : i32 to vector<16xi32>
      %add3A_233 = arith.addi %mul3A_164, %broadcast_in_dim3A_232 : vector<16xi32>
      tpu.vector_store_idx %arg17[%shift_right_arithmetic3A_158, %add3A_233], %mul3A_230 : memref<40x16xf32, #tpu.memory_space<vmem>>[vector<16xi32>, vector<16xi32>], vector<16xf32>,
      %broadcast_in_dim3A_234 = arith.constant 7 : i32
      %broadcast_in_dim3A_235 = vector.broadcast %broadcast_in_dim3A_234 : i32 to vector<16xi32>
      %gather3A_236 = tpu.vector_load_idx %arg11[%add3A_156, %broadcast_in_dim3A_235] : memref<80x8xf32, #tpu.memory_space<vmem>>[vector<16xi32>, vector<16xi32>], vector<16xf32>,
      %broadcast_in_dim3A_237 = arith.constant 7 : i32
      %broadcast_in_dim3A_238 = vector.broadcast %broadcast_in_dim3A_237 : i32 to vector<16xi32>
      %gather3A_239 = tpu.vector_load_idx %arg12[%add3A_156, %broadcast_in_dim3A_238] : memref<80x8xf32, #tpu.memory_space<vmem>>[vector<16xi32>, vector<16xi32>], vector<16xf32>,
      %mul3A_240 = arith.mulf %gather3A_236, %gather3A_239 : vector<16xf32>
      %broadcast_in_dim3A_241 = arith.constant 7 : i32
      %broadcast_in_dim3A_242 = vector.broadcast %broadcast_in_dim3A_241 : i32 to vector<16xi32>
      %add3A_243 = arith.addi %mul3A_164, %broadcast_in_dim3A_242 : vector<16xi32>
      tpu.vector_store_idx %arg17[%shift_right_arithmetic3A_158, %add3A_243], %mul3A_240 : memref<40x16xf32, #tpu.memory_space<vmem>>[vector<16xi32>, vector<16xi32>], vector<16xf32>,
    }
    %scan3A_92 = arith.constant 5 : i32
    %jit3A = arith.constant 2 : i32
    %div3A = arith.divsi %add3A_86, %jit3A : i32
    %sign3A = arith.constant 0 : i32
    %sign3A_93 = arith.cmpi sgt, %add3A_86, %sign3A : i32
    %sign3A_94 = arith.extui %sign3A_93 : i1 to i32
    %sign3A_95 = arith.constant 0 : i32
    %sign3A_96 = arith.cmpi slt, %add3A_86, %sign3A_95 : i32
    %sign3A_97 = arith.extui %sign3A_96 : i1 to i32
    %sign3A_98 = arith.subi %sign3A_94, %sign3A_97 : i32
    %sign3A_99 = arith.constant 0 : i32
    %sign3A_100 = arith.cmpi sgt, %jit3A, %sign3A_99 : i32
    %sign3A_101 = arith.extui %sign3A_100 : i1 to i32
    %sign3A_102 = arith.constant 0 : i32
    %sign3A_103 = arith.cmpi slt, %jit3A, %sign3A_102 : i32
    %sign3A_104 = arith.extui %sign3A_103 : i1 to i32
    %sign3A_105 = arith.subi %sign3A_101, %sign3A_104 : i32
    %ne3A = arith.cmpi ne, %sign3A_98, %sign3A_105 : i32
    %rem3A = arith.remsi %add3A_86, %jit3A : i32
    %ne3A_106 = arith.constant 0 : i32
    %ne3A_107 = arith.cmpi ne, %rem3A, %ne3A_106 : i32
    %and3A = arith.andi %ne3A, %ne3A_107 : i1
    %sub3A = arith.constant 1 : i32
    %sub3A_108 = arith.subi %div3A, %sub3A : i32
    %select_n3A = arith.select %and3A, %sub3A_108, %div3A : i32
    %dma_start3A_109 = arith.constant 0 : i32
    %dma_start3A_110 = tpu.memref_slice %arg7[%select_n3A, %dma_start3A_109] : memref<160000x16xf32, #tpu.memory_space<hbm>> -> memref<40x16xf32, #tpu.memory_space<hbm>>
    %dma_start3A_111 = arith.constant 0 : i32
    %dma_start3A_112 = tpu.memref_slice %arg7[%select_n3A, %dma_start3A_111] : memref<160000x16xf32, #tpu.memory_space<hbm>> -> memref<40x16xf32, #tpu.memory_space<hbm>>
    tpu.enqueue_dma source(%arg17 : memref<40x16xf32, #tpu.memory_space<vmem>>) target(%dma_start3A_112 : memref<40x16xf32, #tpu.memory_space<hbm>>) target_semaphore(%arg21 : memref<!tpu.dma_semaphore, #tpu.memory_space<semaphore_mem>>)
    %scan3A_113 = arith.constant 0 : i32
    %scan3A_114 = arith.constant 0 : i32
    %scan3A_115 = arith.constant 40 : i32
    %scan3A_116 = arith.addi %scan3A_114, %scan3A_115 : i32
    %scan3A_117 = arith.constant 1 : i32
    scf.for %scan3A_152 = %scan3A_114 to %scan3A_116 step %scan3A_117  : i32 {
      %get3A = arith.index_cast %scan3A_152 : i32 to index
      %get3A_153 = arith.constant 0 : index
      %get3A_154 = tpu.vector_load %arg17[%get3A, %get3A_153] {strides = array<i32>} : memref<40x16xf32, #tpu.memory_space<vmem>>, vector<16xf32>,
      %mul3A_155 = arith.constant 2 : i32
      %mul3A_156 = arith.muli %mul3A_155, %scan3A_152 : i32
      %add3A_157 = arith.constant 0 : i32
      %add3A_158 = arith.addi %mul3A_156, %add3A_157 : i32
      %slice3A = vector.extract_strided_slice %get3A_154 {offsets = [0], sizes = [1], strides = [1]} : vector<16xf32> to vector<1xf32>
      %squeeze3A = vector.extract %slice3A[0] : f32 from vector<1xf32>
      %broadcast_in_dim3A_159 = vector.broadcast %squeeze3A : f32 to vector<16xf32>
      %get3A_160 = arith.index_cast %add3A_158 : i32 to index
      %get3A_161 = arith.constant 0 : index
      %get3A_162 = tpu.vector_load %arg13[%get3A_160, %get3A_161] {strides = array<i32>} : memref<80x128xf32, #tpu.memory_space<vmem>>, vector<16xf32>,
      %mul3A_163 = arith.mulf %get3A_162, %broadcast_in_dim3A_159 : vector<16xf32>
      %swap3A = arith.index_cast %add3A_158 : i32 to index
      %swap3A_164 = arith.constant 0 : index
      %swap3A_165 = tpu.vector_load %arg13[%swap3A, %swap3A_164] {strides = array<i32>} : memref<80x128xf32, #tpu.memory_space<vmem>>, vector<16xf32>,
      tpu.vector_store %arg13[%swap3A, %swap3A_164], %mul3A_163 {strides = array<i32>} : memref<80x128xf32, #tpu.memory_space<vmem>>, vector<16xf32>,
      %slice3A_166 = vector.extract_strided_slice %get3A_154 {offsets = [1], sizes = [1], strides = [1]} : vector<16xf32> to vector<1xf32>
      %squeeze3A_167 = vector.extract %slice3A_166[0] : f32 from vector<1xf32>
      %broadcast_in_dim3A_168 = vector.broadcast %squeeze3A_167 : f32 to vector<16xf32>
      %get3A_169 = arith.index_cast %add3A_158 : i32 to index
      %get3A_170 = arith.constant 16 : index
      %get3A_171 = tpu.vector_load %arg13[%get3A_169, %get3A_170] {strides = array<i32>} : memref<80x128xf32, #tpu.memory_space<vmem>>, vector<16xf32>,
      %mul3A_172 = arith.mulf %get3A_171, %broadcast_in_dim3A_168 : vector<16xf32>
      %swap3A_173 = arith.index_cast %add3A_158 : i32 to index
      %swap3A_174 = arith.constant 16 : index
      %swap3A_175 = tpu.vector_load %arg13[%swap3A_173, %swap3A_174] {strides = array<i32>} : memref<80x128xf32, #tpu.memory_space<vmem>>, vector<16xf32>,
      tpu.vector_store %arg13[%swap3A_173, %swap3A_174], %mul3A_172 {strides = array<i32>} : memref<80x128xf32, #tpu.memory_space<vmem>>, vector<16xf32>,
      %slice3A_176 = vector.extract_strided_slice %get3A_154 {offsets = [2], sizes = [1], strides = [1]} : vector<16xf32> to vector<1xf32>
      %squeeze3A_177 = vector.extract %slice3A_176[0] : f32 from vector<1xf32>
      %broadcast_in_dim3A_178 = vector.broadcast %squeeze3A_177 : f32 to vector<16xf32>
      %get3A_179 = arith.index_cast %add3A_158 : i32 to index
      %get3A_180 = arith.constant 32 : index
      %get3A_181 = tpu.vector_load %arg13[%get3A_179, %get3A_180] {strides = array<i32>} : memref<80x128xf32, #tpu.memory_space<vmem>>, vector<16xf32>,
      %mul3A_182 = arith.mulf %get3A_181, %broadcast_in_dim3A_178 : vector<16xf32>
      %swap3A_183 = arith.index_cast %add3A_158 : i32 to index
      %swap3A_184 = arith.constant 32 : index
      %swap3A_185 = tpu.vector_load %arg13[%swap3A_183, %swap3A_184] {strides = array<i32>} : memref<80x128xf32, #tpu.memory_space<vmem>>, vector<16xf32>,
      tpu.vector_store %arg13[%swap3A_183, %swap3A_184], %mul3A_182 {strides = array<i32>} : memref<80x128xf32, #tpu.memory_space<vmem>>, vector<16xf32>,
      %slice3A_186 = vector.extract_strided_slice %get3A_154 {offsets = [3], sizes = [1], strides = [1]} : vector<16xf32> to vector<1xf32>
      %squeeze3A_187 = vector.extract %slice3A_186[0] : f32 from vector<1xf32>
      %broadcast_in_dim3A_188 = vector.broadcast %squeeze3A_187 : f32 to vector<16xf32>
      %get3A_189 = arith.index_cast %add3A_158 : i32 to index
      %get3A_190 = arith.constant 48 : index
      %get3A_191 = tpu.vector_load %arg13[%get3A_189, %get3A_190] {strides = array<i32>} : memref<80x128xf32, #tpu.memory_space<vmem>>, vector<16xf32>,
      %mul3A_192 = arith.mulf %get3A_191, %broadcast_in_dim3A_188 : vector<16xf32>
      %swap3A_193 = arith.index_cast %add3A_158 : i32 to index
      %swap3A_194 = arith.constant 48 : index
      %swap3A_195 = tpu.vector_load %arg13[%swap3A_193, %swap3A_194] {strides = array<i32>} : memref<80x128xf32, #tpu.memory_space<vmem>>, vector<16xf32>,
      tpu.vector_store %arg13[%swap3A_193, %swap3A_194], %mul3A_192 {strides = array<i32>} : memref<80x128xf32, #tpu.memory_space<vmem>>, vector<16xf32>,
      %slice3A_196 = vector.extract_strided_slice %get3A_154 {offsets = [4], sizes = [1], strides = [1]} : vector<16xf32> to vector<1xf32>
      %squeeze3A_197 = vector.extract %slice3A_196[0] : f32 from vector<1xf32>
      %broadcast_in_dim3A_198 = vector.broadcast %squeeze3A_197 : f32 to vector<16xf32>
      %get3A_199 = arith.index_cast %add3A_158 : i32 to index
      %get3A_200 = arith.constant 64 : index
      %get3A_201 = tpu.vector_load %arg13[%get3A_199, %get3A_200] {strides = array<i32>} : memref<80x128xf32, #tpu.memory_space<vmem>>, vector<16xf32>,
      %mul3A_202 = arith.mulf %get3A_201, %broadcast_in_dim3A_198 : vector<16xf32>
      %swap3A_203 = arith.index_cast %add3A_158 : i32 to index
      %swap3A_204 = arith.constant 64 : index
      %swap3A_205 = tpu.vector_load %arg13[%swap3A_203, %swap3A_204] {strides = array<i32>} : memref<80x128xf32, #tpu.memory_space<vmem>>, vector<16xf32>,
      tpu.vector_store %arg13[%swap3A_203, %swap3A_204], %mul3A_202 {strides = array<i32>} : memref<80x128xf32, #tpu.memory_space<vmem>>, vector<16xf32>,
      %slice3A_206 = vector.extract_strided_slice %get3A_154 {offsets = [5], sizes = [1], strides = [1]} : vector<16xf32> to vector<1xf32>
      %squeeze3A_207 = vector.extract %slice3A_206[0] : f32 from vector<1xf32>
      %broadcast_in_dim3A_208 = vector.broadcast %squeeze3A_207 : f32 to vector<16xf32>
      %get3A_209 = arith.index_cast %add3A_158 : i32 to index
      %get3A_210 = arith.constant 80 : index
      %get3A_211 = tpu.vector_load %arg13[%get3A_209, %get3A_210] {strides = array<i32>} : memref<80x128xf32, #tpu.memory_space<vmem>>, vector<16xf32>,
      %mul3A_212 = arith.mulf %get3A_211, %broadcast_in_dim3A_208 : vector<16xf32>
      %swap3A_213 = arith.index_cast %add3A_158 : i32 to index
      %swap3A_214 = arith.constant 80 : index
      %swap3A_215 = tpu.vector_load %arg13[%swap3A_213, %swap3A_214] {strides = array<i32>} : memref<80x128xf32, #tpu.memory_space<vmem>>, vector<16xf32>,
      tpu.vector_store %arg13[%swap3A_213, %swap3A_214], %mul3A_212 {strides = array<i32>} : memref<80x128xf32, #tpu.memory_space<vmem>>, vector<16xf32>,
      %slice3A_216 = vector.extract_strided_slice %get3A_154 {offsets = [6], sizes = [1], strides = [1]} : vector<16xf32> to vector<1xf32>
      %squeeze3A_217 = vector.extract %slice3A_216[0] : f32 from vector<1xf32>
      %broadcast_in_dim3A_218 = vector.broadcast %squeeze3A_217 : f32 to vector<16xf32>
      %get3A_219 = arith.index_cast %add3A_158 : i32 to index
      %get3A_220 = arith.constant 96 : index
      %get3A_221 = tpu.vector_load %arg13[%get3A_219, %get3A_220] {strides = array<i32>} : memref<80x128xf32, #tpu.memory_space<vmem>>, vector<16xf32>,
      %mul3A_222 = arith.mulf %get3A_221, %broadcast_in_dim3A_218 : vector<16xf32>
      %swap3A_223 = arith.index_cast %add3A_158 : i32 to index
      %swap3A_224 = arith.constant 96 : index
      %swap3A_225 = tpu.vector_load %arg13[%swap3A_223, %swap3A_224] {strides = array<i32>} : memref<80x128xf32, #tpu.memory_space<vmem>>, vector<16xf32>,
      tpu.vector_store %arg13[%swap3A_223, %swap3A_224], %mul3A_222 {strides = array<i32>} : memref<80x128xf32, #tpu.memory_space<vmem>>, vector<16xf32>,
      %slice3A_226 = vector.extract_strided_slice %get3A_154 {offsets = [7], sizes = [1], strides = [1]} : vector<16xf32> to vector<1xf32>
      %squeeze3A_227 = vector.extract %slice3A_226[0] : f32 from vector<1xf32>
      %broadcast_in_dim3A_228 = vector.broadcast %squeeze3A_227 : f32 to vector<16xf32>
      %get3A_229 = arith.index_cast %add3A_158 : i32 to index
      %get3A_230 = arith.constant 112 : index
      %get3A_231 = tpu.vector_load %arg13[%get3A_229, %get3A_230] {strides = array<i32>} : memref<80x128xf32, #tpu.memory_space<vmem>>, vector<16xf32>,
      %mul3A_232 = arith.mulf %get3A_231, %broadcast_in_dim3A_228 : vector<16xf32>
      %swap3A_233 = arith.index_cast %add3A_158 : i32 to index
      %swap3A_234 = arith.constant 112 : index
      %swap3A_235 = tpu.vector_load %arg13[%swap3A_233, %swap3A_234] {strides = array<i32>} : memref<80x128xf32, #tpu.memory_space<vmem>>, vector<16xf32>,
      tpu.vector_store %arg13[%swap3A_233, %swap3A_234], %mul3A_232 {strides = array<i32>} : memref<80x128xf32, #tpu.memory_space<vmem>>, vector<16xf32>,
      %mul3A_236 = arith.constant 2 : i32
      %mul3A_237 = arith.muli %mul3A_236, %scan3A_152 : i32
      %add3A_238 = arith.constant 1 : i32
      %add3A_239 = arith.addi %mul3A_237, %add3A_238 : i32
      %slice3A_240 = vector.extract_strided_slice %get3A_154 {offsets = [8], sizes = [1], strides = [1]} : vector<16xf32> to vector<1xf32>
      %squeeze3A_241 = vector.extract %slice3A_240[0] : f32 from vector<1xf32>
      %broadcast_in_dim3A_242 = vector.broadcast %squeeze3A_241 : f32 to vector<16xf32>
      %get3A_243 = arith.index_cast %add3A_239 : i32 to index
      %get3A_244 = arith.constant 0 : index
      %get3A_245 = tpu.vector_load %arg13[%get3A_243, %get3A_244] {strides = array<i32>} : memref<80x128xf32, #tpu.memory_space<vmem>>, vector<16xf32>,
      %mul3A_246 = arith.mulf %get3A_245, %broadcast_in_dim3A_242 : vector<16xf32>
      %swap3A_247 = arith.index_cast %add3A_239 : i32 to index
      %swap3A_248 = arith.constant 0 : index
      %swap3A_249 = tpu.vector_load %arg13[%swap3A_247, %swap3A_248] {strides = array<i32>} : memref<80x128xf32, #tpu.memory_space<vmem>>, vector<16xf32>,
      tpu.vector_store %arg13[%swap3A_247, %swap3A_248], %mul3A_246 {strides = array<i32>} : memref<80x128xf32, #tpu.memory_space<vmem>>, vector<16xf32>,
      %slice3A_250 = vector.extract_strided_slice %get3A_154 {offsets = [9], sizes = [1], strides = [1]} : vector<16xf32> to vector<1xf32>
      %squeeze3A_251 = vector.extract %slice3A_250[0] : f32 from vector<1xf32>
      %broadcast_in_dim3A_252 = vector.broadcast %squeeze3A_251 : f32 to vector<16xf32>
      %get3A_253 = arith.index_cast %add3A_239 : i32 to index
      %get3A_254 = arith.constant 16 : index
      %get3A_255 = tpu.vector_load %arg13[%get3A_253, %get3A_254] {strides = array<i32>} : memref<80x128xf32, #tpu.memory_space<vmem>>, vector<16xf32>,
      %mul3A_256 = arith.mulf %get3A_255, %broadcast_in_dim3A_252 : vector<16xf32>
      %swap3A_257 = arith.index_cast %add3A_239 : i32 to index
      %swap3A_258 = arith.constant 16 : index
      %swap3A_259 = tpu.vector_load %arg13[%swap3A_257, %swap3A_258] {strides = array<i32>} : memref<80x128xf32, #tpu.memory_space<vmem>>, vector<16xf32>,
      tpu.vector_store %arg13[%swap3A_257, %swap3A_258], %mul3A_256 {strides = array<i32>} : memref<80x128xf32, #tpu.memory_space<vmem>>, vector<16xf32>,
      %slice3A_260 = vector.extract_strided_slice %get3A_154 {offsets = [10], sizes = [1], strides = [1]} : vector<16xf32> to vector<1xf32>
      %squeeze3A_261 = vector.extract %slice3A_260[0] : f32 from vector<1xf32>
      %broadcast_in_dim3A_262 = vector.broadcast %squeeze3A_261 : f32 to vector<16xf32>
      %get3A_263 = arith.index_cast %add3A_239 : i32 to index
      %get3A_264 = arith.constant 32 : index
      %get3A_265 = tpu.vector_load %arg13[%get3A_263, %get3A_264] {strides = array<i32>} : memref<80x128xf32, #tpu.memory_space<vmem>>, vector<16xf32>,
      %mul3A_266 = arith.mulf %get3A_265, %broadcast_in_dim3A_262 : vector<16xf32>
      %swap3A_267 = arith.index_cast %add3A_239 : i32 to index
      %swap3A_268 = arith.constant 32 : index
      %swap3A_269 = tpu.vector_load %arg13[%swap3A_267, %swap3A_268] {strides = array<i32>} : memref<80x128xf32, #tpu.memory_space<vmem>>, vector<16xf32>,
      tpu.vector_store %arg13[%swap3A_267, %swap3A_268], %mul3A_266 {strides = array<i32>} : memref<80x128xf32, #tpu.memory_space<vmem>>, vector<16xf32>,
      %slice3A_270 = vector.extract_strided_slice %get3A_154 {offsets = [11], sizes = [1], strides = [1]} : vector<16xf32> to vector<1xf32>
      %squeeze3A_271 = vector.extract %slice3A_270[0] : f32 from vector<1xf32>
      %broadcast_in_dim3A_272 = vector.broadcast %squeeze3A_271 : f32 to vector<16xf32>
      %get3A_273 = arith.index_cast %add3A_239 : i32 to index
      %get3A_274 = arith.constant 48 : index
      %get3A_275 = tpu.vector_load %arg13[%get3A_273, %get3A_274] {strides = array<i32>} : memref<80x128xf32, #tpu.memory_space<vmem>>, vector<16xf32>,
      %mul3A_276 = arith.mulf %get3A_275, %broadcast_in_dim3A_272 : vector<16xf32>
      %swap3A_277 = arith.index_cast %add3A_239 : i32 to index
      %swap3A_278 = arith.constant 48 : index
      %swap3A_279 = tpu.vector_load %arg13[%swap3A_277, %swap3A_278] {strides = array<i32>} : memref<80x128xf32, #tpu.memory_space<vmem>>, vector<16xf32>,
      tpu.vector_store %arg13[%swap3A_277, %swap3A_278], %mul3A_276 {strides = array<i32>} : memref<80x128xf32, #tpu.memory_space<vmem>>, vector<16xf32>,
      %slice3A_280 = vector.extract_strided_slice %get3A_154 {offsets = [12], sizes = [1], strides = [1]} : vector<16xf32> to vector<1xf32>
      %squeeze3A_281 = vector.extract %slice3A_280[0] : f32 from vector<1xf32>
      %broadcast_in_dim3A_282 = vector.broadcast %squeeze3A_281 : f32 to vector<16xf32>
      %get3A_283 = arith.index_cast %add3A_239 : i32 to index
      %get3A_284 = arith.constant 64 : index
      %get3A_285 = tpu.vector_load %arg13[%get3A_283, %get3A_284] {strides = array<i32>} : memref<80x128xf32, #tpu.memory_space<vmem>>, vector<16xf32>,
      %mul3A_286 = arith.mulf %get3A_285, %broadcast_in_dim3A_282 : vector<16xf32>
      %swap3A_287 = arith.index_cast %add3A_239 : i32 to index
      %swap3A_288 = arith.constant 64 : index
      %swap3A_289 = tpu.vector_load %arg13[%swap3A_287, %swap3A_288] {strides = array<i32>} : memref<80x128xf32, #tpu.memory_space<vmem>>, vector<16xf32>,
      tpu.vector_store %arg13[%swap3A_287, %swap3A_288], %mul3A_286 {strides = array<i32>} : memref<80x128xf32, #tpu.memory_space<vmem>>, vector<16xf32>,
      %slice3A_290 = vector.extract_strided_slice %get3A_154 {offsets = [13], sizes = [1], strides = [1]} : vector<16xf32> to vector<1xf32>
      %squeeze3A_291 = vector.extract %slice3A_290[0] : f32 from vector<1xf32>
      %broadcast_in_dim3A_292 = vector.broadcast %squeeze3A_291 : f32 to vector<16xf32>
      %get3A_293 = arith.index_cast %add3A_239 : i32 to index
      %get3A_294 = arith.constant 80 : index
      %get3A_295 = tpu.vector_load %arg13[%get3A_293, %get3A_294] {strides = array<i32>} : memref<80x128xf32, #tpu.memory_space<vmem>>, vector<16xf32>,
      %mul3A_296 = arith.mulf %get3A_295, %broadcast_in_dim3A_292 : vector<16xf32>
      %swap3A_297 = arith.index_cast %add3A_239 : i32 to index
      %swap3A_298 = arith.constant 80 : index
      %swap3A_299 = tpu.vector_load %arg13[%swap3A_297, %swap3A_298] {strides = array<i32>} : memref<80x128xf32, #tpu.memory_space<vmem>>, vector<16xf32>,
      tpu.vector_store %arg13[%swap3A_297, %swap3A_298], %mul3A_296 {strides = array<i32>} : memref<80x128xf32, #tpu.memory_space<vmem>>, vector<16xf32>,
      %slice3A_300 = vector.extract_strided_slice %get3A_154 {offsets = [14], sizes = [1], strides = [1]} : vector<16xf32> to vector<1xf32>
      %squeeze3A_301 = vector.extract %slice3A_300[0] : f32 from vector<1xf32>
      %broadcast_in_dim3A_302 = vector.broadcast %squeeze3A_301 : f32 to vector<16xf32>
      %get3A_303 = arith.index_cast %add3A_239 : i32 to index
      %get3A_304 = arith.constant 96 : index
      %get3A_305 = tpu.vector_load %arg13[%get3A_303, %get3A_304] {strides = array<i32>} : memref<80x128xf32, #tpu.memory_space<vmem>>, vector<16xf32>,
      %mul3A_306 = arith.mulf %get3A_305, %broadcast_in_dim3A_302 : vector<16xf32>
      %swap3A_307 = arith.index_cast %add3A_239 : i32 to index
      %swap3A_308 = arith.constant 96 : index
      %swap3A_309 = tpu.vector_load %arg13[%swap3A_307, %swap3A_308] {strides = array<i32>} : memref<80x128xf32, #tpu.memory_space<vmem>>, vector<16xf32>,
      tpu.vector_store %arg13[%swap3A_307, %swap3A_308], %mul3A_306 {strides = array<i32>} : memref<80x128xf32, #tpu.memory_space<vmem>>, vector<16xf32>,
      %slice3A_310 = vector.extract_strided_slice %get3A_154 {offsets = [15], sizes = [1], strides = [1]} : vector<16xf32> to vector<1xf32>
      %squeeze3A_311 = vector.extract %slice3A_310[0] : f32 from vector<1xf32>
      %broadcast_in_dim3A_312 = vector.broadcast %squeeze3A_311 : f32 to vector<16xf32>
      %get3A_313 = arith.index_cast %add3A_239 : i32 to index
      %get3A_314 = arith.constant 112 : index
      %get3A_315 = tpu.vector_load %arg13[%get3A_313, %get3A_314] {strides = array<i32>} : memref<80x128xf32, #tpu.memory_space<vmem>>, vector<16xf32>,
      %mul3A_316 = arith.mulf %get3A_315, %broadcast_in_dim3A_312 : vector<16xf32>
      %swap3A_317 = arith.index_cast %add3A_239 : i32 to index
      %swap3A_318 = arith.constant 112 : index
      %swap3A_319 = tpu.vector_load %arg13[%swap3A_317, %swap3A_318] {strides = array<i32>} : memref<80x128xf32, #tpu.memory_space<vmem>>, vector<16xf32>,
      tpu.vector_store %arg13[%swap3A_317, %swap3A_318], %mul3A_316 {strides = array<i32>} : memref<80x128xf32, #tpu.memory_space<vmem>>, vector<16xf32>,
    }
    %scan3A_118 = arith.constant 40 : i32
    %run_scoped3A = arith.constant 124 : i32
    "tpu.region"() ({
      %run_scoped3A_152 = tpu.sem_alloc : memref<!tpu.dma_semaphore, #tpu.memory_space<semaphore_mem>>
      %dma_start3A_153 = arith.constant 0 : i32
      %dma_start3A_154 = tpu.memref_slice %arg10[%run_scoped3A, %dma_start3A_153] : memref<125x80xi32, #tpu.memory_space<vmem>> -> memref<1x80xi32, #tpu.memory_space<vmem>>
      %dma_start3A_155 = tpu.memref_squeeze %dma_start3A_154 : memref<1x80xi32, #tpu.memory_space<vmem>> -> memref<80xi32, #tpu.memory_space<vmem>>
      %dma_start3A_156 = arith.constant 0 : i32
      %dma_start3A_157 = arith.constant 0 : i32
      %dma_start3A_158 = tpu.memref_slice %arg18[%dma_start3A_156, %dma_start3A_157] : memref<10240x128xf32, #tpu.memory_space<vmem_shared>> -> memref<10240x128xf32, #tpu.memory_space<vmem_shared>>
      tpu.enqueue_indirect_dma source(%arg13 : memref<80x128xf32, #tpu.memory_space<vmem>>) target(%dma_start3A_158 : memref<10240x128xf32, #tpu.memory_space<vmem_shared>>) offsets(%dma_start3A_155 : memref<80xi32, #tpu.memory_space<vmem>>) semaphore(%run_scoped3A_152 : memref<!tpu.dma_semaphore, #tpu.memory_space<semaphore_mem>>) {add = true}
      %dma_wait3A_159 = arith.constant 0 : i32
      %dma_wait3A_160 = tpu.memref_slice %arg10[%run_scoped3A, %dma_wait3A_159] : memref<125x80xi32, #tpu.memory_space<vmem>> -> memref<1x80xi32, #tpu.memory_space<vmem>>
      %dma_wait3A_161 = tpu.memref_squeeze %dma_wait3A_160 : memref<1x80xi32, #tpu.memory_space<vmem>> -> memref<80xi32, #tpu.memory_space<vmem>>
      %dma_wait3A_162 = arith.constant 0 : i32
      %dma_wait3A_163 = arith.constant 0 : i32
      %dma_wait3A_164 = tpu.memref_slice %arg18[%dma_wait3A_162, %dma_wait3A_163] : memref<10240x128xf32, #tpu.memory_space<vmem_shared>> -> memref<10240x128xf32, #tpu.memory_space<vmem_shared>>
      tpu.wait_indirect_dma semaphore(%run_scoped3A_152 : memref<!tpu.dma_semaphore, #tpu.memory_space<semaphore_mem>>) src(%arg13 : memref<80x128xf32, #tpu.memory_space<vmem>>) dst(%dma_wait3A_164 : memref<10240x128xf32, #tpu.memory_space<vmem_shared>>)
      tpu.yield
    }) : () -> ()
    %jit3A_119 = arith.constant 2 : i32
    %div3A_120 = arith.divsi %add3A_86, %jit3A_119 : i32
    %sign3A_121 = arith.constant 0 : i32
    %sign3A_122 = arith.cmpi sgt, %add3A_86, %sign3A_121 : i32
    %sign3A_123 = arith.extui %sign3A_122 : i1 to i32
    %sign3A_124 = arith.constant 0 : i32
    %sign3A_125 = arith.cmpi slt, %add3A_86, %sign3A_124 : i32
    %sign3A_126 = arith.extui %sign3A_125 : i1 to i32
    %sign3A_127 = arith.subi %sign3A_123, %sign3A_126 : i32
    %sign3A_128 = arith.constant 0 : i32
    %sign3A_129 = arith.cmpi sgt, %jit3A_119, %sign3A_128 : i32
    %sign3A_130 = arith.extui %sign3A_129 : i1 to i32
    %sign3A_131 = arith.constant 0 : i32
    %sign3A_132 = arith.cmpi slt, %jit3A_119, %sign3A_131 : i32
    %sign3A_133 = arith.extui %sign3A_132 : i1 to i32
    %sign3A_134 = arith.subi %sign3A_130, %sign3A_133 : i32
    %ne3A_135 = arith.cmpi ne, %sign3A_127, %sign3A_134 : i32
    %rem3A_136 = arith.remsi %add3A_86, %jit3A_119 : i32
    %ne3A_137 = arith.constant 0 : i32
    %ne3A_138 = arith.cmpi ne, %rem3A_136, %ne3A_137 : i32
    %and3A_139 = arith.andi %ne3A_135, %ne3A_138 : i1
    %sub3A_140 = arith.constant 1 : i32
    %sub3A_141 = arith.subi %div3A_120, %sub3A_140 : i32
    %select_n3A_142 = arith.select %and3A_139, %sub3A_141, %div3A_120 : i32
    %dma_wait3A_143 = arith.constant 0 : i32
    %dma_wait3A_144 = tpu.memref_slice %arg7[%select_n3A_142, %dma_wait3A_143] : memref<160000x16xf32, #tpu.memory_space<hbm>> -> memref<40x16xf32, #tpu.memory_space<hbm>>
    %dma_wait3A_145 = arith.constant 0 : i32
    %dma_wait3A_146 = tpu.memref_slice %arg7[%select_n3A_142, %dma_wait3A_145] : memref<160000x16xf32, #tpu.memory_space<hbm>> -> memref<40x16xf32, #tpu.memory_space<hbm>>
    tpu.wait_dma2 semaphore(%arg21 : memref<!tpu.dma_semaphore, #tpu.memory_space<semaphore_mem>>) src(%arg17 : memref<40x16xf32, #tpu.memory_space<vmem>>) dst(%dma_wait3A_146 : memref<40x16xf32, #tpu.memory_space<hbm>>)
    %barrier3A_147 = arith.constant 0 : index
    tpu.barrier barrier_id(%barrier3A_147)
    %mul3A_148 = arith.constant 640 : i32
    %mul3A_149 = arith.muli %arg1, %mul3A_148 : i32
    %mul3A_150 = arith.constant 640 : i32
    %mul3A_151 = arith.muli %arg1, %mul3A_150 : i32
    "tpu.region"() ({
      %run_scoped3A_152 = tpu.sem_alloc : memref<!tpu.dma_semaphore, #tpu.memory_space<semaphore_mem>>
      %dma_start3A_153 = arith.constant 0 : i32
      %dma_start3A_154 = tpu.memref_slice %arg8[%arg0, %mul3A_151, %dma_start3A_153] : memref<2x10240x128xf32, #tpu.memory_space<hbm>> -> memref<1x640x128xf32, #tpu.memory_space<hbm>>
      %dma_start3A_155 = tpu.memref_squeeze %dma_start3A_154 : memref<1x640x128xf32, #tpu.memory_space<hbm>> -> memref<640x128xf32, #tpu.memory_space<hbm>>
      %dma_start3A_156 = arith.constant 0 : i32
      %dma_start3A_157 = tpu.memref_slice %arg18[%mul3A_149, %dma_start3A_156] : memref<10240x128xf32, #tpu.memory_space<vmem_shared>> -> memref<640x128xf32, #tpu.memory_space<vmem_shared>>
      tpu.enqueue_dma source(%dma_start3A_157 : memref<640x128xf32, #tpu.memory_space<vmem_shared>>) target(%dma_start3A_155 : memref<640x128xf32, #tpu.memory_space<hbm>>) target_semaphore(%run_scoped3A_152 : memref<!tpu.dma_semaphore, #tpu.memory_space<semaphore_mem>>)
      %dma_wait3A_158 = arith.constant 0 : i32
      %dma_wait3A_159 = tpu.memref_slice %arg8[%arg0, %mul3A_151, %dma_wait3A_158] : memref<2x10240x128xf32, #tpu.memory_space<hbm>> -> memref<1x640x128xf32, #tpu.memory_space<hbm>>
      %dma_wait3A_160 = tpu.memref_squeeze %dma_wait3A_159 : memref<1x640x128xf32, #tpu.memory_space<hbm>> -> memref<640x128xf32, #tpu.memory_space<hbm>>
      %dma_wait3A_161 = arith.constant 0 : i32
      %dma_wait3A_162 = tpu.memref_slice %arg18[%mul3A_149, %dma_wait3A_161] : memref<10240x128xf32, #tpu.memory_space<vmem_shared>> -> memref<640x128xf32, #tpu.memory_space<vmem_shared>>
      tpu.wait_dma2 semaphore(%run_scoped3A_152 : memref<!tpu.dma_semaphore, #tpu.memory_space<semaphore_mem>>) src(%dma_wait3A_162 : memref<640x128xf32, #tpu.memory_space<vmem_shared>>) dst(%dma_wait3A_160 : memref<640x128xf32, #tpu.memory_space<hbm>>)
      tpu.yield
    }) : () -> ()
    return
  }
}

#map = affine_map<(d0, d1) -> (0, 0, 0)>
#map1 = affine_map<(d0, d1) -> (0, 0)>
module attributes {stable_mosaic.version = 14 : i64} {
  func.func @_sc_a_body(%arg0: i32, %arg1: i32, %arg2: memref<32x125x80xi32, #tpu.memory_space<hbm>>, %arg3: memref<32x125x80xi32, #tpu.memory_space<hbm>>, %arg4: memref<32x125x80xi32, #tpu.memory_space<hbm>>, %arg5: memref<10000x16xf32, #tpu.memory_space<hbm>>, %arg6: memref<4x8xf32, #tpu.memory_space<hbm>>, %arg7: memref<10240x8xf32, #tpu.memory_space<hbm>>, %arg8: memref<320000x8xf32, #tpu.memory_space<hbm>>, %arg9: memref<2x10240x8xf32, #tpu.memory_space<hbm>>, %arg10: memref<125x80xi32, #tpu.memory_space<vmem>>, %arg11: memref<125x80xi32, #tpu.memory_space<vmem>>, %arg12: memref<125x80xi32, #tpu.memory_space<vmem>>, %arg13: memref<80x16xf32, #tpu.memory_space<vmem>>, %arg14: memref<80x16xf32, #tpu.memory_space<vmem>>, %arg15: memref<80x16xf32, #tpu.memory_space<vmem>>, %arg16: memref<80x16xf32, #tpu.memory_space<vmem>>, %arg17: memref<4x8xf32, #tpu.memory_space<vmem>>, %arg18: memref<80x8xf32, #tpu.memory_space<vmem>>, %arg19: memref<10240x8xf32, #tpu.memory_space<vmem_shared>>, %arg20: memref<!tpu.dma_semaphore, #tpu.memory_space<semaphore_mem>>, %arg21: memref<!tpu.dma_semaphore, #tpu.memory_space<semaphore_mem>>, %arg22: memref<!tpu.dma_semaphore, #tpu.memory_space<semaphore_mem>>) attributes {dimension_semantics = [#tpu.dimension_semantics<core_parallel>, #tpu.dimension_semantics<subcore_parallel>], iteration_bounds = array<i64: 2, 16>, scalar_prefetch = 0 : i64, scratch_operands = 13 : i64, tpu.core_type = #tpu.core_type<sc_vector_subcore>, window_params = [{transform_indices = #map}, {transform_indices = #map}, {transform_indices = #map}, {transform_indices = #map1}, {transform_indices = #map1}, {transform_indices = #map1}, {transform_indices = #map1}, {transform_indices = #map}]} {
    %mul3A = arith.constant 2 : i32
    %mul3A_0 = arith.muli %arg1, %mul3A : i32
    %add3A = arith.addi %mul3A_0, %arg0 : i32
    %iota3A = tpu.iota {dimensions = array<i32: 0>} : vector<16xi32>
    %mul3A_1 = arith.constant 640 : i32
    %mul3A_2 = arith.muli %arg1, %mul3A_1 : i32
    %mul3A_3 = arith.constant 640 : i32
    %mul3A_4 = arith.muli %arg1, %mul3A_3 : i32
    "tpu.region"() ({
      %run_scoped3A_59 = tpu.sem_alloc : memref<!tpu.dma_semaphore, #tpu.memory_space<semaphore_mem>>
      %dma_start3A_60 = arith.constant 0 : i32
      %dma_start3A_61 = tpu.memref_slice %arg19[%mul3A_4, %dma_start3A_60] : memref<10240x8xf32, #tpu.memory_space<vmem_shared>> -> memref<640x8xf32, #tpu.memory_space<vmem_shared>>
      %dma_start3A_62 = arith.constant 0 : i32
      %dma_start3A_63 = tpu.memref_slice %arg7[%mul3A_2, %dma_start3A_62] : memref<10240x8xf32, #tpu.memory_space<hbm>> -> memref<640x8xf32, #tpu.memory_space<hbm>>
      tpu.enqueue_dma source(%dma_start3A_63 : memref<640x8xf32, #tpu.memory_space<hbm>>) target(%dma_start3A_61 : memref<640x8xf32, #tpu.memory_space<vmem_shared>>) target_semaphore(%run_scoped3A_59 : memref<!tpu.dma_semaphore, #tpu.memory_space<semaphore_mem>>)
      %dma_wait3A_64 = arith.constant 0 : i32
      %dma_wait3A_65 = tpu.memref_slice %arg19[%mul3A_4, %dma_wait3A_64] : memref<10240x8xf32, #tpu.memory_space<vmem_shared>> -> memref<640x8xf32, #tpu.memory_space<vmem_shared>>
      %dma_wait3A_66 = arith.constant 0 : i32
      %dma_wait3A_67 = tpu.memref_slice %arg7[%mul3A_2, %dma_wait3A_66] : memref<10240x8xf32, #tpu.memory_space<hbm>> -> memref<640x8xf32, #tpu.memory_space<hbm>>
      tpu.wait_dma2 semaphore(%run_scoped3A_59 : memref<!tpu.dma_semaphore, #tpu.memory_space<semaphore_mem>>) src(%dma_wait3A_67 : memref<640x8xf32, #tpu.memory_space<hbm>>) dst(%dma_wait3A_65 : memref<640x8xf32, #tpu.memory_space<vmem_shared>>)
      tpu.yield
    }) : () -> ()
    "tpu.region"() ({
      %run_scoped3A_59 = tpu.sem_alloc : memref<!tpu.dma_semaphore, #tpu.memory_space<semaphore_mem>>
      tpu.enqueue_dma source(%arg6 : memref<4x8xf32, #tpu.memory_space<hbm>>) target(%arg17 : memref<4x8xf32, #tpu.memory_space<vmem>>) target_semaphore(%run_scoped3A_59 : memref<!tpu.dma_semaphore, #tpu.memory_space<semaphore_mem>>)
      tpu.wait_dma2 semaphore(%run_scoped3A_59 : memref<!tpu.dma_semaphore, #tpu.memory_space<semaphore_mem>>) src(%arg6 : memref<4x8xf32, #tpu.memory_space<hbm>>) dst(%arg17 : memref<4x8xf32, #tpu.memory_space<vmem>>)
      tpu.yield
    }) : () -> ()
    "tpu.region"() ({
      %run_scoped3A_59 = tpu.sem_alloc : memref<!tpu.dma_semaphore, #tpu.memory_space<semaphore_mem>>
      %dma_start3A_60 = arith.constant 0 : i32
      %dma_start3A_61 = arith.constant 0 : i32
      %dma_start3A_62 = tpu.memref_slice %arg2[%add3A, %dma_start3A_60, %dma_start3A_61] : memref<32x125x80xi32, #tpu.memory_space<hbm>> -> memref<1x125x80xi32, #tpu.memory_space<hbm>>
      %dma_start3A_63 = tpu.memref_squeeze %dma_start3A_62 : memref<1x125x80xi32, #tpu.memory_space<hbm>> -> memref<125x80xi32, #tpu.memory_space<hbm>>
      %dma_start3A_64 = arith.constant 0 : i32
      %dma_start3A_65 = arith.constant 0 : i32
      %dma_start3A_66 = tpu.memref_slice %arg2[%add3A, %dma_start3A_64, %dma_start3A_65] : memref<32x125x80xi32, #tpu.memory_space<hbm>> -> memref<1x125x80xi32, #tpu.memory_space<hbm>>
      %dma_start3A_67 = tpu.memref_squeeze %dma_start3A_66 : memref<1x125x80xi32, #tpu.memory_space<hbm>> -> memref<125x80xi32, #tpu.memory_space<hbm>>
      tpu.enqueue_dma source(%dma_start3A_67 : memref<125x80xi32, #tpu.memory_space<hbm>>) target(%arg10 : memref<125x80xi32, #tpu.memory_space<vmem>>) target_semaphore(%run_scoped3A_59 : memref<!tpu.dma_semaphore, #tpu.memory_space<semaphore_mem>>)
      %dma_wait3A_68 = arith.constant 0 : i32
      %dma_wait3A_69 = arith.constant 0 : i32
      %dma_wait3A_70 = tpu.memref_slice %arg2[%add3A, %dma_wait3A_68, %dma_wait3A_69] : memref<32x125x80xi32, #tpu.memory_space<hbm>> -> memref<1x125x80xi32, #tpu.memory_space<hbm>>
      %dma_wait3A_71 = tpu.memref_squeeze %dma_wait3A_70 : memref<1x125x80xi32, #tpu.memory_space<hbm>> -> memref<125x80xi32, #tpu.memory_space<hbm>>
      %dma_wait3A_72 = arith.constant 0 : i32
      %dma_wait3A_73 = arith.constant 0 : i32
      %dma_wait3A_74 = tpu.memref_slice %arg2[%add3A, %dma_wait3A_72, %dma_wait3A_73] : memref<32x125x80xi32, #tpu.memory_space<hbm>> -> memref<1x125x80xi32, #tpu.memory_space<hbm>>
      %dma_wait3A_75 = tpu.memref_squeeze %dma_wait3A_74 : memref<1x125x80xi32, #tpu.memory_space<hbm>> -> memref<125x80xi32, #tpu.memory_space<hbm>>
      tpu.wait_dma2 semaphore(%run_scoped3A_59 : memref<!tpu.dma_semaphore, #tpu.memory_space<semaphore_mem>>) src(%dma_wait3A_75 : memref<125x80xi32, #tpu.memory_space<hbm>>) dst(%arg10 : memref<125x80xi32, #tpu.memory_space<vmem>>)
      tpu.yield
    }) : () -> ()
    "tpu.region"() ({
      %run_scoped3A_59 = tpu.sem_alloc : memref<!tpu.dma_semaphore, #tpu.memory_space<semaphore_mem>>
      %dma_start3A_60 = arith.constant 0 : i32
      %dma_start3A_61 = arith.constant 0 : i32
      %dma_start3A_62 = tpu.memref_slice %arg3[%add3A, %dma_start3A_60, %dma_start3A_61] : memref<32x125x80xi32, #tpu.memory_space<hbm>> -> memref<1x125x80xi32, #tpu.memory_space<hbm>>
      %dma_start3A_63 = tpu.memref_squeeze %dma_start3A_62 : memref<1x125x80xi32, #tpu.memory_space<hbm>> -> memref<125x80xi32, #tpu.memory_space<hbm>>
      %dma_start3A_64 = arith.constant 0 : i32
      %dma_start3A_65 = arith.constant 0 : i32
      %dma_start3A_66 = tpu.memref_slice %arg3[%add3A, %dma_start3A_64, %dma_start3A_65] : memref<32x125x80xi32, #tpu.memory_space<hbm>> -> memref<1x125x80xi32, #tpu.memory_space<hbm>>
      %dma_start3A_67 = tpu.memref_squeeze %dma_start3A_66 : memref<1x125x80xi32, #tpu.memory_space<hbm>> -> memref<125x80xi32, #tpu.memory_space<hbm>>
      tpu.enqueue_dma source(%dma_start3A_67 : memref<125x80xi32, #tpu.memory_space<hbm>>) target(%arg11 : memref<125x80xi32, #tpu.memory_space<vmem>>) target_semaphore(%run_scoped3A_59 : memref<!tpu.dma_semaphore, #tpu.memory_space<semaphore_mem>>)
      %dma_wait3A_68 = arith.constant 0 : i32
      %dma_wait3A_69 = arith.constant 0 : i32
      %dma_wait3A_70 = tpu.memref_slice %arg3[%add3A, %dma_wait3A_68, %dma_wait3A_69] : memref<32x125x80xi32, #tpu.memory_space<hbm>> -> memref<1x125x80xi32, #tpu.memory_space<hbm>>
      %dma_wait3A_71 = tpu.memref_squeeze %dma_wait3A_70 : memref<1x125x80xi32, #tpu.memory_space<hbm>> -> memref<125x80xi32, #tpu.memory_space<hbm>>
      %dma_wait3A_72 = arith.constant 0 : i32
      %dma_wait3A_73 = arith.constant 0 : i32
      %dma_wait3A_74 = tpu.memref_slice %arg3[%add3A, %dma_wait3A_72, %dma_wait3A_73] : memref<32x125x80xi32, #tpu.memory_space<hbm>> -> memref<1x125x80xi32, #tpu.memory_space<hbm>>
      %dma_wait3A_75 = tpu.memref_squeeze %dma_wait3A_74 : memref<1x125x80xi32, #tpu.memory_space<hbm>> -> memref<125x80xi32, #tpu.memory_space<hbm>>
      tpu.wait_dma2 semaphore(%run_scoped3A_59 : memref<!tpu.dma_semaphore, #tpu.memory_space<semaphore_mem>>) src(%dma_wait3A_75 : memref<125x80xi32, #tpu.memory_space<hbm>>) dst(%arg11 : memref<125x80xi32, #tpu.memory_space<vmem>>)
      tpu.yield
    }) : () -> ()
    "tpu.region"() ({
      %run_scoped3A_59 = tpu.sem_alloc : memref<!tpu.dma_semaphore, #tpu.memory_space<semaphore_mem>>
      %dma_start3A_60 = arith.constant 0 : i32
      %dma_start3A_61 = arith.constant 0 : i32
      %dma_start3A_62 = tpu.memref_slice %arg4[%add3A, %dma_start3A_60, %dma_start3A_61] : memref<32x125x80xi32, #tpu.memory_space<hbm>> -> memref<1x125x80xi32, #tpu.memory_space<hbm>>
      %dma_start3A_63 = tpu.memref_squeeze %dma_start3A_62 : memref<1x125x80xi32, #tpu.memory_space<hbm>> -> memref<125x80xi32, #tpu.memory_space<hbm>>
      %dma_start3A_64 = arith.constant 0 : i32
      %dma_start3A_65 = arith.constant 0 : i32
      %dma_start3A_66 = tpu.memref_slice %arg4[%add3A, %dma_start3A_64, %dma_start3A_65] : memref<32x125x80xi32, #tpu.memory_space<hbm>> -> memref<1x125x80xi32, #tpu.memory_space<hbm>>
      %dma_start3A_67 = tpu.memref_squeeze %dma_start3A_66 : memref<1x125x80xi32, #tpu.memory_space<hbm>> -> memref<125x80xi32, #tpu.memory_space<hbm>>
      tpu.enqueue_dma source(%dma_start3A_67 : memref<125x80xi32, #tpu.memory_space<hbm>>) target(%arg12 : memref<125x80xi32, #tpu.memory_space<vmem>>) target_semaphore(%run_scoped3A_59 : memref<!tpu.dma_semaphore, #tpu.memory_space<semaphore_mem>>)
      %dma_wait3A_68 = arith.constant 0 : i32
      %dma_wait3A_69 = arith.constant 0 : i32
      %dma_wait3A_70 = tpu.memref_slice %arg4[%add3A, %dma_wait3A_68, %dma_wait3A_69] : memref<32x125x80xi32, #tpu.memory_space<hbm>> -> memref<1x125x80xi32, #tpu.memory_space<hbm>>
      %dma_wait3A_71 = tpu.memref_squeeze %dma_wait3A_70 : memref<1x125x80xi32, #tpu.memory_space<hbm>> -> memref<125x80xi32, #tpu.memory_space<hbm>>
      %dma_wait3A_72 = arith.constant 0 : i32
      %dma_wait3A_73 = arith.constant 0 : i32
      %dma_wait3A_74 = tpu.memref_slice %arg4[%add3A, %dma_wait3A_72, %dma_wait3A_73] : memref<32x125x80xi32, #tpu.memory_space<hbm>> -> memref<1x125x80xi32, #tpu.memory_space<hbm>>
      %dma_wait3A_75 = tpu.memref_squeeze %dma_wait3A_74 : memref<1x125x80xi32, #tpu.memory_space<hbm>> -> memref<125x80xi32, #tpu.memory_space<hbm>>
      tpu.wait_dma2 semaphore(%run_scoped3A_59 : memref<!tpu.dma_semaphore, #tpu.memory_space<semaphore_mem>>) src(%dma_wait3A_75 : memref<125x80xi32, #tpu.memory_space<hbm>>) dst(%arg12 : memref<125x80xi32, #tpu.memory_space<vmem>>)
      tpu.yield
    }) : () -> ()
    %barrier3A = arith.constant 0 : index
    tpu.barrier barrier_id(%barrier3A)
    %mul3A_5 = arith.constant 10000 : i32
    %mul3A_6 = arith.muli %add3A, %mul3A_5 : i32
    %dma_start3A = arith.constant 0 : i32
    %dma_start3A_7 = arith.constant 0 : i32
    %dma_start3A_8 = tpu.memref_slice %arg10[%dma_start3A, %dma_start3A_7] : memref<125x80xi32, #tpu.memory_space<vmem>> -> memref<1x80xi32, #tpu.memory_space<vmem>>
    %dma_start3A_9 = tpu.memref_squeeze %dma_start3A_8 : memref<1x80xi32, #tpu.memory_space<vmem>> -> memref<80xi32, #tpu.memory_space<vmem>>
    %dma_start3A_10 = arith.constant 0 : i32
    %dma_start3A_11 = arith.constant 0 : i32
    %dma_start3A_12 = tpu.memref_slice %arg5[%dma_start3A_10, %dma_start3A_11] : memref<10000x16xf32, #tpu.memory_space<hbm>> -> memref<10000x16xf32, #tpu.memory_space<hbm>>
    tpu.enqueue_indirect_dma source(%dma_start3A_12 : memref<10000x16xf32, #tpu.memory_space<hbm>>) target(%arg13 : memref<80x16xf32, #tpu.memory_space<vmem>>) offsets(%dma_start3A_9 : memref<80xi32, #tpu.memory_space<vmem>>) semaphore(%arg20 : memref<!tpu.dma_semaphore, #tpu.memory_space<semaphore_mem>>)
    %dma_start3A_13 = arith.constant 0 : i32
    %dma_start3A_14 = arith.constant 0 : i32
    %dma_start3A_15 = tpu.memref_slice %arg11[%dma_start3A_13, %dma_start3A_14] : memref<125x80xi32, #tpu.memory_space<vmem>> -> memref<1x80xi32, #tpu.memory_space<vmem>>
    %dma_start3A_16 = tpu.memref_squeeze %dma_start3A_15 : memref<1x80xi32, #tpu.memory_space<vmem>> -> memref<80xi32, #tpu.memory_space<vmem>>
    %dma_start3A_17 = arith.constant 0 : i32
    %dma_start3A_18 = arith.constant 0 : i32
    %dma_start3A_19 = tpu.memref_slice %arg5[%dma_start3A_17, %dma_start3A_18] : memref<10000x16xf32, #tpu.memory_space<hbm>> -> memref<10000x16xf32, #tpu.memory_space<hbm>>
    tpu.enqueue_indirect_dma source(%dma_start3A_19 : memref<10000x16xf32, #tpu.memory_space<hbm>>) target(%arg14 : memref<80x16xf32, #tpu.memory_space<vmem>>) offsets(%dma_start3A_16 : memref<80xi32, #tpu.memory_space<vmem>>) semaphore(%arg20 : memref<!tpu.dma_semaphore, #tpu.memory_space<semaphore_mem>>)
    %scan3A = arith.constant 0 : i32
    %scan3A_20 = arith.constant 0 : i32
    %scan3A_21 = arith.constant 62 : i32
    %scan3A_22 = arith.addi %scan3A_20, %scan3A_21 : i32
    %scan3A_23 = arith.constant 1 : i32
    scf.for %scan3A_59 = %scan3A_20 to %scan3A_22 step %scan3A_23  : i32 {
      %mul3A_60 = arith.constant 2 : i32
      %mul3A_61 = arith.muli %mul3A_60, %scan3A_59 : i32
      %add3A_62 = arith.constant 1 : i32
      %add3A_63 = arith.addi %mul3A_61, %add3A_62 : i32
      %dma_start3A_64 = arith.constant 0 : i32
      %dma_start3A_65 = tpu.memref_slice %arg10[%add3A_63, %dma_start3A_64] : memref<125x80xi32, #tpu.memory_space<vmem>> -> memref<1x80xi32, #tpu.memory_space<vmem>>
      %dma_start3A_66 = tpu.memref_squeeze %dma_start3A_65 : memref<1x80xi32, #tpu.memory_space<vmem>> -> memref<80xi32, #tpu.memory_space<vmem>>
      %dma_start3A_67 = arith.constant 0 : i32
      %dma_start3A_68 = arith.constant 0 : i32
      %dma_start3A_69 = tpu.memref_slice %arg5[%dma_start3A_67, %dma_start3A_68] : memref<10000x16xf32, #tpu.memory_space<hbm>> -> memref<10000x16xf32, #tpu.memory_space<hbm>>
      tpu.enqueue_indirect_dma source(%dma_start3A_69 : memref<10000x16xf32, #tpu.memory_space<hbm>>) target(%arg15 : memref<80x16xf32, #tpu.memory_space<vmem>>) offsets(%dma_start3A_66 : memref<80xi32, #tpu.memory_space<vmem>>) semaphore(%arg21 : memref<!tpu.dma_semaphore, #tpu.memory_space<semaphore_mem>>)
      %dma_start3A_70 = arith.constant 0 : i32
      %dma_start3A_71 = tpu.memref_slice %arg11[%add3A_63, %dma_start3A_70] : memref<125x80xi32, #tpu.memory_space<vmem>> -> memref<1x80xi32, #tpu.memory_space<vmem>>
      %dma_start3A_72 = tpu.memref_squeeze %dma_start3A_71 : memref<1x80xi32, #tpu.memory_space<vmem>> -> memref<80xi32, #tpu.memory_space<vmem>>
      %dma_start3A_73 = arith.constant 0 : i32
      %dma_start3A_74 = arith.constant 0 : i32
      %dma_start3A_75 = tpu.memref_slice %arg5[%dma_start3A_73, %dma_start3A_74] : memref<10000x16xf32, #tpu.memory_space<hbm>> -> memref<10000x16xf32, #tpu.memory_space<hbm>>
      tpu.enqueue_indirect_dma source(%dma_start3A_75 : memref<10000x16xf32, #tpu.memory_space<hbm>>) target(%arg16 : memref<80x16xf32, #tpu.memory_space<vmem>>) offsets(%dma_start3A_72 : memref<80xi32, #tpu.memory_space<vmem>>) semaphore(%arg21 : memref<!tpu.dma_semaphore, #tpu.memory_space<semaphore_mem>>)
      %dma_wait3A_76 = arith.constant 0 : i32
      %dma_wait3A_77 = tpu.memref_slice %arg10[%mul3A_61, %dma_wait3A_76] : memref<125x80xi32, #tpu.memory_space<vmem>> -> memref<1x80xi32, #tpu.memory_space<vmem>>
      %dma_wait3A_78 = tpu.memref_squeeze %dma_wait3A_77 : memref<1x80xi32, #tpu.memory_space<vmem>> -> memref<80xi32, #tpu.memory_space<vmem>>
      %dma_wait3A_79 = arith.constant 0 : i32
      %dma_wait3A_80 = arith.constant 0 : i32
      %dma_wait3A_81 = tpu.memref_slice %arg5[%dma_wait3A_79, %dma_wait3A_80] : memref<10000x16xf32, #tpu.memory_space<hbm>> -> memref<10000x16xf32, #tpu.memory_space<hbm>>
      tpu.wait_indirect_dma semaphore(%arg20 : memref<!tpu.dma_semaphore, #tpu.memory_space<semaphore_mem>>) src(%dma_wait3A_81 : memref<10000x16xf32, #tpu.memory_space<hbm>>) dst(%arg13 : memref<80x16xf32, #tpu.memory_space<vmem>>)
      %dma_wait3A_82 = arith.constant 0 : i32
      %dma_wait3A_83 = tpu.memref_slice %arg11[%mul3A_61, %dma_wait3A_82] : memref<125x80xi32, #tpu.memory_space<vmem>> -> memref<1x80xi32, #tpu.memory_space<vmem>>
      %dma_wait3A_84 = tpu.memref_squeeze %dma_wait3A_83 : memref<1x80xi32, #tpu.memory_space<vmem>> -> memref<80xi32, #tpu.memory_space<vmem>>
      %dma_wait3A_85 = arith.constant 0 : i32
      %dma_wait3A_86 = arith.constant 0 : i32
      %dma_wait3A_87 = tpu.memref_slice %arg5[%dma_wait3A_85, %dma_wait3A_86] : memref<10000x16xf32, #tpu.memory_space<hbm>> -> memref<10000x16xf32, #tpu.memory_space<hbm>>
      tpu.wait_indirect_dma semaphore(%arg20 : memref<!tpu.dma_semaphore, #tpu.memory_space<semaphore_mem>>) src(%dma_wait3A_87 : memref<10000x16xf32, #tpu.memory_space<hbm>>) dst(%arg14 : memref<80x16xf32, #tpu.memory_space<vmem>>)
      %mul3A_88 = arith.constant 80 : i32
      %mul3A_89 = arith.muli %mul3A_61, %mul3A_88 : i32
      %add3A_90 = arith.addi %mul3A_6, %mul3A_89 : i32
      %scan3A_91 = arith.constant 0 : i32
      %scan3A_92 = arith.constant 0 : i32
      %scan3A_93 = arith.constant 5 : i32
      %scan3A_94 = arith.addi %scan3A_92, %scan3A_93 : i32
      %scan3A_95 = arith.constant 1 : i32
      scf.for %scan3A_152 = %scan3A_92 to %scan3A_94 step %scan3A_95  : i32 {
        %mul3A_153 = arith.constant 16 : i32
        %mul3A_154 = arith.muli %scan3A_152, %mul3A_153 : i32
        %add3A_155 = vector.broadcast %mul3A_154 : i32 to vector<16xi32>
        %add3A_156 = arith.addi %add3A_155, %iota3A : vector<16xi32>
        %mul3A_157 = arith.constant 16 : i32
        %mul3A_158 = arith.muli %scan3A_152, %mul3A_157 : i32
        %get3A = arith.index_cast %mul3A_61 : i32 to index
        %get3A_159 = arith.index_cast %mul3A_158 : i32 to index
        %get3A_160 = tpu.vector_load %arg12[%get3A, %get3A_159] {strides = array<i32>} : memref<125x80xi32, #tpu.memory_space<vmem>>, vector<16xi32>,
        %broadcast_in_dim3A = arith.constant 0 : i32
        %broadcast_in_dim3A_161 = vector.broadcast %broadcast_in_dim3A : i32 to vector<16xi32>
        %gather3A = tpu.vector_load_idx %arg13[%add3A_156, %broadcast_in_dim3A_161] : memref<80x16xf32, #tpu.memory_space<vmem>>[vector<16xi32>, vector<16xi32>], vector<16xf32>,
        %broadcast_in_dim3A_162 = arith.constant 8 : i32
        %broadcast_in_dim3A_163 = vector.broadcast %broadcast_in_dim3A_162 : i32 to vector<16xi32>
        %gather3A_164 = tpu.vector_load_idx %arg14[%add3A_156, %broadcast_in_dim3A_163] : memref<80x16xf32, #tpu.memory_space<vmem>>[vector<16xi32>, vector<16xi32>], vector<16xf32>,
        %add3A_165 = arith.addf %gather3A, %gather3A_164 : vector<16xf32>
        %broadcast_in_dim3A_166 = arith.constant 0 : i32
        %broadcast_in_dim3A_167 = vector.broadcast %broadcast_in_dim3A_166 : i32 to vector<16xi32>
        %gather3A_168 = tpu.vector_load_idx %arg17[%get3A_160, %broadcast_in_dim3A_167] : memref<4x8xf32, #tpu.memory_space<vmem>>[vector<16xi32>, vector<16xi32>], vector<16xf32>,
        %add3A_169 = arith.addf %add3A_165, %gather3A_168 : vector<16xf32>
        %ge3A = arith.constant 0.000000e+00 : f32
        %ge3A_170 = vector.broadcast %ge3A : f32 to vector<16xf32>
        %ge3A_171 = arith.cmpf oge, %add3A_169, %ge3A_170 : vector<16xf32>
        %mul3A_172 = arith.constant 2.000000e-01 : f32
        %mul3A_173 = vector.broadcast %mul3A_172 : f32 to vector<16xf32>
        %mul3A_174 = arith.mulf %mul3A_173, %add3A_169 : vector<16xf32>
        %select_n3A = arith.select %ge3A_171, %add3A_169, %mul3A_174 : vector<16xi1>, vector<16xf32>
        %broadcast_in_dim3A_175 = arith.constant 0 : i32
        %broadcast_in_dim3A_176 = vector.broadcast %broadcast_in_dim3A_175 : i32 to vector<16xi32>
        %exp3A = math.exp %select_n3A : vector<16xf32>
        tpu.vector_store_idx %arg18[%add3A_156, %broadcast_in_dim3A_176], %exp3A : memref<80x8xf32, #tpu.memory_space<vmem>>[vector<16xi32>, vector<16xi32>], vector<16xf32>,
        %broadcast_in_dim3A_177 = arith.constant 1 : i32
        %broadcast_in_dim3A_178 = vector.broadcast %broadcast_in_dim3A_177 : i32 to vector<16xi32>
        %gather3A_179 = tpu.vector_load_idx %arg13[%add3A_156, %broadcast_in_dim3A_178] : memref<80x16xf32, #tpu.memory_space<vmem>>[vector<16xi32>, vector<16xi32>], vector<16xf32>,
        %broadcast_in_dim3A_180 = arith.constant 9 : i32
        %broadcast_in_dim3A_181 = vector.broadcast %broadcast_in_dim3A_180 : i32 to vector<16xi32>
        %gather3A_182 = tpu.vector_load_idx %arg14[%add3A_156, %broadcast_in_dim3A_181] : memref<80x16xf32, #tpu.memory_space<vmem>>[vector<16xi32>, vector<16xi32>], vector<16xf32>,
        %add3A_183 = arith.addf %gather3A_179, %gather3A_182 : vector<16xf32>
        %broadcast_in_dim3A_184 = arith.constant 1 : i32
        %broadcast_in_dim3A_185 = vector.broadcast %broadcast_in_dim3A_184 : i32 to vector<16xi32>
        %gather3A_186 = tpu.vector_load_idx %arg17[%get3A_160, %broadcast_in_dim3A_185] : memref<4x8xf32, #tpu.memory_space<vmem>>[vector<16xi32>, vector<16xi32>], vector<16xf32>,
        %add3A_187 = arith.addf %add3A_183, %gather3A_186 : vector<16xf32>
        %ge3A_188 = arith.constant 0.000000e+00 : f32
        %ge3A_189 = vector.broadcast %ge3A_188 : f32 to vector<16xf32>
        %ge3A_190 = arith.cmpf oge, %add3A_187, %ge3A_189 : vector<16xf32>
        %mul3A_191 = arith.constant 2.000000e-01 : f32
        %mul3A_192 = vector.broadcast %mul3A_191 : f32 to vector<16xf32>
        %mul3A_193 = arith.mulf %mul3A_192, %add3A_187 : vector<16xf32>
        %select_n3A_194 = arith.select %ge3A_190, %add3A_187, %mul3A_193 : vector<16xi1>, vector<16xf32>
        %broadcast_in_dim3A_195 = arith.constant 1 : i32
        %broadcast_in_dim3A_196 = vector.broadcast %broadcast_in_dim3A_195 : i32 to vector<16xi32>
        %exp3A_197 = math.exp %select_n3A_194 : vector<16xf32>
        tpu.vector_store_idx %arg18[%add3A_156, %broadcast_in_dim3A_196], %exp3A_197 : memref<80x8xf32, #tpu.memory_space<vmem>>[vector<16xi32>, vector<16xi32>], vector<16xf32>,
        %broadcast_in_dim3A_198 = arith.constant 2 : i32
        %broadcast_in_dim3A_199 = vector.broadcast %broadcast_in_dim3A_198 : i32 to vector<16xi32>
        %gather3A_200 = tpu.vector_load_idx %arg13[%add3A_156, %broadcast_in_dim3A_199] : memref<80x16xf32, #tpu.memory_space<vmem>>[vector<16xi32>, vector<16xi32>], vector<16xf32>,
        %broadcast_in_dim3A_201 = arith.constant 10 : i32
        %broadcast_in_dim3A_202 = vector.broadcast %broadcast_in_dim3A_201 : i32 to vector<16xi32>
        %gather3A_203 = tpu.vector_load_idx %arg14[%add3A_156, %broadcast_in_dim3A_202] : memref<80x16xf32, #tpu.memory_space<vmem>>[vector<16xi32>, vector<16xi32>], vector<16xf32>,
        %add3A_204 = arith.addf %gather3A_200, %gather3A_203 : vector<16xf32>
        %broadcast_in_dim3A_205 = arith.constant 2 : i32
        %broadcast_in_dim3A_206 = vector.broadcast %broadcast_in_dim3A_205 : i32 to vector<16xi32>
        %gather3A_207 = tpu.vector_load_idx %arg17[%get3A_160, %broadcast_in_dim3A_206] : memref<4x8xf32, #tpu.memory_space<vmem>>[vector<16xi32>, vector<16xi32>], vector<16xf32>,
        %add3A_208 = arith.addf %add3A_204, %gather3A_207 : vector<16xf32>
        %ge3A_209 = arith.constant 0.000000e+00 : f32
        %ge3A_210 = vector.broadcast %ge3A_209 : f32 to vector<16xf32>
        %ge3A_211 = arith.cmpf oge, %add3A_208, %ge3A_210 : vector<16xf32>
        %mul3A_212 = arith.constant 2.000000e-01 : f32
        %mul3A_213 = vector.broadcast %mul3A_212 : f32 to vector<16xf32>
        %mul3A_214 = arith.mulf %mul3A_213, %add3A_208 : vector<16xf32>
        %select_n3A_215 = arith.select %ge3A_211, %add3A_208, %mul3A_214 : vector<16xi1>, vector<16xf32>
        %broadcast_in_dim3A_216 = arith.constant 2 : i32
        %broadcast_in_dim3A_217 = vector.broadcast %broadcast_in_dim3A_216 : i32 to vector<16xi32>
        %exp3A_218 = math.exp %select_n3A_215 : vector<16xf32>
        tpu.vector_store_idx %arg18[%add3A_156, %broadcast_in_dim3A_217], %exp3A_218 : memref<80x8xf32, #tpu.memory_space<vmem>>[vector<16xi32>, vector<16xi32>], vector<16xf32>,
        %broadcast_in_dim3A_219 = arith.constant 3 : i32
        %broadcast_in_dim3A_220 = vector.broadcast %broadcast_in_dim3A_219 : i32 to vector<16xi32>
        %gather3A_221 = tpu.vector_load_idx %arg13[%add3A_156, %broadcast_in_dim3A_220] : memref<80x16xf32, #tpu.memory_space<vmem>>[vector<16xi32>, vector<16xi32>], vector<16xf32>,
        %broadcast_in_dim3A_222 = arith.constant 11 : i32
        %broadcast_in_dim3A_223 = vector.broadcast %broadcast_in_dim3A_222 : i32 to vector<16xi32>
        %gather3A_224 = tpu.vector_load_idx %arg14[%add3A_156, %broadcast_in_dim3A_223] : memref<80x16xf32, #tpu.memory_space<vmem>>[vector<16xi32>, vector<16xi32>], vector<16xf32>,
        %add3A_225 = arith.addf %gather3A_221, %gather3A_224 : vector<16xf32>
        %broadcast_in_dim3A_226 = arith.constant 3 : i32
        %broadcast_in_dim3A_227 = vector.broadcast %broadcast_in_dim3A_226 : i32 to vector<16xi32>
        %gather3A_228 = tpu.vector_load_idx %arg17[%get3A_160, %broadcast_in_dim3A_227] : memref<4x8xf32, #tpu.memory_space<vmem>>[vector<16xi32>, vector<16xi32>], vector<16xf32>,
        %add3A_229 = arith.addf %add3A_225, %gather3A_228 : vector<16xf32>
        %ge3A_230 = arith.constant 0.000000e+00 : f32
        %ge3A_231 = vector.broadcast %ge3A_230 : f32 to vector<16xf32>
        %ge3A_232 = arith.cmpf oge, %add3A_229, %ge3A_231 : vector<16xf32>
        %mul3A_233 = arith.constant 2.000000e-01 : f32
        %mul3A_234 = vector.broadcast %mul3A_233 : f32 to vector<16xf32>
        %mul3A_235 = arith.mulf %mul3A_234, %add3A_229 : vector<16xf32>
        %select_n3A_236 = arith.select %ge3A_232, %add3A_229, %mul3A_235 : vector<16xi1>, vector<16xf32>
        %broadcast_in_dim3A_237 = arith.constant 3 : i32
        %broadcast_in_dim3A_238 = vector.broadcast %broadcast_in_dim3A_237 : i32 to vector<16xi32>
        %exp3A_239 = math.exp %select_n3A_236 : vector<16xf32>
        tpu.vector_store_idx %arg18[%add3A_156, %broadcast_in_dim3A_238], %exp3A_239 : memref<80x8xf32, #tpu.memory_space<vmem>>[vector<16xi32>, vector<16xi32>], vector<16xf32>,
        %broadcast_in_dim3A_240 = arith.constant 4 : i32
        %broadcast_in_dim3A_241 = vector.broadcast %broadcast_in_dim3A_240 : i32 to vector<16xi32>
        %gather3A_242 = tpu.vector_load_idx %arg13[%add3A_156, %broadcast_in_dim3A_241] : memref<80x16xf32, #tpu.memory_space<vmem>>[vector<16xi32>, vector<16xi32>], vector<16xf32>,
        %broadcast_in_dim3A_243 = arith.constant 12 : i32
        %broadcast_in_dim3A_244 = vector.broadcast %broadcast_in_dim3A_243 : i32 to vector<16xi32>
        %gather3A_245 = tpu.vector_load_idx %arg14[%add3A_156, %broadcast_in_dim3A_244] : memref<80x16xf32, #tpu.memory_space<vmem>>[vector<16xi32>, vector<16xi32>], vector<16xf32>,
        %add3A_246 = arith.addf %gather3A_242, %gather3A_245 : vector<16xf32>
        %broadcast_in_dim3A_247 = arith.constant 4 : i32
        %broadcast_in_dim3A_248 = vector.broadcast %broadcast_in_dim3A_247 : i32 to vector<16xi32>
        %gather3A_249 = tpu.vector_load_idx %arg17[%get3A_160, %broadcast_in_dim3A_248] : memref<4x8xf32, #tpu.memory_space<vmem>>[vector<16xi32>, vector<16xi32>], vector<16xf32>,
        %add3A_250 = arith.addf %add3A_246, %gather3A_249 : vector<16xf32>
        %ge3A_251 = arith.constant 0.000000e+00 : f32
        %ge3A_252 = vector.broadcast %ge3A_251 : f32 to vector<16xf32>
        %ge3A_253 = arith.cmpf oge, %add3A_250, %ge3A_252 : vector<16xf32>
        %mul3A_254 = arith.constant 2.000000e-01 : f32
        %mul3A_255 = vector.broadcast %mul3A_254 : f32 to vector<16xf32>
        %mul3A_256 = arith.mulf %mul3A_255, %add3A_250 : vector<16xf32>
        %select_n3A_257 = arith.select %ge3A_253, %add3A_250, %mul3A_256 : vector<16xi1>, vector<16xf32>
        %broadcast_in_dim3A_258 = arith.constant 4 : i32
        %broadcast_in_dim3A_259 = vector.broadcast %broadcast_in_dim3A_258 : i32 to vector<16xi32>
        %exp3A_260 = math.exp %select_n3A_257 : vector<16xf32>
        tpu.vector_store_idx %arg18[%add3A_156, %broadcast_in_dim3A_259], %exp3A_260 : memref<80x8xf32, #tpu.memory_space<vmem>>[vector<16xi32>, vector<16xi32>], vector<16xf32>,
        %broadcast_in_dim3A_261 = arith.constant 5 : i32
        %broadcast_in_dim3A_262 = vector.broadcast %broadcast_in_dim3A_261 : i32 to vector<16xi32>
        %gather3A_263 = tpu.vector_load_idx %arg13[%add3A_156, %broadcast_in_dim3A_262] : memref<80x16xf32, #tpu.memory_space<vmem>>[vector<16xi32>, vector<16xi32>], vector<16xf32>,
        %broadcast_in_dim3A_264 = arith.constant 13 : i32
        %broadcast_in_dim3A_265 = vector.broadcast %broadcast_in_dim3A_264 : i32 to vector<16xi32>
        %gather3A_266 = tpu.vector_load_idx %arg14[%add3A_156, %broadcast_in_dim3A_265] : memref<80x16xf32, #tpu.memory_space<vmem>>[vector<16xi32>, vector<16xi32>], vector<16xf32>,
        %add3A_267 = arith.addf %gather3A_263, %gather3A_266 : vector<16xf32>
        %broadcast_in_dim3A_268 = arith.constant 5 : i32
        %broadcast_in_dim3A_269 = vector.broadcast %broadcast_in_dim3A_268 : i32 to vector<16xi32>
        %gather3A_270 = tpu.vector_load_idx %arg17[%get3A_160, %broadcast_in_dim3A_269] : memref<4x8xf32, #tpu.memory_space<vmem>>[vector<16xi32>, vector<16xi32>], vector<16xf32>,
        %add3A_271 = arith.addf %add3A_267, %gather3A_270 : vector<16xf32>
        %ge3A_272 = arith.constant 0.000000e+00 : f32
        %ge3A_273 = vector.broadcast %ge3A_272 : f32 to vector<16xf32>
        %ge3A_274 = arith.cmpf oge, %add3A_271, %ge3A_273 : vector<16xf32>
        %mul3A_275 = arith.constant 2.000000e-01 : f32
        %mul3A_276 = vector.broadcast %mul3A_275 : f32 to vector<16xf32>
        %mul3A_277 = arith.mulf %mul3A_276, %add3A_271 : vector<16xf32>
        %select_n3A_278 = arith.select %ge3A_274, %add3A_271, %mul3A_277 : vector<16xi1>, vector<16xf32>
        %broadcast_in_dim3A_279 = arith.constant 5 : i32
        %broadcast_in_dim3A_280 = vector.broadcast %broadcast_in_dim3A_279 : i32 to vector<16xi32>
        %exp3A_281 = math.exp %select_n3A_278 : vector<16xf32>
        tpu.vector_store_idx %arg18[%add3A_156, %broadcast_in_dim3A_280], %exp3A_281 : memref<80x8xf32, #tpu.memory_space<vmem>>[vector<16xi32>, vector<16xi32>], vector<16xf32>,
        %broadcast_in_dim3A_282 = arith.constant 6 : i32
        %broadcast_in_dim3A_283 = vector.broadcast %broadcast_in_dim3A_282 : i32 to vector<16xi32>
        %gather3A_284 = tpu.vector_load_idx %arg13[%add3A_156, %broadcast_in_dim3A_283] : memref<80x16xf32, #tpu.memory_space<vmem>>[vector<16xi32>, vector<16xi32>], vector<16xf32>,
        %broadcast_in_dim3A_285 = arith.constant 14 : i32
        %broadcast_in_dim3A_286 = vector.broadcast %broadcast_in_dim3A_285 : i32 to vector<16xi32>
        %gather3A_287 = tpu.vector_load_idx %arg14[%add3A_156, %broadcast_in_dim3A_286] : memref<80x16xf32, #tpu.memory_space<vmem>>[vector<16xi32>, vector<16xi32>], vector<16xf32>,
        %add3A_288 = arith.addf %gather3A_284, %gather3A_287 : vector<16xf32>
        %broadcast_in_dim3A_289 = arith.constant 6 : i32
        %broadcast_in_dim3A_290 = vector.broadcast %broadcast_in_dim3A_289 : i32 to vector<16xi32>
        %gather3A_291 = tpu.vector_load_idx %arg17[%get3A_160, %broadcast_in_dim3A_290] : memref<4x8xf32, #tpu.memory_space<vmem>>[vector<16xi32>, vector<16xi32>], vector<16xf32>,
        %add3A_292 = arith.addf %add3A_288, %gather3A_291 : vector<16xf32>
        %ge3A_293 = arith.constant 0.000000e+00 : f32
        %ge3A_294 = vector.broadcast %ge3A_293 : f32 to vector<16xf32>
        %ge3A_295 = arith.cmpf oge, %add3A_292, %ge3A_294 : vector<16xf32>
        %mul3A_296 = arith.constant 2.000000e-01 : f32
        %mul3A_297 = vector.broadcast %mul3A_296 : f32 to vector<16xf32>
        %mul3A_298 = arith.mulf %mul3A_297, %add3A_292 : vector<16xf32>
        %select_n3A_299 = arith.select %ge3A_295, %add3A_292, %mul3A_298 : vector<16xi1>, vector<16xf32>
        %broadcast_in_dim3A_300 = arith.constant 6 : i32
        %broadcast_in_dim3A_301 = vector.broadcast %broadcast_in_dim3A_300 : i32 to vector<16xi32>
        %exp3A_302 = math.exp %select_n3A_299 : vector<16xf32>
        tpu.vector_store_idx %arg18[%add3A_156, %broadcast_in_dim3A_301], %exp3A_302 : memref<80x8xf32, #tpu.memory_space<vmem>>[vector<16xi32>, vector<16xi32>], vector<16xf32>,
        %broadcast_in_dim3A_303 = arith.constant 7 : i32
        %broadcast_in_dim3A_304 = vector.broadcast %broadcast_in_dim3A_303 : i32 to vector<16xi32>
        %gather3A_305 = tpu.vector_load_idx %arg13[%add3A_156, %broadcast_in_dim3A_304] : memref<80x16xf32, #tpu.memory_space<vmem>>[vector<16xi32>, vector<16xi32>], vector<16xf32>,
        %broadcast_in_dim3A_306 = arith.constant 15 : i32
        %broadcast_in_dim3A_307 = vector.broadcast %broadcast_in_dim3A_306 : i32 to vector<16xi32>
        %gather3A_308 = tpu.vector_load_idx %arg14[%add3A_156, %broadcast_in_dim3A_307] : memref<80x16xf32, #tpu.memory_space<vmem>>[vector<16xi32>, vector<16xi32>], vector<16xf32>,
        %add3A_309 = arith.addf %gather3A_305, %gather3A_308 : vector<16xf32>
        %broadcast_in_dim3A_310 = arith.constant 7 : i32
        %broadcast_in_dim3A_311 = vector.broadcast %broadcast_in_dim3A_310 : i32 to vector<16xi32>
        %gather3A_312 = tpu.vector_load_idx %arg17[%get3A_160, %broadcast_in_dim3A_311] : memref<4x8xf32, #tpu.memory_space<vmem>>[vector<16xi32>, vector<16xi32>], vector<16xf32>,
        %add3A_313 = arith.addf %add3A_309, %gather3A_312 : vector<16xf32>
        %ge3A_314 = arith.constant 0.000000e+00 : f32
        %ge3A_315 = vector.broadcast %ge3A_314 : f32 to vector<16xf32>
        %ge3A_316 = arith.cmpf oge, %add3A_313, %ge3A_315 : vector<16xf32>
        %mul3A_317 = arith.constant 2.000000e-01 : f32
        %mul3A_318 = vector.broadcast %mul3A_317 : f32 to vector<16xf32>
        %mul3A_319 = arith.mulf %mul3A_318, %add3A_313 : vector<16xf32>
        %select_n3A_320 = arith.select %ge3A_316, %add3A_313, %mul3A_319 : vector<16xi1>, vector<16xf32>
        %broadcast_in_dim3A_321 = arith.constant 7 : i32
        %broadcast_in_dim3A_322 = vector.broadcast %broadcast_in_dim3A_321 : i32 to vector<16xi32>
        %exp3A_323 = math.exp %select_n3A_320 : vector<16xf32>
        tpu.vector_store_idx %arg18[%add3A_156, %broadcast_in_dim3A_322], %exp3A_323 : memref<80x8xf32, #tpu.memory_space<vmem>>[vector<16xi32>, vector<16xi32>], vector<16xf32>,
      }
      %scan3A_96 = arith.constant 5 : i32
      %dma_start3A_97 = arith.constant 0 : i32
      %dma_start3A_98 = tpu.memref_slice %arg8[%add3A_90, %dma_start3A_97] : memref<320000x8xf32, #tpu.memory_space<hbm>> -> memref<80x8xf32, #tpu.memory_space<hbm>>
      %dma_start3A_99 = arith.constant 0 : i32
      %dma_start3A_100 = tpu.memref_slice %arg8[%add3A_90, %dma_start3A_99] : memref<320000x8xf32, #tpu.memory_space<hbm>> -> memref<80x8xf32, #tpu.memory_space<hbm>>
      tpu.enqueue_dma source(%arg18 : memref<80x8xf32, #tpu.memory_space<vmem>>) target(%dma_start3A_100 : memref<80x8xf32, #tpu.memory_space<hbm>>) target_semaphore(%arg22 : memref<!tpu.dma_semaphore, #tpu.memory_space<semaphore_mem>>)
      "tpu.region"() ({
        %run_scoped3A_152 = tpu.sem_alloc : memref<!tpu.dma_semaphore, #tpu.memory_space<semaphore_mem>>
        %dma_start3A_153 = arith.constant 0 : i32
        %dma_start3A_154 = tpu.memref_slice %arg11[%mul3A_61, %dma_start3A_153] : memref<125x80xi32, #tpu.memory_space<vmem>> -> memref<1x80xi32, #tpu.memory_space<vmem>>
        %dma_start3A_155 = tpu.memref_squeeze %dma_start3A_154 : memref<1x80xi32, #tpu.memory_space<vmem>> -> memref<80xi32, #tpu.memory_space<vmem>>
        %dma_start3A_156 = arith.constant 0 : i32
        %dma_start3A_157 = arith.constant 0 : i32
        %dma_start3A_158 = tpu.memref_slice %arg19[%dma_start3A_156, %dma_start3A_157] : memref<10240x8xf32, #tpu.memory_space<vmem_shared>> -> memref<10240x8xf32, #tpu.memory_space<vmem_shared>>
        tpu.enqueue_indirect_dma source(%arg18 : memref<80x8xf32, #tpu.memory_space<vmem>>) target(%dma_start3A_158 : memref<10240x8xf32, #tpu.memory_space<vmem_shared>>) offsets(%dma_start3A_155 : memref<80xi32, #tpu.memory_space<vmem>>) semaphore(%run_scoped3A_152 : memref<!tpu.dma_semaphore, #tpu.memory_space<semaphore_mem>>) {add = true}
        %dma_wait3A_159 = arith.constant 0 : i32
        %dma_wait3A_160 = tpu.memref_slice %arg11[%mul3A_61, %dma_wait3A_159] : memref<125x80xi32, #tpu.memory_space<vmem>> -> memref<1x80xi32, #tpu.memory_space<vmem>>
        %dma_wait3A_161 = tpu.memref_squeeze %dma_wait3A_160 : memref<1x80xi32, #tpu.memory_space<vmem>> -> memref<80xi32, #tpu.memory_space<vmem>>
        %dma_wait3A_162 = arith.constant 0 : i32
        %dma_wait3A_163 = arith.constant 0 : i32
        %dma_wait3A_164 = tpu.memref_slice %arg19[%dma_wait3A_162, %dma_wait3A_163] : memref<10240x8xf32, #tpu.memory_space<vmem_shared>> -> memref<10240x8xf32, #tpu.memory_space<vmem_shared>>
        tpu.wait_indirect_dma semaphore(%run_scoped3A_152 : memref<!tpu.dma_semaphore, #tpu.memory_space<semaphore_mem>>) src(%arg18 : memref<80x8xf32, #tpu.memory_space<vmem>>) dst(%dma_wait3A_164 : memref<10240x8xf32, #tpu.memory_space<vmem_shared>>)
        tpu.yield
      }) : () -> ()
      %dma_wait3A_101 = arith.constant 0 : i32
      %dma_wait3A_102 = tpu.memref_slice %arg8[%add3A_90, %dma_wait3A_101] : memref<320000x8xf32, #tpu.memory_space<hbm>> -> memref<80x8xf32, #tpu.memory_space<hbm>>
      %dma_wait3A_103 = arith.constant 0 : i32
      %dma_wait3A_104 = tpu.memref_slice %arg8[%add3A_90, %dma_wait3A_103] : memref<320000x8xf32, #tpu.memory_space<hbm>> -> memref<80x8xf32, #tpu.memory_space<hbm>>
      tpu.wait_dma2 semaphore(%arg22 : memref<!tpu.dma_semaphore, #tpu.memory_space<semaphore_mem>>) src(%arg18 : memref<80x8xf32, #tpu.memory_space<vmem>>) dst(%dma_wait3A_104 : memref<80x8xf32, #tpu.memory_space<hbm>>)
      %add3A_105 = arith.constant 2 : i32
      %add3A_106 = arith.addi %mul3A_61, %add3A_105 : i32
      %dma_start3A_107 = arith.constant 0 : i32
      %dma_start3A_108 = tpu.memref_slice %arg10[%add3A_106, %dma_start3A_107] : memref<125x80xi32, #tpu.memory_space<vmem>> -> memref<1x80xi32, #tpu.memory_space<vmem>>
      %dma_start3A_109 = tpu.memref_squeeze %dma_start3A_108 : memref<1x80xi32, #tpu.memory_space<vmem>> -> memref<80xi32, #tpu.memory_space<vmem>>
      %dma_start3A_110 = arith.constant 0 : i32
      %dma_start3A_111 = arith.constant 0 : i32
      %dma_start3A_112 = tpu.memref_slice %arg5[%dma_start3A_110, %dma_start3A_111] : memref<10000x16xf32, #tpu.memory_space<hbm>> -> memref<10000x16xf32, #tpu.memory_space<hbm>>
      tpu.enqueue_indirect_dma source(%dma_start3A_112 : memref<10000x16xf32, #tpu.memory_space<hbm>>) target(%arg13 : memref<80x16xf32, #tpu.memory_space<vmem>>) offsets(%dma_start3A_109 : memref<80xi32, #tpu.memory_space<vmem>>) semaphore(%arg20 : memref<!tpu.dma_semaphore, #tpu.memory_space<semaphore_mem>>)
      %dma_start3A_113 = arith.constant 0 : i32
      %dma_start3A_114 = tpu.memref_slice %arg11[%add3A_106, %dma_start3A_113] : memref<125x80xi32, #tpu.memory_space<vmem>> -> memref<1x80xi32, #tpu.memory_space<vmem>>
      %dma_start3A_115 = tpu.memref_squeeze %dma_start3A_114 : memref<1x80xi32, #tpu.memory_space<vmem>> -> memref<80xi32, #tpu.memory_space<vmem>>
      %dma_start3A_116 = arith.constant 0 : i32
      %dma_start3A_117 = arith.constant 0 : i32
      %dma_start3A_118 = tpu.memref_slice %arg5[%dma_start3A_116, %dma_start3A_117] : memref<10000x16xf32, #tpu.memory_space<hbm>> -> memref<10000x16xf32, #tpu.memory_space<hbm>>
      tpu.enqueue_indirect_dma source(%dma_start3A_118 : memref<10000x16xf32, #tpu.memory_space<hbm>>) target(%arg14 : memref<80x16xf32, #tpu.memory_space<vmem>>) offsets(%dma_start3A_115 : memref<80xi32, #tpu.memory_space<vmem>>) semaphore(%arg20 : memref<!tpu.dma_semaphore, #tpu.memory_space<semaphore_mem>>)
      %add3A_119 = arith.constant 1 : i32
      %add3A_120 = arith.addi %mul3A_61, %add3A_119 : i32
      %dma_wait3A_121 = arith.constant 0 : i32
      %dma_wait3A_122 = tpu.memref_slice %arg10[%add3A_120, %dma_wait3A_121] : memref<125x80xi32, #tpu.memory_space<vmem>> -> memref<1x80xi32, #tpu.memory_space<vmem>>
      %dma_wait3A_123 = tpu.memref_squeeze %dma_wait3A_122 : memref<1x80xi32, #tpu.memory_space<vmem>> -> memref<80xi32, #tpu.memory_space<vmem>>
      %dma_wait3A_124 = arith.constant 0 : i32
      %dma_wait3A_125 = arith.constant 0 : i32
      %dma_wait3A_126 = tpu.memref_slice %arg5[%dma_wait3A_124, %dma_wait3A_125] : memref<10000x16xf32, #tpu.memory_space<hbm>> -> memref<10000x16xf32, #tpu.memory_space<hbm>>
      tpu.wait_indirect_dma semaphore(%arg21 : memref<!tpu.dma_semaphore, #tpu.memory_space<semaphore_mem>>) src(%dma_wait3A_126 : memref<10000x16xf32, #tpu.memory_space<hbm>>) dst(%arg15 : memref<80x16xf32, #tpu.memory_space<vmem>>)
      %dma_wait3A_127 = arith.constant 0 : i32
      %dma_wait3A_128 = tpu.memref_slice %arg11[%add3A_120, %dma_wait3A_127] : memref<125x80xi32, #tpu.memory_space<vmem>> -> memref<1x80xi32, #tpu.memory_space<vmem>>
      %dma_wait3A_129 = tpu.memref_squeeze %dma_wait3A_128 : memref<1x80xi32, #tpu.memory_space<vmem>> -> memref<80xi32, #tpu.memory_space<vmem>>
      %dma_wait3A_130 = arith.constant 0 : i32
      %dma_wait3A_131 = arith.constant 0 : i32
      %dma_wait3A_132 = tpu.memref_slice %arg5[%dma_wait3A_130, %dma_wait3A_131] : memref<10000x16xf32, #tpu.memory_space<hbm>> -> memref<10000x16xf32, #tpu.memory_space<hbm>>
      tpu.wait_indirect_dma semaphore(%arg21 : memref<!tpu.dma_semaphore, #tpu.memory_space<semaphore_mem>>) src(%dma_wait3A_132 : memref<10000x16xf32, #tpu.memory_space<hbm>>) dst(%arg16 : memref<80x16xf32, #tpu.memory_space<vmem>>)
      %add3A_133 = arith.constant 1 : i32
      %add3A_134 = arith.addi %mul3A_61, %add3A_133 : i32
      %mul3A_135 = arith.constant 80 : i32
      %mul3A_136 = arith.muli %add3A_134, %mul3A_135 : i32
      %add3A_137 = arith.addi %mul3A_6, %mul3A_136 : i32
      %scan3A_138 = arith.constant 0 : i32
      %scan3A_139 = arith.constant 0 : i32
      %scan3A_140 = arith.constant 5 : i32
      %scan3A_141 = arith.addi %scan3A_139, %scan3A_140 : i32
      %scan3A_142 = arith.constant 1 : i32
      scf.for %scan3A_152 = %scan3A_139 to %scan3A_141 step %scan3A_142  : i32 {
        %mul3A_153 = arith.constant 16 : i32
        %mul3A_154 = arith.muli %scan3A_152, %mul3A_153 : i32
        %add3A_155 = vector.broadcast %mul3A_154 : i32 to vector<16xi32>
        %add3A_156 = arith.addi %add3A_155, %iota3A : vector<16xi32>
        %mul3A_157 = arith.constant 16 : i32
        %mul3A_158 = arith.muli %scan3A_152, %mul3A_157 : i32
        %get3A = arith.index_cast %add3A_134 : i32 to index
        %get3A_159 = arith.index_cast %mul3A_158 : i32 to index
        %get3A_160 = tpu.vector_load %arg12[%get3A, %get3A_159] {strides = array<i32>} : memref<125x80xi32, #tpu.memory_space<vmem>>, vector<16xi32>,
        %broadcast_in_dim3A = arith.constant 0 : i32
        %broadcast_in_dim3A_161 = vector.broadcast %broadcast_in_dim3A : i32 to vector<16xi32>
        %gather3A = tpu.vector_load_idx %arg15[%add3A_156, %broadcast_in_dim3A_161] : memref<80x16xf32, #tpu.memory_space<vmem>>[vector<16xi32>, vector<16xi32>], vector<16xf32>,
        %broadcast_in_dim3A_162 = arith.constant 8 : i32
        %broadcast_in_dim3A_163 = vector.broadcast %broadcast_in_dim3A_162 : i32 to vector<16xi32>
        %gather3A_164 = tpu.vector_load_idx %arg16[%add3A_156, %broadcast_in_dim3A_163] : memref<80x16xf32, #tpu.memory_space<vmem>>[vector<16xi32>, vector<16xi32>], vector<16xf32>,
        %add3A_165 = arith.addf %gather3A, %gather3A_164 : vector<16xf32>
        %broadcast_in_dim3A_166 = arith.constant 0 : i32
        %broadcast_in_dim3A_167 = vector.broadcast %broadcast_in_dim3A_166 : i32 to vector<16xi32>
        %gather3A_168 = tpu.vector_load_idx %arg17[%get3A_160, %broadcast_in_dim3A_167] : memref<4x8xf32, #tpu.memory_space<vmem>>[vector<16xi32>, vector<16xi32>], vector<16xf32>,
        %add3A_169 = arith.addf %add3A_165, %gather3A_168 : vector<16xf32>
        %ge3A = arith.constant 0.000000e+00 : f32
        %ge3A_170 = vector.broadcast %ge3A : f32 to vector<16xf32>
        %ge3A_171 = arith.cmpf oge, %add3A_169, %ge3A_170 : vector<16xf32>
        %mul3A_172 = arith.constant 2.000000e-01 : f32
        %mul3A_173 = vector.broadcast %mul3A_172 : f32 to vector<16xf32>
        %mul3A_174 = arith.mulf %mul3A_173, %add3A_169 : vector<16xf32>
        %select_n3A = arith.select %ge3A_171, %add3A_169, %mul3A_174 : vector<16xi1>, vector<16xf32>
        %broadcast_in_dim3A_175 = arith.constant 0 : i32
        %broadcast_in_dim3A_176 = vector.broadcast %broadcast_in_dim3A_175 : i32 to vector<16xi32>
        %exp3A = math.exp %select_n3A : vector<16xf32>
        tpu.vector_store_idx %arg18[%add3A_156, %broadcast_in_dim3A_176], %exp3A : memref<80x8xf32, #tpu.memory_space<vmem>>[vector<16xi32>, vector<16xi32>], vector<16xf32>,
        %broadcast_in_dim3A_177 = arith.constant 1 : i32
        %broadcast_in_dim3A_178 = vector.broadcast %broadcast_in_dim3A_177 : i32 to vector<16xi32>
        %gather3A_179 = tpu.vector_load_idx %arg15[%add3A_156, %broadcast_in_dim3A_178] : memref<80x16xf32, #tpu.memory_space<vmem>>[vector<16xi32>, vector<16xi32>], vector<16xf32>,
        %broadcast_in_dim3A_180 = arith.constant 9 : i32
        %broadcast_in_dim3A_181 = vector.broadcast %broadcast_in_dim3A_180 : i32 to vector<16xi32>
        %gather3A_182 = tpu.vector_load_idx %arg16[%add3A_156, %broadcast_in_dim3A_181] : memref<80x16xf32, #tpu.memory_space<vmem>>[vector<16xi32>, vector<16xi32>], vector<16xf32>,
        %add3A_183 = arith.addf %gather3A_179, %gather3A_182 : vector<16xf32>
        %broadcast_in_dim3A_184 = arith.constant 1 : i32
        %broadcast_in_dim3A_185 = vector.broadcast %broadcast_in_dim3A_184 : i32 to vector<16xi32>
        %gather3A_186 = tpu.vector_load_idx %arg17[%get3A_160, %broadcast_in_dim3A_185] : memref<4x8xf32, #tpu.memory_space<vmem>>[vector<16xi32>, vector<16xi32>], vector<16xf32>,
        %add3A_187 = arith.addf %add3A_183, %gather3A_186 : vector<16xf32>
        %ge3A_188 = arith.constant 0.000000e+00 : f32
        %ge3A_189 = vector.broadcast %ge3A_188 : f32 to vector<16xf32>
        %ge3A_190 = arith.cmpf oge, %add3A_187, %ge3A_189 : vector<16xf32>
        %mul3A_191 = arith.constant 2.000000e-01 : f32
        %mul3A_192 = vector.broadcast %mul3A_191 : f32 to vector<16xf32>
        %mul3A_193 = arith.mulf %mul3A_192, %add3A_187 : vector<16xf32>
        %select_n3A_194 = arith.select %ge3A_190, %add3A_187, %mul3A_193 : vector<16xi1>, vector<16xf32>
        %broadcast_in_dim3A_195 = arith.constant 1 : i32
        %broadcast_in_dim3A_196 = vector.broadcast %broadcast_in_dim3A_195 : i32 to vector<16xi32>
        %exp3A_197 = math.exp %select_n3A_194 : vector<16xf32>
        tpu.vector_store_idx %arg18[%add3A_156, %broadcast_in_dim3A_196], %exp3A_197 : memref<80x8xf32, #tpu.memory_space<vmem>>[vector<16xi32>, vector<16xi32>], vector<16xf32>,
        %broadcast_in_dim3A_198 = arith.constant 2 : i32
        %broadcast_in_dim3A_199 = vector.broadcast %broadcast_in_dim3A_198 : i32 to vector<16xi32>
        %gather3A_200 = tpu.vector_load_idx %arg15[%add3A_156, %broadcast_in_dim3A_199] : memref<80x16xf32, #tpu.memory_space<vmem>>[vector<16xi32>, vector<16xi32>], vector<16xf32>,
        %broadcast_in_dim3A_201 = arith.constant 10 : i32
        %broadcast_in_dim3A_202 = vector.broadcast %broadcast_in_dim3A_201 : i32 to vector<16xi32>
        %gather3A_203 = tpu.vector_load_idx %arg16[%add3A_156, %broadcast_in_dim3A_202] : memref<80x16xf32, #tpu.memory_space<vmem>>[vector<16xi32>, vector<16xi32>], vector<16xf32>,
        %add3A_204 = arith.addf %gather3A_200, %gather3A_203 : vector<16xf32>
        %broadcast_in_dim3A_205 = arith.constant 2 : i32
        %broadcast_in_dim3A_206 = vector.broadcast %broadcast_in_dim3A_205 : i32 to vector<16xi32>
        %gather3A_207 = tpu.vector_load_idx %arg17[%get3A_160, %broadcast_in_dim3A_206] : memref<4x8xf32, #tpu.memory_space<vmem>>[vector<16xi32>, vector<16xi32>], vector<16xf32>,
        %add3A_208 = arith.addf %add3A_204, %gather3A_207 : vector<16xf32>
        %ge3A_209 = arith.constant 0.000000e+00 : f32
        %ge3A_210 = vector.broadcast %ge3A_209 : f32 to vector<16xf32>
        %ge3A_211 = arith.cmpf oge, %add3A_208, %ge3A_210 : vector<16xf32>
        %mul3A_212 = arith.constant 2.000000e-01 : f32
        %mul3A_213 = vector.broadcast %mul3A_212 : f32 to vector<16xf32>
        %mul3A_214 = arith.mulf %mul3A_213, %add3A_208 : vector<16xf32>
        %select_n3A_215 = arith.select %ge3A_211, %add3A_208, %mul3A_214 : vector<16xi1>, vector<16xf32>
        %broadcast_in_dim3A_216 = arith.constant 2 : i32
        %broadcast_in_dim3A_217 = vector.broadcast %broadcast_in_dim3A_216 : i32 to vector<16xi32>
        %exp3A_218 = math.exp %select_n3A_215 : vector<16xf32>
        tpu.vector_store_idx %arg18[%add3A_156, %broadcast_in_dim3A_217], %exp3A_218 : memref<80x8xf32, #tpu.memory_space<vmem>>[vector<16xi32>, vector<16xi32>], vector<16xf32>,
        %broadcast_in_dim3A_219 = arith.constant 3 : i32
        %broadcast_in_dim3A_220 = vector.broadcast %broadcast_in_dim3A_219 : i32 to vector<16xi32>
        %gather3A_221 = tpu.vector_load_idx %arg15[%add3A_156, %broadcast_in_dim3A_220] : memref<80x16xf32, #tpu.memory_space<vmem>>[vector<16xi32>, vector<16xi32>], vector<16xf32>,
        %broadcast_in_dim3A_222 = arith.constant 11 : i32
        %broadcast_in_dim3A_223 = vector.broadcast %broadcast_in_dim3A_222 : i32 to vector<16xi32>
        %gather3A_224 = tpu.vector_load_idx %arg16[%add3A_156, %broadcast_in_dim3A_223] : memref<80x16xf32, #tpu.memory_space<vmem>>[vector<16xi32>, vector<16xi32>], vector<16xf32>,
        %add3A_225 = arith.addf %gather3A_221, %gather3A_224 : vector<16xf32>
        %broadcast_in_dim3A_226 = arith.constant 3 : i32
        %broadcast_in_dim3A_227 = vector.broadcast %broadcast_in_dim3A_226 : i32 to vector<16xi32>
        %gather3A_228 = tpu.vector_load_idx %arg17[%get3A_160, %broadcast_in_dim3A_227] : memref<4x8xf32, #tpu.memory_space<vmem>>[vector<16xi32>, vector<16xi32>], vector<16xf32>,
        %add3A_229 = arith.addf %add3A_225, %gather3A_228 : vector<16xf32>
        %ge3A_230 = arith.constant 0.000000e+00 : f32
        %ge3A_231 = vector.broadcast %ge3A_230 : f32 to vector<16xf32>
        %ge3A_232 = arith.cmpf oge, %add3A_229, %ge3A_231 : vector<16xf32>
        %mul3A_233 = arith.constant 2.000000e-01 : f32
        %mul3A_234 = vector.broadcast %mul3A_233 : f32 to vector<16xf32>
        %mul3A_235 = arith.mulf %mul3A_234, %add3A_229 : vector<16xf32>
        %select_n3A_236 = arith.select %ge3A_232, %add3A_229, %mul3A_235 : vector<16xi1>, vector<16xf32>
        %broadcast_in_dim3A_237 = arith.constant 3 : i32
        %broadcast_in_dim3A_238 = vector.broadcast %broadcast_in_dim3A_237 : i32 to vector<16xi32>
        %exp3A_239 = math.exp %select_n3A_236 : vector<16xf32>
        tpu.vector_store_idx %arg18[%add3A_156, %broadcast_in_dim3A_238], %exp3A_239 : memref<80x8xf32, #tpu.memory_space<vmem>>[vector<16xi32>, vector<16xi32>], vector<16xf32>,
        %broadcast_in_dim3A_240 = arith.constant 4 : i32
        %broadcast_in_dim3A_241 = vector.broadcast %broadcast_in_dim3A_240 : i32 to vector<16xi32>
        %gather3A_242 = tpu.vector_load_idx %arg15[%add3A_156, %broadcast_in_dim3A_241] : memref<80x16xf32, #tpu.memory_space<vmem>>[vector<16xi32>, vector<16xi32>], vector<16xf32>,
        %broadcast_in_dim3A_243 = arith.constant 12 : i32
        %broadcast_in_dim3A_244 = vector.broadcast %broadcast_in_dim3A_243 : i32 to vector<16xi32>
        %gather3A_245 = tpu.vector_load_idx %arg16[%add3A_156, %broadcast_in_dim3A_244] : memref<80x16xf32, #tpu.memory_space<vmem>>[vector<16xi32>, vector<16xi32>], vector<16xf32>,
        %add3A_246 = arith.addf %gather3A_242, %gather3A_245 : vector<16xf32>
        %broadcast_in_dim3A_247 = arith.constant 4 : i32
        %broadcast_in_dim3A_248 = vector.broadcast %broadcast_in_dim3A_247 : i32 to vector<16xi32>
        %gather3A_249 = tpu.vector_load_idx %arg17[%get3A_160, %broadcast_in_dim3A_248] : memref<4x8xf32, #tpu.memory_space<vmem>>[vector<16xi32>, vector<16xi32>], vector<16xf32>,
        %add3A_250 = arith.addf %add3A_246, %gather3A_249 : vector<16xf32>
        %ge3A_251 = arith.constant 0.000000e+00 : f32
        %ge3A_252 = vector.broadcast %ge3A_251 : f32 to vector<16xf32>
        %ge3A_253 = arith.cmpf oge, %add3A_250, %ge3A_252 : vector<16xf32>
        %mul3A_254 = arith.constant 2.000000e-01 : f32
        %mul3A_255 = vector.broadcast %mul3A_254 : f32 to vector<16xf32>
        %mul3A_256 = arith.mulf %mul3A_255, %add3A_250 : vector<16xf32>
        %select_n3A_257 = arith.select %ge3A_253, %add3A_250, %mul3A_256 : vector<16xi1>, vector<16xf32>
        %broadcast_in_dim3A_258 = arith.constant 4 : i32
        %broadcast_in_dim3A_259 = vector.broadcast %broadcast_in_dim3A_258 : i32 to vector<16xi32>
        %exp3A_260 = math.exp %select_n3A_257 : vector<16xf32>
        tpu.vector_store_idx %arg18[%add3A_156, %broadcast_in_dim3A_259], %exp3A_260 : memref<80x8xf32, #tpu.memory_space<vmem>>[vector<16xi32>, vector<16xi32>], vector<16xf32>,
        %broadcast_in_dim3A_261 = arith.constant 5 : i32
        %broadcast_in_dim3A_262 = vector.broadcast %broadcast_in_dim3A_261 : i32 to vector<16xi32>
        %gather3A_263 = tpu.vector_load_idx %arg15[%add3A_156, %broadcast_in_dim3A_262] : memref<80x16xf32, #tpu.memory_space<vmem>>[vector<16xi32>, vector<16xi32>], vector<16xf32>,
        %broadcast_in_dim3A_264 = arith.constant 13 : i32
        %broadcast_in_dim3A_265 = vector.broadcast %broadcast_in_dim3A_264 : i32 to vector<16xi32>
        %gather3A_266 = tpu.vector_load_idx %arg16[%add3A_156, %broadcast_in_dim3A_265] : memref<80x16xf32, #tpu.memory_space<vmem>>[vector<16xi32>, vector<16xi32>], vector<16xf32>,
        %add3A_267 = arith.addf %gather3A_263, %gather3A_266 : vector<16xf32>
        %broadcast_in_dim3A_268 = arith.constant 5 : i32
        %broadcast_in_dim3A_269 = vector.broadcast %broadcast_in_dim3A_268 : i32 to vector<16xi32>
        %gather3A_270 = tpu.vector_load_idx %arg17[%get3A_160, %broadcast_in_dim3A_269] : memref<4x8xf32, #tpu.memory_space<vmem>>[vector<16xi32>, vector<16xi32>], vector<16xf32>,
        %add3A_271 = arith.addf %add3A_267, %gather3A_270 : vector<16xf32>
        %ge3A_272 = arith.constant 0.000000e+00 : f32
        %ge3A_273 = vector.broadcast %ge3A_272 : f32 to vector<16xf32>
        %ge3A_274 = arith.cmpf oge, %add3A_271, %ge3A_273 : vector<16xf32>
        %mul3A_275 = arith.constant 2.000000e-01 : f32
        %mul3A_276 = vector.broadcast %mul3A_275 : f32 to vector<16xf32>
        %mul3A_277 = arith.mulf %mul3A_276, %add3A_271 : vector<16xf32>
        %select_n3A_278 = arith.select %ge3A_274, %add3A_271, %mul3A_277 : vector<16xi1>, vector<16xf32>
        %broadcast_in_dim3A_279 = arith.constant 5 : i32
        %broadcast_in_dim3A_280 = vector.broadcast %broadcast_in_dim3A_279 : i32 to vector<16xi32>
        %exp3A_281 = math.exp %select_n3A_278 : vector<16xf32>
        tpu.vector_store_idx %arg18[%add3A_156, %broadcast_in_dim3A_280], %exp3A_281 : memref<80x8xf32, #tpu.memory_space<vmem>>[vector<16xi32>, vector<16xi32>], vector<16xf32>,
        %broadcast_in_dim3A_282 = arith.constant 6 : i32
        %broadcast_in_dim3A_283 = vector.broadcast %broadcast_in_dim3A_282 : i32 to vector<16xi32>
        %gather3A_284 = tpu.vector_load_idx %arg15[%add3A_156, %broadcast_in_dim3A_283] : memref<80x16xf32, #tpu.memory_space<vmem>>[vector<16xi32>, vector<16xi32>], vector<16xf32>,
        %broadcast_in_dim3A_285 = arith.constant 14 : i32
        %broadcast_in_dim3A_286 = vector.broadcast %broadcast_in_dim3A_285 : i32 to vector<16xi32>
        %gather3A_287 = tpu.vector_load_idx %arg16[%add3A_156, %broadcast_in_dim3A_286] : memref<80x16xf32, #tpu.memory_space<vmem>>[vector<16xi32>, vector<16xi32>], vector<16xf32>,
        %add3A_288 = arith.addf %gather3A_284, %gather3A_287 : vector<16xf32>
        %broadcast_in_dim3A_289 = arith.constant 6 : i32
        %broadcast_in_dim3A_290 = vector.broadcast %broadcast_in_dim3A_289 : i32 to vector<16xi32>
        %gather3A_291 = tpu.vector_load_idx %arg17[%get3A_160, %broadcast_in_dim3A_290] : memref<4x8xf32, #tpu.memory_space<vmem>>[vector<16xi32>, vector<16xi32>], vector<16xf32>,
        %add3A_292 = arith.addf %add3A_288, %gather3A_291 : vector<16xf32>
        %ge3A_293 = arith.constant 0.000000e+00 : f32
        %ge3A_294 = vector.broadcast %ge3A_293 : f32 to vector<16xf32>
        %ge3A_295 = arith.cmpf oge, %add3A_292, %ge3A_294 : vector<16xf32>
        %mul3A_296 = arith.constant 2.000000e-01 : f32
        %mul3A_297 = vector.broadcast %mul3A_296 : f32 to vector<16xf32>
        %mul3A_298 = arith.mulf %mul3A_297, %add3A_292 : vector<16xf32>
        %select_n3A_299 = arith.select %ge3A_295, %add3A_292, %mul3A_298 : vector<16xi1>, vector<16xf32>
        %broadcast_in_dim3A_300 = arith.constant 6 : i32
        %broadcast_in_dim3A_301 = vector.broadcast %broadcast_in_dim3A_300 : i32 to vector<16xi32>
        %exp3A_302 = math.exp %select_n3A_299 : vector<16xf32>
        tpu.vector_store_idx %arg18[%add3A_156, %broadcast_in_dim3A_301], %exp3A_302 : memref<80x8xf32, #tpu.memory_space<vmem>>[vector<16xi32>, vector<16xi32>], vector<16xf32>,
        %broadcast_in_dim3A_303 = arith.constant 7 : i32
        %broadcast_in_dim3A_304 = vector.broadcast %broadcast_in_dim3A_303 : i32 to vector<16xi32>
        %gather3A_305 = tpu.vector_load_idx %arg15[%add3A_156, %broadcast_in_dim3A_304] : memref<80x16xf32, #tpu.memory_space<vmem>>[vector<16xi32>, vector<16xi32>], vector<16xf32>,
        %broadcast_in_dim3A_306 = arith.constant 15 : i32
        %broadcast_in_dim3A_307 = vector.broadcast %broadcast_in_dim3A_306 : i32 to vector<16xi32>
        %gather3A_308 = tpu.vector_load_idx %arg16[%add3A_156, %broadcast_in_dim3A_307] : memref<80x16xf32, #tpu.memory_space<vmem>>[vector<16xi32>, vector<16xi32>], vector<16xf32>,
        %add3A_309 = arith.addf %gather3A_305, %gather3A_308 : vector<16xf32>
        %broadcast_in_dim3A_310 = arith.constant 7 : i32
        %broadcast_in_dim3A_311 = vector.broadcast %broadcast_in_dim3A_310 : i32 to vector<16xi32>
        %gather3A_312 = tpu.vector_load_idx %arg17[%get3A_160, %broadcast_in_dim3A_311] : memref<4x8xf32, #tpu.memory_space<vmem>>[vector<16xi32>, vector<16xi32>], vector<16xf32>,
        %add3A_313 = arith.addf %add3A_309, %gather3A_312 : vector<16xf32>
        %ge3A_314 = arith.constant 0.000000e+00 : f32
        %ge3A_315 = vector.broadcast %ge3A_314 : f32 to vector<16xf32>
        %ge3A_316 = arith.cmpf oge, %add3A_313, %ge3A_315 : vector<16xf32>
        %mul3A_317 = arith.constant 2.000000e-01 : f32
        %mul3A_318 = vector.broadcast %mul3A_317 : f32 to vector<16xf32>
        %mul3A_319 = arith.mulf %mul3A_318, %add3A_313 : vector<16xf32>
        %select_n3A_320 = arith.select %ge3A_316, %add3A_313, %mul3A_319 : vector<16xi1>, vector<16xf32>
        %broadcast_in_dim3A_321 = arith.constant 7 : i32
        %broadcast_in_dim3A_322 = vector.broadcast %broadcast_in_dim3A_321 : i32 to vector<16xi32>
        %exp3A_323 = math.exp %select_n3A_320 : vector<16xf32>
        tpu.vector_store_idx %arg18[%add3A_156, %broadcast_in_dim3A_322], %exp3A_323 : memref<80x8xf32, #tpu.memory_space<vmem>>[vector<16xi32>, vector<16xi32>], vector<16xf32>,
      }
      %scan3A_143 = arith.constant 5 : i32
      %dma_start3A_144 = arith.constant 0 : i32
      %dma_start3A_145 = tpu.memref_slice %arg8[%add3A_137, %dma_start3A_144] : memref<320000x8xf32, #tpu.memory_space<hbm>> -> memref<80x8xf32, #tpu.memory_space<hbm>>
      %dma_start3A_146 = arith.constant 0 : i32
      %dma_start3A_147 = tpu.memref_slice %arg8[%add3A_137, %dma_start3A_146] : memref<320000x8xf32, #tpu.memory_space<hbm>> -> memref<80x8xf32, #tpu.memory_space<hbm>>
      tpu.enqueue_dma source(%arg18 : memref<80x8xf32, #tpu.memory_space<vmem>>) target(%dma_start3A_147 : memref<80x8xf32, #tpu.memory_space<hbm>>) target_semaphore(%arg22 : memref<!tpu.dma_semaphore, #tpu.memory_space<semaphore_mem>>)
      "tpu.region"() ({
        %run_scoped3A_152 = tpu.sem_alloc : memref<!tpu.dma_semaphore, #tpu.memory_space<semaphore_mem>>
        %dma_start3A_153 = arith.constant 0 : i32
        %dma_start3A_154 = tpu.memref_slice %arg11[%add3A_134, %dma_start3A_153] : memref<125x80xi32, #tpu.memory_space<vmem>> -> memref<1x80xi32, #tpu.memory_space<vmem>>
        %dma_start3A_155 = tpu.memref_squeeze %dma_start3A_154 : memref<1x80xi32, #tpu.memory_space<vmem>> -> memref<80xi32, #tpu.memory_space<vmem>>
        %dma_start3A_156 = arith.constant 0 : i32
        %dma_start3A_157 = arith.constant 0 : i32
        %dma_start3A_158 = tpu.memref_slice %arg19[%dma_start3A_156, %dma_start3A_157] : memref<10240x8xf32, #tpu.memory_space<vmem_shared>> -> memref<10240x8xf32, #tpu.memory_space<vmem_shared>>
        tpu.enqueue_indirect_dma source(%arg18 : memref<80x8xf32, #tpu.memory_space<vmem>>) target(%dma_start3A_158 : memref<10240x8xf32, #tpu.memory_space<vmem_shared>>) offsets(%dma_start3A_155 : memref<80xi32, #tpu.memory_space<vmem>>) semaphore(%run_scoped3A_152 : memref<!tpu.dma_semaphore, #tpu.memory_space<semaphore_mem>>) {add = true}
        %dma_wait3A_159 = arith.constant 0 : i32
        %dma_wait3A_160 = tpu.memref_slice %arg11[%add3A_134, %dma_wait3A_159] : memref<125x80xi32, #tpu.memory_space<vmem>> -> memref<1x80xi32, #tpu.memory_space<vmem>>
        %dma_wait3A_161 = tpu.memref_squeeze %dma_wait3A_160 : memref<1x80xi32, #tpu.memory_space<vmem>> -> memref<80xi32, #tpu.memory_space<vmem>>
        %dma_wait3A_162 = arith.constant 0 : i32
        %dma_wait3A_163 = arith.constant 0 : i32
        %dma_wait3A_164 = tpu.memref_slice %arg19[%dma_wait3A_162, %dma_wait3A_163] : memref<10240x8xf32, #tpu.memory_space<vmem_shared>> -> memref<10240x8xf32, #tpu.memory_space<vmem_shared>>
        tpu.wait_indirect_dma semaphore(%run_scoped3A_152 : memref<!tpu.dma_semaphore, #tpu.memory_space<semaphore_mem>>) src(%arg18 : memref<80x8xf32, #tpu.memory_space<vmem>>) dst(%dma_wait3A_164 : memref<10240x8xf32, #tpu.memory_space<vmem_shared>>)
        tpu.yield
      }) : () -> ()
      %dma_wait3A_148 = arith.constant 0 : i32
      %dma_wait3A_149 = tpu.memref_slice %arg8[%add3A_137, %dma_wait3A_148] : memref<320000x8xf32, #tpu.memory_space<hbm>> -> memref<80x8xf32, #tpu.memory_space<hbm>>
      %dma_wait3A_150 = arith.constant 0 : i32
      %dma_wait3A_151 = tpu.memref_slice %arg8[%add3A_137, %dma_wait3A_150] : memref<320000x8xf32, #tpu.memory_space<hbm>> -> memref<80x8xf32, #tpu.memory_space<hbm>>
      tpu.wait_dma2 semaphore(%arg22 : memref<!tpu.dma_semaphore, #tpu.memory_space<semaphore_mem>>) src(%arg18 : memref<80x8xf32, #tpu.memory_space<vmem>>) dst(%dma_wait3A_151 : memref<80x8xf32, #tpu.memory_space<hbm>>)
    }
    %scan3A_24 = arith.constant 62 : i32
    %dma_wait3A = arith.constant 124 : i32
    %dma_wait3A_25 = arith.constant 0 : i32
    %dma_wait3A_26 = tpu.memref_slice %arg10[%dma_wait3A, %dma_wait3A_25] : memref<125x80xi32, #tpu.memory_space<vmem>> -> memref<1x80xi32, #tpu.memory_space<vmem>>
    %dma_wait3A_27 = tpu.memref_squeeze %dma_wait3A_26 : memref<1x80xi32, #tpu.memory_space<vmem>> -> memref<80xi32, #tpu.memory_space<vmem>>
    %dma_wait3A_28 = arith.constant 0 : i32
    %dma_wait3A_29 = arith.constant 0 : i32
    %dma_wait3A_30 = tpu.memref_slice %arg5[%dma_wait3A_28, %dma_wait3A_29] : memref<10000x16xf32, #tpu.memory_space<hbm>> -> memref<10000x16xf32, #tpu.memory_space<hbm>>
    tpu.wait_indirect_dma semaphore(%arg20 : memref<!tpu.dma_semaphore, #tpu.memory_space<semaphore_mem>>) src(%dma_wait3A_30 : memref<10000x16xf32, #tpu.memory_space<hbm>>) dst(%arg13 : memref<80x16xf32, #tpu.memory_space<vmem>>)
    %dma_wait3A_31 = arith.constant 124 : i32
    %dma_wait3A_32 = arith.constant 0 : i32
    %dma_wait3A_33 = tpu.memref_slice %arg11[%dma_wait3A_31, %dma_wait3A_32] : memref<125x80xi32, #tpu.memory_space<vmem>> -> memref<1x80xi32, #tpu.memory_space<vmem>>
    %dma_wait3A_34 = tpu.memref_squeeze %dma_wait3A_33 : memref<1x80xi32, #tpu.memory_space<vmem>> -> memref<80xi32, #tpu.memory_space<vmem>>
    %dma_wait3A_35 = arith.constant 0 : i32
    %dma_wait3A_36 = arith.constant 0 : i32
    %dma_wait3A_37 = tpu.memref_slice %arg5[%dma_wait3A_35, %dma_wait3A_36] : memref<10000x16xf32, #tpu.memory_space<hbm>> -> memref<10000x16xf32, #tpu.memory_space<hbm>>
    tpu.wait_indirect_dma semaphore(%arg20 : memref<!tpu.dma_semaphore, #tpu.memory_space<semaphore_mem>>) src(%dma_wait3A_37 : memref<10000x16xf32, #tpu.memory_space<hbm>>) dst(%arg14 : memref<80x16xf32, #tpu.memory_space<vmem>>)
    %add3A_38 = arith.constant 9920 : i32
    %add3A_39 = arith.addi %mul3A_6, %add3A_38 : i32
    %scan3A_40 = arith.constant 0 : i32
    %scan3A_41 = arith.constant 0 : i32
    %scan3A_42 = arith.constant 5 : i32
    %scan3A_43 = arith.addi %scan3A_41, %scan3A_42 : i32
    %scan3A_44 = arith.constant 1 : i32
    scf.for %scan3A_59 = %scan3A_41 to %scan3A_43 step %scan3A_44  : i32 {
      %mul3A_60 = arith.constant 16 : i32
      %mul3A_61 = arith.muli %scan3A_59, %mul3A_60 : i32
      %add3A_62 = vector.broadcast %mul3A_61 : i32 to vector<16xi32>
      %add3A_63 = arith.addi %add3A_62, %iota3A : vector<16xi32>
      %mul3A_64 = arith.constant 16 : i32
      %mul3A_65 = arith.muli %scan3A_59, %mul3A_64 : i32
      %get3A = arith.constant 124 : i32
      %get3A_66 = arith.index_cast %get3A : i32 to index
      %get3A_67 = arith.index_cast %mul3A_65 : i32 to index
      %get3A_68 = tpu.vector_load %arg12[%get3A_66, %get3A_67] {strides = array<i32>} : memref<125x80xi32, #tpu.memory_space<vmem>>, vector<16xi32>,
      %broadcast_in_dim3A = arith.constant 0 : i32
      %broadcast_in_dim3A_69 = vector.broadcast %broadcast_in_dim3A : i32 to vector<16xi32>
      %gather3A = tpu.vector_load_idx %arg13[%add3A_63, %broadcast_in_dim3A_69] : memref<80x16xf32, #tpu.memory_space<vmem>>[vector<16xi32>, vector<16xi32>], vector<16xf32>,
      %broadcast_in_dim3A_70 = arith.constant 8 : i32
      %broadcast_in_dim3A_71 = vector.broadcast %broadcast_in_dim3A_70 : i32 to vector<16xi32>
      %gather3A_72 = tpu.vector_load_idx %arg14[%add3A_63, %broadcast_in_dim3A_71] : memref<80x16xf32, #tpu.memory_space<vmem>>[vector<16xi32>, vector<16xi32>], vector<16xf32>,
      %add3A_73 = arith.addf %gather3A, %gather3A_72 : vector<16xf32>
      %broadcast_in_dim3A_74 = arith.constant 0 : i32
      %broadcast_in_dim3A_75 = vector.broadcast %broadcast_in_dim3A_74 : i32 to vector<16xi32>
      %gather3A_76 = tpu.vector_load_idx %arg17[%get3A_68, %broadcast_in_dim3A_75] : memref<4x8xf32, #tpu.memory_space<vmem>>[vector<16xi32>, vector<16xi32>], vector<16xf32>,
      %add3A_77 = arith.addf %add3A_73, %gather3A_76 : vector<16xf32>
      %ge3A = arith.constant 0.000000e+00 : f32
      %ge3A_78 = vector.broadcast %ge3A : f32 to vector<16xf32>
      %ge3A_79 = arith.cmpf oge, %add3A_77, %ge3A_78 : vector<16xf32>
      %mul3A_80 = arith.constant 2.000000e-01 : f32
      %mul3A_81 = vector.broadcast %mul3A_80 : f32 to vector<16xf32>
      %mul3A_82 = arith.mulf %mul3A_81, %add3A_77 : vector<16xf32>
      %select_n3A = arith.select %ge3A_79, %add3A_77, %mul3A_82 : vector<16xi1>, vector<16xf32>
      %broadcast_in_dim3A_83 = arith.constant 0 : i32
      %broadcast_in_dim3A_84 = vector.broadcast %broadcast_in_dim3A_83 : i32 to vector<16xi32>
      %exp3A = math.exp %select_n3A : vector<16xf32>
      tpu.vector_store_idx %arg18[%add3A_63, %broadcast_in_dim3A_84], %exp3A : memref<80x8xf32, #tpu.memory_space<vmem>>[vector<16xi32>, vector<16xi32>], vector<16xf32>,
      %broadcast_in_dim3A_85 = arith.constant 1 : i32
      %broadcast_in_dim3A_86 = vector.broadcast %broadcast_in_dim3A_85 : i32 to vector<16xi32>
      %gather3A_87 = tpu.vector_load_idx %arg13[%add3A_63, %broadcast_in_dim3A_86] : memref<80x16xf32, #tpu.memory_space<vmem>>[vector<16xi32>, vector<16xi32>], vector<16xf32>,
      %broadcast_in_dim3A_88 = arith.constant 9 : i32
      %broadcast_in_dim3A_89 = vector.broadcast %broadcast_in_dim3A_88 : i32 to vector<16xi32>
      %gather3A_90 = tpu.vector_load_idx %arg14[%add3A_63, %broadcast_in_dim3A_89] : memref<80x16xf32, #tpu.memory_space<vmem>>[vector<16xi32>, vector<16xi32>], vector<16xf32>,
      %add3A_91 = arith.addf %gather3A_87, %gather3A_90 : vector<16xf32>
      %broadcast_in_dim3A_92 = arith.constant 1 : i32
      %broadcast_in_dim3A_93 = vector.broadcast %broadcast_in_dim3A_92 : i32 to vector<16xi32>
      %gather3A_94 = tpu.vector_load_idx %arg17[%get3A_68, %broadcast_in_dim3A_93] : memref<4x8xf32, #tpu.memory_space<vmem>>[vector<16xi32>, vector<16xi32>], vector<16xf32>,
      %add3A_95 = arith.addf %add3A_91, %gather3A_94 : vector<16xf32>
      %ge3A_96 = arith.constant 0.000000e+00 : f32
      %ge3A_97 = vector.broadcast %ge3A_96 : f32 to vector<16xf32>
      %ge3A_98 = arith.cmpf oge, %add3A_95, %ge3A_97 : vector<16xf32>
      %mul3A_99 = arith.constant 2.000000e-01 : f32
      %mul3A_100 = vector.broadcast %mul3A_99 : f32 to vector<16xf32>
      %mul3A_101 = arith.mulf %mul3A_100, %add3A_95 : vector<16xf32>
      %select_n3A_102 = arith.select %ge3A_98, %add3A_95, %mul3A_101 : vector<16xi1>, vector<16xf32>
      %broadcast_in_dim3A_103 = arith.constant 1 : i32
      %broadcast_in_dim3A_104 = vector.broadcast %broadcast_in_dim3A_103 : i32 to vector<16xi32>
      %exp3A_105 = math.exp %select_n3A_102 : vector<16xf32>
      tpu.vector_store_idx %arg18[%add3A_63, %broadcast_in_dim3A_104], %exp3A_105 : memref<80x8xf32, #tpu.memory_space<vmem>>[vector<16xi32>, vector<16xi32>], vector<16xf32>,
      %broadcast_in_dim3A_106 = arith.constant 2 : i32
      %broadcast_in_dim3A_107 = vector.broadcast %broadcast_in_dim3A_106 : i32 to vector<16xi32>
      %gather3A_108 = tpu.vector_load_idx %arg13[%add3A_63, %broadcast_in_dim3A_107] : memref<80x16xf32, #tpu.memory_space<vmem>>[vector<16xi32>, vector<16xi32>], vector<16xf32>,
      %broadcast_in_dim3A_109 = arith.constant 10 : i32
      %broadcast_in_dim3A_110 = vector.broadcast %broadcast_in_dim3A_109 : i32 to vector<16xi32>
      %gather3A_111 = tpu.vector_load_idx %arg14[%add3A_63, %broadcast_in_dim3A_110] : memref<80x16xf32, #tpu.memory_space<vmem>>[vector<16xi32>, vector<16xi32>], vector<16xf32>,
      %add3A_112 = arith.addf %gather3A_108, %gather3A_111 : vector<16xf32>
      %broadcast_in_dim3A_113 = arith.constant 2 : i32
      %broadcast_in_dim3A_114 = vector.broadcast %broadcast_in_dim3A_113 : i32 to vector<16xi32>
      %gather3A_115 = tpu.vector_load_idx %arg17[%get3A_68, %broadcast_in_dim3A_114] : memref<4x8xf32, #tpu.memory_space<vmem>>[vector<16xi32>, vector<16xi32>], vector<16xf32>,
      %add3A_116 = arith.addf %add3A_112, %gather3A_115 : vector<16xf32>
      %ge3A_117 = arith.constant 0.000000e+00 : f32
      %ge3A_118 = vector.broadcast %ge3A_117 : f32 to vector<16xf32>
      %ge3A_119 = arith.cmpf oge, %add3A_116, %ge3A_118 : vector<16xf32>
      %mul3A_120 = arith.constant 2.000000e-01 : f32
      %mul3A_121 = vector.broadcast %mul3A_120 : f32 to vector<16xf32>
      %mul3A_122 = arith.mulf %mul3A_121, %add3A_116 : vector<16xf32>
      %select_n3A_123 = arith.select %ge3A_119, %add3A_116, %mul3A_122 : vector<16xi1>, vector<16xf32>
      %broadcast_in_dim3A_124 = arith.constant 2 : i32
      %broadcast_in_dim3A_125 = vector.broadcast %broadcast_in_dim3A_124 : i32 to vector<16xi32>
      %exp3A_126 = math.exp %select_n3A_123 : vector<16xf32>
      tpu.vector_store_idx %arg18[%add3A_63, %broadcast_in_dim3A_125], %exp3A_126 : memref<80x8xf32, #tpu.memory_space<vmem>>[vector<16xi32>, vector<16xi32>], vector<16xf32>,
      %broadcast_in_dim3A_127 = arith.constant 3 : i32
      %broadcast_in_dim3A_128 = vector.broadcast %broadcast_in_dim3A_127 : i32 to vector<16xi32>
      %gather3A_129 = tpu.vector_load_idx %arg13[%add3A_63, %broadcast_in_dim3A_128] : memref<80x16xf32, #tpu.memory_space<vmem>>[vector<16xi32>, vector<16xi32>], vector<16xf32>,
      %broadcast_in_dim3A_130 = arith.constant 11 : i32
      %broadcast_in_dim3A_131 = vector.broadcast %broadcast_in_dim3A_130 : i32 to vector<16xi32>
      %gather3A_132 = tpu.vector_load_idx %arg14[%add3A_63, %broadcast_in_dim3A_131] : memref<80x16xf32, #tpu.memory_space<vmem>>[vector<16xi32>, vector<16xi32>], vector<16xf32>,
      %add3A_133 = arith.addf %gather3A_129, %gather3A_132 : vector<16xf32>
      %broadcast_in_dim3A_134 = arith.constant 3 : i32
      %broadcast_in_dim3A_135 = vector.broadcast %broadcast_in_dim3A_134 : i32 to vector<16xi32>
      %gather3A_136 = tpu.vector_load_idx %arg17[%get3A_68, %broadcast_in_dim3A_135] : memref<4x8xf32, #tpu.memory_space<vmem>>[vector<16xi32>, vector<16xi32>], vector<16xf32>,
      %add3A_137 = arith.addf %add3A_133, %gather3A_136 : vector<16xf32>
      %ge3A_138 = arith.constant 0.000000e+00 : f32
      %ge3A_139 = vector.broadcast %ge3A_138 : f32 to vector<16xf32>
      %ge3A_140 = arith.cmpf oge, %add3A_137, %ge3A_139 : vector<16xf32>
      %mul3A_141 = arith.constant 2.000000e-01 : f32
      %mul3A_142 = vector.broadcast %mul3A_141 : f32 to vector<16xf32>
      %mul3A_143 = arith.mulf %mul3A_142, %add3A_137 : vector<16xf32>
      %select_n3A_144 = arith.select %ge3A_140, %add3A_137, %mul3A_143 : vector<16xi1>, vector<16xf32>
      %broadcast_in_dim3A_145 = arith.constant 3 : i32
      %broadcast_in_dim3A_146 = vector.broadcast %broadcast_in_dim3A_145 : i32 to vector<16xi32>
      %exp3A_147 = math.exp %select_n3A_144 : vector<16xf32>
      tpu.vector_store_idx %arg18[%add3A_63, %broadcast_in_dim3A_146], %exp3A_147 : memref<80x8xf32, #tpu.memory_space<vmem>>[vector<16xi32>, vector<16xi32>], vector<16xf32>,
      %broadcast_in_dim3A_148 = arith.constant 4 : i32
      %broadcast_in_dim3A_149 = vector.broadcast %broadcast_in_dim3A_148 : i32 to vector<16xi32>
      %gather3A_150 = tpu.vector_load_idx %arg13[%add3A_63, %broadcast_in_dim3A_149] : memref<80x16xf32, #tpu.memory_space<vmem>>[vector<16xi32>, vector<16xi32>], vector<16xf32>,
      %broadcast_in_dim3A_151 = arith.constant 12 : i32
      %broadcast_in_dim3A_152 = vector.broadcast %broadcast_in_dim3A_151 : i32 to vector<16xi32>
      %gather3A_153 = tpu.vector_load_idx %arg14[%add3A_63, %broadcast_in_dim3A_152] : memref<80x16xf32, #tpu.memory_space<vmem>>[vector<16xi32>, vector<16xi32>], vector<16xf32>,
      %add3A_154 = arith.addf %gather3A_150, %gather3A_153 : vector<16xf32>
      %broadcast_in_dim3A_155 = arith.constant 4 : i32
      %broadcast_in_dim3A_156 = vector.broadcast %broadcast_in_dim3A_155 : i32 to vector<16xi32>
      %gather3A_157 = tpu.vector_load_idx %arg17[%get3A_68, %broadcast_in_dim3A_156] : memref<4x8xf32, #tpu.memory_space<vmem>>[vector<16xi32>, vector<16xi32>], vector<16xf32>,
      %add3A_158 = arith.addf %add3A_154, %gather3A_157 : vector<16xf32>
      %ge3A_159 = arith.constant 0.000000e+00 : f32
      %ge3A_160 = vector.broadcast %ge3A_159 : f32 to vector<16xf32>
      %ge3A_161 = arith.cmpf oge, %add3A_158, %ge3A_160 : vector<16xf32>
      %mul3A_162 = arith.constant 2.000000e-01 : f32
      %mul3A_163 = vector.broadcast %mul3A_162 : f32 to vector<16xf32>
      %mul3A_164 = arith.mulf %mul3A_163, %add3A_158 : vector<16xf32>
      %select_n3A_165 = arith.select %ge3A_161, %add3A_158, %mul3A_164 : vector<16xi1>, vector<16xf32>
      %broadcast_in_dim3A_166 = arith.constant 4 : i32
      %broadcast_in_dim3A_167 = vector.broadcast %broadcast_in_dim3A_166 : i32 to vector<16xi32>
      %exp3A_168 = math.exp %select_n3A_165 : vector<16xf32>
      tpu.vector_store_idx %arg18[%add3A_63, %broadcast_in_dim3A_167], %exp3A_168 : memref<80x8xf32, #tpu.memory_space<vmem>>[vector<16xi32>, vector<16xi32>], vector<16xf32>,
      %broadcast_in_dim3A_169 = arith.constant 5 : i32
      %broadcast_in_dim3A_170 = vector.broadcast %broadcast_in_dim3A_169 : i32 to vector<16xi32>
      %gather3A_171 = tpu.vector_load_idx %arg13[%add3A_63, %broadcast_in_dim3A_170] : memref<80x16xf32, #tpu.memory_space<vmem>>[vector<16xi32>, vector<16xi32>], vector<16xf32>,
      %broadcast_in_dim3A_172 = arith.constant 13 : i32
      %broadcast_in_dim3A_173 = vector.broadcast %broadcast_in_dim3A_172 : i32 to vector<16xi32>
      %gather3A_174 = tpu.vector_load_idx %arg14[%add3A_63, %broadcast_in_dim3A_173] : memref<80x16xf32, #tpu.memory_space<vmem>>[vector<16xi32>, vector<16xi32>], vector<16xf32>,
      %add3A_175 = arith.addf %gather3A_171, %gather3A_174 : vector<16xf32>
      %broadcast_in_dim3A_176 = arith.constant 5 : i32
      %broadcast_in_dim3A_177 = vector.broadcast %broadcast_in_dim3A_176 : i32 to vector<16xi32>
      %gather3A_178 = tpu.vector_load_idx %arg17[%get3A_68, %broadcast_in_dim3A_177] : memref<4x8xf32, #tpu.memory_space<vmem>>[vector<16xi32>, vector<16xi32>], vector<16xf32>,
      %add3A_179 = arith.addf %add3A_175, %gather3A_178 : vector<16xf32>
      %ge3A_180 = arith.constant 0.000000e+00 : f32
      %ge3A_181 = vector.broadcast %ge3A_180 : f32 to vector<16xf32>
      %ge3A_182 = arith.cmpf oge, %add3A_179, %ge3A_181 : vector<16xf32>
      %mul3A_183 = arith.constant 2.000000e-01 : f32
      %mul3A_184 = vector.broadcast %mul3A_183 : f32 to vector<16xf32>
      %mul3A_185 = arith.mulf %mul3A_184, %add3A_179 : vector<16xf32>
      %select_n3A_186 = arith.select %ge3A_182, %add3A_179, %mul3A_185 : vector<16xi1>, vector<16xf32>
      %broadcast_in_dim3A_187 = arith.constant 5 : i32
      %broadcast_in_dim3A_188 = vector.broadcast %broadcast_in_dim3A_187 : i32 to vector<16xi32>
      %exp3A_189 = math.exp %select_n3A_186 : vector<16xf32>
      tpu.vector_store_idx %arg18[%add3A_63, %broadcast_in_dim3A_188], %exp3A_189 : memref<80x8xf32, #tpu.memory_space<vmem>>[vector<16xi32>, vector<16xi32>], vector<16xf32>,
      %broadcast_in_dim3A_190 = arith.constant 6 : i32
      %broadcast_in_dim3A_191 = vector.broadcast %broadcast_in_dim3A_190 : i32 to vector<16xi32>
      %gather3A_192 = tpu.vector_load_idx %arg13[%add3A_63, %broadcast_in_dim3A_191] : memref<80x16xf32, #tpu.memory_space<vmem>>[vector<16xi32>, vector<16xi32>], vector<16xf32>,
      %broadcast_in_dim3A_193 = arith.constant 14 : i32
      %broadcast_in_dim3A_194 = vector.broadcast %broadcast_in_dim3A_193 : i32 to vector<16xi32>
      %gather3A_195 = tpu.vector_load_idx %arg14[%add3A_63, %broadcast_in_dim3A_194] : memref<80x16xf32, #tpu.memory_space<vmem>>[vector<16xi32>, vector<16xi32>], vector<16xf32>,
      %add3A_196 = arith.addf %gather3A_192, %gather3A_195 : vector<16xf32>
      %broadcast_in_dim3A_197 = arith.constant 6 : i32
      %broadcast_in_dim3A_198 = vector.broadcast %broadcast_in_dim3A_197 : i32 to vector<16xi32>
      %gather3A_199 = tpu.vector_load_idx %arg17[%get3A_68, %broadcast_in_dim3A_198] : memref<4x8xf32, #tpu.memory_space<vmem>>[vector<16xi32>, vector<16xi32>], vector<16xf32>,
      %add3A_200 = arith.addf %add3A_196, %gather3A_199 : vector<16xf32>
      %ge3A_201 = arith.constant 0.000000e+00 : f32
      %ge3A_202 = vector.broadcast %ge3A_201 : f32 to vector<16xf32>
      %ge3A_203 = arith.cmpf oge, %add3A_200, %ge3A_202 : vector<16xf32>
      %mul3A_204 = arith.constant 2.000000e-01 : f32
      %mul3A_205 = vector.broadcast %mul3A_204 : f32 to vector<16xf32>
      %mul3A_206 = arith.mulf %mul3A_205, %add3A_200 : vector<16xf32>
      %select_n3A_207 = arith.select %ge3A_203, %add3A_200, %mul3A_206 : vector<16xi1>, vector<16xf32>
      %broadcast_in_dim3A_208 = arith.constant 6 : i32
      %broadcast_in_dim3A_209 = vector.broadcast %broadcast_in_dim3A_208 : i32 to vector<16xi32>
      %exp3A_210 = math.exp %select_n3A_207 : vector<16xf32>
      tpu.vector_store_idx %arg18[%add3A_63, %broadcast_in_dim3A_209], %exp3A_210 : memref<80x8xf32, #tpu.memory_space<vmem>>[vector<16xi32>, vector<16xi32>], vector<16xf32>,
      %broadcast_in_dim3A_211 = arith.constant 7 : i32
      %broadcast_in_dim3A_212 = vector.broadcast %broadcast_in_dim3A_211 : i32 to vector<16xi32>
      %gather3A_213 = tpu.vector_load_idx %arg13[%add3A_63, %broadcast_in_dim3A_212] : memref<80x16xf32, #tpu.memory_space<vmem>>[vector<16xi32>, vector<16xi32>], vector<16xf32>,
      %broadcast_in_dim3A_214 = arith.constant 15 : i32
      %broadcast_in_dim3A_215 = vector.broadcast %broadcast_in_dim3A_214 : i32 to vector<16xi32>
      %gather3A_216 = tpu.vector_load_idx %arg14[%add3A_63, %broadcast_in_dim3A_215] : memref<80x16xf32, #tpu.memory_space<vmem>>[vector<16xi32>, vector<16xi32>], vector<16xf32>,
      %add3A_217 = arith.addf %gather3A_213, %gather3A_216 : vector<16xf32>
      %broadcast_in_dim3A_218 = arith.constant 7 : i32
      %broadcast_in_dim3A_219 = vector.broadcast %broadcast_in_dim3A_218 : i32 to vector<16xi32>
      %gather3A_220 = tpu.vector_load_idx %arg17[%get3A_68, %broadcast_in_dim3A_219] : memref<4x8xf32, #tpu.memory_space<vmem>>[vector<16xi32>, vector<16xi32>], vector<16xf32>,
      %add3A_221 = arith.addf %add3A_217, %gather3A_220 : vector<16xf32>
      %ge3A_222 = arith.constant 0.000000e+00 : f32
      %ge3A_223 = vector.broadcast %ge3A_222 : f32 to vector<16xf32>
      %ge3A_224 = arith.cmpf oge, %add3A_221, %ge3A_223 : vector<16xf32>
      %mul3A_225 = arith.constant 2.000000e-01 : f32
      %mul3A_226 = vector.broadcast %mul3A_225 : f32 to vector<16xf32>
      %mul3A_227 = arith.mulf %mul3A_226, %add3A_221 : vector<16xf32>
      %select_n3A_228 = arith.select %ge3A_224, %add3A_221, %mul3A_227 : vector<16xi1>, vector<16xf32>
      %broadcast_in_dim3A_229 = arith.constant 7 : i32
      %broadcast_in_dim3A_230 = vector.broadcast %broadcast_in_dim3A_229 : i32 to vector<16xi32>
      %exp3A_231 = math.exp %select_n3A_228 : vector<16xf32>
      tpu.vector_store_idx %arg18[%add3A_63, %broadcast_in_dim3A_230], %exp3A_231 : memref<80x8xf32, #tpu.memory_space<vmem>>[vector<16xi32>, vector<16xi32>], vector<16xf32>,
    }
    %scan3A_45 = arith.constant 5 : i32
    %dma_start3A_46 = arith.constant 0 : i32
    %dma_start3A_47 = tpu.memref_slice %arg8[%add3A_39, %dma_start3A_46] : memref<320000x8xf32, #tpu.memory_space<hbm>> -> memref<80x8xf32, #tpu.memory_space<hbm>>
    %dma_start3A_48 = arith.constant 0 : i32
    %dma_start3A_49 = tpu.memref_slice %arg8[%add3A_39, %dma_start3A_48] : memref<320000x8xf32, #tpu.memory_space<hbm>> -> memref<80x8xf32, #tpu.memory_space<hbm>>
    tpu.enqueue_dma source(%arg18 : memref<80x8xf32, #tpu.memory_space<vmem>>) target(%dma_start3A_49 : memref<80x8xf32, #tpu.memory_space<hbm>>) target_semaphore(%arg22 : memref<!tpu.dma_semaphore, #tpu.memory_space<semaphore_mem>>)
    %run_scoped3A = arith.constant 124 : i32
    "tpu.region"() ({
      %run_scoped3A_59 = tpu.sem_alloc : memref<!tpu.dma_semaphore, #tpu.memory_space<semaphore_mem>>
      %dma_start3A_60 = arith.constant 0 : i32
      %dma_start3A_61 = tpu.memref_slice %arg11[%run_scoped3A, %dma_start3A_60] : memref<125x80xi32, #tpu.memory_space<vmem>> -> memref<1x80xi32, #tpu.memory_space<vmem>>
      %dma_start3A_62 = tpu.memref_squeeze %dma_start3A_61 : memref<1x80xi32, #tpu.memory_space<vmem>> -> memref<80xi32, #tpu.memory_space<vmem>>
      %dma_start3A_63 = arith.constant 0 : i32
      %dma_start3A_64 = arith.constant 0 : i32
      %dma_start3A_65 = tpu.memref_slice %arg19[%dma_start3A_63, %dma_start3A_64] : memref<10240x8xf32, #tpu.memory_space<vmem_shared>> -> memref<10240x8xf32, #tpu.memory_space<vmem_shared>>
      tpu.enqueue_indirect_dma source(%arg18 : memref<80x8xf32, #tpu.memory_space<vmem>>) target(%dma_start3A_65 : memref<10240x8xf32, #tpu.memory_space<vmem_shared>>) offsets(%dma_start3A_62 : memref<80xi32, #tpu.memory_space<vmem>>) semaphore(%run_scoped3A_59 : memref<!tpu.dma_semaphore, #tpu.memory_space<semaphore_mem>>) {add = true}
      %dma_wait3A_66 = arith.constant 0 : i32
      %dma_wait3A_67 = tpu.memref_slice %arg11[%run_scoped3A, %dma_wait3A_66] : memref<125x80xi32, #tpu.memory_space<vmem>> -> memref<1x80xi32, #tpu.memory_space<vmem>>
      %dma_wait3A_68 = tpu.memref_squeeze %dma_wait3A_67 : memref<1x80xi32, #tpu.memory_space<vmem>> -> memref<80xi32, #tpu.memory_space<vmem>>
      %dma_wait3A_69 = arith.constant 0 : i32
      %dma_wait3A_70 = arith.constant 0 : i32
      %dma_wait3A_71 = tpu.memref_slice %arg19[%dma_wait3A_69, %dma_wait3A_70] : memref<10240x8xf32, #tpu.memory_space<vmem_shared>> -> memref<10240x8xf32, #tpu.memory_space<vmem_shared>>
      tpu.wait_indirect_dma semaphore(%run_scoped3A_59 : memref<!tpu.dma_semaphore, #tpu.memory_space<semaphore_mem>>) src(%arg18 : memref<80x8xf32, #tpu.memory_space<vmem>>) dst(%dma_wait3A_71 : memref<10240x8xf32, #tpu.memory_space<vmem_shared>>)
      tpu.yield
    }) : () -> ()
    %dma_wait3A_50 = arith.constant 0 : i32
    %dma_wait3A_51 = tpu.memref_slice %arg8[%add3A_39, %dma_wait3A_50] : memref<320000x8xf32, #tpu.memory_space<hbm>> -> memref<80x8xf32, #tpu.memory_space<hbm>>
    %dma_wait3A_52 = arith.constant 0 : i32
    %dma_wait3A_53 = tpu.memref_slice %arg8[%add3A_39, %dma_wait3A_52] : memref<320000x8xf32, #tpu.memory_space<hbm>> -> memref<80x8xf32, #tpu.memory_space<hbm>>
    tpu.wait_dma2 semaphore(%arg22 : memref<!tpu.dma_semaphore, #tpu.memory_space<semaphore_mem>>) src(%arg18 : memref<80x8xf32, #tpu.memory_space<vmem>>) dst(%dma_wait3A_53 : memref<80x8xf32, #tpu.memory_space<hbm>>)
    %barrier3A_54 = arith.constant 0 : index
    tpu.barrier barrier_id(%barrier3A_54)
    %mul3A_55 = arith.constant 640 : i32
    %mul3A_56 = arith.muli %arg1, %mul3A_55 : i32
    %mul3A_57 = arith.constant 640 : i32
    %mul3A_58 = arith.muli %arg1, %mul3A_57 : i32
    "tpu.region"() ({
      %run_scoped3A_59 = tpu.sem_alloc : memref<!tpu.dma_semaphore, #tpu.memory_space<semaphore_mem>>
      %dma_start3A_60 = arith.constant 0 : i32
      %dma_start3A_61 = tpu.memref_slice %arg9[%arg0, %mul3A_58, %dma_start3A_60] : memref<2x10240x8xf32, #tpu.memory_space<hbm>> -> memref<1x640x8xf32, #tpu.memory_space<hbm>>
      %dma_start3A_62 = tpu.memref_squeeze %dma_start3A_61 : memref<1x640x8xf32, #tpu.memory_space<hbm>> -> memref<640x8xf32, #tpu.memory_space<hbm>>
      %dma_start3A_63 = arith.constant 0 : i32
      %dma_start3A_64 = tpu.memref_slice %arg19[%mul3A_56, %dma_start3A_63] : memref<10240x8xf32, #tpu.memory_space<vmem_shared>> -> memref<640x8xf32, #tpu.memory_space<vmem_shared>>
      tpu.enqueue_dma source(%dma_start3A_64 : memref<640x8xf32, #tpu.memory_space<vmem_shared>>) target(%dma_start3A_62 : memref<640x8xf32, #tpu.memory_space<hbm>>) target_semaphore(%run_scoped3A_59 : memref<!tpu.dma_semaphore, #tpu.memory_space<semaphore_mem>>)
      %dma_wait3A_65 = arith.constant 0 : i32
      %dma_wait3A_66 = tpu.memref_slice %arg9[%arg0, %mul3A_58, %dma_wait3A_65] : memref<2x10240x8xf32, #tpu.memory_space<hbm>> -> memref<1x640x8xf32, #tpu.memory_space<hbm>>
      %dma_wait3A_67 = tpu.memref_squeeze %dma_wait3A_66 : memref<1x640x8xf32, #tpu.memory_space<hbm>> -> memref<640x8xf32, #tpu.memory_space<hbm>>
      %dma_wait3A_68 = arith.constant 0 : i32
      %dma_wait3A_69 = tpu.memref_slice %arg19[%mul3A_56, %dma_wait3A_68] : memref<10240x8xf32, #tpu.memory_space<vmem_shared>> -> memref<640x8xf32, #tpu.memory_space<vmem_shared>>
      tpu.wait_dma2 semaphore(%run_scoped3A_59 : memref<!tpu.dma_semaphore, #tpu.memory_space<semaphore_mem>>) src(%dma_wait3A_69 : memref<640x8xf32, #tpu.memory_space<vmem_shared>>) dst(%dma_wait3A_67 : memref<640x8xf32, #tpu.memory_space<hbm>>)
      tpu.yield
    }) : () -> ()
    return
  }
}

module attributes {stable_mosaic.version = 14 : i64} {
  func.func @_tc_proj_body(%arg0: i32, %arg1: memref<400x128xf32, #tpu.memory_space<vmem>>, %arg2: memref<128x128xf32, #tpu.memory_space<vmem>>, %arg3: memref<3x128x16xf32, #tpu.memory_space<vmem>>, %arg4: memref<400x1xi32, #tpu.memory_space<vmem>>, %arg5: memref<8x16xf32, #tpu.memory_space<vmem>>, %arg6: memref<16x128xf32, #tpu.memory_space<vmem>>, %arg7: memref<8x128xf32, #tpu.memory_space<vmem>>, %arg8: memref<128x128xf32, #tpu.memory_space<vmem>>, %arg9: memref<400x128xf32, #tpu.memory_space<vmem>>, %arg10: memref<400x16xf32, #tpu.memory_space<vmem>>, %arg11: memref<8x128xf32, #tpu.memory_space<vmem>>) attributes {dimension_semantics = [#tpu.dimension_semantics<arbitrary>], iteration_bounds = array<i64: 25>, scalar_prefetch = 0 : i64, scratch_operands = 0 : i64, tpu.core_type = #tpu.core_type<tc>, window_params = [{transform_indices = @transform_0, window_bounds = array<i64: 400, 128>}, {pipeline_mode = #tpu.pipeline_mode<synchronous>, transform_indices = @transform_1, window_bounds = array<i64: 128, 128>}, {pipeline_mode = #tpu.pipeline_mode<synchronous>, transform_indices = @transform_2, window_bounds = array<i64: 3, 128, 16>}, {transform_indices = @transform_3, window_bounds = array<i64: 400, 1>}, {pipeline_mode = #tpu.pipeline_mode<synchronous>, transform_indices = @transform_4, window_bounds = array<i64: 8, 16>}, {pipeline_mode = #tpu.pipeline_mode<synchronous>, transform_indices = @transform_5, window_bounds = array<i64: 16, 128>}, {pipeline_mode = #tpu.pipeline_mode<synchronous>, transform_indices = @transform_6, window_bounds = array<i64: 8, 128>}, {pipeline_mode = #tpu.pipeline_mode<synchronous>, transform_indices = @transform_7, window_bounds = array<i64: 128, 128>}, {transform_indices = @transform_8, window_bounds = array<i64: 400, 128>}, {transform_indices = @transform_9, window_bounds = array<i64: 400, 16>}, {pipeline_mode = #tpu.pipeline_mode<synchronous>, transform_indices = @transform_10, window_bounds = array<i64: 8, 128>}]} {
    %get3A = arith.constant 0 : index
    %get3A_0 = arith.constant 0 : index
    %get3A_1 = vector.load %arg1[%get3A, %get3A_0] : memref<400x128xf32, #tpu.memory_space<vmem>>, vector<400x128xf32>
    %get3A_2 = arith.constant 0 : index
    %get3A_3 = arith.constant 0 : index
    %get3A_4 = vector.load %arg2[%get3A_2, %get3A_3] : memref<128x128xf32, #tpu.memory_space<vmem>>, vector<128x128xf32>
    %dot_general3A = arith.constant dense<0.000000e+00> : vector<400x128xf32>
    %dot_general3A_5 = tpu.matmul %get3A_1, %get3A_4, %dot_general3A {dimension_numbers = #tpu.dot_dimension_numbers<[1], [0], [0], [1], [0, 0, 1, 1], [], []>, transpose_lhs_hint = false} : vector<400x128xf32>, vector<128x128xf32>, vector<400x128xf32> -> vector<400x128xf32>
    %swap3A = arith.constant 0 : index
    %swap3A_6 = arith.constant 0 : index
    %swap3A_7 = vector.load %arg9[%swap3A, %swap3A_6] : memref<400x128xf32, #tpu.memory_space<vmem>>, vector<400x128xf32>
    tpu.vector_store %arg9[%swap3A, %swap3A_6], %dot_general3A_5 {strides = array<i32>} : memref<400x128xf32, #tpu.memory_space<vmem>>, vector<400x128xf32>,
    %get3A_8 = arith.constant 0 : index
    %get3A_9 = arith.constant 0 : index
    %get3A_10 = vector.load %arg4[%get3A_8, %get3A_9] : memref<400x1xi32, #tpu.memory_space<vmem>>, vector<400x1xi32>
    %broadcast_in_dim3A = arith.constant 0.000000e+00 : f32
    %broadcast_in_dim3A_11 = vector.broadcast %broadcast_in_dim3A : f32 to vector<400x16xf32>
    %get3A_12 = arith.constant 0 : index
    %get3A_13 = arith.constant 0 : index
    %get3A_14 = arith.constant 0 : index
    %get3A_15 = vector.load %arg3[%get3A_12, %get3A_13, %get3A_14] : memref<3x128x16xf32, #tpu.memory_space<vmem>>, vector<1x128x16xf32>
    %get3A_16 = vector.shape_cast %get3A_15 : vector<1x128x16xf32> to vector<128x16xf32>
    %dot_general3A_17 = arith.constant dense<0.000000e+00> : vector<400x16xf32>
    %dot_general3A_18 = tpu.matmul %dot_general3A_5, %get3A_16, %dot_general3A_17 {dimension_numbers = #tpu.dot_dimension_numbers<[1], [0], [0], [1], [0, 0, 1, 1], [], []>, transpose_lhs_hint = false} : vector<400x128xf32>, vector<128x16xf32>, vector<400x16xf32> -> vector<400x16xf32>
    %eq3A = arith.constant 0 : i32
    %eq3A_19 = vector.broadcast %eq3A : i32 to vector<400x1xi32>
    %eq3A_20 = arith.cmpi eq, %get3A_10, %eq3A_19 : vector<400x1xi32>
    %jit3A = arith.constant 0.000000e+00 : f32
    %broadcast_in_dim3A_21 = vector.shape_cast %eq3A_20 : vector<400x1xi1> to vector<400x1xi1>
    %broadcast_in_dim3A_22 = vector.broadcast %broadcast_in_dim3A_21 : vector<400x1xi1> to vector<400x16xi1>
    %broadcast_in_dim3A_23 = vector.broadcast %jit3A : f32 to vector<400x16xf32>
    %select_n3A = arith.select %broadcast_in_dim3A_22, %dot_general3A_18, %broadcast_in_dim3A_23 : vector<400x16xi1>, vector<400x16xf32>
    %add3A = arith.addf %broadcast_in_dim3A_11, %select_n3A : vector<400x16xf32>
    %get3A_24 = arith.constant 1 : index
    %get3A_25 = arith.constant 0 : index
    %get3A_26 = arith.constant 0 : index
    %get3A_27 = vector.load %arg3[%get3A_24, %get3A_25, %get3A_26] : memref<3x128x16xf32, #tpu.memory_space<vmem>>, vector<1x128x16xf32>
    %get3A_28 = vector.shape_cast %get3A_27 : vector<1x128x16xf32> to vector<128x16xf32>
    %dot_general3A_29 = arith.constant dense<0.000000e+00> : vector<400x16xf32>
    %dot_general3A_30 = tpu.matmul %dot_general3A_5, %get3A_28, %dot_general3A_29 {dimension_numbers = #tpu.dot_dimension_numbers<[1], [0], [0], [1], [0, 0, 1, 1], [], []>, transpose_lhs_hint = false} : vector<400x128xf32>, vector<128x16xf32>, vector<400x16xf32> -> vector<400x16xf32>
    %eq3A_31 = arith.constant 1 : i32
    %eq3A_32 = vector.broadcast %eq3A_31 : i32 to vector<400x1xi32>
    %eq3A_33 = arith.cmpi eq, %get3A_10, %eq3A_32 : vector<400x1xi32>
    %jit3A_34 = arith.constant 0.000000e+00 : f32
    %broadcast_in_dim3A_35 = vector.shape_cast %eq3A_33 : vector<400x1xi1> to vector<400x1xi1>
    %broadcast_in_dim3A_36 = vector.broadcast %broadcast_in_dim3A_35 : vector<400x1xi1> to vector<400x16xi1>
    %broadcast_in_dim3A_37 = vector.broadcast %jit3A_34 : f32 to vector<400x16xf32>
    %select_n3A_38 = arith.select %broadcast_in_dim3A_36, %dot_general3A_30, %broadcast_in_dim3A_37 : vector<400x16xi1>, vector<400x16xf32>
    %add3A_39 = arith.addf %add3A, %select_n3A_38 : vector<400x16xf32>
    %get3A_40 = arith.constant 2 : index
    %get3A_41 = arith.constant 0 : index
    %get3A_42 = arith.constant 0 : index
    %get3A_43 = vector.load %arg3[%get3A_40, %get3A_41, %get3A_42] : memref<3x128x16xf32, #tpu.memory_space<vmem>>, vector<1x128x16xf32>
    %get3A_44 = vector.shape_cast %get3A_43 : vector<1x128x16xf32> to vector<128x16xf32>
    %dot_general3A_45 = arith.constant dense<0.000000e+00> : vector<400x16xf32>
    %dot_general3A_46 = tpu.matmul %dot_general3A_5, %get3A_44, %dot_general3A_45 {dimension_numbers = #tpu.dot_dimension_numbers<[1], [0], [0], [1], [0, 0, 1, 1], [], []>, transpose_lhs_hint = false} : vector<400x128xf32>, vector<128x16xf32>, vector<400x16xf32> -> vector<400x16xf32>
    %eq3A_47 = arith.constant 2 : i32
    %eq3A_48 = vector.broadcast %eq3A_47 : i32 to vector<400x1xi32>
    %eq3A_49 = arith.cmpi eq, %get3A_10, %eq3A_48 : vector<400x1xi32>
    %jit3A_50 = arith.constant 0.000000e+00 : f32
    %broadcast_in_dim3A_51 = vector.shape_cast %eq3A_49 : vector<400x1xi1> to vector<400x1xi1>
    %broadcast_in_dim3A_52 = vector.broadcast %broadcast_in_dim3A_51 : vector<400x1xi1> to vector<400x16xi1>
    %broadcast_in_dim3A_53 = vector.broadcast %jit3A_50 : f32 to vector<400x16xf32>
    %select_n3A_54 = arith.select %broadcast_in_dim3A_52, %dot_general3A_46, %broadcast_in_dim3A_53 : vector<400x16xi1>, vector<400x16xf32>
    %add3A_55 = arith.addf %add3A_39, %select_n3A_54 : vector<400x16xf32>
    %swap3A_56 = arith.constant 0 : index
    %swap3A_57 = arith.constant 0 : index
    %swap3A_58 = vector.load %arg10[%swap3A_56, %swap3A_57] : memref<400x16xf32, #tpu.memory_space<vmem>>, vector<400x16xf32>
    tpu.vector_store %arg10[%swap3A_56, %swap3A_57], %add3A_55 {strides = array<i32>} : memref<400x16xf32, #tpu.memory_space<vmem>>, vector<400x16xf32>,
    %eq3A_59 = arith.constant 0 : i32
    %eq3A_60 = arith.cmpi eq, %arg0, %eq3A_59 : i32
    %convert_element_type3A = arith.extui %eq3A_60 : i1 to i32
    %cond3A = arith.constant 0 : i32
    %cond3A_61 = arith.cmpi ne, %convert_element_type3A, %cond3A : i32
    scf.if %cond3A_61 {
      %get3A_62 = arith.constant 0 : index
      %get3A_63 = arith.constant 0 : index
      %get3A_64 = vector.load %arg5[%get3A_62, %get3A_63] : memref<8x16xf32, #tpu.memory_space<vmem>>, vector<8x16xf32>
      %get3A_65 = arith.constant 0 : index
      %get3A_66 = arith.constant 0 : index
      %get3A_67 = vector.load %arg6[%get3A_65, %get3A_66] : memref<16x128xf32, #tpu.memory_space<vmem>>, vector<16x128xf32>
      %dot_general3A_68 = arith.constant dense<0.000000e+00> : vector<8x128xf32>
      %dot_general3A_69 = tpu.matmul %get3A_64, %get3A_67, %dot_general3A_68 {dimension_numbers = #tpu.dot_dimension_numbers<[1], [0], [0], [1], [0, 0, 1, 1], [], []>, transpose_lhs_hint = false} : vector<8x16xf32>, vector<16x128xf32>, vector<8x128xf32> -> vector<8x128xf32>
      %get3A_70 = arith.constant 0 : index
      %get3A_71 = arith.constant 0 : index
      %get3A_72 = vector.load %arg7[%get3A_70, %get3A_71] : memref<8x128xf32, #tpu.memory_space<vmem>>, vector<8x128xf32>
      %mul3A = arith.mulf %dot_general3A_69, %get3A_72 : vector<8x128xf32>
      %get3A_73 = arith.constant 0 : index
      %get3A_74 = arith.constant 0 : index
      %get3A_75 = vector.load %arg8[%get3A_73, %get3A_74] : memref<128x128xf32, #tpu.memory_space<vmem>>, vector<128x128xf32>
      %dot_general3A_76 = arith.constant dense<0.000000e+00> : vector<8x128xf32>
      %dot_general3A_77 = tpu.matmul %mul3A, %get3A_75, %dot_general3A_76 {dimension_numbers = #tpu.dot_dimension_numbers<[1], [0], [0], [1], [0, 0, 1, 1], [], []>, transpose_lhs_hint = false} : vector<8x128xf32>, vector<128x128xf32>, vector<8x128xf32> -> vector<8x128xf32>
      %swap3A_78 = arith.constant 0 : index
      %swap3A_79 = arith.constant 0 : index
      %swap3A_80 = vector.load %arg11[%swap3A_78, %swap3A_79] : memref<8x128xf32, #tpu.memory_space<vmem>>, vector<8x128xf32>
      tpu.vector_store %arg11[%swap3A_78, %swap3A_79], %dot_general3A_77 {strides = array<i32>} : memref<8x128xf32, #tpu.memory_space<vmem>>, vector<8x128xf32>,
    } else {
    }
    return
  }
  func.func @transform_0(%arg0: i32) -> (i32, i32) {
    %c0_i32 = arith.constant 0 : i32
    %c0_i32_0 = arith.constant 0 : i32
    return %arg0, %c0_i32 : i32, i32
  }
  func.func @transform_1(%arg0: i32) -> (i32, i32) {
    %c0_i32 = arith.constant 0 : i32
    %c0_i32_0 = arith.constant 0 : i32
    %c0_i32_1 = arith.constant 0 : i32
    return %c0_i32, %c0_i32_0 : i32, i32
  }
  func.func @transform_2(%arg0: i32) -> (i32, i32, i32) {
    %c0_i32 = arith.constant 0 : i32
    %c0_i32_0 = arith.constant 0 : i32
    %c0_i32_1 = arith.constant 0 : i32
    %c0_i32_2 = arith.constant 0 : i32
    return %c0_i32, %c0_i32_0, %c0_i32_1 : i32, i32, i32
  }
  func.func @transform_3(%arg0: i32) -> (i32, i32) {
    %c0_i32 = arith.constant 0 : i32
    %c0_i32_0 = arith.constant 0 : i32
    return %arg0, %c0_i32 : i32, i32
  }
  func.func @transform_4(%arg0: i32) -> (i32, i32) {
    %c0_i32 = arith.constant 0 : i32
    %c0_i32_0 = arith.constant 0 : i32
    %c0_i32_1 = arith.constant 0 : i32
    return %c0_i32, %c0_i32_0 : i32, i32
  }
  func.func @transform_5(%arg0: i32) -> (i32, i32) {
    %c0_i32 = arith.constant 0 : i32
    %c0_i32_0 = arith.constant 0 : i32
    %c0_i32_1 = arith.constant 0 : i32
    return %c0_i32, %c0_i32_0 : i32, i32
  }
  func.func @transform_6(%arg0: i32) -> (i32, i32) {
    %c0_i32 = arith.constant 0 : i32
    %c0_i32_0 = arith.constant 0 : i32
    %c0_i32_1 = arith.constant 0 : i32
    return %c0_i32, %c0_i32_0 : i32, i32
  }
  func.func @transform_7(%arg0: i32) -> (i32, i32) {
    %c0_i32 = arith.constant 0 : i32
    %c0_i32_0 = arith.constant 0 : i32
    %c0_i32_1 = arith.constant 0 : i32
    return %c0_i32, %c0_i32_0 : i32, i32
  }
  func.func @transform_8(%arg0: i32) -> (i32, i32) {
    %c0_i32 = arith.constant 0 : i32
    %c0_i32_0 = arith.constant 0 : i32
    return %arg0, %c0_i32 : i32, i32
  }
  func.func @transform_9(%arg0: i32) -> (i32, i32) {
    %c0_i32 = arith.constant 0 : i32
    %c0_i32_0 = arith.constant 0 : i32
    return %arg0, %c0_i32 : i32, i32
  }
  func.func @transform_10(%arg0: i32) -> (i32, i32) {
    %c0_i32 = arith.constant 0 : i32
    %c0_i32_0 = arith.constant 0 : i32
    %c0_i32_1 = arith.constant 0 : i32
    return %c0_i32, %c0_i32_0 : i32, i32
  }
}

module attributes {stable_mosaic.version = 14 : i64} {
  func.func @_tc_inv_body(%arg0: i32, %arg1: memref<2x1280x8xf32, #tpu.memory_space<vmem>>, %arg2: memref<1280x8xf32, #tpu.memory_space<vmem>>) attributes {dimension_semantics = [#tpu.dimension_semantics<arbitrary>], iteration_bounds = array<i64: 8>, scalar_prefetch = 0 : i64, scratch_operands = 0 : i64, tpu.core_type = #tpu.core_type<tc>, window_params = [{transform_indices = @transform_0, window_bounds = array<i64: 2, 1280, 8>}, {transform_indices = @transform_1, window_bounds = array<i64: 1280, 8>}]} {
    %get3A = arith.constant 0 : index
    %get3A_0 = arith.constant 0 : index
    %get3A_1 = arith.constant 0 : index
    %get3A_2 = vector.load %arg1[%get3A, %get3A_0, %get3A_1] : memref<2x1280x8xf32, #tpu.memory_space<vmem>>, vector<1x1280x8xf32>
    %get3A_3 = vector.shape_cast %get3A_2 : vector<1x1280x8xf32> to vector<1280x8xf32>
    %get3A_4 = arith.constant 1 : index
    %get3A_5 = arith.constant 0 : index
    %get3A_6 = arith.constant 0 : index
    %get3A_7 = vector.load %arg1[%get3A_4, %get3A_5, %get3A_6] : memref<2x1280x8xf32, #tpu.memory_space<vmem>>, vector<1x1280x8xf32>
    %get3A_8 = vector.shape_cast %get3A_7 : vector<1x1280x8xf32> to vector<1280x8xf32>
    %add3A = arith.addf %get3A_3, %get3A_8 : vector<1280x8xf32>
    %max3A = arith.constant 1.000000e-16 : f32
    %max3A_9 = vector.broadcast %max3A : f32 to vector<1280x8xf32>
    %max3A_10 = arith.maximumf %add3A, %max3A_9 : vector<1280x8xf32>
    %div3A = arith.constant 1.000000e+00 : f32
    %div3A_11 = vector.broadcast %div3A : f32 to vector<1280x8xf32>
    %div3A_12 = arith.divf %div3A_11, %max3A_10 : vector<1280x8xf32>
    %swap3A = arith.constant 0 : index
    %swap3A_13 = arith.constant 0 : index
    %swap3A_14 = vector.load %arg2[%swap3A, %swap3A_13] : memref<1280x8xf32, #tpu.memory_space<vmem>>, vector<1280x8xf32>
    tpu.vector_store %arg2[%swap3A, %swap3A_13], %div3A_12 {strides = array<i32>} : memref<1280x8xf32, #tpu.memory_space<vmem>>, vector<1280x8xf32>,
    return
  }
  func.func @transform_0(%arg0: i32) -> (i32, i32, i32) {
    %c0_i32 = arith.constant 0 : i32
    %c0_i32_0 = arith.constant 0 : i32
    %c0_i32_1 = arith.constant 0 : i32
    return %c0_i32, %arg0, %c0_i32_0 : i32, i32, i32
  }
  func.func @transform_1(%arg0: i32) -> (i32, i32) {
    %c0_i32 = arith.constant 0 : i32
    %c0_i32_0 = arith.constant 0 : i32
    return %arg0, %c0_i32 : i32, i32
  }
}

module attributes {stable_mosaic.version = 14 : i64} {
  func.func @_tc_add_body(%arg0: i32, %arg1: memref<2x400x128xf32, #tpu.memory_space<vmem>>, %arg2: memref<400x128xf32, #tpu.memory_space<vmem>>) attributes {dimension_semantics = [#tpu.dimension_semantics<arbitrary>], iteration_bounds = array<i64: 25>, scalar_prefetch = 0 : i64, scratch_operands = 0 : i64, tpu.core_type = #tpu.core_type<tc>, window_params = [{transform_indices = @transform_0, window_bounds = array<i64: 2, 400, 128>}, {transform_indices = @transform_1, window_bounds = array<i64: 400, 128>}]} {
    %get3A = arith.constant 0 : index
    %get3A_0 = arith.constant 0 : index
    %get3A_1 = arith.constant 0 : index
    %get3A_2 = vector.load %arg1[%get3A, %get3A_0, %get3A_1] : memref<2x400x128xf32, #tpu.memory_space<vmem>>, vector<1x400x128xf32>
    %get3A_3 = vector.shape_cast %get3A_2 : vector<1x400x128xf32> to vector<400x128xf32>
    %get3A_4 = arith.constant 1 : index
    %get3A_5 = arith.constant 0 : index
    %get3A_6 = arith.constant 0 : index
    %get3A_7 = vector.load %arg1[%get3A_4, %get3A_5, %get3A_6] : memref<2x400x128xf32, #tpu.memory_space<vmem>>, vector<1x400x128xf32>
    %get3A_8 = vector.shape_cast %get3A_7 : vector<1x400x128xf32> to vector<400x128xf32>
    %add3A = arith.addf %get3A_3, %get3A_8 : vector<400x128xf32>
    %swap3A = arith.constant 0 : index
    %swap3A_9 = arith.constant 0 : index
    %swap3A_10 = vector.load %arg2[%swap3A, %swap3A_9] : memref<400x128xf32, #tpu.memory_space<vmem>>, vector<400x128xf32>
    tpu.vector_store %arg2[%swap3A, %swap3A_9], %add3A {strides = array<i32>} : memref<400x128xf32, #tpu.memory_space<vmem>>, vector<400x128xf32>,
    return
  }
  func.func @transform_0(%arg0: i32) -> (i32, i32, i32) {
    %c0_i32 = arith.constant 0 : i32
    %c0_i32_0 = arith.constant 0 : i32
    %c0_i32_1 = arith.constant 0 : i32
    return %c0_i32, %arg0, %c0_i32_0 : i32, i32, i32
  }
  func.func @transform_1(%arg0: i32) -> (i32, i32) {
    %c0_i32 = arith.constant 0 : i32
    %c0_i32_0 = arith.constant 0 : i32
    return %arg0, %c0_i32 : i32, i32
  }
}

</mosaic_0001>

<sc_bundles>
// kernel: kernel.10.cloned.1.call-start
scs
__scs_entry_jumppad:
0x0: {  	(pc) =	sbr.rel $0x88, $3  }
0x1: {  	(tag) =	ssettag $0x0;
	lr =	simm.s32 $0x1  }
0x2: {  	[smem:$0x3F97] =	sst lr;
	_ =	strace $0xD0000000  }
0x3: {  	_ = 	snop  }
0x4: {  	_ = 	snop  }
0x5: {  	_ = 	snop  }
0x6: {  	_ = 	snop  }
0x7: {  	_ = 	snop  }
__scs_overlays_trampoline_lowered:
0x8: {  	[smem:$0x3FA6] =	sst s0  }
0x9: {  	[smem:$0x3FA7] =	sst s1  }
0xa: {  	[smem:$0x3FA8] =	sst s2  }
0xb: {  	[smem:$0x3FA9] =	sst s3  }
0xc: {  	[smem:$0x3FAA] =	sst s4  }
0xd: {  	[smem:$0x3FAB] =	sst s5  }
0xe: {  	[smem:$0x3FAC] =	sst s6  }
0xf: {  	[smem:$0x3FAD] =	sst s7  }
0x10: {  	[smem:$0x3FAE] =	sst s8  }
0x11: {  	[smem:$0x3FAF] =	sst s9;
	s0 =	simm.s32 @!p0 $0x0  }
0x12: {  	s1 =	sld [smem:$0x3F95];
	s0 =	simm.s32 @p0 $0x1  }
0x13: {  	[smem:$0x3FB0] =	sst s0;
	s0 =	simm.s32 @!p1 $0x0  }
0x14: {  	s2 =	sld [smem:$0x3F94];
	s0 =	simm.s32 @p1 $0x1  }
0x15: {  	[smem:$0x3FB1] =	sst s0;
	s0 =	simm.s32 @!p2 $0x0  }
0x16: {  	s3 =	sld [smem:$0x3FDB];
	s0 =	simm.s32 @p2 $0x1  }
0x17: {  	s4 =	simm.s32 $0x1BF5;
	[smem:$0x3FB3] =	sst s0  }
0x18: {  	s0 =	sld [smem:$0x3F96];
	_ =	swait.ge [sflag:s4], $0x0  }
0x19: {  	s7 =	sld [smem:$0x3F97]  }
0x1a: {  	s8 =	sadd.s32 $0xFFFFE003, lr  }
0x1b: {  	s9 =	sadd.s32 $0xFFFFFEF7, lr;
	s5 =	simm.s32 $0xFFFFFFFF;
	p2 =	slt.u32 s8, $0xFFFFF086  }
0x1c: {  	p1 =	slt.u32 s9, $0xF7A;
	s5 =	simm.s32 @!p2 $0x0  }
0x1d: {  	s5 =	simm.s32 @p1 $0x1;
	p0 =	seq.s32 s7, s2  }
0x1e: {  	s7 =	smul.u32 @!p0 $0xF7A, s2;
	p2 =	seq.s32 @!p0 s5, $0x0  }
0x1f: {  	s9 =	smul.u32 $0xF7A, s1;
	s8 =	simm.s32 @!p0 $0x1BF5;
	p2 =	por !p2, p0  }
0x20: {  	[sflag:s8] =	ssyncset.s32 @!p0 $0xFFFFF086;
	s6 =	sadd.s32 @!p0 s3, s7;
	s7 =	simm.s32 @!p0 $0x108  }
0x21: {  	s3 =	sadd.s32 s3, s9;
	s6 =	sadd.s32 @!p0 $0x88, s6;
	s7 =	simm.s32 @p2 $0x1082  }
0x22: {  	[simem:s7], [sflag:s8] =	dma.local @!p0 [hbm:s6], $0xF7A  }
0x23: {  	s9 =	sor.u32 $0xD0000000, s2;
	s6 =	simm.s32 $0x108;
	_ =	swait.ge @!p0 [sflag:s8], $0x0  }
0x24: {  	s3 =	sadd.s32 $0x88, s3;
	s6 =	simm.s32 @!p1 $0x1082;
	[sflag:s4] =	ssyncset.s32 $0xFFFFF086  }
0x25: {  	[simem:s6], [sflag:s4] =	dma.local [hbm:s3], $0xF7A  }
0x26: {  	[smem:$0x3F97] =	sst s1;
	(tag) =	ssettag s2;
	_ =	strace s9  }
0x27: {  	s1 =	sld [smem:$0x3FA7]  }
0x28: {  	s2 =	sld [smem:$0x3FA8]  }
0x29: {  	s4 =	sld [smem:$0x3FAA]  }
0x2a: {  	p0 =	seq.s32 s5, $0x0;
	s5 =	sld [smem:$0x3FAB]  }
0x2b: {  	s6 =	sld [smem:$0x3FAC]  }
0x2c: {  	s7 =	sld [smem:$0x3FAD]  }
0x2d: {  	s3 =	simm.s32 $0x108;
	s8 =	sld [smem:$0x3FAE]  }
0x2e: {  	s3 =	simm.s32 @!p0 $0x1082;
	s9 =	sld [smem:$0x3FAF]  }
0x2f: {  	lr =	sadd.s32 s0, s3;
	s0 =	sld [smem:$0x3FA6]  }
0x30: {  	s3 =	sld [smem:$0x3FA9]  }
0x31: {  	[smem:$0x3FB2] =	sst s10  }
0x32: {  	s10 =	sld [smem:$0x3FB0];
	_ =	sdelay $0x3  }
0x33: {  	p0 =	seq.s32 s10, $0x1;
	s10 =	sld [smem:$0x3FB2];
	_ =	sdelay $0x3  }
0x34: {  	[smem:$0x3FB2] =	sst s10  }
0x35: {  	s10 =	sld [smem:$0x3FB1];
	_ =	sdelay $0x3  }
0x36: {  	p1 =	seq.s32 s10, $0x1;
	s10 =	sld [smem:$0x3FB2];
	_ =	sdelay $0x3  }
0x37: {  	[smem:$0x3FB2] =	sst s10  }
0x38: {  	s10 =	sld [smem:$0x3FB3]  }
0x39: {  	_ = 	snop;
	(pc) =	sbr.ind lr, $3  }
0x3a: {  	_ = 	snop  }
0x3b: {  	_ = 	snop  }
0x3c: {  	p2 =	seq.s32 s10, $0x1;
	s10 =	sld [smem:$0x3FB2]  }
0x3d: {  	_ =	shalt  }
0x3e: {  	_ =	shalt  }
0x3f: {  	_ =	shalt  }
0x40: {  	_ =	shalt  }
0x41: {  	_ =	shalt  }
0x42: {  	_ =	shalt  }
0x43: {  	_ =	shalt  }
0x44: {  	_ =	shalt  }
0x45: {  	_ =	shalt  }
0x46: {  	_ =	shalt  }
0x47: {  	_ =	shalt  }
0x48: {  	_ =	shalt  }
0x49: {  	_ =	shalt  }
0x4a: {  	_ =	shalt  }
0x4b: {  	_ =	shalt  }
0x4c: {  	_ =	shalt  }
0x4d: {  	_ =	shalt  }
0x4e: {  	_ =	shalt  }
0x4f: {  	_ =	shalt  }
0x50: {  	_ =	shalt  }
0x51: {  	_ =	shalt  }
0x52: {  	_ =	shalt  }
0x53: {  	_ =	shalt  }
0x54: {  	_ =	shalt  }
0x55: {  	_ =	shalt  }
0x56: {  	_ =	shalt  }
0x57: {  	_ =	shalt  }
0x58: {  	_ =	shalt  }
0x59: {  	_ =	shalt  }
0x5a: {  	_ =	shalt  }
0x5b: {  	_ =	shalt  }
0x5c: {  	_ =	shalt  }
0x5d: {  	_ =	shalt  }
0x5e: {  	_ =	shalt  }
0x5f: {  	_ =	shalt  }
0x60: {  	_ =	shalt  }
0x61: {  	_ =	shalt  }
0x62: {  	_ =	shalt  }
0x63: {  	_ =	shalt  }
0x64: {  	_ =	shalt  }
0x65: {  	_ =	shalt  }
0x66: {  	_ =	shalt  }
0x67: {  	_ =	shalt  }
0x68: {  	_ =	shalt  }
0x69: {  	_ =	shalt  }
0x6a: {  	_ =	shalt  }
0x6b: {  	_ =	shalt  }
0x6c: {  	_ =	shalt  }
0x6d: {  	_ =	shalt  }
0x6e: {  	_ =	shalt  }
0x6f: {  	_ =	shalt  }
0x70: {  	_ =	shalt  }
0x71: {  	_ =	shalt  }
0x72: {  	_ =	shalt  }
0x73: {  	_ =	shalt  }
0x74: {  	_ =	shalt  }
0x75: {  	_ =	shalt  }
0x76: {  	_ =	shalt  }
0x77: {  	_ =	shalt  }
0x78: {  	_ =	shalt  }
0x79: {  	_ =	shalt  }
0x7a: {  	_ =	shalt  }
0x7b: {  	_ =	shalt  }
0x7c: {  	_ =	shalt  }
0x7d: {  	_ =	shalt  }
0x7e: {  	_ =	shalt  }
0x7f: {  	_ =	shalt  }
0x80: {  	_ =	shalt  }
0x81: {  	_ =	shalt  }
0x82: {  	_ =	shalt  }
0x83: {  	_ =	shalt  }
0x84: {  	_ =	shalt  }
0x85: {  	_ =	shalt  }
0x86: {  	_ =	shalt  }
0x87: {  	_ =	shalt  }
.Lfunc_end0:
.L_simem_size_0:
called_computation.1_lowered:
.L_overlay_start_0:
0x88: {  	s2 =	sld [smem:$0x3FD9]  }
0x89: {  	s3 =	sld [smem:$0x3FFE];
	_ =	sdelay $0x1  }
0x8a: {  	s1 =	srdreg.scid  }
0x8b: {  	s0 =	sand.u32 $0x1, s1  }
0x8c: {  	s14 =	sshll.u32 s0, $0xA;
	s2 =	sadd.s32 s3, s2  }
0x8d: {  	s2 =	sadd.s32 s2, s14  }
0x8e: {  	[smem:$0x3FBE] =	sst s2  }
0x8f: {  	_ = 	snop  }
0x90: {  	s2 =	sld [smem:$0x3FD0];
	_ =	sdelay $0x2  }
0x91: {  	s15 =	simm.s32 $0xA;
	s4 =	simm.s32 $0x10  }
0x92: {  	[smem:s4], [sflag:s15] =	dma.local [hbm:s2], $0x1  }
0x93: {  	_ =	swait.eq [sflag:s15], $0x1  }
0x94: {  	[sflag:s15] =	ssyncset.done $0x0  }
0x95: {  	s16 =	sld [smem:$0x10];
	[sflag:s15] =	ssyncadd.s32 $0xFFFFFFFF  }
0x96: {  	s17 =	sld [smem:$0x11];
	(tm) =	ssettm $0x1  }
0x97: {  	s18 =	sld [smem:$0x3FFB];
	_ =	sdelay $0x3  }
0x98: {  	_ =	strace s18  }
0x99: {  	s4 =	sld [smem:$0x3FFC];
	_ =	sdelay $0x3  }
0x9a: {  	_ =	strace s4  }
0x9b: {  	s4 =	sld [smem:$0x3FFD];
	_ =	sdelay $0x3  }
0x9c: {  	_ =	strace s4  }
0x9d: {  	_ =	strace $0x8FFFFFFF  }
0x9e: {  	s19 =	sld [smem:$0x3FDB];
	_ =	sdelay $0x1  }
0x9f: {  	s5 =	simm.s32 $_scs_section_size  }
0xa0: {  	s6 =	simm.s32 $_size__tile_overlayer_lowered;
	s7 =	simm.s32 $_tile_overlayer_lowered  }
0xa1: {  	s22 =	simm.s32 $0x1BFF;
	s21 =	sshll.u32 s7, $0x1;
	s4 =	sadd.s32 s5, s19  }
0xa2: {  	s8 =	simm.s32 $0x0;
	s20 =	sshll.u32 s6, $0x1;
	s6 =	sadd.s32 s21, s4  }
0xa3: {  	[timem:s8], [sflag:s22] =	dma.local [hbm:s6], s20  }
0xa4: {  	_ =	swait.ge [sflag:s22], s20  }
0xa5: {  	s5 =	ssub.s32 $0x0, s20;
	[sflag:s22] =	ssyncset.done $0x0  }
0xa6: {  	[sflag:s22] =	ssyncadd.s32 s5;
	_ =	sdelay $0x1  }
0xa7: {  	s23 =	simm.s32 $0x1B8B  }
0xa8: {  	_ =	swait.ge [sflag:s23], $0x1  }
0xa9: {  	[sflag:s23] =	ssyncset.done $0x0  }
0xaa: {  	s25 =	simm.s32 $0x1B8E;
	s24 =	sld [smem:$0x3FFE];
	[sflag:s23] =	ssyncadd.s32 $0xFFFFFFFF  }
0xab: {  	s26 =	simm.s32 $execute0_lowered;
	[smem:$0x3FD2] =	sst s25  }
0xac: {  	s6 =	sshll.u32 s26, $0x1;
	_ =	strace $0x80000049;
	[dreg:$0x1] =	wrdreg $0xFFFFFFFF  }
0xad: {  	s28 =	simm.s32 $_size_execute0_lowered;
	s4 =	sadd.s32 s4, s6;
	[dreg:$0x0] =	wrdreg $0x0  }
0xae: {  	s6 =	sshll.u32 s28, $0x1;
	[dreg:$0x2] =	wrdreg s4  }
0xaf: {  	[dreg:$0x3] =	wrdreg s6  }
0xb0: {  	[dreg:$0x4] =	wrdreg $0xC0  }
0xb1: {  	_ =	task [dreg:s8], $0x5FFFF  }
0xb2: {  	[dreg:$0x1] =	wrdreg $0xFFFFFFFF  }
0xb3: {  	[dreg:$0x0] =	wrdreg $0x60  }
0xb4: {  	[dreg:$0x2] =	wrdreg s24  }
0xb5: {  	[dreg:$0x3] =	wrdreg s16  }
0xb6: {  	[dreg:$0x4] =	wrdreg s17  }
0xb7: {  	[dreg:$0x5] =	wrdreg $0xAAA00  }
0xb8: {  	[dreg:$0x6] =	wrdreg $0x9  }
0xb9: {  	_ =	task.clear_ibuf [dreg:s8], $0x7FFFF;
	_ =	strace $0x90000049  }
0xba: {  	s29 =	simm.s32 $0x9;
	_ =	strace $0x8000004B  }
0xbb: {  	_ =	swait.ge [sflag:s29], $0x1  }
0xbc: {  	[sflag:s29] =	ssyncadd.s32 $0xFFFFFFFF  }
0xbd: {  	_ =	strace $0x9000004B  }
0xbe: {  	_ =	sfence  }
0xbf: {  	s30 =	sld [smem:$0x0];
	_ =	sdelay $0x2  }
0xc0: {  	s31 =	sshll.u32 s1, $0xD;
	s1 =	sshrl.u32 s1, $0x2  }
0xc1: {  	s3 =	sand.u32 $0x4000, s31;
	s1 =	sadd.s32 s1, s30  }
0xc2: {  	s0 =	sor.u32 s3, s0;
	s1 =	sshll.u32 s1, $0x11  }
0xc3: {  	s0 =	sor.u32 s1, s0  }
0xc4: {  	s0 =	sadd.s32 $0x8F2B, s0  }
0xc5: {  	[sflag:s0] =	ssyncadd.remote.s32 $0x1  }
0xc6: {  	_ =	sfence.sel $0xFFFF  }
0xc7: {  	[dreg:$0x0] =	wrdreg $0xFFFFFFFF;
	(pc) =	sbr.abs _section_cstart, $3  }
0xc8: {  	[dreg:$0x1] =	wrdreg $0xFFFFFFFF  }
0xc9: {  	_ =	task.clear_ibuf [dreg:s8], $0x2FFFF;
	_ =	strace $0x9FFFFFFF  }
0xca: {  	(tm) =	ssettm $0x7FFFFFFF  }
0xcb: {  	_ =	shalt  }
tec
execute0_lowered:
.L_overlay_start_1:
0x0: {  	(tag) =	ssettag $0x1  }
0x1: {  	s0 =	rddreg [dreg:$0x0];
	s2 =	srdreg.scid  }
0x2: {  	s8 =	stileid.u32;
	s1 =	rddreg [dreg:$0x1]  }
0x3: {  	s3 =	rddreg [dreg:$0x2];
	s6 =	simm.s32 $0x0;
	s28 =	simm.s32 $0x50  }
0x4: {  	s29 =	simm.s32 $0x4E20;
	s30 =	simm.s32 $0x50A0;
	s31 =	simm.s32 $0x8020  }
0x5: {  	s2 =	sand.u32 $0x1, s2;
	s4 =	sshll.u32 s8, $0x1;
	s9 =	smul.u32 $0x14000, s8  }
0x6: {  	[smem:$0x7FF] =	sst s6;
	s13 =	smul.u32 $0x50000, s8;
	s8 =	sadd.s32 $0x15C00, s0  }
0x7: {  	s10 =	sor.u32 s2, s4;
	s4 =	rddreg [dreg:$0x3];
	s11 =	smul.u32 $0x140000, s2  }
0x8: {  	_ =	strace $0x8000004A;
	s2 =	ssub.s32 $0x2, s2;
	s5 =	smul.u32 $0x2710, s10  }
0x9: {  	s13 =	sshrl.u32 s13, $0x2;
	s16 =	sshrl.u32 s2, $0x1;
	s10 =	smul.u32 $0x13880, s10  }
0xa: {  	s11 =	sadd.s32 s9, s11;
	s13 =	sadd.s32 s13, s4;
	s2 =	ssub.s32 s2, s16  }
0xb: {  	s9 =	sadd.s32 s9, s4;
	s7 =	sshrl.u32 s5, $0x3;
	s17 =	sadd.s32 $0x2800, s13  }
0xc: {  	s11 =	sshrl.u32 s11, $0x3;
	s18 =	sadd.s32 $0x5000, s13;
	[dreg:$0x5] =	wrdreg s17  }
0xd: {  	s19 =	sadd.s32 $0x7800, s13;
	s20 =	sadd.s32 $0xA000, s13;
	[dreg:$0x6] =	wrdreg s18  }
0xe: {  	s21 =	sadd.s32 $0xC800, s13;
	s22 =	sadd.s32 $0xF000, s13;
	[dreg:$0x7] =	wrdreg s19  }
0xf: {  	s23 =	sadd.s32 $0x11800, s13;
	s10 =	sshrl.u32 s10, $0x3;
	[dreg:$0x8] =	wrdreg s20  }
0x10: {  	s26 =	smax.u32 s2, $0x1;
	s2 =	simm.s32 $0x7B20;
	[dreg:$0x9] =	wrdreg s21  }
0x11: {  	s12 =	sadd.s32 s7, s0;
	s7 =	sadd.s32 $0x1D600, s0;
	[dreg:$0xa] =	wrdreg s22  }
0x12: {  	v2 =	vlaneseq.u32;
	s0 =	sadd.s32 s11, s0;
	[dreg:$0xb] =	wrdreg s23;
	s10 =	sadd.s32 s3, s10  }
0x13: {  	v0 =	vand.u32 $0x1, v2;
	s20 =	sadd.s32 s3, s5;
	[dreg:$0x10] =	wrdreg s26;
	s24 =	sadd.s32 $0xBE00, s12  }
0x14: {  	v0 =	vmul.u32 $0x8, v0;
	s11 =	simm.s32 $0xA820;
	s25 =	sadd.s32 $0x2000, s12;
	[dreg:$0xc] =	wrdreg s24  }
0x15: {  	s26 =	simm.s32 $0x2;
	s10 =	sadd.s32 $0x26C0, s10;
	[dreg:$0xd] =	wrdreg s25  }
0x16: {  	v1 =	vimm.f32 $0.0e+00;
	v2 =	vmul.u32 $0x8, v2;
	v3 =	vor.u32 $0x1, v0;
	s19 =	sadd.s32 s7, s5;
	s0 =	sadd.s32 $0x6B800, s0;
	[dreg:$0xe] =	wrdreg s10  }
0x17: {  	v4 =	vor.u32 $0x2, v0;
	v5 =	vor.u32 $0x3, v0;
	v6 =	vor.u32 $0x4, v0;
	s12 =	simm.s32 $0x3;
	[dreg:$0xf] =	wrdreg s0;
	s24 =	simm.s32 $0x5320  }
0x18: {  	v7 =	vor.u32 $0x5, v0;
	v8 =	vor.u32 $0x6, v0;
	v9 =	vor.u32 $0x7, v0;
	s25 =	simm.s32 $0x4;
	s0 =	simm.s32 $0x7DA0;
	s10 =	simm.s32 $0x1  }
.LBB2_1:
0x19: {  	s13 =	simm.s32 $0x0;
	s14 =	simm.s32 $0x200  }
.LBB2_2:
0x1a: {  	p0 =	sne.s32 s14, $0x9E00;
	[tilespmem:s13+$0x5390] =	vst v1  }
0x1b: {  	[tilespmem:s13+$0x5320] =	vst v1  }
0x1c: {  	[tilespmem:s13+$0x5330] =	vst v1  }
.Ltmp0:
0x1d: {  	[tilespmem:s13+$0x5340] =	vst v1;
	(pc) =	sbr.rel @p0 .LBB2_2-.Ltmp0, $4  }
0x1e: {  	[tilespmem:s13+$0x5350] =	vst v1  }
0x1f: {  	[tilespmem:s13+$0x5360] =	vst v1  }
0x20: {  	[tilespmem:s13+$0x5370] =	vst v1  }
0x21: {  	[tilespmem:s13+$0x5380] =	vst v1;
	s13 =	sshra.s32 s14, $0x2;
	s14 =	sadd.s32 $0x200, s14  }
0x22: {  	[tilespmem:s13+$0x5390] =	vst v1  }
0x23: {  	[tilespmem:s13+$0x5320] =	vst v1  }
0x24: {  	[tilespmem:s13+$0x5330] =	vst v1  }
0x25: {  	[tilespmem:s13+$0x5340] =	vst v1  }
0x26: {  	[tilespmem:s13+$0x5350] =	vst v1  }
0x27: {  	[tilespmem:s13+$0x5360] =	vst v1  }
0x28: {  	[tilespmem:s13+$0x5370] =	vst v1  }
0x29: {  	[tilespmem:s13+$0x5380] =	vst v1  }
0x2a: {  	[spmem:s9] =	stream.linear.scatter [tilespmem:s24], [sflag:$0x4], $0x2800, $0x38;
	[tilespmem:$0x1EAA0] =	vst v63  }
0x2b: {  	_ =	swait.ge [sflag:s25], $0x2800  }
0x2c: {  	[sflag:s25] =	ssyncset.done $0x0  }
0x2d: {  	s14 =	rddreg [dreg:$0x5];
	[sflag:s25] =	ssyncadd.s32 $0xFFFFD800  }
0x2e: {  	[spmem:s14] =	stream.linear.scatter [tilespmem:s24], [sflag:$0x4], $0x2800, $0x38;
	[tilespmem:$0x1EAA0] =	vst v63  }
0x2f: {  	_ =	swait.ge [sflag:s25], $0x2800  }
0x30: {  	[sflag:s25] =	ssyncset.done $0x0  }
0x31: {  	s15 =	rddreg [dreg:$0x6];
	[sflag:s25] =	ssyncadd.s32 $0xFFFFD800  }
0x32: {  	[spmem:s15] =	stream.linear.scatter [tilespmem:s24], [sflag:$0x4], $0x2800, $0x38;
	[tilespmem:$0x1EAA0] =	vst v63  }
0x33: {  	_ =	swait.ge [sflag:s25], $0x2800  }
0x34: {  	[sflag:s25] =	ssyncset.done $0x0  }
0x35: {  	s16 =	rddreg [dreg:$0x7];
	[sflag:s25] =	ssyncadd.s32 $0xFFFFD800  }
0x36: {  	[spmem:s16] =	stream.linear.scatter [tilespmem:s24], [sflag:$0x4], $0x2800, $0x38;
	[tilespmem:$0x1EAA0] =	vst v63  }
0x37: {  	_ =	swait.ge [sflag:s25], $0x2800  }
0x38: {  	[sflag:s25] =	ssyncset.done $0x0  }
0x39: {  	s17 =	rddreg [dreg:$0x8];
	[sflag:s25] =	ssyncadd.s32 $0xFFFFD800  }
0x3a: {  	[spmem:s17] =	stream.linear.scatter [tilespmem:s24], [sflag:$0x4], $0x2800, $0x38;
	[tilespmem:$0x1EAA0] =	vst v63  }
0x3b: {  	_ =	swait.ge [sflag:s25], $0x2800  }
0x3c: {  	[sflag:s25] =	ssyncset.done $0x0  }
0x3d: {  	s18 =	rddreg [dreg:$0x9];
	[sflag:s25] =	ssyncadd.s32 $0xFFFFD800  }
0x3e: {  	[spmem:s18] =	stream.linear.scatter [tilespmem:s24], [sflag:$0x4], $0x2800, $0x38;
	[tilespmem:$0x1EAA0] =	vst v63  }
0x3f: {  	_ =	swait.ge [sflag:s25], $0x2800  }
0x40: {  	[sflag:s25] =	ssyncset.done $0x0  }
0x41: {  	s21 =	rddreg [dreg:$0xa];
	[sflag:s25] =	ssyncadd.s32 $0xFFFFD800  }
0x42: {  	[spmem:s21] =	stream.linear.scatter [tilespmem:s24], [sflag:$0x4], $0x2800, $0x38;
	[tilespmem:$0x1EAA0] =	vst v63  }
0x43: {  	_ =	swait.ge [sflag:s25], $0x2800  }
0x44: {  	[sflag:s25] =	ssyncset.done $0x0  }
0x45: {  	s22 =	rddreg [dreg:$0xb];
	[sflag:s25] =	ssyncadd.s32 $0xFFFFD800  }
0x46: {  	[spmem:s22] =	stream.linear.scatter [tilespmem:s24], [sflag:$0x4], $0x2800, $0x38;
	[tilespmem:$0x1EAA0] =	vst v63  }
0x47: {  	_ =	swait.ge [sflag:s25], $0x2800  }
0x48: {  	[sflag:s25] =	ssyncset.done $0x0  }
0x49: {  	s13 =	simm.s32 $0x0;
	s14 =	rddreg [dreg:$0xc];
	[sflag:s25] =	ssyncadd.s32 $0xFFFFD800  }
0x4a: {  	[tilespmem:s13], [sflag:$0x4] =	stream.linear.gather [hbm4b:s14+s13], $0x2710, $0x38;
	[tilespmem:$0x1EAA0] =	vst v63  }
0x4b: {  	_ =	swait.ge [sflag:s25], $0x2710  }
0x4c: {  	[sflag:s25] =	ssyncset.done $0x0  }
0x4d: {  	s15 =	simm.s32 $0x2710;
	s23 =	rddreg [dreg:$0xd];
	[sflag:s25] =	ssyncadd.s32 $0xFFFFD8F0  }
0x4e: {  	[tilespmem:s15], [sflag:$0x4] =	stream.linear.gather [hbm4b:s23+s13], $0x2710, $0x38;
	[tilespmem:$0x1EAA0] =	vst v63  }
0x4f: {  	_ =	swait.ge [sflag:s25], $0x2710  }
0x50: {  	[sflag:s25] =	ssyncset.done $0x0  }
0x51: {  	[sflag:s25] =	ssyncadd.s32 $0xFFFFD8F0  }
0x52: {  	[bflag:$0x0] =	sbarrier.arrive $0xFFFF  }
0x53: {  	[tilespmem:s24], [sflag:$0x1] =	stream.indirect.gather [hbm4b:s1+s28], $0x80, s13, s28, $0xb8;
	[tilespmem:$0x1EAA0] =	vst v63  }
0x54: {  	_ = 	snop  }
0x55: {  	[tilespmem:s29], [sflag:$0x1] =	stream.linear.gather [hbm4b:s19+s13], $0x280, $0x38;
	[tilespmem:$0x1EAA0] =	vst v63  }
0x56: {  	s14 =	simm.s32 $0x0  }
0x57: {  	[tilespmem:s30], [sflag:$0x1] =	stream.indirect.gather [hbm4b:s8+s28], $0x8, s15, s28, $0xb8;
	[tilespmem:$0x1EAA0] =	vst v63  }
.LBB2_4:
0x58: {  	s17 =	smul.u32 $0xA0, s14;
	_ =	sdelay $0x1  }
0x59: {  	s15 =	sadd.s32 $0x50, s17  }
0x5a: {  	s16 =	sadd.s32 s5, s15  }
0x5b: {  	[tilespmem:s31], [sflag:$0x2] =	stream.indirect.gather [hbm4b:s1+s28], $0x80, s15, s28, $0xb8;
	[tilespmem:$0x1EAA0] =	vst v63  }
0x5c: {  	s23 =	sadd.s32 s7, s16  }
0x5d: {  	[tilespmem:s2], [sflag:$0x2] =	stream.linear.gather [hbm4b:s23+s13], $0x280, $0x38;
	[tilespmem:$0x1EAA0] =	vst v63  }
0x5e: {  	s15 =	sadd.s32 $0x2760, s17  }
0x5f: {  	[tilespmem:s0], [sflag:$0x2] =	stream.indirect.gather [hbm4b:s8+s28], $0x8, s15, s28, $0xb8;
	[tilespmem:$0x1EAA0] =	vst v63  }
0x60: {  	_ =	swait.ge [sflag:s10], $0x2800  }
0x61: {  	[sflag:s10] =	ssyncset.done $0x0  }
0x62: {  	v10 =	vmov s13;
	[sflag:s10] =	ssyncadd.s32 $0xFFFFD800  }
0x63: {  	v10 =	vshll.u32 v10, $0x3;
	_ =	swait.ge [sflag:s10], $0x280  }
0x64: {  	v10 =	vor.u32 v2, v10;
	[sflag:s10] =	ssyncset.done $0x0  }
0x65: {  	[sflag:s10] =	ssyncadd.s32 $0xFFFFFD80  }
0x66: {  	_ =	swait.ge [sflag:s10], $0x280  }
0x67: {  	[sflag:s10] =	ssyncset.done $0x0  }
0x68: {  	[sflag:s10] =	ssyncadd.s32 $0xFFFFFD80  }
0x69: {  	v11 =	vld.idx.msk [tilespmem:v10+s29+$0x0], $0xffff  }
0x6a: {  	v12 =	vld.idx.msk [tilespmem:v10+s30+$0x0], $0xffff  }
0x6b: {  	v13 =	vand.u32 $0x3F0, v10  }
0x6c: {  	v14 =	vor.u32 v0, v13  }
0x6d: {  	v15 =	vor.u32 $0x1, v10;
	_ =	sdelay $0x1  }
0x6e: {  	v11 =	vmul.f32 v12, v11;
	_ =	sdelay $0x1  }
0x6f: {  	[tilespmem:v14+s11+$0x0] =	vst.idx.msk $0xffff, v11  }
0x70: {  	v11 =	vld.idx.msk [tilespmem:v15+s29+$0x0], $0xffff  }
0x71: {  	v12 =	vld.idx.msk [tilespmem:v15+s30+$0x0], $0xffff;
	_ =	sdelay $0x1  }
0x72: {  	v14 =	vor.u32 v3, v13  }
0x73: {  	v15 =	vor.u32 $0x2, v10;
	_ =	sdelay $0x1  }
0x74: {  	v11 =	vmul.f32 v12, v11;
	_ =	sdelay $0x1  }
0x75: {  	[tilespmem:v14+s11+$0x0] =	vst.idx.msk $0xffff, v11  }
0x76: {  	v11 =	vld.idx.msk [tilespmem:v15+s29+$0x0], $0xffff  }
0x77: {  	v12 =	vld.idx.msk [tilespmem:v15+s30+$0x0], $0xffff;
	_ =	sdelay $0x1  }
0x78: {  	v14 =	vor.u32 v4, v13  }
0x79: {  	v15 =	vor.u32 $0x3, v10;
	_ =	sdelay $0x1  }
0x7a: {  	v11 =	vmul.f32 v12, v11;
	_ =	sdelay $0x1  }
0x7b: {  	[tilespmem:v14+s11+$0x0] =	vst.idx.msk $0xffff, v11  }
0x7c: {  	v11 =	vld.idx.msk [tilespmem:v15+s29+$0x0], $0xffff  }
0x7d: {  	v12 =	vld.idx.msk [tilespmem:v15+s30+$0x0], $0xffff;
	_ =	sdelay $0x1  }
0x7e: {  	v14 =	vor.u32 v5, v13  }
0x7f: {  	v15 =	vor.u32 $0x4, v10;
	_ =	sdelay $0x1  }
0x80: {  	v11 =	vmul.f32 v12, v11;
	_ =	sdelay $0x1  }
0x81: {  	[tilespmem:v14+s11+$0x0] =	vst.idx.msk $0xffff, v11  }
0x82: {  	v11 =	vld.idx.msk [tilespmem:v15+s29+$0x0], $0xffff  }
0x83: {  	v12 =	vld.idx.msk [tilespmem:v15+s30+$0x0], $0xffff;
	_ =	sdelay $0x1  }
0x84: {  	v14 =	vor.u32 v6, v13  }
0x85: {  	v15 =	vor.u32 $0x5, v10;
	_ =	sdelay $0x1  }
0x86: {  	v11 =	vmul.f32 v12, v11;
	_ =	sdelay $0x1  }
0x87: {  	[tilespmem:v14+s11+$0x0] =	vst.idx.msk $0xffff, v11  }
0x88: {  	v11 =	vld.idx.msk [tilespmem:v15+s29+$0x0], $0xffff  }
0x89: {  	v12 =	vld.idx.msk [tilespmem:v15+s30+$0x0], $0xffff;
	_ =	sdelay $0x1  }
0x8a: {  	v14 =	vor.u32 v7, v13  }
0x8b: {  	v15 =	vor.u32 $0x6, v10;
	_ =	sdelay $0x1  }
0x8c: {  	v11 =	vmul.f32 v12, v11;
	_ =	sdelay $0x1  }
0x8d: {  	[tilespmem:v14+s11+$0x0] =	vst.idx.msk $0xffff, v11  }
0x8e: {  	v12 =	vld.idx.msk [tilespmem:v15+s29+$0x0], $0xffff  }
0x8f: {  	v14 =	vld.idx.msk [tilespmem:v15+s30+$0x0], $0xffff;
	_ =	sdelay $0x1  }
0x90: {  	v15 =	vor.u32 v8, v13  }
0x91: {  	v11 =	vor.u32 $0x7, v10;
	_ =	sdelay $0x1  }
0x92: {  	v10 =	vmul.f32 v14, v12;
	_ =	sdelay $0x1  }
0x93: {  	[tilespmem:v15+s11+$0x0] =	vst.idx.msk $0xffff, v10  }
0x94: {  	s18 =	simm.s32 $0x10;
	v10 =	vor.u32 v9, v13;
	v12 =	vld.idx.msk [tilespmem:v11+s29+$0x0], $0xffff  }
.LBB2_5:
0x95: {  	p0 =	sne.s32 s18, $0x40;
	v11 =	vld.idx.msk [tilespmem:v11+s30+$0x0], $0xffff;
	s21 =	smov.u32 s18;
	s18 =	sadd.s32 $0x10, s18  }
0x96: {  	_ = 	snop  }
0x97: {  	v13 =	vmov s21  }
0x98: {  	v13 =	vshll.u32 v13, $0x3  }
0x99: {  	v13 =	vor.u32 v2, v13  }
0x9a: {  	v14 =	vand.u32 $0x3F0, v13  }
0x9b: {  	v11 =	vmul.f32 v11, v12;
	_ =	sdelay $0x1  }
0x9c: {  	[tilespmem:v10+s11+$0x0] =	vst.idx.msk $0xffff, v11  }
0x9d: {  	v10 =	vld.idx.msk [tilespmem:v13+s29+$0x0], $0xffff  }
0x9e: {  	v11 =	vld.idx.msk [tilespmem:v13+s30+$0x0], $0xffff;
	_ =	sdelay $0x1  }
0x9f: {  	v12 =	vor.u32 v0, v14;
	_ =	sdelay $0x1  }
0xa0: {  	v15 =	vor.u32 $0x1, v13;
	_ =	sdelay $0x1  }
0xa1: {  	v10 =	vmul.f32 v11, v10;
	_ =	sdelay $0x1  }
0xa2: {  	[tilespmem:v12+s11+$0x0] =	vst.idx.msk $0xffff, v10  }
0xa3: {  	v10 =	vld.idx.msk [tilespmem:v15+s29+$0x0], $0xffff  }
0xa4: {  	v11 =	vld.idx.msk [tilespmem:v15+s30+$0x0], $0xffff  }
0xa5: {  	v12 =	vor.u32 v3, v14;
	_ =	sdelay $0x2  }
0xa6: {  	v15 =	vor.u32 $0x2, v13;
	_ =	sdelay $0x1  }
0xa7: {  	v10 =	vmul.f32 v11, v10;
	_ =	sdelay $0x1  }
0xa8: {  	[tilespmem:v12+s11+$0x0] =	vst.idx.msk $0xffff, v10  }
0xa9: {  	v10 =	vld.idx.msk [tilespmem:v15+s29+$0x0], $0xffff  }
0xaa: {  	v12 =	vor.u32 v4, v14;
	v11 =	vld.idx.msk [tilespmem:v15+s30+$0x0], $0xffff;
	_ =	sdelay $0x3  }
0xab: {  	v15 =	vor.u32 $0x3, v13;
	_ =	sdelay $0x1  }
0xac: {  	v10 =	vmul.f32 v11, v10;
	_ =	sdelay $0x1  }
0xad: {  	[tilespmem:v12+s11+$0x0] =	vst.idx.msk $0xffff, v10  }
0xae: {  	v11 =	vor.u32 v5, v14;
	v10 =	vld.idx.msk [tilespmem:v15+s29+$0x0], $0xffff  }
0xaf: {  	v12 =	vld.idx.msk [tilespmem:v15+s30+$0x0], $0xffff;
	_ =	sdelay $0x3  }
0xb0: {  	v15 =	vor.u32 $0x4, v13;
	_ =	sdelay $0x1  }
0xb1: {  	v10 =	vmul.f32 v12, v10;
	_ =	sdelay $0x1  }
0xb2: {  	[tilespmem:v11+s11+$0x0] =	vst.idx.msk $0xffff, v10;
	v10 =	vor.u32 v6, v14  }
0xb3: {  	v11 =	vld.idx.msk [tilespmem:v15+s29+$0x0], $0xffff  }
0xb4: {  	v12 =	vld.idx.msk [tilespmem:v15+s30+$0x0], $0xffff;
	_ =	sdelay $0x3  }
0xb5: {  	v15 =	vor.u32 $0x5, v13;
	_ =	sdelay $0x1  }
0xb6: {  	v11 =	vmul.f32 v12, v11  }
0xb7: {  	v12 =	vor.u32 v7, v14  }
0xb8: {  	[tilespmem:v10+s11+$0x0] =	vst.idx.msk $0xffff, v11  }
0xb9: {  	v10 =	vld.idx.msk [tilespmem:v15+s29+$0x0], $0xffff  }
0xba: {  	v11 =	vld.idx.msk [tilespmem:v15+s30+$0x0], $0xffff;
	_ =	sdelay $0x3  }
0xbb: {  	v15 =	vor.u32 $0x6, v13;
	_ =	sdelay $0x1  }
0xbc: {  	v16 =	vor.u32 v8, v14;
	v10 =	vmul.f32 v11, v10;
	_ =	sdelay $0x1  }
0xbd: {  	[tilespmem:v12+s11+$0x0] =	vst.idx.msk $0xffff, v10  }
0xbe: {  	v12 =	vld.idx.msk [tilespmem:v15+s29+$0x0], $0xffff  }
0xbf: {  	v15 =	vld.idx.msk [tilespmem:v15+s30+$0x0], $0xffff;
	_ =	sdelay $0x3  }
0xc0: {  	v11 =	vor.u32 $0x7, v13  }
.Ltmp1:
0xc1: {  	v10 =	vor.u32 v9, v14;
	(pc) =	sbr.rel @p0 .LBB2_5-.Ltmp1, $3  }
0xc2: {  	v12 =	vmul.f32 v15, v12;
	_ =	sdelay $0x1  }
0xc3: {  	[tilespmem:v16+s11+$0x0] =	vst.idx.msk $0xffff, v12  }
0xc4: {  	v12 =	vld.idx.msk [tilespmem:v11+s29+$0x0], $0xffff  }
0xc5: {  	_ =	sdelay $0x3  }
0xc6: {  	v11 =	vld.idx.msk [tilespmem:v11+s30+$0x0], $0xffff;
	_ =	sdelay $0x4  }
0xc7: {  	v11 =	vmul.f32 v11, v12;
	_ =	sdelay $0x1  }
0xc8: {  	s18 =	sadd.s32 s17, s20;
	s21 =	simm.s32 $0x0;
	[tilespmem:v10+s11+$0x0] =	vst.idx.msk $0xffff, v11  }
0xc9: {  	[hbm4b:s18+s21] =	stream.linear.scatter [tilespmem:s11], [sflag:$0x3], $0x280, $0x38;
	[tilespmem:$0x1EAA0] =	vst v63  }
0xca: {  	s18 =	simm.s32 $0x53A0  }
0xcb: {  	s23 =	simm.s32 $0x0;
	s22 =	simm.s32 $0x40;
	s21 =	simm.s32 $0x53A0;
	v10 =	vld [tilespmem:s18+$0xFFFFFFB0]  }
.LBB2_7:
0xcc: {  	p0 =	sne.s32 s22, $0x9C0;
	v11 =	vld [tilespmem:s23+$0xA820]  }
0xcd: {  	v12 =	vld [tilespmem:s18+$0xFFFFFF90]  }
0xce: {  	v13 =	vld [tilespmem:s18+$0xFFFFFF80]  }
0xcf: {  	v14 =	vld [tilespmem:s18+$0xFFFFFFA0]  }
0xd0: {  	v15 =	vld [tilespmem:s18+$0xFFFFFFF0]  }
0xd1: {  	v16 =	vbroadcast v11, $0x0;
	v17 =	vbroadcast v11, $0x1;
	v18 =	vld [tilespmem:s18+$0xFFFFFFD0]  }
0xd2: {  	v19 =	vbroadcast v11, $0x2;
	v20 =	vbroadcast v11, $0x3;
	v21 =	vld [tilespmem:s18+$0xFFFFFFC0]  }
0xd3: {  	v13 =	vmul.f32 v16, v13;
	v12 =	vmul.f32 v12, v17;
	v16 =	vld [tilespmem:s18+$0xFFFFFFE0]  }
0xd4: {  	v10 =	vmul.f32 v10, v20;
	v14 =	vmul.f32 v14, v19;
	v17 =	vld [tilespmem:s18+$0x30]  }
0xd5: {  	v19 =	vbroadcast v11, $0x5;
	[tilespmem:s18+$0xFFFFFF80] =	vst v13;
	v13 =	vbroadcast v11, $0x4;
	v20 =	vld [tilespmem:s18+$0x10]  }
0xd6: {  	v22 =	vbroadcast v11, $0x7;
	[tilespmem:s18+$0xFFFFFF90] =	vst v12;
	v12 =	vbroadcast v11, $0x6;
	v23 =	vld [tilespmem:s18+$0x0]  }
0xd7: {  	[tilespmem:s18+$0xFFFFFFA0] =	vst v14;
	v13 =	vmul.f32 v21, v13;
	v14 =	vmul.f32 v18, v19;
	v18 =	vld [tilespmem:s18+$0x20]  }
0xd8: {  	[tilespmem:s18+$0xFFFFFFB0] =	vst v10;
	v10 =	vmul.f32 v16, v12;
	v12 =	vmul.f32 v15, v22;
	v15 =	vld [tilespmem:s18+$0x70]  }
0xd9: {  	v16 =	vbroadcast v11, $0x9;
	[tilespmem:s18+$0xFFFFFFC0] =	vst v13;
	v13 =	vbroadcast v11, $0x8;
	v19 =	vld [tilespmem:s18+$0x50]  }
0xda: {  	v21 =	vbroadcast v11, $0xB;
	[tilespmem:s18+$0xFFFFFFD0] =	vst v14;
	v14 =	vbroadcast v11, $0xA;
	v22 =	vld [tilespmem:s18+$0x40]  }
0xdb: {  	[tilespmem:s18+$0xFFFFFFE0] =	vst v10;
	v10 =	vmul.f32 v23, v13;
	v13 =	vmul.f32 v20, v16;
	v16 =	vld [tilespmem:s18+$0x60]  }
0xdc: {  	[tilespmem:s18+$0xFFFFFFF0] =	vst v12;
	v12 =	vmul.f32 v18, v14;
	v14 =	vmul.f32 v17, v21  }
0xdd: {  	v17 =	vbroadcast v11, $0xD;
	[tilespmem:s18+$0x0] =	vst v10;
	v10 =	vbroadcast v11, $0xC  }
0xde: {  	[tilespmem:s18+$0x10] =	vst v13;
	v13 =	vbroadcast v11, $0xE;
	v11 =	vbroadcast v11, $0xF  }
0xdf: {  	[tilespmem:s18+$0x20] =	vst v12;
	v10 =	vmul.f32 v22, v10;
	v12 =	vmul.f32 v19, v17  }
.Ltmp2:
0xe0: {  	[tilespmem:s18+$0x30] =	vst v14;
	v13 =	vmul.f32 v16, v13;
	v11 =	vmul.f32 v15, v11;
	(pc) =	sbr.rel @p0 .LBB2_7-.Ltmp2, $4  }
0xe1: {  	[tilespmem:s18+$0x40] =	vst v10  }
0xe2: {  	[tilespmem:s18+$0x50] =	vst v12  }
0xe3: {  	s18 =	sadd.s32 $0x100, s18;
	[tilespmem:s21+$0x60] =	vst v13  }
0xe4: {  	s23 =	sshra.s32 s22, $0x2;
	s22 =	sadd.s32 $0x40, s22;
	v10 =	vld [tilespmem:s18+$0xFFFFFFB0];
	[tilespmem:s21+$0x70] =	vst v11;
	s21 =	smov.u32 s18  }
0xe5: {  	v11 =	vld [tilespmem:s23+$0xA820];
	_ =	sdelay $0x1  }
0xe6: {  	v12 =	vld [tilespmem:s18+$0xFFFFFF80]  }
0xe7: {  	v13 =	vld [tilespmem:s18+$0xFFFFFF90]  }
0xe8: {  	v14 =	vld [tilespmem:s18+$0xFFFFFFA0]  }
0xe9: {  	v15 =	vbroadcast v11, $0x0  }
0xea: {  	v17 =	vld [tilespmem:s18+$0xFFFFFFC0];
	v16 =	vbroadcast v11, $0x1  }
0xeb: {  	v18 =	vld [tilespmem:s18+$0xFFFFFFD0];
	v19 =	vbroadcast v11, $0x2;
	v12 =	vmul.f32 v15, v12  }
0xec: {  	v55 =	vld [tilespmem:s18+$0xFFFFFFE0];
	v15 =	vbroadcast v11, $0x3;
	v13 =	vmul.f32 v13, v16  }
0xed: {  	v20 =	vld [tilespmem:s18+$0xFFFFFFF0];
	v14 =	vmul.f32 v14, v19;
	[tilespmem:s18+$0xFFFFFF80] =	vst v12;
	v12 =	vbroadcast v11, $0x4  }
0xee: {  	v10 =	vmul.f32 v10, v15;
	v15 =	vbroadcast v11, $0x5;
	[tilespmem:s18+$0xFFFFFF90] =	vst v13;
	v13 =	vld [tilespmem:s18+$0x0]  }
0xef: {  	v56 =	vld [tilespmem:s18+$0x10];
	v21 =	vbroadcast v11, $0x6;
	[tilespmem:s18+$0xFFFFFFA0] =	vst v14;
	v12 =	vmul.f32 v17, v12  }
0xf0: {  	v57 =	vld [tilespmem:s18+$0x20];
	v14 =	vbroadcast v11, $0x7;
	v15 =	vmul.f32 v18, v15;
	[tilespmem:s18+$0xFFFFFFB0] =	vst v10  }
0xf1: {  	v16 =	vmul.f32 v55, v21;
	v10 =	vld [tilespmem:s18+$0x30];
	[tilespmem:s18+$0xFFFFFFC0] =	vst v12;
	v12 =	vbroadcast v11, $0x8  }
0xf2: {  	v58 =	vbroadcast v11, $0x9;
	v14 =	vmul.f32 v20, v14;
	[tilespmem:s18+$0xFFFFFFD0] =	vst v15;
	v15 =	vld [tilespmem:s18+$0x40]  }
0xf3: {  	v59 =	vld [tilespmem:s18+$0x50];
	v60 =	vbroadcast v11, $0xA;
	[tilespmem:s18+$0xFFFFFFE0] =	vst v16;
	v12 =	vmul.f32 v13, v12  }
0xf4: {  	v62 =	vld [tilespmem:s18+$0x60];
	v61 =	vmul.f32 v56, v58;
	[tilespmem:s18+$0xFFFFFFF0] =	vst v14;
	v13 =	vbroadcast v11, $0xB  }
0xf5: {  	v17 =	vmul.f32 v57, v60;
	v14 =	vld [tilespmem:s18+$0x70];
	[tilespmem:s18+$0x0] =	vst v12;
	v12 =	vbroadcast v11, $0xC  }
0xf6: {  	[tilespmem:s18+$0x10] =	vst v61;
	v10 =	vmul.f32 v10, v13;
	v13 =	vbroadcast v11, $0xD  }
0xf7: {  	v63 =	vbroadcast v11, $0xE;
	[tilespmem:s18+$0x20] =	vst v17;
	v12 =	vmul.f32 v15, v12  }
0xf8: {  	v11 =	vbroadcast v11, $0xF;
	v13 =	vmul.f32 v59, v13;
	[tilespmem:s18+$0x30] =	vst v10  }
0xf9: {  	s22 =	smul.u32 $0x280, s14;
	v10 =	vmul.f32 v62, v63;
	[tilespmem:s18+$0x40] =	vst v12  }
0xfa: {  	v11 =	vmul.f32 v14, v11;
	[tilespmem:s18+$0x50] =	vst v13  }
0xfb: {  	s23 =	sshra.s32 s22, $0x2;
	[tilespmem:s21+$0x60] =	vst v10  }
0xfc: {  	s18 =	sadd.s32 $0x2710, s23;
	[tilespmem:s21+$0x70] =	vst v11  }
0xfd: {  	[spmem:s4] =	stream.indirect.scatter.add.f32 [tilespmem:s24], [sflag:$0x4], $0x80, s18, s28, $0xb8;
	[tilespmem:$0x1EAA0] =	vst v63  }
0xfe: {  	_ =	swait.ge [sflag:s25], $0x2800  }
0xff: {  	[sflag:s25] =	ssyncset.done $0x0  }
0x100: {  	[sflag:s25] =	ssyncadd.s32 $0xFFFFD800  }
0x101: {  	_ =	swait.ge [sflag:s12], $0x280  }
0x102: {  	[sflag:s12] =	ssyncset.done $0x0  }
0x103: {  	s21 =	sadd.s32 $0xA0, s17;
	[sflag:s12] =	ssyncadd.s32 $0xFFFFFD80  }
0x104: {  	[tilespmem:s24], [sflag:$0x1] =	stream.indirect.gather [hbm4b:s1+s28], $0x80, s21, s28, $0xb8;
	[tilespmem:$0x1EAA0] =	vst v63  }
0x105: {  	s22 =	simm.s32 $0x0;
	s18 =	sadd.s32 s21, s19  }
0x106: {  	[tilespmem:s29], [sflag:$0x1] =	stream.linear.gather [hbm4b:s18+s22], $0x280, $0x38;
	[tilespmem:$0x1EAA0] =	vst v63  }
0x107: {  	s23 =	sadd.s32 $0x27B0, s17  }
0x108: {  	[tilespmem:s30], [sflag:$0x1] =	stream.indirect.gather [hbm4b:s8+s28], $0x8, s23, s28, $0xb8;
	[tilespmem:$0x1EAA0] =	vst v63  }
0x109: {  	_ =	swait.ge [sflag:s26], $0x2800  }
0x10a: {  	[sflag:s26] =	ssyncset.done $0x0  }
0x10b: {  	v10 =	vmov s22;
	[sflag:s26] =	ssyncadd.s32 $0xFFFFD800  }
0x10c: {  	v10 =	vshll.u32 v10, $0x3;
	_ =	swait.ge [sflag:s26], $0x280  }
0x10d: {  	v10 =	vor.u32 v2, v10;
	[sflag:s26] =	ssyncset.done $0x0  }
0x10e: {  	[sflag:s26] =	ssyncadd.s32 $0xFFFFFD80  }
0x10f: {  	_ =	swait.ge [sflag:s26], $0x280  }
0x110: {  	[sflag:s26] =	ssyncset.done $0x0  }
0x111: {  	[sflag:s26] =	ssyncadd.s32 $0xFFFFFD80  }
0x112: {  	v11 =	vld.idx.msk [tilespmem:v10+s2+$0x0], $0xffff  }
0x113: {  	v12 =	vld.idx.msk [tilespmem:v10+s0+$0x0], $0xffff  }
0x114: {  	v13 =	vand.u32 $0x3F0, v10  }
0x115: {  	v14 =	vor.u32 v0, v13  }
0x116: {  	v15 =	vor.u32 $0x1, v10;
	_ =	sdelay $0x1  }
0x117: {  	v11 =	vmul.f32 v12, v11;
	_ =	sdelay $0x1  }
0x118: {  	[tilespmem:v14+s11+$0x0] =	vst.idx.msk $0xffff, v11  }
0x119: {  	v11 =	vld.idx.msk [tilespmem:v15+s2+$0x0], $0xffff  }
0x11a: {  	v12 =	vld.idx.msk [tilespmem:v15+s0+$0x0], $0xffff;
	_ =	sdelay $0x1  }
0x11b: {  	v14 =	vor.u32 v3, v13  }
0x11c: {  	v15 =	vor.u32 $0x2, v10;
	_ =	sdelay $0x1  }
0x11d: {  	v11 =	vmul.f32 v12, v11;
	_ =	sdelay $0x1  }
0x11e: {  	[tilespmem:v14+s11+$0x0] =	vst.idx.msk $0xffff, v11  }
0x11f: {  	v11 =	vld.idx.msk [tilespmem:v15+s2+$0x0], $0xffff  }
0x120: {  	v12 =	vld.idx.msk [tilespmem:v15+s0+$0x0], $0xffff;
	_ =	sdelay $0x1  }
0x121: {  	v14 =	vor.u32 v4, v13  }
0x122: {  	v15 =	vor.u32 $0x3, v10;
	_ =	sdelay $0x1  }
0x123: {  	v11 =	vmul.f32 v12, v11;
	_ =	sdelay $0x1  }
0x124: {  	[tilespmem:v14+s11+$0x0] =	vst.idx.msk $0xffff, v11  }
0x125: {  	v11 =	vld.idx.msk [tilespmem:v15+s2+$0x0], $0xffff  }
0x126: {  	v12 =	vld.idx.msk [tilespmem:v15+s0+$0x0], $0xffff;
	_ =	sdelay $0x1  }
0x127: {  	v14 =	vor.u32 v5, v13  }
0x128: {  	v15 =	vor.u32 $0x4, v10;
	_ =	sdelay $0x1  }
0x129: {  	v11 =	vmul.f32 v12, v11;
	_ =	sdelay $0x1  }
0x12a: {  	[tilespmem:v14+s11+$0x0] =	vst.idx.msk $0xffff, v11  }
0x12b: {  	v11 =	vld.idx.msk [tilespmem:v15+s2+$0x0], $0xffff  }
0x12c: {  	v12 =	vld.idx.msk [tilespmem:v15+s0+$0x0], $0xffff;
	_ =	sdelay $0x1  }
0x12d: {  	v14 =	vor.u32 v6, v13  }
0x12e: {  	v15 =	vor.u32 $0x5, v10;
	_ =	sdelay $0x1  }
0x12f: {  	v11 =	vmul.f32 v12, v11;
	_ =	sdelay $0x1  }
0x130: {  	[tilespmem:v14+s11+$0x0] =	vst.idx.msk $0xffff, v11  }
0x131: {  	v11 =	vld.idx.msk [tilespmem:v15+s2+$0x0], $0xffff  }
0x132: {  	v12 =	vld.idx.msk [tilespmem:v15+s0+$0x0], $0xffff;
	_ =	sdelay $0x1  }
0x133: {  	v14 =	vor.u32 v7, v13  }
0x134: {  	v15 =	vor.u32 $0x6, v10;
	_ =	sdelay $0x1  }
0x135: {  	v11 =	vmul.f32 v12, v11;
	_ =	sdelay $0x1  }
0x136: {  	[tilespmem:v14+s11+$0x0] =	vst.idx.msk $0xffff, v11  }
0x137: {  	v12 =	vld.idx.msk [tilespmem:v15+s2+$0x0], $0xffff  }
0x138: {  	v14 =	vld.idx.msk [tilespmem:v15+s0+$0x0], $0xffff;
	_ =	sdelay $0x1  }
0x139: {  	v15 =	vor.u32 v8, v13  }
0x13a: {  	v11 =	vor.u32 $0x7, v10;
	_ =	sdelay $0x1  }
0x13b: {  	v10 =	vmul.f32 v14, v12;
	_ =	sdelay $0x1  }
0x13c: {  	[tilespmem:v15+s11+$0x0] =	vst.idx.msk $0xffff, v10  }
0x13d: {  	s17 =	simm.s32 $0x10;
	v10 =	vor.u32 v9, v13;
	v12 =	vld.idx.msk [tilespmem:v11+s2+$0x0], $0xffff  }
.LBB2_9:
0x13e: {  	p0 =	sne.s32 s17, $0x40;
	v11 =	vld.idx.msk [tilespmem:v11+s0+$0x0], $0xffff;
	s18 =	smov.u32 s17;
	s17 =	sadd.s32 $0x10, s17  }
0x13f: {  	_ = 	snop  }
0x140: {  	v13 =	vmov s18  }
0x141: {  	v13 =	vshll.u32 v13, $0x3  }
0x142: {  	v13 =	vor.u32 v2, v13  }
0x143: {  	v14 =	vand.u32 $0x3F0, v13  }
0x144: {  	v11 =	vmul.f32 v11, v12;
	_ =	sdelay $0x1  }
0x145: {  	[tilespmem:v10+s11+$0x0] =	vst.idx.msk $0xffff, v11  }
0x146: {  	v10 =	vld.idx.msk [tilespmem:v13+s2+$0x0], $0xffff  }
0x147: {  	v11 =	vld.idx.msk [tilespmem:v13+s0+$0x0], $0xffff;
	_ =	sdelay $0x1  }
0x148: {  	v12 =	vor.u32 v0, v14;
	_ =	sdelay $0x1  }
0x149: {  	v15 =	vor.u32 $0x1, v13;
	_ =	sdelay $0x1  }
0x14a: {  	v10 =	vmul.f32 v11, v10;
	_ =	sdelay $0x1  }
0x14b: {  	[tilespmem:v12+s11+$0x0] =	vst.idx.msk $0xffff, v10  }
0x14c: {  	v10 =	vld.idx.msk [tilespmem:v15+s2+$0x0], $0xffff  }
0x14d: {  	v11 =	vld.idx.msk [tilespmem:v15+s0+$0x0], $0xffff  }
0x14e: {  	v12 =	vor.u32 v3, v14;
	_ =	sdelay $0x2  }
0x14f: {  	v15 =	vor.u32 $0x2, v13;
	_ =	sdelay $0x1  }
0x150: {  	v10 =	vmul.f32 v11, v10;
	_ =	sdelay $0x1  }
0x151: {  	[tilespmem:v12+s11+$0x0] =	vst.idx.msk $0xffff, v10  }
0x152: {  	v10 =	vld.idx.msk [tilespmem:v15+s2+$0x0], $0xffff  }
0x153: {  	v12 =	vor.u32 v4, v14;
	v11 =	vld.idx.msk [tilespmem:v15+s0+$0x0], $0xffff;
	_ =	sdelay $0x3  }
0x154: {  	v15 =	vor.u32 $0x3, v13;
	_ =	sdelay $0x1  }
0x155: {  	v10 =	vmul.f32 v11, v10;
	_ =	sdelay $0x1  }
0x156: {  	[tilespmem:v12+s11+$0x0] =	vst.idx.msk $0xffff, v10  }
0x157: {  	v11 =	vor.u32 v5, v14;
	v10 =	vld.idx.msk [tilespmem:v15+s2+$0x0], $0xffff  }
0x158: {  	v12 =	vld.idx.msk [tilespmem:v15+s0+$0x0], $0xffff;
	_ =	sdelay $0x3  }
0x159: {  	v15 =	vor.u32 $0x4, v13;
	_ =	sdelay $0x1  }
0x15a: {  	v10 =	vmul.f32 v12, v10;
	_ =	sdelay $0x1  }
0x15b: {  	[tilespmem:v11+s11+$0x0] =	vst.idx.msk $0xffff, v10;
	v10 =	vor.u32 v6, v14  }
0x15c: {  	v11 =	vld.idx.msk [tilespmem:v15+s2+$0x0], $0xffff  }
0x15d: {  	v12 =	vld.idx.msk [tilespmem:v15+s0+$0x0], $0xffff;
	_ =	sdelay $0x3  }
0x15e: {  	v15 =	vor.u32 $0x5, v13;
	_ =	sdelay $0x1  }
0x15f: {  	v11 =	vmul.f32 v12, v11  }
0x160: {  	v12 =	vor.u32 v7, v14  }
0x161: {  	[tilespmem:v10+s11+$0x0] =	vst.idx.msk $0xffff, v11  }
0x162: {  	v10 =	vld.idx.msk [tilespmem:v15+s2+$0x0], $0xffff  }
0x163: {  	v11 =	vld.idx.msk [tilespmem:v15+s0+$0x0], $0xffff;
	_ =	sdelay $0x3  }
0x164: {  	v15 =	vor.u32 $0x6, v13;
	_ =	sdelay $0x1  }
0x165: {  	v16 =	vor.u32 v8, v14;
	v10 =	vmul.f32 v11, v10;
	_ =	sdelay $0x1  }
0x166: {  	[tilespmem:v12+s11+$0x0] =	vst.idx.msk $0xffff, v10  }
0x167: {  	v12 =	vld.idx.msk [tilespmem:v15+s2+$0x0], $0xffff  }
0x168: {  	v15 =	vld.idx.msk [tilespmem:v15+s0+$0x0], $0xffff;
	_ =	sdelay $0x3  }
0x169: {  	v11 =	vor.u32 $0x7, v13  }
.Ltmp3:
0x16a: {  	v10 =	vor.u32 v9, v14;
	(pc) =	sbr.rel @p0 .LBB2_9-.Ltmp3, $3  }
0x16b: {  	v12 =	vmul.f32 v15, v12;
	_ =	sdelay $0x1  }
0x16c: {  	[tilespmem:v16+s11+$0x0] =	vst.idx.msk $0xffff, v12  }
0x16d: {  	v12 =	vld.idx.msk [tilespmem:v11+s2+$0x0], $0xffff  }
0x16e: {  	_ =	sdelay $0x3  }
0x16f: {  	v11 =	vld.idx.msk [tilespmem:v11+s0+$0x0], $0xffff;
	_ =	sdelay $0x4  }
0x170: {  	v11 =	vmul.f32 v11, v12;
	_ =	sdelay $0x1  }
0x171: {  	s16 =	sadd.s32 s3, s16;
	s17 =	simm.s32 $0x0;
	[tilespmem:v10+s11+$0x0] =	vst.idx.msk $0xffff, v11  }
0x172: {  	[hbm4b:s16+s17] =	stream.linear.scatter [tilespmem:s11], [sflag:$0x3], $0x280, $0x38;
	[tilespmem:$0x1EAA0] =	vst v63  }
0x173: {  	s16 =	simm.s32 $0x80A0  }
0x174: {  	s21 =	simm.s32 $0x0;
	s18 =	simm.s32 $0x40;
	s17 =	simm.s32 $0x80A0;
	v10 =	vld [tilespmem:s16+$0xFFFFFFB0]  }
.LBB2_11:
0x175: {  	p0 =	sne.s32 s18, $0x9C0;
	v11 =	vld [tilespmem:s21+$0xA820]  }
0x176: {  	v12 =	vld [tilespmem:s16+$0xFFFFFF90]  }
0x177: {  	v13 =	vld [tilespmem:s16+$0xFFFFFF80]  }
0x178: {  	v14 =	vld [tilespmem:s16+$0xFFFFFFA0]  }
0x179: {  	v15 =	vld [tilespmem:s16+$0xFFFFFFF0]  }
0x17a: {  	v16 =	vbroadcast v11, $0x0;
	v17 =	vbroadcast v11, $0x1;
	v18 =	vld [tilespmem:s16+$0xFFFFFFD0]  }
0x17b: {  	v19 =	vbroadcast v11, $0x2;
	v20 =	vbroadcast v11, $0x3;
	v21 =	vld [tilespmem:s16+$0xFFFFFFC0]  }
0x17c: {  	v13 =	vmul.f32 v16, v13;
	v12 =	vmul.f32 v12, v17;
	v16 =	vld [tilespmem:s16+$0xFFFFFFE0]  }
0x17d: {  	v10 =	vmul.f32 v10, v20;
	v14 =	vmul.f32 v14, v19;
	v17 =	vld [tilespmem:s16+$0x30]  }
0x17e: {  	v19 =	vbroadcast v11, $0x5;
	[tilespmem:s16+$0xFFFFFF80] =	vst v13;
	v13 =	vbroadcast v11, $0x4;
	v20 =	vld [tilespmem:s16+$0x10]  }
0x17f: {  	v22 =	vbroadcast v11, $0x7;
	[tilespmem:s16+$0xFFFFFF90] =	vst v12;
	v12 =	vbroadcast v11, $0x6;
	v23 =	vld [tilespmem:s16+$0x0]  }
0x180: {  	[tilespmem:s16+$0xFFFFFFA0] =	vst v14;
	v13 =	vmul.f32 v21, v13;
	v14 =	vmul.f32 v18, v19;
	v18 =	vld [tilespmem:s16+$0x20]  }
0x181: {  	[tilespmem:s16+$0xFFFFFFB0] =	vst v10;
	v10 =	vmul.f32 v16, v12;
	v12 =	vmul.f32 v15, v22;
	v15 =	vld [tilespmem:s16+$0x70]  }
0x182: {  	v16 =	vbroadcast v11, $0x9;
	[tilespmem:s16+$0xFFFFFFC0] =	vst v13;
	v13 =	vbroadcast v11, $0x8;
	v19 =	vld [tilespmem:s16+$0x50]  }
0x183: {  	v21 =	vbroadcast v11, $0xB;
	[tilespmem:s16+$0xFFFFFFD0] =	vst v14;
	v14 =	vbroadcast v11, $0xA;
	v22 =	vld [tilespmem:s16+$0x40]  }
0x184: {  	[tilespmem:s16+$0xFFFFFFE0] =	vst v10;
	v10 =	vmul.f32 v23, v13;
	v13 =	vmul.f32 v20, v16;
	v16 =	vld [tilespmem:s16+$0x60]  }
0x185: {  	[tilespmem:s16+$0xFFFFFFF0] =	vst v12;
	v12 =	vmul.f32 v18, v14;
	v14 =	vmul.f32 v17, v21  }
0x186: {  	v17 =	vbroadcast v11, $0xD;
	[tilespmem:s16+$0x0] =	vst v10;
	v10 =	vbroadcast v11, $0xC  }
0x187: {  	[tilespmem:s16+$0x10] =	vst v13;
	v13 =	vbroadcast v11, $0xE;
	v11 =	vbroadcast v11, $0xF  }
0x188: {  	[tilespmem:s16+$0x20] =	vst v12;
	v10 =	vmul.f32 v22, v10;
	v12 =	vmul.f32 v19, v17  }
.Ltmp4:
0x189: {  	[tilespmem:s16+$0x30] =	vst v14;
	v13 =	vmul.f32 v16, v13;
	v11 =	vmul.f32 v15, v11;
	(pc) =	sbr.rel @p0 .LBB2_11-.Ltmp4, $4  }
0x18a: {  	[tilespmem:s16+$0x40] =	vst v10  }
0x18b: {  	[tilespmem:s16+$0x50] =	vst v12  }
0x18c: {  	s16 =	sadd.s32 $0x100, s16;
	[tilespmem:s17+$0x60] =	vst v13  }
0x18d: {  	s21 =	sshra.s32 s18, $0x2;
	s18 =	sadd.s32 $0x40, s18;
	v10 =	vld [tilespmem:s16+$0xFFFFFFB0];
	[tilespmem:s17+$0x70] =	vst v11;
	s17 =	smov.u32 s16  }
0x18e: {  	v11 =	vld [tilespmem:s21+$0xA820];
	_ =	sdelay $0x1  }
0x18f: {  	v12 =	vld [tilespmem:s16+$0xFFFFFF80]  }
0x190: {  	v13 =	vld [tilespmem:s16+$0xFFFFFF90]  }
0x191: {  	v14 =	vld [tilespmem:s16+$0xFFFFFFA0]  }
0x192: {  	v15 =	vbroadcast v11, $0x0  }
0x193: {  	v18 =	vld [tilespmem:s16+$0xFFFFFFD0];
	v16 =	vbroadcast v11, $0x1;
	v19 =	vbroadcast v11, $0x2  }
0x194: {  	v45 =	vld [tilespmem:s16+$0xFFFFFFE0];
	v44 =	vbroadcast v11, $0x3;
	v12 =	vmul.f32 v15, v12  }
0x195: {  	v49 =	vld [tilespmem:s16+$0x10];
	v46 =	vbroadcast v11, $0x4;
	v13 =	vmul.f32 v13, v16  }
0x196: {  	v17 =	vld [tilespmem:s16+$0xFFFFFFC0];
	v47 =	vbroadcast v11, $0x5;
	v14 =	vmul.f32 v14, v19;
	[tilespmem:s16+$0xFFFFFF80] =	vst v12  }
0x197: {  	v20 =	vld [tilespmem:s16+$0xFFFFFFF0];
	v21 =	vbroadcast v11, $0x6;
	v10 =	vmul.f32 v10, v44;
	[tilespmem:s16+$0xFFFFFF90] =	vst v13  }
0x198: {  	v51 =	vld [tilespmem:s16+$0x20];
	v53 =	vbroadcast v11, $0x9;
	v15 =	vmul.f32 v18, v47;
	[tilespmem:s16+$0xFFFFFFA0] =	vst v14  }
0x199: {  	v48 =	vld [tilespmem:s16+$0x0];
	v50 =	vbroadcast v11, $0x7;
	v16 =	vmul.f32 v45, v21;
	[tilespmem:s16+$0xFFFFFFB0] =	vst v10  }
0x19a: {  	v55 =	vld [tilespmem:s16+$0x50];
	v52 =	vbroadcast v11, $0x8;
	v58 =	vmul.f32 v49, v53;
	[tilespmem:s16+$0xFFFFFFD0] =	vst v15  }
0x19b: {  	v54 =	vld [tilespmem:s16+$0x40];
	v56 =	vbroadcast v11, $0xA;
	v12 =	vmul.f32 v17, v46;
	[tilespmem:s16+$0xFFFFFFE0] =	vst v16  }
0x19c: {  	v57 =	vbroadcast v11, $0xB;
	v10 =	vld [tilespmem:s16+$0x30];
	v14 =	vmul.f32 v20, v50;
	[tilespmem:s16+$0x10] =	vst v58  }
0x19d: {  	v60 =	vld [tilespmem:s16+$0x70];
	v62 =	vbroadcast v11, $0xD;
	v17 =	vmul.f32 v51, v56;
	[tilespmem:s16+$0xFFFFFFC0] =	vst v12  }
0x19e: {  	v59 =	vld [tilespmem:s16+$0x60];
	v61 =	vbroadcast v11, $0xC;
	v12 =	vmul.f32 v48, v52;
	[tilespmem:s16+$0xFFFFFFF0] =	vst v14  }
0x19f: {  	v63 =	vbroadcast v11, $0xE;
	v13 =	vmul.f32 v55, v62;
	[tilespmem:s16+$0x20] =	vst v17  }
0x1a0: {  	v11 =	vbroadcast v11, $0xF;
	[tilespmem:s16+$0x0] =	vst v12;
	v12 =	vmul.f32 v54, v61  }
0x1a1: {  	[tilespmem:s16+$0x50] =	vst v13;
	v10 =	vmul.f32 v10, v57  }
0x1a2: {  	v11 =	vmul.f32 v60, v11;
	[tilespmem:s16+$0x40] =	vst v12  }
0x1a3: {  	[tilespmem:s16+$0x30] =	vst v10;
	v10 =	vmul.f32 v59, v63  }
0x1a4: {  	[tilespmem:s17+$0x70] =	vst v11  }
0x1a5: {  	s14 =	sadd.s32 $0x1, s14;
	[tilespmem:s17+$0x60] =	vst v10  }
0x1a6: {  	[spmem:s4] =	stream.indirect.scatter.add.f32 [tilespmem:s31], [sflag:$0x4], $0x80, s15, s28, $0xb8;
	[tilespmem:$0x1EAA0] =	vst v63  }
0x1a7: {  	p0 =	sne.s32 s14, $0x3E;
	_ =	swait.ge [sflag:s25], $0x2800  }
.Ltmp5:
0x1a8: {  	[sflag:s25] =	ssyncset.done $0x0;
	(pc) =	sbr.rel @p0 .LBB2_4-.Ltmp5, $4  }
0x1a9: {  	[sflag:s25] =	ssyncadd.s32 $0xFFFFD800  }
0x1aa: {  	_ =	swait.ge [sflag:s12], $0x280  }
0x1ab: {  	[sflag:s12] =	ssyncset.done $0x0  }
0x1ac: {  	[sflag:s12] =	ssyncadd.s32 $0xFFFFFD80  }
0x1ad: {  	_ =	swait.ge [sflag:s10], $0x2800  }
0x1ae: {  	s13 =	simm.s32 $0x0;
	[sflag:s10] =	ssyncset.done $0x0  }
0x1af: {  	v10 =	vmov s13;
	[sflag:s10] =	ssyncadd.s32 $0xFFFFD800  }
0x1b0: {  	v10 =	vshll.u32 v10, $0x3;
	_ =	swait.ge [sflag:s10], $0x280  }
0x1b1: {  	v10 =	vor.u32 v2, v10;
	[sflag:s10] =	ssyncset.done $0x0  }
0x1b2: {  	[sflag:s10] =	ssyncadd.s32 $0xFFFFFD80  }
0x1b3: {  	_ =	swait.ge [sflag:s10], $0x280  }
0x1b4: {  	[sflag:s10] =	ssyncset.done $0x0  }
0x1b5: {  	[sflag:s10] =	ssyncadd.s32 $0xFFFFFD80  }
0x1b6: {  	v11 =	vld.idx.msk [tilespmem:v10+s29+$0x0], $0xffff  }
0x1b7: {  	v12 =	vld.idx.msk [tilespmem:v10+s30+$0x0], $0xffff  }
0x1b8: {  	v13 =	vand.u32 $0x3F0, v10  }
0x1b9: {  	v14 =	vor.u32 v0, v13  }
0x1ba: {  	v15 =	vor.u32 $0x1, v10;
	_ =	sdelay $0x1  }
0x1bb: {  	v11 =	vmul.f32 v12, v11;
	_ =	sdelay $0x1  }
0x1bc: {  	[tilespmem:v14+s11+$0x0] =	vst.idx.msk $0xffff, v11  }
0x1bd: {  	v11 =	vld.idx.msk [tilespmem:v15+s29+$0x0], $0xffff  }
0x1be: {  	v12 =	vld.idx.msk [tilespmem:v15+s30+$0x0], $0xffff;
	_ =	sdelay $0x1  }
0x1bf: {  	v14 =	vor.u32 v3, v13  }
0x1c0: {  	v15 =	vor.u32 $0x2, v10;
	_ =	sdelay $0x1  }
0x1c1: {  	v11 =	vmul.f32 v12, v11;
	_ =	sdelay $0x1  }
0x1c2: {  	[tilespmem:v14+s11+$0x0] =	vst.idx.msk $0xffff, v11  }
0x1c3: {  	v11 =	vld.idx.msk [tilespmem:v15+s29+$0x0], $0xffff  }
0x1c4: {  	v12 =	vld.idx.msk [tilespmem:v15+s30+$0x0], $0xffff;
	_ =	sdelay $0x1  }
0x1c5: {  	v14 =	vor.u32 v4, v13  }
0x1c6: {  	v15 =	vor.u32 $0x3, v10;
	_ =	sdelay $0x1  }
0x1c7: {  	v11 =	vmul.f32 v12, v11;
	_ =	sdelay $0x1  }
0x1c8: {  	[tilespmem:v14+s11+$0x0] =	vst.idx.msk $0xffff, v11  }
0x1c9: {  	v11 =	vld.idx.msk [tilespmem:v15+s29+$0x0], $0xffff  }
0x1ca: {  	v12 =	vld.idx.msk [tilespmem:v15+s30+$0x0], $0xffff;
	_ =	sdelay $0x1  }
0x1cb: {  	v14 =	vor.u32 v5, v13  }
0x1cc: {  	v15 =	vor.u32 $0x4, v10;
	_ =	sdelay $0x1  }
0x1cd: {  	v11 =	vmul.f32 v12, v11;
	_ =	sdelay $0x1  }
0x1ce: {  	[tilespmem:v14+s11+$0x0] =	vst.idx.msk $0xffff, v11  }
0x1cf: {  	v11 =	vld.idx.msk [tilespmem:v15+s29+$0x0], $0xffff  }
0x1d0: {  	v12 =	vld.idx.msk [tilespmem:v15+s30+$0x0], $0xffff;
	_ =	sdelay $0x1  }
0x1d1: {  	v14 =	vor.u32 v6, v13  }
0x1d2: {  	v15 =	vor.u32 $0x5, v10;
	_ =	sdelay $0x1  }
0x1d3: {  	v11 =	vmul.f32 v12, v11;
	_ =	sdelay $0x1  }
0x1d4: {  	[tilespmem:v14+s11+$0x0] =	vst.idx.msk $0xffff, v11  }
0x1d5: {  	v11 =	vld.idx.msk [tilespmem:v15+s29+$0x0], $0xffff  }
0x1d6: {  	v12 =	vld.idx.msk [tilespmem:v15+s30+$0x0], $0xffff;
	_ =	sdelay $0x1  }
0x1d7: {  	v14 =	vor.u32 v7, v13  }
0x1d8: {  	v15 =	vor.u32 $0x6, v10;
	_ =	sdelay $0x1  }
0x1d9: {  	v11 =	vmul.f32 v12, v11;
	_ =	sdelay $0x1  }
0x1da: {  	[tilespmem:v14+s11+$0x0] =	vst.idx.msk $0xffff, v11  }
0x1db: {  	v12 =	vld.idx.msk [tilespmem:v15+s29+$0x0], $0xffff  }
0x1dc: {  	v14 =	vld.idx.msk [tilespmem:v15+s30+$0x0], $0xffff;
	_ =	sdelay $0x1  }
0x1dd: {  	v15 =	vor.u32 v8, v13  }
0x1de: {  	v11 =	vor.u32 $0x7, v10;
	_ =	sdelay $0x1  }
0x1df: {  	v10 =	vmul.f32 v14, v12;
	_ =	sdelay $0x1  }
0x1e0: {  	[tilespmem:v15+s11+$0x0] =	vst.idx.msk $0xffff, v10  }
0x1e1: {  	s13 =	simm.s32 $0x10;
	v10 =	vor.u32 v9, v13;
	v12 =	vld.idx.msk [tilespmem:v11+s29+$0x0], $0xffff  }
.LBB2_14:
0x1e2: {  	p0 =	sne.s32 s13, $0x40;
	v11 =	vld.idx.msk [tilespmem:v11+s30+$0x0], $0xffff;
	s14 =	smov.u32 s13;
	s13 =	sadd.s32 $0x10, s13  }
0x1e3: {  	_ = 	snop  }
0x1e4: {  	v13 =	vmov s14  }
0x1e5: {  	v13 =	vshll.u32 v13, $0x3  }
0x1e6: {  	v13 =	vor.u32 v2, v13  }
0x1e7: {  	v14 =	vand.u32 $0x3F0, v13  }
0x1e8: {  	v11 =	vmul.f32 v11, v12;
	_ =	sdelay $0x1  }
0x1e9: {  	[tilespmem:v10+s11+$0x0] =	vst.idx.msk $0xffff, v11  }
0x1ea: {  	v10 =	vld.idx.msk [tilespmem:v13+s29+$0x0], $0xffff  }
0x1eb: {  	v11 =	vld.idx.msk [tilespmem:v13+s30+$0x0], $0xffff;
	_ =	sdelay $0x1  }
0x1ec: {  	v12 =	vor.u32 v0, v14;
	_ =	sdelay $0x1  }
0x1ed: {  	v15 =	vor.u32 $0x1, v13;
	_ =	sdelay $0x1  }
0x1ee: {  	v10 =	vmul.f32 v11, v10;
	_ =	sdelay $0x1  }
0x1ef: {  	[tilespmem:v12+s11+$0x0] =	vst.idx.msk $0xffff, v10  }
0x1f0: {  	v10 =	vld.idx.msk [tilespmem:v15+s29+$0x0], $0xffff  }
0x1f1: {  	v11 =	vld.idx.msk [tilespmem:v15+s30+$0x0], $0xffff  }
0x1f2: {  	v12 =	vor.u32 v3, v14;
	_ =	sdelay $0x2  }
0x1f3: {  	v15 =	vor.u32 $0x2, v13;
	_ =	sdelay $0x1  }
0x1f4: {  	v10 =	vmul.f32 v11, v10;
	_ =	sdelay $0x1  }
0x1f5: {  	[tilespmem:v12+s11+$0x0] =	vst.idx.msk $0xffff, v10  }
0x1f6: {  	v10 =	vld.idx.msk [tilespmem:v15+s29+$0x0], $0xffff  }
0x1f7: {  	v12 =	vor.u32 v4, v14;
	v11 =	vld.idx.msk [tilespmem:v15+s30+$0x0], $0xffff;
	_ =	sdelay $0x3  }
0x1f8: {  	v15 =	vor.u32 $0x3, v13;
	_ =	sdelay $0x1  }
0x1f9: {  	v10 =	vmul.f32 v11, v10;
	_ =	sdelay $0x1  }
0x1fa: {  	[tilespmem:v12+s11+$0x0] =	vst.idx.msk $0xffff, v10  }
0x1fb: {  	v11 =	vor.u32 v5, v14;
	v10 =	vld.idx.msk [tilespmem:v15+s29+$0x0], $0xffff  }
0x1fc: {  	v12 =	vld.idx.msk [tilespmem:v15+s30+$0x0], $0xffff;
	_ =	sdelay $0x3  }
0x1fd: {  	v15 =	vor.u32 $0x4, v13;
	_ =	sdelay $0x1  }
0x1fe: {  	v10 =	vmul.f32 v12, v10;
	_ =	sdelay $0x1  }
0x1ff: {  	[tilespmem:v11+s11+$0x0] =	vst.idx.msk $0xffff, v10;
	v10 =	vor.u32 v6, v14  }
0x200: {  	v11 =	vld.idx.msk [tilespmem:v15+s29+$0x0], $0xffff  }
0x201: {  	v12 =	vld.idx.msk [tilespmem:v15+s30+$0x0], $0xffff;
	_ =	sdelay $0x3  }
0x202: {  	v15 =	vor.u32 $0x5, v13;
	_ =	sdelay $0x1  }
0x203: {  	v11 =	vmul.f32 v12, v11  }
0x204: {  	v12 =	vor.u32 v7, v14  }
0x205: {  	[tilespmem:v10+s11+$0x0] =	vst.idx.msk $0xffff, v11  }
0x206: {  	v10 =	vld.idx.msk [tilespmem:v15+s29+$0x0], $0xffff  }
0x207: {  	v11 =	vld.idx.msk [tilespmem:v15+s30+$0x0], $0xffff;
	_ =	sdelay $0x3  }
0x208: {  	v15 =	vor.u32 $0x6, v13;
	_ =	sdelay $0x1  }
0x209: {  	v16 =	vor.u32 v8, v14;
	v10 =	vmul.f32 v11, v10;
	_ =	sdelay $0x1  }
0x20a: {  	[tilespmem:v12+s11+$0x0] =	vst.idx.msk $0xffff, v10  }
0x20b: {  	v12 =	vld.idx.msk [tilespmem:v15+s29+$0x0], $0xffff  }
0x20c: {  	v15 =	vld.idx.msk [tilespmem:v15+s30+$0x0], $0xffff;
	_ =	sdelay $0x3  }
0x20d: {  	v11 =	vor.u32 $0x7, v13  }
.Ltmp6:
0x20e: {  	v10 =	vor.u32 v9, v14;
	(pc) =	sbr.rel @p0 .LBB2_14-.Ltmp6, $3  }
0x20f: {  	v12 =	vmul.f32 v15, v12;
	_ =	sdelay $0x1  }
0x210: {  	[tilespmem:v16+s11+$0x0] =	vst.idx.msk $0xffff, v12  }
0x211: {  	v12 =	vld.idx.msk [tilespmem:v11+s29+$0x0], $0xffff  }
0x212: {  	_ =	sdelay $0x3  }
0x213: {  	v11 =	vld.idx.msk [tilespmem:v11+s30+$0x0], $0xffff;
	_ =	sdelay $0x4  }
0x214: {  	v11 =	vmul.f32 v11, v12;
	_ =	sdelay $0x1  }
0x215: {  	s13 =	simm.s32 $0x0;
	s14 =	rddreg [dreg:$0xe];
	[tilespmem:v10+s11+$0x0] =	vst.idx.msk $0xffff, v11  }
0x216: {  	[hbm4b:s14+s13] =	stream.linear.scatter [tilespmem:s11], [sflag:$0x3], $0x280, $0x38;
	[tilespmem:$0x1EAA0] =	vst v63  }
0x217: {  	s13 =	simm.s32 $0x53A0  }
0x218: {  	s16 =	simm.s32 $0x0;
	s15 =	simm.s32 $0x40;
	s14 =	simm.s32 $0x53A0;
	v10 =	vld [tilespmem:s13+$0xFFFFFFB0]  }
.LBB2_16:
0x219: {  	p0 =	sne.s32 s15, $0x9C0;
	v11 =	vld [tilespmem:s16+$0xA820]  }
0x21a: {  	v12 =	vld [tilespmem:s13+$0xFFFFFF90]  }
0x21b: {  	v13 =	vld [tilespmem:s13+$0xFFFFFF80]  }
0x21c: {  	v14 =	vld [tilespmem:s13+$0xFFFFFFA0]  }
0x21d: {  	v15 =	vld [tilespmem:s13+$0xFFFFFFF0]  }
0x21e: {  	v16 =	vbroadcast v11, $0x0;
	v17 =	vbroadcast v11, $0x1;
	v18 =	vld [tilespmem:s13+$0xFFFFFFD0]  }
0x21f: {  	v19 =	vbroadcast v11, $0x2;
	v20 =	vbroadcast v11, $0x3;
	v21 =	vld [tilespmem:s13+$0xFFFFFFC0]  }
0x220: {  	v13 =	vmul.f32 v16, v13;
	v12 =	vmul.f32 v12, v17;
	v16 =	vld [tilespmem:s13+$0xFFFFFFE0]  }
0x221: {  	v10 =	vmul.f32 v10, v20;
	v14 =	vmul.f32 v14, v19;
	v17 =	vld [tilespmem:s13+$0x30]  }
0x222: {  	v19 =	vbroadcast v11, $0x5;
	[tilespmem:s13+$0xFFFFFF80] =	vst v13;
	v13 =	vbroadcast v11, $0x4;
	v20 =	vld [tilespmem:s13+$0x10]  }
0x223: {  	v22 =	vbroadcast v11, $0x7;
	[tilespmem:s13+$0xFFFFFF90] =	vst v12;
	v12 =	vbroadcast v11, $0x6;
	v23 =	vld [tilespmem:s13+$0x0]  }
0x224: {  	[tilespmem:s13+$0xFFFFFFA0] =	vst v14;
	v13 =	vmul.f32 v21, v13;
	v14 =	vmul.f32 v18, v19;
	v18 =	vld [tilespmem:s13+$0x20]  }
0x225: {  	[tilespmem:s13+$0xFFFFFFB0] =	vst v10;
	v10 =	vmul.f32 v16, v12;
	v12 =	vmul.f32 v15, v22;
	v15 =	vld [tilespmem:s13+$0x70]  }
0x226: {  	v16 =	vbroadcast v11, $0x9;
	[tilespmem:s13+$0xFFFFFFC0] =	vst v13;
	v13 =	vbroadcast v11, $0x8;
	v19 =	vld [tilespmem:s13+$0x50]  }
0x227: {  	v21 =	vbroadcast v11, $0xB;
	[tilespmem:s13+$0xFFFFFFD0] =	vst v14;
	v14 =	vbroadcast v11, $0xA;
	v22 =	vld [tilespmem:s13+$0x40]  }
0x228: {  	[tilespmem:s13+$0xFFFFFFE0] =	vst v10;
	v10 =	vmul.f32 v23, v13;
	v13 =	vmul.f32 v20, v16;
	v16 =	vld [tilespmem:s13+$0x60]  }
0x229: {  	[tilespmem:s13+$0xFFFFFFF0] =	vst v12;
	v12 =	vmul.f32 v18, v14;
	v14 =	vmul.f32 v17, v21  }
0x22a: {  	v17 =	vbroadcast v11, $0xD;
	[tilespmem:s13+$0x0] =	vst v10;
	v10 =	vbroadcast v11, $0xC  }
0x22b: {  	[tilespmem:s13+$0x10] =	vst v13;
	v13 =	vbroadcast v11, $0xE;
	v11 =	vbroadcast v11, $0xF  }
0x22c: {  	[tilespmem:s13+$0x20] =	vst v12;
	v10 =	vmul.f32 v22, v10;
	v12 =	vmul.f32 v19, v17  }
.Ltmp7:
0x22d: {  	[tilespmem:s13+$0x30] =	vst v14;
	v13 =	vmul.f32 v16, v13;
	v11 =	vmul.f32 v15, v11;
	(pc) =	sbr.rel @p0 .LBB2_16-.Ltmp7, $4  }
0x22e: {  	[tilespmem:s13+$0x40] =	vst v10  }
0x22f: {  	[tilespmem:s13+$0x50] =	vst v12  }
0x230: {  	s13 =	sadd.s32 $0x100, s13;
	[tilespmem:s14+$0x60] =	vst v13  }
0x231: {  	s16 =	sshra.s32 s15, $0x2;
	s15 =	sadd.s32 $0x40, s15;
	v10 =	vld [tilespmem:s13+$0xFFFFFFB0];
	[tilespmem:s14+$0x70] =	vst v11;
	s14 =	smov.u32 s13  }
0x232: {  	v11 =	vld [tilespmem:s16+$0xA820];
	_ =	sdelay $0x1  }
0x233: {  	v12 =	vld [tilespmem:s13+$0xFFFFFF80]  }
0x234: {  	v13 =	vld [tilespmem:s13+$0xFFFFFF90]  }
0x235: {  	v14 =	vld [tilespmem:s13+$0xFFFFFFA0]  }
0x236: {  	v15 =	vbroadcast v11, $0x0  }
0x237: {  	v18 =	vld [tilespmem:s13+$0xFFFFFFD0];
	v16 =	vbroadcast v11, $0x1;
	v19 =	vbroadcast v11, $0x2  }
0x238: {  	v45 =	vld [tilespmem:s13+$0xFFFFFFE0];
	v44 =	vbroadcast v11, $0x3;
	v12 =	vmul.f32 v15, v12  }
0x239: {  	v49 =	vld [tilespmem:s13+$0x10];
	v46 =	vbroadcast v11, $0x4;
	v13 =	vmul.f32 v13, v16  }
0x23a: {  	v17 =	vld [tilespmem:s13+$0xFFFFFFC0];
	v47 =	vbroadcast v11, $0x5;
	v14 =	vmul.f32 v14, v19;
	[tilespmem:s13+$0xFFFFFF80] =	vst v12  }
0x23b: {  	v20 =	vld [tilespmem:s13+$0xFFFFFFF0];
	v21 =	vbroadcast v11, $0x6;
	v10 =	vmul.f32 v10, v44;
	[tilespmem:s13+$0xFFFFFF90] =	vst v13  }
0x23c: {  	v51 =	vld [tilespmem:s13+$0x20];
	v53 =	vbroadcast v11, $0x9;
	v15 =	vmul.f32 v18, v47;
	[tilespmem:s13+$0xFFFFFFA0] =	vst v14  }
0x23d: {  	v48 =	vld [tilespmem:s13+$0x0];
	v50 =	vbroadcast v11, $0x7;
	v16 =	vmul.f32 v45, v21;
	[tilespmem:s13+$0xFFFFFFB0] =	vst v10  }
0x23e: {  	v55 =	vld [tilespmem:s13+$0x50];
	v52 =	vbroadcast v11, $0x8;
	v58 =	vmul.f32 v49, v53;
	[tilespmem:s13+$0xFFFFFFD0] =	vst v15  }
0x23f: {  	v54 =	vld [tilespmem:s13+$0x40];
	v56 =	vbroadcast v11, $0xA;
	v12 =	vmul.f32 v17, v46;
	[tilespmem:s13+$0xFFFFFFE0] =	vst v16  }
0x240: {  	v57 =	vbroadcast v11, $0xB;
	v10 =	vld [tilespmem:s13+$0x30];
	v14 =	vmul.f32 v20, v50;
	[tilespmem:s13+$0x10] =	vst v58  }
0x241: {  	v60 =	vld [tilespmem:s13+$0x70];
	v62 =	vbroadcast v11, $0xD;
	v17 =	vmul.f32 v51, v56;
	[tilespmem:s13+$0xFFFFFFC0] =	vst v12  }
0x242: {  	v59 =	vld [tilespmem:s13+$0x60];
	v61 =	vbroadcast v11, $0xC;
	v12 =	vmul.f32 v48, v52;
	[tilespmem:s13+$0xFFFFFFF0] =	vst v14  }
0x243: {  	v63 =	vbroadcast v11, $0xE;
	v13 =	vmul.f32 v55, v62;
	[tilespmem:s13+$0x20] =	vst v17  }
0x244: {  	v11 =	vbroadcast v11, $0xF;
	[tilespmem:s13+$0x0] =	vst v12;
	v12 =	vmul.f32 v54, v61  }
0x245: {  	[tilespmem:s13+$0x50] =	vst v13;
	v10 =	vmul.f32 v10, v57  }
0x246: {  	v11 =	vmul.f32 v60, v11;
	[tilespmem:s13+$0x40] =	vst v12  }
0x247: {  	[tilespmem:s13+$0x30] =	vst v10;
	v10 =	vmul.f32 v59, v63  }
0x248: {  	[tilespmem:s14+$0x70] =	vst v11  }
0x249: {  	s18 =	simm.s32 $0x4DD0;
	[tilespmem:s14+$0x60] =	vst v10  }
0x24a: {  	[spmem:s4] =	stream.indirect.scatter.add.f32 [tilespmem:s24], [sflag:$0x4], $0x80, s18, s28, $0xb8;
	[tilespmem:$0x1EAA0] =	vst v63  }
0x24b: {  	_ =	swait.ge [sflag:s25], $0x2800  }
0x24c: {  	[sflag:s25] =	ssyncset.done $0x0  }
0x24d: {  	[sflag:s25] =	ssyncadd.s32 $0xFFFFD800  }
0x24e: {  	_ =	swait.ge [sflag:s12], $0x280  }
0x24f: {  	[sflag:s12] =	ssyncset.done $0x0  }
0x250: {  	s21 =	stileid.u32;
	[sflag:s12] =	ssyncadd.s32 $0xFFFFFD80  }
0x251: {  	s13 =	sshll.u32 s21, $0x6;
	[bflag:$0x0] =	sbarrier.arrive $0xFFFF  }
0x252: {  	s22 =	sshrl.u32 s9, $0x3;
	s13 =	sor.u32 $0x1C04, s13;
	s15 =	rddreg [dreg:$0xf]  }
0x253: {  	[hbm:s15], [sflag:s13] =	dma.local [spmem:s22], $0x2800  }
0x254: {  	_ =	swait.ge [sflag:s25], $0x2800  }
0x255: {  	s6 =	sadd.s32 $0x1, s6;
	s23 =	rddreg [dreg:$0x10]  }
0x256: {  	p0 =	sne.s32 s6, s23  }
.Ltmp8:
0x257: {  	_ = 	snop;
	(pc) =	sbr.rel @p0 .LBB2_1-.Ltmp8, $3  }
0x258: {  	_ =	sdelay $0x1  }
0x259: {  	[sflag:s25] =	ssyncset.done $0x0  }
0x25a: {  	[sflag:s25] =	ssyncadd.s32 $0xFFFFD800  }
0x25b: {  	_ =	sfence.sel $0x180000  }
0x25c: {  	[bflag:$0x0] =	sbarrier.arrive $0xFFFF  }
0x25d: {  	_ =	strace $0x9000004A  }
0x25e: {  	s0 =	stileid.u32;
	[bflag:$0x2] =	sbarrier.arrive $0xFFFF  }
0x25f: {  	p0 =	sne.s32 s0, $0x0;
	s0 =	rddreg [dreg:$0x4]  }
0x260: {  	s0 =	sadd.s32 @!p0 $0x100000, s0  }
0x261: {  	[sflag:s0] =	ssyncadd.tile.s32 @!p0 $0x1;
	_ =	shalt  }
.Lfunc_end2:
_tile_overlayer_lowered:
.L_overlay_start_2:
0x262: {  	(tag) =	ssettag $0x2  }
0x263: {  	s0 =	rddreg [dreg:$0x0];
	s2 =	stileid.u32  }
0x264: {  	s1 =	rddreg [dreg:$0x1];
	p0 =	sne.s32 s2, $0x0  }
0x265: {  	s3 =	rddreg [dreg:$0x2];
	[bflag:$0x3] =	sbarrier.arrive $0xFFFF;
	s2 =	simm.s32 @!p0 $0x1C04  }
0x266: {  	[timem:s3], [sflag:s2] =	dma.local @!p0 [hbm:s0], s1  }
0x267: {  	s0 =	simm.s32 @!p0 $0x4  }
0x268: {  	_ =	swait.ge @!p0 [sflag:s0], s1  }
0x269: {  	s1 =	ssub.s32 @!p0 $0x0, s1;
	[sflag:s0] =	ssyncset.done @!p0 $0x0  }
0x26a: {  	[sflag:s0] =	ssyncadd.s32 @!p0 s1  }
0x26b: {  	[bflag:$0x3] =	sbarrier.arrive $0xFFFF  }
0x26c: {  	_ =	shalt  }

// kernel: kernel.7.cloned.1.call-start
scs
__scs_entry_jumppad:
0x0: {  	(pc) =	sbr.rel $0x88, $3  }
0x1: {  	(tag) =	ssettag $0x0;
	lr =	simm.s32 $0x1  }
0x2: {  	[smem:$0x3F97] =	sst lr;
	_ =	strace $0xD0000000  }
0x3: {  	_ = 	snop  }
0x4: {  	_ = 	snop  }
0x5: {  	_ = 	snop  }
0x6: {  	_ = 	snop  }
0x7: {  	_ = 	snop  }
__scs_overlays_trampoline_lowered:
0x8: {  	[smem:$0x3FA6] =	sst s0  }
0x9: {  	[smem:$0x3FA7] =	sst s1  }
0xa: {  	[smem:$0x3FA8] =	sst s2  }
0xb: {  	[smem:$0x3FA9] =	sst s3  }
0xc: {  	[smem:$0x3FAA] =	sst s4  }
0xd: {  	[smem:$0x3FAB] =	sst s5  }
0xe: {  	[smem:$0x3FAC] =	sst s6  }
0xf: {  	[smem:$0x3FAD] =	sst s7  }
0x10: {  	[smem:$0x3FAE] =	sst s8  }
0x11: {  	[smem:$0x3FAF] =	sst s9;
	s0 =	simm.s32 @!p0 $0x0  }
0x12: {  	s1 =	sld [smem:$0x3F95];
	s0 =	simm.s32 @p0 $0x1  }
0x13: {  	[smem:$0x3FB0] =	sst s0;
	s0 =	simm.s32 @!p1 $0x0  }
0x14: {  	s2 =	sld [smem:$0x3F94];
	s0 =	simm.s32 @p1 $0x1  }
0x15: {  	[smem:$0x3FB1] =	sst s0;
	s0 =	simm.s32 @!p2 $0x0  }
0x16: {  	s3 =	sld [smem:$0x3FDB];
	s0 =	simm.s32 @p2 $0x1  }
0x17: {  	s4 =	simm.s32 $0x1BF5;
	[smem:$0x3FB3] =	sst s0  }
0x18: {  	s0 =	sld [smem:$0x3F96];
	_ =	swait.ge [sflag:s4], $0x0  }
0x19: {  	s7 =	sld [smem:$0x3F97]  }
0x1a: {  	s8 =	sadd.s32 $0xFFFFE003, lr  }
0x1b: {  	s9 =	sadd.s32 $0xFFFFFEF7, lr;
	s5 =	simm.s32 $0xFFFFFFFF;
	p2 =	slt.u32 s8, $0xFFFFF086  }
0x1c: {  	p1 =	slt.u32 s9, $0xF7A;
	s5 =	simm.s32 @!p2 $0x0  }
0x1d: {  	s5 =	simm.s32 @p1 $0x1;
	p0 =	seq.s32 s7, s2  }
0x1e: {  	s7 =	smul.u32 @!p0 $0xF7A, s2;
	p2 =	seq.s32 @!p0 s5, $0x0  }
0x1f: {  	s9 =	smul.u32 $0xF7A, s1;
	s8 =	simm.s32 @!p0 $0x1BF5;
	p2 =	por !p2, p0  }
0x20: {  	[sflag:s8] =	ssyncset.s32 @!p0 $0xFFFFF086;
	s6 =	sadd.s32 @!p0 s3, s7;
	s7 =	simm.s32 @!p0 $0x108  }
0x21: {  	s3 =	sadd.s32 s3, s9;
	s6 =	sadd.s32 @!p0 $0x88, s6;
	s7 =	simm.s32 @p2 $0x1082  }
0x22: {  	[simem:s7], [sflag:s8] =	dma.local @!p0 [hbm:s6], $0xF7A  }
0x23: {  	s9 =	sor.u32 $0xD0000000, s2;
	s6 =	simm.s32 $0x108;
	_ =	swait.ge @!p0 [sflag:s8], $0x0  }
0x24: {  	s3 =	sadd.s32 $0x88, s3;
	s6 =	simm.s32 @!p1 $0x1082;
	[sflag:s4] =	ssyncset.s32 $0xFFFFF086  }
0x25: {  	[simem:s6], [sflag:s4] =	dma.local [hbm:s3], $0xF7A  }
0x26: {  	[smem:$0x3F97] =	sst s1;
	(tag) =	ssettag s2;
	_ =	strace s9  }
0x27: {  	s1 =	sld [smem:$0x3FA7]  }
0x28: {  	s2 =	sld [smem:$0x3FA8]  }
0x29: {  	s4 =	sld [smem:$0x3FAA]  }
0x2a: {  	p0 =	seq.s32 s5, $0x0;
	s5 =	sld [smem:$0x3FAB]  }
0x2b: {  	s6 =	sld [smem:$0x3FAC]  }
0x2c: {  	s7 =	sld [smem:$0x3FAD]  }
0x2d: {  	s3 =	simm.s32 $0x108;
	s8 =	sld [smem:$0x3FAE]  }
0x2e: {  	s3 =	simm.s32 @!p0 $0x1082;
	s9 =	sld [smem:$0x3FAF]  }
0x2f: {  	lr =	sadd.s32 s0, s3;
	s0 =	sld [smem:$0x3FA6]  }
0x30: {  	s3 =	sld [smem:$0x3FA9]  }
0x31: {  	[smem:$0x3FB2] =	sst s10  }
0x32: {  	s10 =	sld [smem:$0x3FB0];
	_ =	sdelay $0x3  }
0x33: {  	p0 =	seq.s32 s10, $0x1;
	s10 =	sld [smem:$0x3FB2];
	_ =	sdelay $0x3  }
0x34: {  	[smem:$0x3FB2] =	sst s10  }
0x35: {  	s10 =	sld [smem:$0x3FB1];
	_ =	sdelay $0x3  }
0x36: {  	p1 =	seq.s32 s10, $0x1;
	s10 =	sld [smem:$0x3FB2];
	_ =	sdelay $0x3  }
0x37: {  	[smem:$0x3FB2] =	sst s10  }
0x38: {  	s10 =	sld [smem:$0x3FB3]  }
0x39: {  	_ = 	snop;
	(pc) =	sbr.ind lr, $3  }
0x3a: {  	_ = 	snop  }
0x3b: {  	_ = 	snop  }
0x3c: {  	p2 =	seq.s32 s10, $0x1;
	s10 =	sld [smem:$0x3FB2]  }
0x3d: {  	_ =	shalt  }
0x3e: {  	_ =	shalt  }
0x3f: {  	_ =	shalt  }
0x40: {  	_ =	shalt  }
0x41: {  	_ =	shalt  }
0x42: {  	_ =	shalt  }
0x43: {  	_ =	shalt  }
0x44: {  	_ =	shalt  }
0x45: {  	_ =	shalt  }
0x46: {  	_ =	shalt  }
0x47: {  	_ =	shalt  }
0x48: {  	_ =	shalt  }
0x49: {  	_ =	shalt  }
0x4a: {  	_ =	shalt  }
0x4b: {  	_ =	shalt  }
0x4c: {  	_ =	shalt  }
0x4d: {  	_ =	shalt  }
0x4e: {  	_ =	shalt  }
0x4f: {  	_ =	shalt  }
0x50: {  	_ =	shalt  }
0x51: {  	_ =	shalt  }
0x52: {  	_ =	shalt  }
0x53: {  	_ =	shalt  }
0x54: {  	_ =	shalt  }
0x55: {  	_ =	shalt  }
0x56: {  	_ =	shalt  }
0x57: {  	_ =	shalt  }
0x58: {  	_ =	shalt  }
0x59: {  	_ =	shalt  }
0x5a: {  	_ =	shalt  }
0x5b: {  	_ =	shalt  }
0x5c: {  	_ =	shalt  }
0x5d: {  	_ =	shalt  }
0x5e: {  	_ =	shalt  }
0x5f: {  	_ =	shalt  }
0x60: {  	_ =	shalt  }
0x61: {  	_ =	shalt  }
0x62: {  	_ =	shalt  }
0x63: {  	_ =	shalt  }
0x64: {  	_ =	shalt  }
0x65: {  	_ =	shalt  }
0x66: {  	_ =	shalt  }
0x67: {  	_ =	shalt  }
0x68: {  	_ =	shalt  }
0x69: {  	_ =	shalt  }
0x6a: {  	_ =	shalt  }
0x6b: {  	_ =	shalt  }
0x6c: {  	_ =	shalt  }
0x6d: {  	_ =	shalt  }
0x6e: {  	_ =	shalt  }
0x6f: {  	_ =	shalt  }
0x70: {  	_ =	shalt  }
0x71: {  	_ =	shalt  }
0x72: {  	_ =	shalt  }
0x73: {  	_ =	shalt  }
0x74: {  	_ =	shalt  }
0x75: {  	_ =	shalt  }
0x76: {  	_ =	shalt  }
0x77: {  	_ =	shalt  }
0x78: {  	_ =	shalt  }
0x79: {  	_ =	shalt  }
0x7a: {  	_ =	shalt  }
0x7b: {  	_ =	shalt  }
0x7c: {  	_ =	shalt  }
0x7d: {  	_ =	shalt  }
0x7e: {  	_ =	shalt  }
0x7f: {  	_ =	shalt  }
0x80: {  	_ =	shalt  }
0x81: {  	_ =	shalt  }
0x82: {  	_ =	shalt  }
0x83: {  	_ =	shalt  }
0x84: {  	_ =	shalt  }
0x85: {  	_ =	shalt  }
0x86: {  	_ =	shalt  }
0x87: {  	_ =	shalt  }
.Lfunc_end0:
.L_simem_size_0:
called_computation_lowered:
.L_overlay_start_0:
0x88: {  	s2 =	sld [smem:$0x3FD9]  }
0x89: {  	s3 =	sld [smem:$0x3FFE];
	_ =	sdelay $0x1  }
0x8a: {  	s1 =	srdreg.scid  }
0x8b: {  	s0 =	sand.u32 $0x1, s1  }
0x8c: {  	s14 =	sshll.u32 s0, $0xA;
	s2 =	sadd.s32 s3, s2  }
0x8d: {  	s2 =	sadd.s32 s2, s14  }
0x8e: {  	[smem:$0x3FBE] =	sst s2  }
0x8f: {  	_ = 	snop  }
0x90: {  	s2 =	sld [smem:$0x3FD0];
	_ =	sdelay $0x2  }
0x91: {  	s4 =	simm.s32 $0xA;
	s5 =	simm.s32 $0x10;
	s15 =	sld [smem:$0x3FC6]  }
0x92: {  	[smem:s5], [sflag:s4] =	dma.local [hbm:s2], $0x1  }
0x93: {  	_ =	swait.eq [sflag:s4], $0x1  }
0x94: {  	[sflag:s4] =	ssyncset.done $0x0  }
0x95: {  	[sflag:s4] =	ssyncadd.s32 $0xFFFFFFFF  }
0x96: {  	s16 =	sld [smem:$0x11];
	(tm) =	ssettm $0x1  }
0x97: {  	s17 =	sld [smem:$0x3FFB];
	_ =	sdelay $0x3  }
0x98: {  	_ =	strace s17  }
0x99: {  	s4 =	sld [smem:$0x3FFC];
	_ =	sdelay $0x3  }
0x9a: {  	_ =	strace s4  }
0x9b: {  	s4 =	sld [smem:$0x3FFD];
	_ =	sdelay $0x3  }
0x9c: {  	_ =	strace s4  }
0x9d: {  	_ =	strace $0x8FFFFFFF  }
0x9e: {  	s18 =	sld [smem:$0x3FDB];
	_ =	sdelay $0x1  }
0x9f: {  	s19 =	simm.s32 $_scs_section_size  }
0xa0: {  	s6 =	simm.s32 $_size__tile_overlayer_lowered;
	s7 =	simm.s32 $_tile_overlayer_lowered  }
0xa1: {  	s22 =	simm.s32 $0x1BFF;
	s21 =	sshll.u32 s7, $0x1;
	s4 =	sadd.s32 s19, s18  }
0xa2: {  	s8 =	simm.s32 $0x0;
	s20 =	sshll.u32 s6, $0x1;
	s6 =	sadd.s32 s21, s4  }
0xa3: {  	[timem:s8], [sflag:s22] =	dma.local [hbm:s6], s20  }
0xa4: {  	_ =	swait.ge [sflag:s22], s20  }
0xa5: {  	s5 =	ssub.s32 $0x0, s20;
	[sflag:s22] =	ssyncset.done $0x0  }
0xa6: {  	[sflag:s22] =	ssyncadd.s32 s5;
	_ =	sdelay $0x1  }
0xa7: {  	s23 =	simm.s32 $0x1B8B  }
0xa8: {  	_ =	swait.ge [sflag:s23], $0x1  }
0xa9: {  	[sflag:s23] =	ssyncset.done $0x0  }
0xaa: {  	s25 =	simm.s32 $0x1B8E;
	s24 =	sld [smem:$0x3FFE];
	[sflag:s23] =	ssyncadd.s32 $0xFFFFFFFF  }
0xab: {  	s26 =	simm.s32 $execute0_lowered;
	[smem:$0x3FD2] =	sst s25  }
0xac: {  	s6 =	sshll.u32 s26, $0x1;
	_ =	strace $0x80000046;
	[dreg:$0x1] =	wrdreg $0xFFFFFFFF  }
0xad: {  	s28 =	simm.s32 $_size_execute0_lowered;
	s4 =	sadd.s32 s4, s6;
	[dreg:$0x0] =	wrdreg $0x0  }
0xae: {  	s6 =	sshll.u32 s28, $0x1;
	[dreg:$0x2] =	wrdreg s4  }
0xaf: {  	[dreg:$0x3] =	wrdreg s6  }
0xb0: {  	[dreg:$0x4] =	wrdreg $0xC0  }
0xb1: {  	_ =	task [dreg:s8], $0x5FFFF  }
0xb2: {  	[dreg:$0x1] =	wrdreg $0xFFFFFFFF  }
0xb3: {  	[dreg:$0x0] =	wrdreg $0x60  }
0xb4: {  	[dreg:$0x2] =	wrdreg s24  }
0xb5: {  	[dreg:$0x3] =	wrdreg s15  }
0xb6: {  	[dreg:$0x4] =	wrdreg s16  }
0xb7: {  	[dreg:$0x5] =	wrdreg $0x8BD00  }
0xb8: {  	[dreg:$0x6] =	wrdreg $0x9  }
0xb9: {  	_ =	task.clear_ibuf [dreg:s8], $0x7FFFF;
	_ =	strace $0x90000046  }
0xba: {  	s29 =	simm.s32 $0x9;
	_ =	strace $0x80000048  }
0xbb: {  	_ =	swait.ge [sflag:s29], $0x1  }
0xbc: {  	[sflag:s29] =	ssyncadd.s32 $0xFFFFFFFF  }
0xbd: {  	_ =	strace $0x90000048  }
0xbe: {  	_ =	sfence  }
0xbf: {  	s30 =	sld [smem:$0x0];
	_ =	sdelay $0x2  }
0xc0: {  	s31 =	sshll.u32 s1, $0xD;
	s1 =	sshrl.u32 s1, $0x2  }
0xc1: {  	s3 =	sand.u32 $0x4000, s31;
	s1 =	sadd.s32 s1, s30  }
0xc2: {  	s0 =	sor.u32 s3, s0;
	s1 =	sshll.u32 s1, $0x11  }
0xc3: {  	s0 =	sor.u32 s1, s0  }
0xc4: {  	s0 =	sadd.s32 $0x8F2B, s0  }
0xc5: {  	[sflag:s0] =	ssyncadd.remote.s32 $0x1  }
0xc6: {  	_ =	sfence.sel $0xFFFF  }
0xc7: {  	[dreg:$0x0] =	wrdreg $0xFFFFFFFF;
	(pc) =	sbr.abs _section_cstart, $3  }
0xc8: {  	[dreg:$0x1] =	wrdreg $0xFFFFFFFF  }
0xc9: {  	_ =	task.clear_ibuf [dreg:s8], $0x2FFFF;
	_ =	strace $0x9FFFFFFF  }
0xca: {  	(tm) =	ssettm $0x7FFFFFFF  }
0xcb: {  	_ =	shalt  }
tec
execute0_lowered:
.L_overlay_start_1:
0x0: {  	(tag) =	ssettag $0x1  }
0x1: {  	s0 =	rddreg [dreg:$0x0]  }
0x2: {  	s1 =	srdreg.scid;
	s5 =	rddreg [dreg:$0x1]  }
0x3: {  	s16 =	stileid.u32;
	s6 =	rddreg [dreg:$0x2]  }
0x4: {  	s3 =	simm.s32 $0x0;
	s17 =	simm.s32 $0x8930;
	s19 =	simm.s32 $0x50  }
0x5: {  	s20 =	simm.s32 $0x7530;
	s21 =	simm.s32 $0x7A30;
	s22 =	simm.s32 $0x7F30  }
0x6: {  	s28 =	simm.s32 $0x2;
	s30 =	simm.s32 $0x0;
	s1 =	sand.u32 $0x1, s1  }
0x7: {  	s2 =	sshll.u32 s16, $0x1;
	[smem:$0x7FF] =	sst s3;
	s11 =	smul.u32 $0x1400, s16  }
0x8: {  	s4 =	sadd.s32 $0x15C00, s0;
	s12 =	sadd.s32 $0x1AC00, s0;
	s26 =	sshll.u32 s16, $0x6  }
0x9: {  	s16 =	simm.s32 $0x4;
	s7 =	sor.u32 s1, s2;
	s2 =	rddreg [dreg:$0x3]  }
0xa: {  	_ =	strace $0x80000047;
	s13 =	ssub.s32 $0x2, s1;
	s1 =	smul.u32 $0x14000, s1  }
0xb: {  	[dreg:$0x5] =	wrdreg s12;
	s8 =	smul.u32 $0x2710, s7;
	s23 =	sshrl.u32 s11, $0x3  }
0xc: {  	s14 =	sshrl.u32 s13, $0x1;
	s15 =	sadd.s32 s11, s2;
	s24 =	smul.u32 $0x13880, s7  }
0xd: {  	s7 =	sor.u32 $0x1C04, s26;
	s26 =	simm.s32 $0x3;
	s12 =	sadd.s32 s23, s0  }
0xe: {  	s14 =	ssub.s32 s13, s14;
	s1 =	sadd.s32 s11, s1;
	s15 =	sshrl.u32 s15, $0x3  }
0xf: {  	s23 =	simm.s32 $0x8430;
	s9 =	sshrl.u32 s8, $0x3;
	s25 =	sadd.s32 $0x1AE00, s12  }
0x10: {  	s31 =	sshrl.u32 s24, $0x3;
	s1 =	sshrl.u32 s1, $0x3;
	s14 =	smax.u32 s14, $0x1  }
0x11: {  	s24 =	simm.s32 $0x1;
	s10 =	sadd.s32 s9, s0;
	s0 =	sadd.s32 $0x1D600, s0  }
0x12: {  	[dreg:$0x6] =	wrdreg s25;
	s5 =	sadd.s32 s5, s9;
	s13 =	sadd.s32 s6, s1  }
0x13: {  	s29 =	sadd.s32 $0xBE00, s10;
	s10 =	sadd.s32 $0x2000, s10;
	[dreg:$0x9] =	wrdreg s5  }
0x14: {  	s11 =	sadd.s32 s0, s8;
	s0 =	sadd.s32 s0, s31;
	[dreg:$0x7] =	wrdreg s29  }
0x15: {  	v0 =	vlaneseq.u32;
	s25 =	simm.s32 $0x8950;
	[dreg:$0x8] =	wrdreg s10;
	s12 =	sadd.s32 $0x26C0, s0  }
.LBB2_1:
0x16: {  	s0 =	rddreg [dreg:$0x6]  }
0x17: {  	[spmem:s15], [sflag:s7] =	dma.local [hbm:s0], $0x280  }
0x18: {  	_ =	swait.ge [sflag:s16], $0x280  }
0x19: {  	[sflag:s16] =	ssyncset.done $0x0  }
0x1a: {  	s10 =	rddreg [dreg:$0x5];
	[sflag:s16] =	ssyncadd.s32 $0xFFFFFD80  }
0x1b: {  	[tilespmem:s17], [sflag:$0x4] =	stream.linear.gather [hbm4b:s10+s3], $0x20, $0x38;
	[tilespmem:$0x9FD0] =	vst v63  }
0x1c: {  	_ =	swait.ge [sflag:s16], $0x20  }
0x1d: {  	[sflag:s16] =	ssyncset.done $0x0  }
0x1e: {  	s18 =	rddreg [dreg:$0x7];
	[sflag:s16] =	ssyncadd.s32 $0xFFFFFFE0  }
0x1f: {  	[tilespmem:s3], [sflag:$0x4] =	stream.linear.gather [hbm4b:s18+s3], $0x2710, $0x38;
	[tilespmem:$0x9FD0] =	vst v63  }
0x20: {  	_ =	swait.ge [sflag:s16], $0x2710  }
0x21: {  	[sflag:s16] =	ssyncset.done $0x0  }
0x22: {  	s1 =	simm.s32 $0x2710;
	s29 =	rddreg [dreg:$0x8];
	[sflag:s16] =	ssyncadd.s32 $0xFFFFD8F0  }
0x23: {  	[tilespmem:s1], [sflag:$0x4] =	stream.linear.gather [hbm4b:s29+s3], $0x2710, $0x38;
	[tilespmem:$0x9FD0] =	vst v63  }
0x24: {  	_ =	swait.ge [sflag:s16], $0x2710  }
0x25: {  	[sflag:s16] =	ssyncset.done $0x0  }
0x26: {  	s9 =	simm.s32 $0x4E20;
	s31 =	rddreg [dreg:$0x9];
	[sflag:s16] =	ssyncadd.s32 $0xFFFFD8F0  }
0x27: {  	[tilespmem:s9], [sflag:$0x4] =	stream.linear.gather [hbm4b:s31+s3], $0x2710, $0x38;
	[tilespmem:$0x9FD0] =	vst v63  }
0x28: {  	_ =	swait.ge [sflag:s16], $0x2710  }
0x29: {  	[sflag:s16] =	ssyncset.done $0x0  }
0x2a: {  	[sflag:s16] =	ssyncadd.s32 $0xFFFFD8F0  }
0x2b: {  	[bflag:$0x0] =	sbarrier.arrive $0xFFFF  }
0x2c: {  	[tilespmem:s20], [sflag:$0x1] =	stream.indirect.gather [hbm4b:s4+s19], $0x10, s3, s19, $0xb8;
	[tilespmem:$0x9FD0] =	vst v63  }
0x2d: {  	_ = 	snop  }
0x2e: {  	[tilespmem:s21], [sflag:$0x1] =	stream.indirect.gather [hbm4b:s4+s19], $0x10, s1, s19, $0xb8;
	[tilespmem:$0x9FD0] =	vst v63  }
0x2f: {  	s0 =	simm.s32 $0x0;
	s1 =	simm.s32 $0x4E70  }
.LBB2_2:
0x30: {  	s18 =	smul.u32 $0xA0, s0;
	_ =	sdelay $0x1  }
0x31: {  	s29 =	sadd.s32 $0x50, s18  }
0x32: {  	[tilespmem:s22], [sflag:$0x2] =	stream.indirect.gather [hbm4b:s4+s19], $0x10, s29, s19, $0xb8;
	[tilespmem:$0x9FD0] =	vst v63  }
0x33: {  	s5 =	sadd.s32 $0x2760, s18  }
0x34: {  	[tilespmem:s23], [sflag:$0x2] =	stream.indirect.gather [hbm4b:s4+s19], $0x10, s5, s19, $0xb8;
	[tilespmem:$0x9FD0] =	vst v63  }
0x35: {  	_ =	swait.ge [sflag:s24], $0x500  }
0x36: {  	[sflag:s24] =	ssyncset.done $0x0  }
0x37: {  	[sflag:s24] =	ssyncadd.s32 $0xFFFFFB00  }
0x38: {  	_ =	swait.ge [sflag:s24], $0x500  }
0x39: {  	[sflag:s24] =	ssyncset.done $0x0  }
0x3a: {  	s6 =	simm.s32 $0x0;
	[sflag:s24] =	ssyncadd.s32 $0xFFFFFB00  }
0x3b: {  	v1 =	vor.u32 s6, v0;
	v2 =	vld [tilespmem:s9+$0x0]  }
0x3c: {  	v3 =	vshll.u32 v1, $0x4  }
0x3d: {  	v4 =	vor.u32 $0x8, v3;
	_ =	sdelay $0x2  }
0x3e: {  	v2 =	vshll.u32 v2, $0x3;
	_ =	sdelay $0x1  }
0x3f: {  	v4 =	vld.idx.msk [tilespmem:v4+s21+$0x0], $0xffff  }
0x40: {  	v5 =	vld.idx.msk [tilespmem:v3+s20+$0x0], $0xffff;
	_ =	sdelay $0x1  }
0x41: {  	v6 =	vld.idx.msk [tilespmem:v2+s17+$0x0], $0xffff;
	_ =	sdelay $0x2  }
0x42: {  	v4 =	vadd.f32 v4, v5;
	_ =	sdelay $0x1  }
0x43: {  	v4 =	vadd.f32 v6, v4;
	_ =	sdelay $0x1  }
0x44: {  	v17 =	vmul.f32 $2.000000030e-01, v4  }
0x45: {  	vm0 =	vge.f32 v4, $0.0e+00  }
0x46: {  	v4 =	vsel vm0, v4, v17  }
0x47: {  	v4 =	vmul.f32 $1.442695020e+00, v4;
	_ =	sdelay $0x1  }
0x48: {  	(erf) = vpow2.f32 v4;
	_ =	sdelay $0x4  }
0x49: {  	v1 =	vshll.u32 v1, $0x3  }
0x4a: {  	v18 =	vor.u32 $0x1, v3  }
0x4b: {  	v19 =	vor.u32 $0x9, v3;
	_ =	sdelay $0x1  }
0x4c: {  	v20 =	vor.u32 $0x1, v2;
	v7 =	vpop (erf)  }
0x4d: {  	[tilespmem:v1+s25+$0x0] =	vst.idx.msk $0xffff, v7  }
0x4e: {  	v4 =	vld.idx.msk [tilespmem:v18+s20+$0x0], $0xffff  }
0x4f: {  	v5 =	vld.idx.msk [tilespmem:v19+s21+$0x0], $0xffff;
	_ =	sdelay $0x1  }
0x50: {  	v6 =	vld.idx.msk [tilespmem:v20+s17+$0x0], $0xffff;
	_ =	sdelay $0x2  }
0x51: {  	v4 =	vadd.f32 v5, v4;
	_ =	sdelay $0x1  }
0x52: {  	v4 =	vadd.f32 v6, v4;
	_ =	sdelay $0x1  }
0x53: {  	v21 =	vmul.f32 $2.000000030e-01, v4  }
0x54: {  	vm9 =	vge.f32 v4, $0.0e+00  }
0x55: {  	v4 =	vsel vm9, v4, v21  }
0x56: {  	v4 =	vmul.f32 $1.442695020e+00, v4;
	_ =	sdelay $0x1  }
0x57: {  	(erf) = vpow2.f32 v4;
	_ =	sdelay $0x4  }
0x58: {  	v22 =	vor.u32 $0x1, v1  }
0x59: {  	v23 =	vor.u32 $0x2, v3  }
0x5a: {  	v24 =	vor.u32 $0xA, v3;
	_ =	sdelay $0x1  }
0x5b: {  	v25 =	vor.u32 $0x2, v2;
	v8 =	vpop (erf)  }
0x5c: {  	[tilespmem:v22+s25+$0x0] =	vst.idx.msk $0xffff, v8  }
0x5d: {  	v4 =	vld.idx.msk [tilespmem:v23+s20+$0x0], $0xffff  }
0x5e: {  	v26 =	vld.idx.msk [tilespmem:v24+s21+$0x0], $0xffff;
	_ =	sdelay $0x1  }
0x5f: {  	v27 =	vld.idx.msk [tilespmem:v25+s17+$0x0], $0xffff;
	_ =	sdelay $0x2  }
0x60: {  	v4 =	vadd.f32 v26, v4;
	_ =	sdelay $0x1  }
0x61: {  	v4 =	vadd.f32 v27, v4;
	_ =	sdelay $0x1  }
0x62: {  	v28 =	vmul.f32 $2.000000030e-01, v4  }
0x63: {  	vm10 =	vge.f32 v4, $0.0e+00  }
0x64: {  	v4 =	vsel vm10, v4, v28  }
0x65: {  	v4 =	vmul.f32 $1.442695020e+00, v4;
	_ =	sdelay $0x1  }
0x66: {  	(erf) = vpow2.f32 v4;
	_ =	sdelay $0x4  }
0x67: {  	v29 =	vor.u32 $0x2, v1  }
0x68: {  	v30 =	vor.u32 $0x3, v3  }
0x69: {  	v31 =	vor.u32 $0xB, v3;
	_ =	sdelay $0x1  }
0x6a: {  	v32 =	vor.u32 $0x3, v2;
	v33 =	vpop (erf)  }
0x6b: {  	[tilespmem:v29+s25+$0x0] =	vst.idx.msk $0xffff, v33  }
0x6c: {  	v4 =	vld.idx.msk [tilespmem:v30+s20+$0x0], $0xffff  }
0x6d: {  	v34 =	vld.idx.msk [tilespmem:v31+s21+$0x0], $0xffff;
	_ =	sdelay $0x1  }
0x6e: {  	v35 =	vld.idx.msk [tilespmem:v32+s17+$0x0], $0xffff;
	_ =	sdelay $0x2  }
0x6f: {  	v4 =	vadd.f32 v34, v4;
	_ =	sdelay $0x1  }
0x70: {  	v4 =	vadd.f32 v35, v4;
	_ =	sdelay $0x1  }
0x71: {  	v36 =	vmul.f32 $2.000000030e-01, v4  }
0x72: {  	vm11 =	vge.f32 v4, $0.0e+00  }
0x73: {  	v4 =	vsel vm11, v4, v36  }
0x74: {  	v4 =	vmul.f32 $1.442695020e+00, v4;
	_ =	sdelay $0x1  }
0x75: {  	(erf) = vpow2.f32 v4;
	_ =	sdelay $0x4  }
0x76: {  	v37 =	vor.u32 $0x3, v1  }
0x77: {  	v38 =	vor.u32 $0x4, v3  }
0x78: {  	v39 =	vor.u32 $0xC, v3;
	_ =	sdelay $0x1  }
0x79: {  	v40 =	vor.u32 $0x4, v2;
	v41 =	vpop (erf)  }
0x7a: {  	[tilespmem:v37+s25+$0x0] =	vst.idx.msk $0xffff, v41  }
0x7b: {  	v4 =	vld.idx.msk [tilespmem:v38+s20+$0x0], $0xffff  }
0x7c: {  	v42 =	vld.idx.msk [tilespmem:v39+s21+$0x0], $0xffff;
	_ =	sdelay $0x1  }
0x7d: {  	v43 =	vld.idx.msk [tilespmem:v40+s17+$0x0], $0xffff;
	_ =	sdelay $0x2  }
0x7e: {  	v4 =	vadd.f32 v42, v4;
	_ =	sdelay $0x1  }
0x7f: {  	v4 =	vadd.f32 v43, v4;
	_ =	sdelay $0x1  }
0x80: {  	v44 =	vmul.f32 $2.000000030e-01, v4  }
0x81: {  	vm12 =	vge.f32 v4, $0.0e+00  }
0x82: {  	v4 =	vsel vm12, v4, v44  }
0x83: {  	v4 =	vmul.f32 $1.442695020e+00, v4;
	_ =	sdelay $0x1  }
0x84: {  	(erf) = vpow2.f32 v4;
	_ =	sdelay $0x4  }
0x85: {  	v45 =	vor.u32 $0x4, v1  }
0x86: {  	v46 =	vor.u32 $0x5, v3  }
0x87: {  	v47 =	vor.u32 $0xD, v3;
	_ =	sdelay $0x1  }
0x88: {  	v48 =	vor.u32 $0x5, v2;
	v49 =	vpop (erf)  }
0x89: {  	[tilespmem:v45+s25+$0x0] =	vst.idx.msk $0xffff, v49  }
0x8a: {  	v4 =	vld.idx.msk [tilespmem:v46+s20+$0x0], $0xffff  }
0x8b: {  	v50 =	vld.idx.msk [tilespmem:v47+s21+$0x0], $0xffff;
	_ =	sdelay $0x1  }
0x8c: {  	v51 =	vld.idx.msk [tilespmem:v48+s17+$0x0], $0xffff;
	_ =	sdelay $0x2  }
0x8d: {  	v4 =	vadd.f32 v50, v4;
	_ =	sdelay $0x1  }
0x8e: {  	v4 =	vadd.f32 v51, v4;
	_ =	sdelay $0x1  }
0x8f: {  	v52 =	vmul.f32 $2.000000030e-01, v4  }
0x90: {  	vm13 =	vge.f32 v4, $0.0e+00  }
0x91: {  	v4 =	vsel vm13, v4, v52  }
0x92: {  	v4 =	vmul.f32 $1.442695020e+00, v4;
	_ =	sdelay $0x1  }
0x93: {  	(erf) = vpow2.f32 v4;
	_ =	sdelay $0x4  }
0x94: {  	v53 =	vor.u32 $0x5, v1  }
0x95: {  	v54 =	vor.u32 $0x6, v3  }
0x96: {  	v55 =	vor.u32 $0xE, v3;
	_ =	sdelay $0x1  }
0x97: {  	v56 =	vor.u32 $0x6, v2;
	v57 =	vpop (erf)  }
0x98: {  	[tilespmem:v53+s25+$0x0] =	vst.idx.msk $0xffff, v57  }
0x99: {  	v4 =	vld.idx.msk [tilespmem:v54+s20+$0x0], $0xffff  }
0x9a: {  	v58 =	vld.idx.msk [tilespmem:v55+s21+$0x0], $0xffff;
	_ =	sdelay $0x1  }
0x9b: {  	v59 =	vld.idx.msk [tilespmem:v56+s17+$0x0], $0xffff;
	_ =	sdelay $0x2  }
0x9c: {  	v4 =	vadd.f32 v58, v4;
	_ =	sdelay $0x1  }
0x9d: {  	v4 =	vadd.f32 v59, v4;
	_ =	sdelay $0x1  }
0x9e: {  	v60 =	vmul.f32 $2.000000030e-01, v4  }
0x9f: {  	vm14 =	vge.f32 v4, $0.0e+00  }
0xa0: {  	v4 =	vsel vm14, v4, v60  }
0xa1: {  	v4 =	vmul.f32 $1.442695020e+00, v4;
	_ =	sdelay $0x1  }
0xa2: {  	(erf) = vpow2.f32 v4;
	_ =	sdelay $0x4  }
0xa3: {  	v61 =	vor.u32 $0x6, v1  }
0xa4: {  	v62 =	vor.u32 $0x7, v3  }
0xa5: {  	v3 =	vor.u32 $0xF, v3;
	_ =	sdelay $0x1  }
0xa6: {  	v2 =	vor.u32 $0x7, v2;
	v63 =	vpop (erf)  }
0xa7: {  	[tilespmem:v61+s25+$0x0] =	vst.idx.msk $0xffff, v63  }
0xa8: {  	v4 =	vld.idx.msk [tilespmem:v62+s20+$0x0], $0xffff  }
0xa9: {  	v3 =	vld.idx.msk [tilespmem:v3+s21+$0x0], $0xffff;
	_ =	sdelay $0x1  }
0xaa: {  	v2 =	vld.idx.msk [tilespmem:v2+s17+$0x0], $0xffff;
	_ =	sdelay $0x2  }
0xab: {  	v3 =	vadd.f32 v3, v4;
	_ =	sdelay $0x1  }
0xac: {  	v2 =	vadd.f32 v2, v3;
	_ =	sdelay $0x1  }
0xad: {  	v3 =	vmul.f32 $2.000000030e-01, v2  }
0xae: {  	vm15 =	vge.f32 v2, $0.0e+00  }
0xaf: {  	v2 =	vsel vm15, v2, v3  }
0xb0: {  	v2 =	vmul.f32 $1.442695020e+00, v2;
	_ =	sdelay $0x1  }
0xb1: {  	s8 =	simm.s32 $0x10;
	s31 =	smov.u32 s9;
	s6 =	smul.u32 $0x280, s0;
	(erf) = vpow2.f32 v2  }
.LBB2_3:
0xb2: {  	p0 =	sne.s32 s8, $0x40  }
0xb3: {  	s31 =	sadd.s32 $0x10, s31;
	s10 =	smov.u32 s8;
	s8 =	sadd.s32 $0x10, s8  }
0xb4: {  	_ = 	snop  }
0xb5: {  	v1 =	vor.u32 $0x7, v1;
	_ =	sdelay $0x4  }
0xb6: {  	v2 =	vpop (erf)  }
0xb7: {  	[tilespmem:v1+s25+$0x0] =	vst.idx.msk $0xffff, v2  }
0xb8: {  	v1 =	vor.u32 s10, v0;
	v3 =	vld [tilespmem:s31+$0x0]  }
0xb9: {  	v2 =	vshll.u32 v1, $0x4  }
0xba: {  	v4 =	vor.u32 $0x8, v2;
	_ =	sdelay $0x2  }
0xbb: {  	v3 =	vshll.u32 v3, $0x3;
	_ =	sdelay $0x1  }
0xbc: {  	v4 =	vld.idx.msk [tilespmem:v4+s21+$0x0], $0xffff  }
0xbd: {  	v5 =	vld.idx.msk [tilespmem:v2+s20+$0x0], $0xffff;
	_ =	sdelay $0x1  }
0xbe: {  	v6 =	vld.idx.msk [tilespmem:v3+s17+$0x0], $0xffff;
	_ =	sdelay $0x3  }
0xbf: {  	v4 =	vadd.f32 v4, v5;
	_ =	sdelay $0x1  }
0xc0: {  	v4 =	vadd.f32 v6, v4;
	_ =	sdelay $0x1  }
0xc1: {  	vm0 =	vge.f32 v4, $0.0e+00;
	v5 =	vmul.f32 $2.000000030e-01, v4;
	_ =	sdelay $0x1  }
0xc2: {  	v4 =	vsel vm0, v4, v5  }
0xc3: {  	v4 =	vmul.f32 $1.442695020e+00, v4;
	_ =	sdelay $0x1  }
0xc4: {  	(erf) = vpow2.f32 v4;
	_ =	sdelay $0x4  }
0xc5: {  	v1 =	vshll.u32 v1, $0x3  }
0xc6: {  	v4 =	vor.u32 $0x1, v2  }
0xc7: {  	v5 =	vor.u32 $0x9, v2  }
0xc8: {  	v6 =	vor.u32 $0x1, v3  }
0xc9: {  	v7 =	vpop (erf)  }
0xca: {  	[tilespmem:v1+s25+$0x0] =	vst.idx.msk $0xffff, v7  }
0xcb: {  	v4 =	vld.idx.msk [tilespmem:v4+s20+$0x0], $0xffff  }
0xcc: {  	v5 =	vld.idx.msk [tilespmem:v5+s21+$0x0], $0xffff  }
0xcd: {  	v6 =	vld.idx.msk [tilespmem:v6+s17+$0x0], $0xffff;
	_ =	sdelay $0x4  }
0xce: {  	v4 =	vadd.f32 v5, v4;
	_ =	sdelay $0x1  }
0xcf: {  	v4 =	vadd.f32 v6, v4;
	_ =	sdelay $0x1  }
0xd0: {  	v5 =	vmul.f32 $2.000000030e-01, v4  }
0xd1: {  	vm0 =	vge.f32 v4, $0.0e+00  }
0xd2: {  	v4 =	vsel vm0, v4, v5  }
0xd3: {  	v4 =	vmul.f32 $1.442695020e+00, v4;
	_ =	sdelay $0x1  }
0xd4: {  	(erf) = vpow2.f32 v4;
	_ =	sdelay $0x4  }
0xd5: {  	v4 =	vor.u32 $0x1, v1  }
0xd6: {  	v5 =	vor.u32 $0x2, v2  }
0xd7: {  	v6 =	vor.u32 $0xA, v2;
	_ =	sdelay $0x1  }
0xd8: {  	v7 =	vor.u32 $0x2, v3;
	v8 =	vpop (erf)  }
0xd9: {  	[tilespmem:v4+s25+$0x0] =	vst.idx.msk $0xffff, v8  }
0xda: {  	v4 =	vld.idx.msk [tilespmem:v5+s20+$0x0], $0xffff  }
0xdb: {  	v5 =	vld.idx.msk [tilespmem:v6+s21+$0x0], $0xffff;
	_ =	sdelay $0x1  }
0xdc: {  	v6 =	vld.idx.msk [tilespmem:v7+s17+$0x0], $0xffff;
	_ =	sdelay $0x3  }
0xdd: {  	v4 =	vadd.f32 v5, v4;
	_ =	sdelay $0x1  }
0xde: {  	v4 =	vadd.f32 v6, v4;
	_ =	sdelay $0x1  }
0xdf: {  	v5 =	vmul.f32 $2.000000030e-01, v4  }
0xe0: {  	vm0 =	vge.f32 v4, $0.0e+00  }
0xe1: {  	v4 =	vsel vm0, v4, v5  }
0xe2: {  	v4 =	vmul.f32 $1.442695020e+00, v4;
	_ =	sdelay $0x1  }
0xe3: {  	(erf) = vpow2.f32 v4;
	_ =	sdelay $0x4  }
0xe4: {  	v4 =	vor.u32 $0x2, v1  }
0xe5: {  	v5 =	vor.u32 $0x3, v2  }
0xe6: {  	v6 =	vor.u32 $0xB, v2;
	_ =	sdelay $0x1  }
0xe7: {  	v7 =	vor.u32 $0x3, v3;
	v8 =	vpop (erf)  }
0xe8: {  	[tilespmem:v4+s25+$0x0] =	vst.idx.msk $0xffff, v8  }
0xe9: {  	v4 =	vld.idx.msk [tilespmem:v5+s20+$0x0], $0xffff  }
0xea: {  	v5 =	vld.idx.msk [tilespmem:v6+s21+$0x0], $0xffff;
	_ =	sdelay $0x1  }
0xeb: {  	v6 =	vld.idx.msk [tilespmem:v7+s17+$0x0], $0xffff;
	_ =	sdelay $0x3  }
0xec: {  	v4 =	vadd.f32 v5, v4;
	_ =	sdelay $0x1  }
0xed: {  	v4 =	vadd.f32 v6, v4;
	_ =	sdelay $0x1  }
0xee: {  	v5 =	vmul.f32 $2.000000030e-01, v4  }
0xef: {  	vm0 =	vge.f32 v4, $0.0e+00  }
0xf0: {  	v4 =	vsel vm0, v4, v5  }
0xf1: {  	v4 =	vmul.f32 $1.442695020e+00, v4;
	_ =	sdelay $0x1  }
0xf2: {  	(erf) = vpow2.f32 v4;
	_ =	sdelay $0x4  }
0xf3: {  	v4 =	vor.u32 $0x3, v1  }
0xf4: {  	v5 =	vor.u32 $0x4, v2  }
0xf5: {  	v6 =	vor.u32 $0xC, v2  }
0xf6: {  	v7 =	vor.u32 $0x4, v3  }
0xf7: {  	v8 =	vpop (erf)  }
0xf8: {  	[tilespmem:v4+s25+$0x0] =	vst.idx.msk $0xffff, v8  }
0xf9: {  	v4 =	vld.idx.msk [tilespmem:v5+s20+$0x0], $0xffff  }
0xfa: {  	v5 =	vld.idx.msk [tilespmem:v6+s21+$0x0], $0xffff  }
0xfb: {  	v6 =	vld.idx.msk [tilespmem:v7+s17+$0x0], $0xffff;
	_ =	sdelay $0x4  }
0xfc: {  	v4 =	vadd.f32 v5, v4;
	_ =	sdelay $0x1  }
0xfd: {  	v4 =	vadd.f32 v6, v4;
	_ =	sdelay $0x1  }
0xfe: {  	v5 =	vmul.f32 $2.000000030e-01, v4  }
0xff: {  	vm0 =	vge.f32 v4, $0.0e+00  }
0x100: {  	v4 =	vsel vm0, v4, v5  }
0x101: {  	v4 =	vmul.f32 $1.442695020e+00, v4;
	_ =	sdelay $0x1  }
0x102: {  	(erf) = vpow2.f32 v4;
	_ =	sdelay $0x4  }
0x103: {  	v4 =	vor.u32 $0x4, v1  }
0x104: {  	v5 =	vor.u32 $0x5, v2  }
0x105: {  	v6 =	vor.u32 $0xD, v2  }
0x106: {  	v7 =	vor.u32 $0x5, v3  }
0x107: {  	v8 =	vpop (erf)  }
0x108: {  	[tilespmem:v4+s25+$0x0] =	vst.idx.msk $0xffff, v8  }
0x109: {  	v4 =	vld.idx.msk [tilespmem:v5+s20+$0x0], $0xffff  }
0x10a: {  	v5 =	vld.idx.msk [tilespmem:v6+s21+$0x0], $0xffff  }
0x10b: {  	v6 =	vld.idx.msk [tilespmem:v7+s17+$0x0], $0xffff;
	_ =	sdelay $0x4  }
0x10c: {  	v4 =	vadd.f32 v5, v4;
	_ =	sdelay $0x1  }
0x10d: {  	v4 =	vadd.f32 v6, v4;
	_ =	sdelay $0x1  }
0x10e: {  	v5 =	vmul.f32 $2.000000030e-01, v4  }
0x10f: {  	vm0 =	vge.f32 v4, $0.0e+00  }
0x110: {  	v4 =	vsel vm0, v4, v5  }
0x111: {  	v4 =	vmul.f32 $1.442695020e+00, v4;
	_ =	sdelay $0x1  }
0x112: {  	(erf) = vpow2.f32 v4;
	_ =	sdelay $0x4  }
0x113: {  	v4 =	vor.u32 $0x5, v1  }
0x114: {  	v5 =	vor.u32 $0x6, v2  }
0x115: {  	v6 =	vor.u32 $0xE, v2  }
0x116: {  	v7 =	vor.u32 $0x6, v3  }
0x117: {  	v8 =	vpop (erf)  }
0x118: {  	[tilespmem:v4+s25+$0x0] =	vst.idx.msk $0xffff, v8  }
0x119: {  	v4 =	vld.idx.msk [tilespmem:v5+s20+$0x0], $0xffff  }
0x11a: {  	v5 =	vld.idx.msk [tilespmem:v6+s21+$0x0], $0xffff  }
0x11b: {  	v6 =	vld.idx.msk [tilespmem:v7+s17+$0x0], $0xffff;
	_ =	sdelay $0x4  }
0x11c: {  	v4 =	vadd.f32 v5, v4;
	_ =	sdelay $0x1  }
0x11d: {  	v4 =	vadd.f32 v6, v4;
	_ =	sdelay $0x1  }
0x11e: {  	v5 =	vmul.f32 $2.000000030e-01, v4  }
0x11f: {  	vm0 =	vge.f32 v4, $0.0e+00  }
0x120: {  	v4 =	vsel vm0, v4, v5  }
0x121: {  	v4 =	vmul.f32 $1.442695020e+00, v4;
	_ =	sdelay $0x1  }
0x122: {  	(erf) = vpow2.f32 v4;
	_ =	sdelay $0x4  }
0x123: {  	v4 =	vor.u32 $0x6, v1  }
0x124: {  	v5 =	vor.u32 $0x7, v2  }
0x125: {  	v2 =	vor.u32 $0xF, v2  }
0x126: {  	v3 =	vor.u32 $0x7, v3  }
0x127: {  	v6 =	vpop (erf)  }
0x128: {  	[tilespmem:v4+s25+$0x0] =	vst.idx.msk $0xffff, v6  }
0x129: {  	v4 =	vld.idx.msk [tilespmem:v5+s20+$0x0], $0xffff  }
0x12a: {  	v2 =	vld.idx.msk [tilespmem:v2+s21+$0x0], $0xffff  }
0x12b: {  	v3 =	vld.idx.msk [tilespmem:v3+s17+$0x0], $0xffff;
	_ =	sdelay $0x4  }
0x12c: {  	v2 =	vadd.f32 v2, v4;
	_ =	sdelay $0x1  }
0x12d: {  	v2 =	vadd.f32 v3, v2;
	_ =	sdelay $0x1  }
0x12e: {  	vm0 =	vge.f32 v2, $0.0e+00;
	v3 =	vmul.f32 $2.000000030e-01, v2  }
.Ltmp0:
0x12f: {  	(pc) =	sbr.rel @p0 .LBB2_3-.Ltmp0, $3  }
0x130: {  	v2 =	vsel vm0, v2, v3  }
0x131: {  	v2 =	vmul.f32 $1.442695020e+00, v2;
	_ =	sdelay $0x1  }
0x132: {  	(erf) = vpow2.f32 v2  }
0x133: {  	_ =	sdelay $0x3  }
0x134: {  	v1 =	vor.u32 $0x7, v1;
	_ =	sdelay $0x3  }
0x135: {  	v2 =	vpop (erf)  }
0x136: {  	s8 =	sadd.s32 s18, s11;
	s10 =	simm.s32 $0x0;
	s6 =	sshra.s32 s6, $0x2;
	[tilespmem:v1+s25+$0x0] =	vst.idx.msk $0xffff, v2  }
0x137: {  	[hbm4b:s8+s10] =	stream.linear.scatter [tilespmem:s25], [sflag:$0x3], $0x280, $0x38;
	[tilespmem:$0x9FD0] =	vst v63  }
0x138: {  	s6 =	sadd.s32 $0x2710, s6  }
0x139: {  	[spmem:s2] =	stream.indirect.scatter.add.f32 [tilespmem:s25], [sflag:$0x4], $0x8, s6, s19, $0xb8;
	[tilespmem:$0x9FD0] =	vst v63  }
0x13a: {  	_ =	swait.ge [sflag:s16], $0x280  }
0x13b: {  	[sflag:s16] =	ssyncset.done $0x0  }
0x13c: {  	[sflag:s16] =	ssyncadd.s32 $0xFFFFFD80  }
0x13d: {  	_ =	swait.ge [sflag:s26], $0x280  }
0x13e: {  	[sflag:s26] =	ssyncset.done $0x0  }
0x13f: {  	s8 =	sadd.s32 $0xA0, s18;
	[sflag:s26] =	ssyncadd.s32 $0xFFFFFD80  }
0x140: {  	[tilespmem:s20], [sflag:$0x1] =	stream.indirect.gather [hbm4b:s4+s19], $0x10, s8, s19, $0xb8;
	[tilespmem:$0x9FD0] =	vst v63  }
0x141: {  	s31 =	sadd.s32 $0x27B0, s18  }
0x142: {  	[tilespmem:s21], [sflag:$0x1] =	stream.indirect.gather [hbm4b:s4+s19], $0x10, s31, s19, $0xb8;
	[tilespmem:$0x9FD0] =	vst v63  }
0x143: {  	_ =	swait.ge [sflag:s28], $0x500  }
0x144: {  	[sflag:s28] =	ssyncset.done $0x0  }
0x145: {  	[sflag:s28] =	ssyncadd.s32 $0xFFFFFB00  }
0x146: {  	_ =	swait.ge [sflag:s28], $0x500  }
0x147: {  	[sflag:s28] =	ssyncset.done $0x0  }
0x148: {  	[sflag:s28] =	ssyncadd.s32 $0xFFFFFB00  }
0x149: {  	v1 =	vor.u32 s10, v0;
	v2 =	vld [tilespmem:s1+$0x0]  }
0x14a: {  	v3 =	vshll.u32 v1, $0x4  }
0x14b: {  	v4 =	vor.u32 $0x8, v3;
	_ =	sdelay $0x2  }
0x14c: {  	v2 =	vshll.u32 v2, $0x3;
	_ =	sdelay $0x1  }
0x14d: {  	v4 =	vld.idx.msk [tilespmem:v4+s23+$0x0], $0xffff  }
0x14e: {  	v5 =	vld.idx.msk [tilespmem:v3+s22+$0x0], $0xffff;
	_ =	sdelay $0x1  }
0x14f: {  	v6 =	vld.idx.msk [tilespmem:v2+s17+$0x0], $0xffff;
	_ =	sdelay $0x2  }
0x150: {  	v4 =	vadd.f32 v4, v5;
	_ =	sdelay $0x1  }
0x151: {  	v4 =	vadd.f32 v6, v4;
	_ =	sdelay $0x1  }
0x152: {  	v17 =	vmul.f32 $2.000000030e-01, v4  }
0x153: {  	vm0 =	vge.f32 v4, $0.0e+00  }
0x154: {  	v4 =	vsel vm0, v4, v17  }
0x155: {  	v4 =	vmul.f32 $1.442695020e+00, v4;
	_ =	sdelay $0x1  }
0x156: {  	(erf) = vpow2.f32 v4;
	_ =	sdelay $0x4  }
0x157: {  	v1 =	vshll.u32 v1, $0x3  }
0x158: {  	v18 =	vor.u32 $0x1, v3  }
0x159: {  	v19 =	vor.u32 $0x9, v3;
	_ =	sdelay $0x1  }
0x15a: {  	v20 =	vor.u32 $0x1, v2;
	v7 =	vpop (erf)  }
0x15b: {  	[tilespmem:v1+s25+$0x0] =	vst.idx.msk $0xffff, v7  }
0x15c: {  	v4 =	vld.idx.msk [tilespmem:v18+s22+$0x0], $0xffff  }
0x15d: {  	v5 =	vld.idx.msk [tilespmem:v19+s23+$0x0], $0xffff;
	_ =	sdelay $0x1  }
0x15e: {  	v6 =	vld.idx.msk [tilespmem:v20+s17+$0x0], $0xffff;
	_ =	sdelay $0x2  }
0x15f: {  	v4 =	vadd.f32 v5, v4;
	_ =	sdelay $0x1  }
0x160: {  	v4 =	vadd.f32 v6, v4;
	_ =	sdelay $0x1  }
0x161: {  	v21 =	vmul.f32 $2.000000030e-01, v4  }
0x162: {  	vm9 =	vge.f32 v4, $0.0e+00  }
0x163: {  	v4 =	vsel vm9, v4, v21  }
0x164: {  	v4 =	vmul.f32 $1.442695020e+00, v4;
	_ =	sdelay $0x1  }
0x165: {  	(erf) = vpow2.f32 v4;
	_ =	sdelay $0x4  }
0x166: {  	v22 =	vor.u32 $0x1, v1  }
0x167: {  	v23 =	vor.u32 $0x2, v3  }
0x168: {  	v24 =	vor.u32 $0xA, v3;
	_ =	sdelay $0x1  }
0x169: {  	v25 =	vor.u32 $0x2, v2;
	v8 =	vpop (erf)  }
0x16a: {  	[tilespmem:v22+s25+$0x0] =	vst.idx.msk $0xffff, v8  }
0x16b: {  	v4 =	vld.idx.msk [tilespmem:v23+s22+$0x0], $0xffff  }
0x16c: {  	v26 =	vld.idx.msk [tilespmem:v24+s23+$0x0], $0xffff;
	_ =	sdelay $0x1  }
0x16d: {  	v27 =	vld.idx.msk [tilespmem:v25+s17+$0x0], $0xffff;
	_ =	sdelay $0x2  }
0x16e: {  	v4 =	vadd.f32 v26, v4;
	_ =	sdelay $0x1  }
0x16f: {  	v4 =	vadd.f32 v27, v4;
	_ =	sdelay $0x1  }
0x170: {  	v28 =	vmul.f32 $2.000000030e-01, v4  }
0x171: {  	vm10 =	vge.f32 v4, $0.0e+00  }
0x172: {  	v4 =	vsel vm10, v4, v28  }
0x173: {  	v4 =	vmul.f32 $1.442695020e+00, v4;
	_ =	sdelay $0x1  }
0x174: {  	(erf) = vpow2.f32 v4;
	_ =	sdelay $0x4  }
0x175: {  	v29 =	vor.u32 $0x2, v1  }
0x176: {  	v30 =	vor.u32 $0x3, v3  }
0x177: {  	v31 =	vor.u32 $0xB, v3;
	_ =	sdelay $0x1  }
0x178: {  	v32 =	vor.u32 $0x3, v2;
	v33 =	vpop (erf)  }
0x179: {  	[tilespmem:v29+s25+$0x0] =	vst.idx.msk $0xffff, v33  }
0x17a: {  	v4 =	vld.idx.msk [tilespmem:v30+s22+$0x0], $0xffff  }
0x17b: {  	v34 =	vld.idx.msk [tilespmem:v31+s23+$0x0], $0xffff;
	_ =	sdelay $0x1  }
0x17c: {  	v35 =	vld.idx.msk [tilespmem:v32+s17+$0x0], $0xffff;
	_ =	sdelay $0x2  }
0x17d: {  	v4 =	vadd.f32 v34, v4;
	_ =	sdelay $0x1  }
0x17e: {  	v4 =	vadd.f32 v35, v4;
	_ =	sdelay $0x1  }
0x17f: {  	v36 =	vmul.f32 $2.000000030e-01, v4  }
0x180: {  	vm11 =	vge.f32 v4, $0.0e+00  }
0x181: {  	v4 =	vsel vm11, v4, v36  }
0x182: {  	v4 =	vmul.f32 $1.442695020e+00, v4;
	_ =	sdelay $0x1  }
0x183: {  	(erf) = vpow2.f32 v4;
	_ =	sdelay $0x4  }
0x184: {  	v37 =	vor.u32 $0x3, v1  }
0x185: {  	v38 =	vor.u32 $0x4, v3  }
0x186: {  	v39 =	vor.u32 $0xC, v3;
	_ =	sdelay $0x1  }
0x187: {  	v40 =	vor.u32 $0x4, v2;
	v41 =	vpop (erf)  }
0x188: {  	[tilespmem:v37+s25+$0x0] =	vst.idx.msk $0xffff, v41  }
0x189: {  	v4 =	vld.idx.msk [tilespmem:v38+s22+$0x0], $0xffff  }
0x18a: {  	v42 =	vld.idx.msk [tilespmem:v39+s23+$0x0], $0xffff;
	_ =	sdelay $0x1  }
0x18b: {  	v43 =	vld.idx.msk [tilespmem:v40+s17+$0x0], $0xffff;
	_ =	sdelay $0x2  }
0x18c: {  	v4 =	vadd.f32 v42, v4;
	_ =	sdelay $0x1  }
0x18d: {  	v4 =	vadd.f32 v43, v4;
	_ =	sdelay $0x1  }
0x18e: {  	v44 =	vmul.f32 $2.000000030e-01, v4  }
0x18f: {  	vm12 =	vge.f32 v4, $0.0e+00  }
0x190: {  	v4 =	vsel vm12, v4, v44  }
0x191: {  	v4 =	vmul.f32 $1.442695020e+00, v4;
	_ =	sdelay $0x1  }
0x192: {  	(erf) = vpow2.f32 v4;
	_ =	sdelay $0x4  }
0x193: {  	v45 =	vor.u32 $0x4, v1  }
0x194: {  	v46 =	vor.u32 $0x5, v3  }
0x195: {  	v47 =	vor.u32 $0xD, v3;
	_ =	sdelay $0x1  }
0x196: {  	v48 =	vor.u32 $0x5, v2;
	v49 =	vpop (erf)  }
0x197: {  	[tilespmem:v45+s25+$0x0] =	vst.idx.msk $0xffff, v49  }
0x198: {  	v4 =	vld.idx.msk [tilespmem:v46+s22+$0x0], $0xffff  }
0x199: {  	v50 =	vld.idx.msk [tilespmem:v47+s23+$0x0], $0xffff;
	_ =	sdelay $0x1  }
0x19a: {  	v51 =	vld.idx.msk [tilespmem:v48+s17+$0x0], $0xffff;
	_ =	sdelay $0x2  }
0x19b: {  	v4 =	vadd.f32 v50, v4;
	_ =	sdelay $0x1  }
0x19c: {  	v4 =	vadd.f32 v51, v4;
	_ =	sdelay $0x1  }
0x19d: {  	v52 =	vmul.f32 $2.000000030e-01, v4  }
0x19e: {  	vm13 =	vge.f32 v4, $0.0e+00  }
0x19f: {  	v4 =	vsel vm13, v4, v52  }
0x1a0: {  	v4 =	vmul.f32 $1.442695020e+00, v4;
	_ =	sdelay $0x1  }
0x1a1: {  	(erf) = vpow2.f32 v4;
	_ =	sdelay $0x4  }
0x1a2: {  	v53 =	vor.u32 $0x5, v1  }
0x1a3: {  	v54 =	vor.u32 $0x6, v3  }
0x1a4: {  	v55 =	vor.u32 $0xE, v3;
	_ =	sdelay $0x1  }
0x1a5: {  	v56 =	vor.u32 $0x6, v2;
	v57 =	vpop (erf)  }
0x1a6: {  	[tilespmem:v53+s25+$0x0] =	vst.idx.msk $0xffff, v57  }
0x1a7: {  	v4 =	vld.idx.msk [tilespmem:v54+s22+$0x0], $0xffff  }
0x1a8: {  	v58 =	vld.idx.msk [tilespmem:v55+s23+$0x0], $0xffff;
	_ =	sdelay $0x1  }
0x1a9: {  	v59 =	vld.idx.msk [tilespmem:v56+s17+$0x0], $0xffff;
	_ =	sdelay $0x2  }
0x1aa: {  	v4 =	vadd.f32 v58, v4;
	_ =	sdelay $0x1  }
0x1ab: {  	v4 =	vadd.f32 v59, v4;
	_ =	sdelay $0x1  }
0x1ac: {  	v60 =	vmul.f32 $2.000000030e-01, v4  }
0x1ad: {  	vm14 =	vge.f32 v4, $0.0e+00  }
0x1ae: {  	v4 =	vsel vm14, v4, v60  }
0x1af: {  	v4 =	vmul.f32 $1.442695020e+00, v4;
	_ =	sdelay $0x1  }
0x1b0: {  	(erf) = vpow2.f32 v4;
	_ =	sdelay $0x4  }
0x1b1: {  	v61 =	vor.u32 $0x6, v1  }
0x1b2: {  	v62 =	vor.u32 $0x7, v3  }
0x1b3: {  	v3 =	vor.u32 $0xF, v3;
	_ =	sdelay $0x1  }
0x1b4: {  	v2 =	vor.u32 $0x7, v2;
	v63 =	vpop (erf)  }
0x1b5: {  	[tilespmem:v61+s25+$0x0] =	vst.idx.msk $0xffff, v63  }
0x1b6: {  	v4 =	vld.idx.msk [tilespmem:v62+s22+$0x0], $0xffff  }
0x1b7: {  	v3 =	vld.idx.msk [tilespmem:v3+s23+$0x0], $0xffff;
	_ =	sdelay $0x1  }
0x1b8: {  	v2 =	vld.idx.msk [tilespmem:v2+s17+$0x0], $0xffff;
	_ =	sdelay $0x2  }
0x1b9: {  	v3 =	vadd.f32 v3, v4;
	_ =	sdelay $0x1  }
0x1ba: {  	v2 =	vadd.f32 v2, v3;
	_ =	sdelay $0x1  }
0x1bb: {  	v3 =	vmul.f32 $2.000000030e-01, v2  }
0x1bc: {  	vm15 =	vge.f32 v2, $0.0e+00  }
0x1bd: {  	v2 =	vsel vm15, v2, v3  }
0x1be: {  	v2 =	vmul.f32 $1.442695020e+00, v2;
	_ =	sdelay $0x1  }
0x1bf: {  	s6 =	simm.s32 $0x10;
	s8 =	smov.u32 s1;
	(erf) = vpow2.f32 v2  }
.LBB2_5:
0x1c0: {  	p0 =	sne.s32 s6, $0x40  }
0x1c1: {  	s8 =	sadd.s32 $0x10, s8;
	s10 =	smov.u32 s6;
	s6 =	sadd.s32 $0x10, s6  }
0x1c2: {  	_ = 	snop  }
0x1c3: {  	v1 =	vor.u32 $0x7, v1;
	_ =	sdelay $0x4  }
0x1c4: {  	v2 =	vpop (erf)  }
0x1c5: {  	[tilespmem:v1+s25+$0x0] =	vst.idx.msk $0xffff, v2  }
0x1c6: {  	v1 =	vor.u32 s10, v0;
	v3 =	vld [tilespmem:s8+$0x0]  }
0x1c7: {  	v2 =	vshll.u32 v1, $0x4  }
0x1c8: {  	v4 =	vor.u32 $0x8, v2;
	_ =	sdelay $0x2  }
0x1c9: {  	v3 =	vshll.u32 v3, $0x3;
	_ =	sdelay $0x1  }
0x1ca: {  	v4 =	vld.idx.msk [tilespmem:v4+s23+$0x0], $0xffff  }
0x1cb: {  	v5 =	vld.idx.msk [tilespmem:v2+s22+$0x0], $0xffff;
	_ =	sdelay $0x1  }
0x1cc: {  	v6 =	vld.idx.msk [tilespmem:v3+s17+$0x0], $0xffff;
	_ =	sdelay $0x3  }
0x1cd: {  	v4 =	vadd.f32 v4, v5;
	_ =	sdelay $0x1  }
0x1ce: {  	v4 =	vadd.f32 v6, v4;
	_ =	sdelay $0x1  }
0x1cf: {  	vm0 =	vge.f32 v4, $0.0e+00;
	v5 =	vmul.f32 $2.000000030e-01, v4;
	_ =	sdelay $0x1  }
0x1d0: {  	v4 =	vsel vm0, v4, v5  }
0x1d1: {  	v4 =	vmul.f32 $1.442695020e+00, v4;
	_ =	sdelay $0x1  }
0x1d2: {  	(erf) = vpow2.f32 v4;
	_ =	sdelay $0x4  }
0x1d3: {  	v1 =	vshll.u32 v1, $0x3  }
0x1d4: {  	v4 =	vor.u32 $0x1, v2  }
0x1d5: {  	v5 =	vor.u32 $0x9, v2  }
0x1d6: {  	v6 =	vor.u32 $0x1, v3  }
0x1d7: {  	v7 =	vpop (erf)  }
0x1d8: {  	[tilespmem:v1+s25+$0x0] =	vst.idx.msk $0xffff, v7  }
0x1d9: {  	v4 =	vld.idx.msk [tilespmem:v4+s22+$0x0], $0xffff  }
0x1da: {  	v5 =	vld.idx.msk [tilespmem:v5+s23+$0x0], $0xffff  }
0x1db: {  	v6 =	vld.idx.msk [tilespmem:v6+s17+$0x0], $0xffff;
	_ =	sdelay $0x4  }
0x1dc: {  	v4 =	vadd.f32 v5, v4;
	_ =	sdelay $0x1  }
0x1dd: {  	v4 =	vadd.f32 v6, v4;
	_ =	sdelay $0x1  }
0x1de: {  	v5 =	vmul.f32 $2.000000030e-01, v4  }
0x1df: {  	vm0 =	vge.f32 v4, $0.0e+00  }
0x1e0: {  	v4 =	vsel vm0, v4, v5  }
0x1e1: {  	v4 =	vmul.f32 $1.442695020e+00, v4;
	_ =	sdelay $0x1  }
0x1e2: {  	(erf) = vpow2.f32 v4;
	_ =	sdelay $0x4  }
0x1e3: {  	v4 =	vor.u32 $0x1, v1  }
0x1e4: {  	v5 =	vor.u32 $0x2, v2  }
0x1e5: {  	v6 =	vor.u32 $0xA, v2;
	_ =	sdelay $0x1  }
0x1e6: {  	v7 =	vor.u32 $0x2, v3;
	v8 =	vpop (erf)  }
0x1e7: {  	[tilespmem:v4+s25+$0x0] =	vst.idx.msk $0xffff, v8  }
0x1e8: {  	v4 =	vld.idx.msk [tilespmem:v5+s22+$0x0], $0xffff  }
0x1e9: {  	v5 =	vld.idx.msk [tilespmem:v6+s23+$0x0], $0xffff;
	_ =	sdelay $0x1  }
0x1ea: {  	v6 =	vld.idx.msk [tilespmem:v7+s17+$0x0], $0xffff;
	_ =	sdelay $0x3  }
0x1eb: {  	v4 =	vadd.f32 v5, v4;
	_ =	sdelay $0x1  }
0x1ec: {  	v4 =	vadd.f32 v6, v4;
	_ =	sdelay $0x1  }
0x1ed: {  	v5 =	vmul.f32 $2.000000030e-01, v4  }
0x1ee: {  	vm0 =	vge.f32 v4, $0.0e+00  }
0x1ef: {  	v4 =	vsel vm0, v4, v5  }
0x1f0: {  	v4 =	vmul.f32 $1.442695020e+00, v4;
	_ =	sdelay $0x1  }
0x1f1: {  	(erf) = vpow2.f32 v4;
	_ =	sdelay $0x4  }
0x1f2: {  	v4 =	vor.u32 $0x2, v1  }
0x1f3: {  	v5 =	vor.u32 $0x3, v2  }
0x1f4: {  	v6 =	vor.u32 $0xB, v2;
	_ =	sdelay $0x1  }
0x1f5: {  	v7 =	vor.u32 $0x3, v3;
	v8 =	vpop (erf)  }
0x1f6: {  	[tilespmem:v4+s25+$0x0] =	vst.idx.msk $0xffff, v8  }
0x1f7: {  	v4 =	vld.idx.msk [tilespmem:v5+s22+$0x0], $0xffff  }
0x1f8: {  	v5 =	vld.idx.msk [tilespmem:v6+s23+$0x0], $0xffff;
	_ =	sdelay $0x1  }
0x1f9: {  	v6 =	vld.idx.msk [tilespmem:v7+s17+$0x0], $0xffff;
	_ =	sdelay $0x3  }
0x1fa: {  	v4 =	vadd.f32 v5, v4;
	_ =	sdelay $0x1  }
0x1fb: {  	v4 =	vadd.f32 v6, v4;
	_ =	sdelay $0x1  }
0x1fc: {  	v5 =	vmul.f32 $2.000000030e-01, v4  }
0x1fd: {  	vm0 =	vge.f32 v4, $0.0e+00  }
0x1fe: {  	v4 =	vsel vm0, v4, v5  }
0x1ff: {  	v4 =	vmul.f32 $1.442695020e+00, v4;
	_ =	sdelay $0x1  }
0x200: {  	(erf) = vpow2.f32 v4;
	_ =	sdelay $0x4  }
0x201: {  	v4 =	vor.u32 $0x3, v1  }
0x202: {  	v5 =	vor.u32 $0x4, v2  }
0x203: {  	v6 =	vor.u32 $0xC, v2  }
0x204: {  	v7 =	vor.u32 $0x4, v3  }
0x205: {  	v8 =	vpop (erf)  }
0x206: {  	[tilespmem:v4+s25+$0x0] =	vst.idx.msk $0xffff, v8  }
0x207: {  	v4 =	vld.idx.msk [tilespmem:v5+s22+$0x0], $0xffff  }
0x208: {  	v5 =	vld.idx.msk [tilespmem:v6+s23+$0x0], $0xffff  }
0x209: {  	v6 =	vld.idx.msk [tilespmem:v7+s17+$0x0], $0xffff;
	_ =	sdelay $0x4  }
0x20a: {  	v4 =	vadd.f32 v5, v4;
	_ =	sdelay $0x1  }
0x20b: {  	v4 =	vadd.f32 v6, v4;
	_ =	sdelay $0x1  }
0x20c: {  	v5 =	vmul.f32 $2.000000030e-01, v4  }
0x20d: {  	vm0 =	vge.f32 v4, $0.0e+00  }
0x20e: {  	v4 =	vsel vm0, v4, v5  }
0x20f: {  	v4 =	vmul.f32 $1.442695020e+00, v4;
	_ =	sdelay $0x1  }
0x210: {  	(erf) = vpow2.f32 v4;
	_ =	sdelay $0x4  }
0x211: {  	v4 =	vor.u32 $0x4, v1  }
0x212: {  	v5 =	vor.u32 $0x5, v2  }
0x213: {  	v6 =	vor.u32 $0xD, v2  }
0x214: {  	v7 =	vor.u32 $0x5, v3  }
0x215: {  	v8 =	vpop (erf)  }
0x216: {  	[tilespmem:v4+s25+$0x0] =	vst.idx.msk $0xffff, v8  }
0x217: {  	v4 =	vld.idx.msk [tilespmem:v5+s22+$0x0], $0xffff  }
0x218: {  	v5 =	vld.idx.msk [tilespmem:v6+s23+$0x0], $0xffff  }
0x219: {  	v6 =	vld.idx.msk [tilespmem:v7+s17+$0x0], $0xffff;
	_ =	sdelay $0x4  }
0x21a: {  	v4 =	vadd.f32 v5, v4;
	_ =	sdelay $0x1  }
0x21b: {  	v4 =	vadd.f32 v6, v4;
	_ =	sdelay $0x1  }
0x21c: {  	v5 =	vmul.f32 $2.000000030e-01, v4  }
0x21d: {  	vm0 =	vge.f32 v4, $0.0e+00  }
0x21e: {  	v4 =	vsel vm0, v4, v5  }
0x21f: {  	v4 =	vmul.f32 $1.442695020e+00, v4;
	_ =	sdelay $0x1  }
0x220: {  	(erf) = vpow2.f32 v4;
	_ =	sdelay $0x4  }
0x221: {  	v4 =	vor.u32 $0x5, v1  }
0x222: {  	v5 =	vor.u32 $0x6, v2  }
0x223: {  	v6 =	vor.u32 $0xE, v2  }
0x224: {  	v7 =	vor.u32 $0x6, v3  }
0x225: {  	v8 =	vpop (erf)  }
0x226: {  	[tilespmem:v4+s25+$0x0] =	vst.idx.msk $0xffff, v8  }
0x227: {  	v4 =	vld.idx.msk [tilespmem:v5+s22+$0x0], $0xffff  }
0x228: {  	v5 =	vld.idx.msk [tilespmem:v6+s23+$0x0], $0xffff  }
0x229: {  	v6 =	vld.idx.msk [tilespmem:v7+s17+$0x0], $0xffff;
	_ =	sdelay $0x4  }
0x22a: {  	v4 =	vadd.f32 v5, v4;
	_ =	sdelay $0x1  }
0x22b: {  	v4 =	vadd.f32 v6, v4;
	_ =	sdelay $0x1  }
0x22c: {  	v5 =	vmul.f32 $2.000000030e-01, v4  }
0x22d: {  	vm0 =	vge.f32 v4, $0.0e+00  }
0x22e: {  	v4 =	vsel vm0, v4, v5  }
0x22f: {  	v4 =	vmul.f32 $1.442695020e+00, v4;
	_ =	sdelay $0x1  }
0x230: {  	(erf) = vpow2.f32 v4;
	_ =	sdelay $0x4  }
0x231: {  	v4 =	vor.u32 $0x6, v1  }
0x232: {  	v5 =	vor.u32 $0x7, v2  }
0x233: {  	v2 =	vor.u32 $0xF, v2  }
0x234: {  	v3 =	vor.u32 $0x7, v3  }
0x235: {  	v6 =	vpop (erf)  }
0x236: {  	[tilespmem:v4+s25+$0x0] =	vst.idx.msk $0xffff, v6  }
0x237: {  	v4 =	vld.idx.msk [tilespmem:v5+s22+$0x0], $0xffff  }
0x238: {  	v2 =	vld.idx.msk [tilespmem:v2+s23+$0x0], $0xffff  }
0x239: {  	v3 =	vld.idx.msk [tilespmem:v3+s17+$0x0], $0xffff;
	_ =	sdelay $0x4  }
0x23a: {  	v2 =	vadd.f32 v2, v4;
	_ =	sdelay $0x1  }
0x23b: {  	v2 =	vadd.f32 v3, v2;
	_ =	sdelay $0x1  }
0x23c: {  	vm0 =	vge.f32 v2, $0.0e+00;
	v3 =	vmul.f32 $2.000000030e-01, v2  }
.Ltmp1:
0x23d: {  	(pc) =	sbr.rel @p0 .LBB2_5-.Ltmp1, $3  }
0x23e: {  	v2 =	vsel vm0, v2, v3  }
0x23f: {  	v2 =	vmul.f32 $1.442695020e+00, v2;
	_ =	sdelay $0x1  }
0x240: {  	(erf) = vpow2.f32 v2  }
0x241: {  	_ =	sdelay $0x3  }
0x242: {  	v1 =	vor.u32 $0x7, v1;
	_ =	sdelay $0x3  }
0x243: {  	v2 =	vpop (erf)  }
0x244: {  	s6 =	sadd.s32 s29, s11;
	[tilespmem:v1+s25+$0x0] =	vst.idx.msk $0xffff, v2  }
0x245: {  	[hbm4b:s6+s3] =	stream.linear.scatter [tilespmem:s25], [sflag:$0x3], $0x280, $0x38;
	[tilespmem:$0x9FD0] =	vst v63  }
0x246: {  	s0 =	sadd.s32 $0x1, s0  }
0x247: {  	[spmem:s2] =	stream.indirect.scatter.add.f32 [tilespmem:s25], [sflag:$0x4], $0x8, s5, s19, $0xb8;
	[tilespmem:$0x9FD0] =	vst v63  }
0x248: {  	p0 =	sne.s32 s0, $0x3E;
	_ =	swait.ge [sflag:s16], $0x280  }
.Ltmp2:
0x249: {  	[sflag:s16] =	ssyncset.done $0x0;
	(pc) =	sbr.rel @p0 .LBB2_2-.Ltmp2, $4  }
0x24a: {  	[sflag:s16] =	ssyncadd.s32 $0xFFFFFD80  }
0x24b: {  	_ =	swait.ge [sflag:s26], $0x280  }
0x24c: {  	[sflag:s26] =	ssyncset.done $0x0  }
0x24d: {  	s9 =	sadd.s32 $0xA0, s9;
	s1 =	sadd.s32 $0xA0, s1;
	[sflag:s26] =	ssyncadd.s32 $0xFFFFFD80  }
0x24e: {  	_ =	swait.ge [sflag:s24], $0x500  }
0x24f: {  	[sflag:s24] =	ssyncset.done $0x0  }
0x250: {  	[sflag:s24] =	ssyncadd.s32 $0xFFFFFB00  }
0x251: {  	_ =	swait.ge [sflag:s24], $0x500  }
0x252: {  	[sflag:s24] =	ssyncset.done $0x0  }
0x253: {  	s0 =	simm.s32 $0x74E0;
	[sflag:s24] =	ssyncadd.s32 $0xFFFFFB00  }
0x254: {  	s1 =	simm.s32 $0x0;
	v2 =	vld [tilespmem:s0+$0x0]  }
0x255: {  	v1 =	vor.u32 s1, v0  }
0x256: {  	v3 =	vshll.u32 v1, $0x4  }
0x257: {  	v4 =	vor.u32 $0x8, v3;
	_ =	sdelay $0x1  }
0x258: {  	v2 =	vshll.u32 v2, $0x3;
	_ =	sdelay $0x1  }
0x259: {  	v5 =	vld.idx.msk [tilespmem:v3+s20+$0x0], $0xffff  }
0x25a: {  	v4 =	vld.idx.msk [tilespmem:v4+s21+$0x0], $0xffff;
	_ =	sdelay $0x1  }
0x25b: {  	v6 =	vld.idx.msk [tilespmem:v2+s17+$0x0], $0xffff;
	_ =	sdelay $0x2  }
0x25c: {  	v4 =	vadd.f32 v4, v5;
	_ =	sdelay $0x1  }
0x25d: {  	v4 =	vadd.f32 v6, v4;
	_ =	sdelay $0x1  }
0x25e: {  	v17 =	vmul.f32 $2.000000030e-01, v4  }
0x25f: {  	vm0 =	vge.f32 v4, $0.0e+00  }
0x260: {  	v4 =	vsel vm0, v4, v17  }
0x261: {  	v4 =	vmul.f32 $1.442695020e+00, v4;
	_ =	sdelay $0x1  }
0x262: {  	(erf) = vpow2.f32 v4;
	_ =	sdelay $0x4  }
0x263: {  	v1 =	vshll.u32 v1, $0x3  }
0x264: {  	v18 =	vor.u32 $0x1, v3  }
0x265: {  	v19 =	vor.u32 $0x9, v3;
	_ =	sdelay $0x1  }
0x266: {  	v20 =	vor.u32 $0x1, v2;
	v7 =	vpop (erf)  }
0x267: {  	[tilespmem:v1+s25+$0x0] =	vst.idx.msk $0xffff, v7  }
0x268: {  	v4 =	vld.idx.msk [tilespmem:v18+s20+$0x0], $0xffff  }
0x269: {  	v5 =	vld.idx.msk [tilespmem:v19+s21+$0x0], $0xffff;
	_ =	sdelay $0x1  }
0x26a: {  	v6 =	vld.idx.msk [tilespmem:v20+s17+$0x0], $0xffff;
	_ =	sdelay $0x2  }
0x26b: {  	v4 =	vadd.f32 v5, v4;
	_ =	sdelay $0x1  }
0x26c: {  	v4 =	vadd.f32 v6, v4;
	_ =	sdelay $0x1  }
0x26d: {  	v21 =	vmul.f32 $2.000000030e-01, v4  }
0x26e: {  	vm9 =	vge.f32 v4, $0.0e+00  }
0x26f: {  	v4 =	vsel vm9, v4, v21  }
0x270: {  	v4 =	vmul.f32 $1.442695020e+00, v4;
	_ =	sdelay $0x1  }
0x271: {  	(erf) = vpow2.f32 v4;
	_ =	sdelay $0x4  }
0x272: {  	v22 =	vor.u32 $0x1, v1  }
0x273: {  	v23 =	vor.u32 $0x2, v3  }
0x274: {  	v24 =	vor.u32 $0xA, v3;
	_ =	sdelay $0x1  }
0x275: {  	v25 =	vor.u32 $0x2, v2;
	v8 =	vpop (erf)  }
0x276: {  	[tilespmem:v22+s25+$0x0] =	vst.idx.msk $0xffff, v8  }
0x277: {  	v4 =	vld.idx.msk [tilespmem:v23+s20+$0x0], $0xffff  }
0x278: {  	v26 =	vld.idx.msk [tilespmem:v24+s21+$0x0], $0xffff;
	_ =	sdelay $0x1  }
0x279: {  	v27 =	vld.idx.msk [tilespmem:v25+s17+$0x0], $0xffff;
	_ =	sdelay $0x2  }
0x27a: {  	v4 =	vadd.f32 v26, v4;
	_ =	sdelay $0x1  }
0x27b: {  	v4 =	vadd.f32 v27, v4;
	_ =	sdelay $0x1  }
0x27c: {  	v28 =	vmul.f32 $2.000000030e-01, v4  }
0x27d: {  	vm10 =	vge.f32 v4, $0.0e+00  }
0x27e: {  	v4 =	vsel vm10, v4, v28  }
0x27f: {  	v4 =	vmul.f32 $1.442695020e+00, v4;
	_ =	sdelay $0x1  }
0x280: {  	(erf) = vpow2.f32 v4;
	_ =	sdelay $0x4  }
0x281: {  	v29 =	vor.u32 $0x2, v1  }
0x282: {  	v30 =	vor.u32 $0x3, v3  }
0x283: {  	v31 =	vor.u32 $0xB, v3;
	_ =	sdelay $0x1  }
0x284: {  	v32 =	vor.u32 $0x3, v2;
	v33 =	vpop (erf)  }
0x285: {  	[tilespmem:v29+s25+$0x0] =	vst.idx.msk $0xffff, v33  }
0x286: {  	v4 =	vld.idx.msk [tilespmem:v30+s20+$0x0], $0xffff  }
0x287: {  	v34 =	vld.idx.msk [tilespmem:v31+s21+$0x0], $0xffff;
	_ =	sdelay $0x1  }
0x288: {  	v35 =	vld.idx.msk [tilespmem:v32+s17+$0x0], $0xffff;
	_ =	sdelay $0x2  }
0x289: {  	v4 =	vadd.f32 v34, v4;
	_ =	sdelay $0x1  }
0x28a: {  	v4 =	vadd.f32 v35, v4;
	_ =	sdelay $0x1  }
0x28b: {  	v36 =	vmul.f32 $2.000000030e-01, v4  }
0x28c: {  	vm11 =	vge.f32 v4, $0.0e+00  }
0x28d: {  	v4 =	vsel vm11, v4, v36  }
0x28e: {  	v4 =	vmul.f32 $1.442695020e+00, v4;
	_ =	sdelay $0x1  }
0x28f: {  	(erf) = vpow2.f32 v4;
	_ =	sdelay $0x4  }
0x290: {  	v37 =	vor.u32 $0x3, v1  }
0x291: {  	v38 =	vor.u32 $0x4, v3  }
0x292: {  	v39 =	vor.u32 $0xC, v3;
	_ =	sdelay $0x1  }
0x293: {  	v40 =	vor.u32 $0x4, v2;
	v41 =	vpop (erf)  }
0x294: {  	[tilespmem:v37+s25+$0x0] =	vst.idx.msk $0xffff, v41  }
0x295: {  	v4 =	vld.idx.msk [tilespmem:v38+s20+$0x0], $0xffff  }
0x296: {  	v42 =	vld.idx.msk [tilespmem:v39+s21+$0x0], $0xffff;
	_ =	sdelay $0x1  }
0x297: {  	v43 =	vld.idx.msk [tilespmem:v40+s17+$0x0], $0xffff;
	_ =	sdelay $0x2  }
0x298: {  	v4 =	vadd.f32 v42, v4;
	_ =	sdelay $0x1  }
0x299: {  	v4 =	vadd.f32 v43, v4;
	_ =	sdelay $0x1  }
0x29a: {  	v44 =	vmul.f32 $2.000000030e-01, v4  }
0x29b: {  	vm12 =	vge.f32 v4, $0.0e+00  }
0x29c: {  	v4 =	vsel vm12, v4, v44  }
0x29d: {  	v4 =	vmul.f32 $1.442695020e+00, v4;
	_ =	sdelay $0x1  }
0x29e: {  	(erf) = vpow2.f32 v4;
	_ =	sdelay $0x4  }
0x29f: {  	v45 =	vor.u32 $0x4, v1  }
0x2a0: {  	v46 =	vor.u32 $0x5, v3  }
0x2a1: {  	v47 =	vor.u32 $0xD, v3;
	_ =	sdelay $0x1  }
0x2a2: {  	v48 =	vor.u32 $0x5, v2;
	v49 =	vpop (erf)  }
0x2a3: {  	[tilespmem:v45+s25+$0x0] =	vst.idx.msk $0xffff, v49  }
0x2a4: {  	v4 =	vld.idx.msk [tilespmem:v46+s20+$0x0], $0xffff  }
0x2a5: {  	v50 =	vld.idx.msk [tilespmem:v47+s21+$0x0], $0xffff;
	_ =	sdelay $0x1  }
0x2a6: {  	v51 =	vld.idx.msk [tilespmem:v48+s17+$0x0], $0xffff;
	_ =	sdelay $0x2  }
0x2a7: {  	v4 =	vadd.f32 v50, v4;
	_ =	sdelay $0x1  }
0x2a8: {  	v4 =	vadd.f32 v51, v4;
	_ =	sdelay $0x1  }
0x2a9: {  	v52 =	vmul.f32 $2.000000030e-01, v4  }
0x2aa: {  	vm13 =	vge.f32 v4, $0.0e+00  }
0x2ab: {  	v4 =	vsel vm13, v4, v52  }
0x2ac: {  	v4 =	vmul.f32 $1.442695020e+00, v4;
	_ =	sdelay $0x1  }
0x2ad: {  	(erf) = vpow2.f32 v4;
	_ =	sdelay $0x4  }
0x2ae: {  	v53 =	vor.u32 $0x5, v1  }
0x2af: {  	v54 =	vor.u32 $0x6, v3  }
0x2b0: {  	v55 =	vor.u32 $0xE, v3;
	_ =	sdelay $0x1  }
0x2b1: {  	v56 =	vor.u32 $0x6, v2;
	v57 =	vpop (erf)  }
0x2b2: {  	[tilespmem:v53+s25+$0x0] =	vst.idx.msk $0xffff, v57  }
0x2b3: {  	v4 =	vld.idx.msk [tilespmem:v54+s20+$0x0], $0xffff  }
0x2b4: {  	v58 =	vld.idx.msk [tilespmem:v55+s21+$0x0], $0xffff;
	_ =	sdelay $0x1  }
0x2b5: {  	v59 =	vld.idx.msk [tilespmem:v56+s17+$0x0], $0xffff;
	_ =	sdelay $0x2  }
0x2b6: {  	v4 =	vadd.f32 v58, v4;
	_ =	sdelay $0x1  }
0x2b7: {  	v4 =	vadd.f32 v59, v4;
	_ =	sdelay $0x1  }
0x2b8: {  	v60 =	vmul.f32 $2.000000030e-01, v4  }
0x2b9: {  	vm14 =	vge.f32 v4, $0.0e+00  }
0x2ba: {  	v4 =	vsel vm14, v4, v60  }
0x2bb: {  	v4 =	vmul.f32 $1.442695020e+00, v4;
	_ =	sdelay $0x1  }
0x2bc: {  	(erf) = vpow2.f32 v4;
	_ =	sdelay $0x4  }
0x2bd: {  	v61 =	vor.u32 $0x6, v1  }
0x2be: {  	v62 =	vor.u32 $0x7, v3  }
0x2bf: {  	v3 =	vor.u32 $0xF, v3;
	_ =	sdelay $0x1  }
0x2c0: {  	v2 =	vor.u32 $0x7, v2;
	v63 =	vpop (erf)  }
0x2c1: {  	[tilespmem:v61+s25+$0x0] =	vst.idx.msk $0xffff, v63  }
0x2c2: {  	v4 =	vld.idx.msk [tilespmem:v62+s20+$0x0], $0xffff  }
0x2c3: {  	v3 =	vld.idx.msk [tilespmem:v3+s21+$0x0], $0xffff;
	_ =	sdelay $0x1  }
0x2c4: {  	v2 =	vld.idx.msk [tilespmem:v2+s17+$0x0], $0xffff;
	_ =	sdelay $0x2  }
0x2c5: {  	v3 =	vadd.f32 v3, v4;
	_ =	sdelay $0x1  }
0x2c6: {  	v2 =	vadd.f32 v2, v3;
	_ =	sdelay $0x1  }
0x2c7: {  	v3 =	vmul.f32 $2.000000030e-01, v2  }
0x2c8: {  	vm15 =	vge.f32 v2, $0.0e+00  }
0x2c9: {  	v2 =	vsel vm15, v2, v3  }
0x2ca: {  	v2 =	vmul.f32 $1.442695020e+00, v2;
	_ =	sdelay $0x1  }
0x2cb: {  	s1 =	simm.s32 $0x10;
	(erf) = vpow2.f32 v2  }
.LBB2_8:
0x2cc: {  	p0 =	sne.s32 s1, $0x40  }
0x2cd: {  	s0 =	sadd.s32 $0x10, s0;
	s5 =	smov.u32 s1;
	s1 =	sadd.s32 $0x10, s1  }
0x2ce: {  	_ = 	snop  }
0x2cf: {  	v1 =	vor.u32 $0x7, v1;
	_ =	sdelay $0x4  }
0x2d0: {  	v2 =	vpop (erf)  }
0x2d1: {  	[tilespmem:v1+s25+$0x0] =	vst.idx.msk $0xffff, v2  }
0x2d2: {  	v1 =	vor.u32 s5, v0;
	v3 =	vld [tilespmem:s0+$0x0]  }
0x2d3: {  	v2 =	vshll.u32 v1, $0x4  }
0x2d4: {  	v4 =	vor.u32 $0x8, v2;
	_ =	sdelay $0x2  }
0x2d5: {  	v3 =	vshll.u32 v3, $0x3;
	_ =	sdelay $0x1  }
0x2d6: {  	v4 =	vld.idx.msk [tilespmem:v4+s21+$0x0], $0xffff  }
0x2d7: {  	v5 =	vld.idx.msk [tilespmem:v2+s20+$0x0], $0xffff;
	_ =	sdelay $0x1  }
0x2d8: {  	v6 =	vld.idx.msk [tilespmem:v3+s17+$0x0], $0xffff;
	_ =	sdelay $0x3  }
0x2d9: {  	v4 =	vadd.f32 v4, v5;
	_ =	sdelay $0x1  }
0x2da: {  	v4 =	vadd.f32 v6, v4;
	_ =	sdelay $0x1  }
0x2db: {  	vm0 =	vge.f32 v4, $0.0e+00;
	v5 =	vmul.f32 $2.000000030e-01, v4;
	_ =	sdelay $0x1  }
0x2dc: {  	v4 =	vsel vm0, v4, v5  }
0x2dd: {  	v4 =	vmul.f32 $1.442695020e+00, v4;
	_ =	sdelay $0x1  }
0x2de: {  	(erf) = vpow2.f32 v4;
	_ =	sdelay $0x4  }
0x2df: {  	v1 =	vshll.u32 v1, $0x3  }
0x2e0: {  	v4 =	vor.u32 $0x1, v2  }
0x2e1: {  	v5 =	vor.u32 $0x9, v2  }
0x2e2: {  	v6 =	vor.u32 $0x1, v3  }
0x2e3: {  	v7 =	vpop (erf)  }
0x2e4: {  	[tilespmem:v1+s25+$0x0] =	vst.idx.msk $0xffff, v7  }
0x2e5: {  	v4 =	vld.idx.msk [tilespmem:v4+s20+$0x0], $0xffff  }
0x2e6: {  	v5 =	vld.idx.msk [tilespmem:v5+s21+$0x0], $0xffff  }
0x2e7: {  	v6 =	vld.idx.msk [tilespmem:v6+s17+$0x0], $0xffff;
	_ =	sdelay $0x4  }
0x2e8: {  	v4 =	vadd.f32 v5, v4;
	_ =	sdelay $0x1  }
0x2e9: {  	v4 =	vadd.f32 v6, v4;
	_ =	sdelay $0x1  }
0x2ea: {  	v5 =	vmul.f32 $2.000000030e-01, v4  }
0x2eb: {  	vm0 =	vge.f32 v4, $0.0e+00  }
0x2ec: {  	v4 =	vsel vm0, v4, v5  }
0x2ed: {  	v4 =	vmul.f32 $1.442695020e+00, v4;
	_ =	sdelay $0x1  }
0x2ee: {  	(erf) = vpow2.f32 v4;
	_ =	sdelay $0x4  }
0x2ef: {  	v4 =	vor.u32 $0x1, v1  }
0x2f0: {  	v5 =	vor.u32 $0x2, v2  }
0x2f1: {  	v6 =	vor.u32 $0xA, v2;
	_ =	sdelay $0x1  }
0x2f2: {  	v7 =	vor.u32 $0x2, v3;
	v8 =	vpop (erf)  }
0x2f3: {  	[tilespmem:v4+s25+$0x0] =	vst.idx.msk $0xffff, v8  }
0x2f4: {  	v4 =	vld.idx.msk [tilespmem:v5+s20+$0x0], $0xffff  }
0x2f5: {  	v5 =	vld.idx.msk [tilespmem:v6+s21+$0x0], $0xffff;
	_ =	sdelay $0x1  }
0x2f6: {  	v6 =	vld.idx.msk [tilespmem:v7+s17+$0x0], $0xffff;
	_ =	sdelay $0x3  }
0x2f7: {  	v4 =	vadd.f32 v5, v4;
	_ =	sdelay $0x1  }
0x2f8: {  	v4 =	vadd.f32 v6, v4;
	_ =	sdelay $0x1  }
0x2f9: {  	v5 =	vmul.f32 $2.000000030e-01, v4  }
0x2fa: {  	vm0 =	vge.f32 v4, $0.0e+00  }
0x2fb: {  	v4 =	vsel vm0, v4, v5  }
0x2fc: {  	v4 =	vmul.f32 $1.442695020e+00, v4;
	_ =	sdelay $0x1  }
0x2fd: {  	(erf) = vpow2.f32 v4;
	_ =	sdelay $0x4  }
0x2fe: {  	v4 =	vor.u32 $0x2, v1  }
0x2ff: {  	v5 =	vor.u32 $0x3, v2  }
0x300: {  	v6 =	vor.u32 $0xB, v2;
	_ =	sdelay $0x1  }
0x301: {  	v7 =	vor.u32 $0x3, v3;
	v8 =	vpop (erf)  }
0x302: {  	[tilespmem:v4+s25+$0x0] =	vst.idx.msk $0xffff, v8  }
0x303: {  	v4 =	vld.idx.msk [tilespmem:v5+s20+$0x0], $0xffff  }
0x304: {  	v5 =	vld.idx.msk [tilespmem:v6+s21+$0x0], $0xffff;
	_ =	sdelay $0x1  }
0x305: {  	v6 =	vld.idx.msk [tilespmem:v7+s17+$0x0], $0xffff;
	_ =	sdelay $0x3  }
0x306: {  	v4 =	vadd.f32 v5, v4;
	_ =	sdelay $0x1  }
0x307: {  	v4 =	vadd.f32 v6, v4;
	_ =	sdelay $0x1  }
0x308: {  	v5 =	vmul.f32 $2.000000030e-01, v4  }
0x309: {  	vm0 =	vge.f32 v4, $0.0e+00  }
0x30a: {  	v4 =	vsel vm0, v4, v5  }
0x30b: {  	v4 =	vmul.f32 $1.442695020e+00, v4;
	_ =	sdelay $0x1  }
0x30c: {  	(erf) = vpow2.f32 v4;
	_ =	sdelay $0x4  }
0x30d: {  	v4 =	vor.u32 $0x3, v1  }
0x30e: {  	v5 =	vor.u32 $0x4, v2  }
0x30f: {  	v6 =	vor.u32 $0xC, v2  }
0x310: {  	v7 =	vor.u32 $0x4, v3  }
0x311: {  	v8 =	vpop (erf)  }
0x312: {  	[tilespmem:v4+s25+$0x0] =	vst.idx.msk $0xffff, v8  }
0x313: {  	v4 =	vld.idx.msk [tilespmem:v5+s20+$0x0], $0xffff  }
0x314: {  	v5 =	vld.idx.msk [tilespmem:v6+s21+$0x0], $0xffff  }
0x315: {  	v6 =	vld.idx.msk [tilespmem:v7+s17+$0x0], $0xffff;
	_ =	sdelay $0x4  }
0x316: {  	v4 =	vadd.f32 v5, v4;
	_ =	sdelay $0x1  }
0x317: {  	v4 =	vadd.f32 v6, v4;
	_ =	sdelay $0x1  }
0x318: {  	v5 =	vmul.f32 $2.000000030e-01, v4  }
0x319: {  	vm0 =	vge.f32 v4, $0.0e+00  }
0x31a: {  	v4 =	vsel vm0, v4, v5  }
0x31b: {  	v4 =	vmul.f32 $1.442695020e+00, v4;
	_ =	sdelay $0x1  }
0x31c: {  	(erf) = vpow2.f32 v4;
	_ =	sdelay $0x4  }
0x31d: {  	v4 =	vor.u32 $0x4, v1  }
0x31e: {  	v5 =	vor.u32 $0x5, v2  }
0x31f: {  	v6 =	vor.u32 $0xD, v2  }
0x320: {  	v7 =	vor.u32 $0x5, v3  }
0x321: {  	v8 =	vpop (erf)  }
0x322: {  	[tilespmem:v4+s25+$0x0] =	vst.idx.msk $0xffff, v8  }
0x323: {  	v4 =	vld.idx.msk [tilespmem:v5+s20+$0x0], $0xffff  }
0x324: {  	v5 =	vld.idx.msk [tilespmem:v6+s21+$0x0], $0xffff  }
0x325: {  	v6 =	vld.idx.msk [tilespmem:v7+s17+$0x0], $0xffff;
	_ =	sdelay $0x4  }
0x326: {  	v4 =	vadd.f32 v5, v4;
	_ =	sdelay $0x1  }
0x327: {  	v4 =	vadd.f32 v6, v4;
	_ =	sdelay $0x1  }
0x328: {  	v5 =	vmul.f32 $2.000000030e-01, v4  }
0x329: {  	vm0 =	vge.f32 v4, $0.0e+00  }
0x32a: {  	v4 =	vsel vm0, v4, v5  }
0x32b: {  	v4 =	vmul.f32 $1.442695020e+00, v4;
	_ =	sdelay $0x1  }
0x32c: {  	(erf) = vpow2.f32 v4;
	_ =	sdelay $0x4  }
0x32d: {  	v4 =	vor.u32 $0x5, v1  }
0x32e: {  	v5 =	vor.u32 $0x6, v2  }
0x32f: {  	v6 =	vor.u32 $0xE, v2  }
0x330: {  	v7 =	vor.u32 $0x6, v3  }
0x331: {  	v8 =	vpop (erf)  }
0x332: {  	[tilespmem:v4+s25+$0x0] =	vst.idx.msk $0xffff, v8  }
0x333: {  	v4 =	vld.idx.msk [tilespmem:v5+s20+$0x0], $0xffff  }
0x334: {  	v5 =	vld.idx.msk [tilespmem:v6+s21+$0x0], $0xffff  }
0x335: {  	v6 =	vld.idx.msk [tilespmem:v7+s17+$0x0], $0xffff;
	_ =	sdelay $0x4  }
0x336: {  	v4 =	vadd.f32 v5, v4;
	_ =	sdelay $0x1  }
0x337: {  	v4 =	vadd.f32 v6, v4;
	_ =	sdelay $0x1  }
0x338: {  	v5 =	vmul.f32 $2.000000030e-01, v4  }
0x339: {  	vm0 =	vge.f32 v4, $0.0e+00  }
0x33a: {  	v4 =	vsel vm0, v4, v5  }
0x33b: {  	v4 =	vmul.f32 $1.442695020e+00, v4;
	_ =	sdelay $0x1  }
0x33c: {  	(erf) = vpow2.f32 v4;
	_ =	sdelay $0x4  }
0x33d: {  	v4 =	vor.u32 $0x6, v1  }
0x33e: {  	v5 =	vor.u32 $0x7, v2  }
0x33f: {  	v2 =	vor.u32 $0xF, v2  }
0x340: {  	v3 =	vor.u32 $0x7, v3  }
0x341: {  	v6 =	vpop (erf)  }
0x342: {  	[tilespmem:v4+s25+$0x0] =	vst.idx.msk $0xffff, v6  }
0x343: {  	v4 =	vld.idx.msk [tilespmem:v5+s20+$0x0], $0xffff  }
0x344: {  	v2 =	vld.idx.msk [tilespmem:v2+s21+$0x0], $0xffff  }
0x345: {  	v3 =	vld.idx.msk [tilespmem:v3+s17+$0x0], $0xffff;
	_ =	sdelay $0x4  }
0x346: {  	v2 =	vadd.f32 v2, v4;
	_ =	sdelay $0x1  }
0x347: {  	v2 =	vadd.f32 v3, v2;
	_ =	sdelay $0x1  }
0x348: {  	vm0 =	vge.f32 v2, $0.0e+00;
	v3 =	vmul.f32 $2.000000030e-01, v2  }
.Ltmp3:
0x349: {  	(pc) =	sbr.rel @p0 .LBB2_8-.Ltmp3, $3  }
0x34a: {  	v2 =	vsel vm0, v2, v3  }
0x34b: {  	v2 =	vmul.f32 $1.442695020e+00, v2;
	_ =	sdelay $0x1  }
0x34c: {  	(erf) = vpow2.f32 v2  }
0x34d: {  	_ =	sdelay $0x3  }
0x34e: {  	v1 =	vor.u32 $0x7, v1;
	_ =	sdelay $0x3  }
0x34f: {  	v2 =	vpop (erf)  }
0x350: {  	[tilespmem:v1+s25+$0x0] =	vst.idx.msk $0xffff, v2  }
0x351: {  	[hbm4b:s12+s3] =	stream.linear.scatter [tilespmem:s25], [sflag:$0x3], $0x280, $0x38;
	[tilespmem:$0x9FD0] =	vst v63  }
0x352: {  	s0 =	simm.s32 $0x4DD0  }
0x353: {  	[spmem:s2] =	stream.indirect.scatter.add.f32 [tilespmem:s25], [sflag:$0x4], $0x8, s0, s19, $0xb8;
	[tilespmem:$0x9FD0] =	vst v63  }
0x354: {  	_ =	swait.ge [sflag:s16], $0x280  }
0x355: {  	[sflag:s16] =	ssyncset.done $0x0  }
0x356: {  	[sflag:s16] =	ssyncadd.s32 $0xFFFFFD80  }
0x357: {  	_ =	swait.ge [sflag:s26], $0x280  }
0x358: {  	s30 =	sadd.s32 $0x1, s30;
	[sflag:s26] =	ssyncset.done $0x0  }
0x359: {  	p0 =	sne.s32 s30, s14;
	[sflag:s26] =	ssyncadd.s32 $0xFFFFFD80  }
.Ltmp4:
0x35a: {  	[bflag:$0x0] =	sbarrier.arrive $0xFFFF;
	(pc) =	sbr.rel @p0 .LBB2_1-.Ltmp4, $4  }
0x35b: {  	[hbm:s13], [sflag:s7] =	dma.local [spmem:s15], $0x280  }
0x35c: {  	_ =	swait.ge [sflag:s16], $0x280  }
0x35d: {  	[sflag:s16] =	ssyncset.done $0x0  }
0x35e: {  	[sflag:s16] =	ssyncadd.s32 $0xFFFFFD80  }
0x35f: {  	_ =	sfence.sel $0x180000  }
0x360: {  	[bflag:$0x0] =	sbarrier.arrive $0xFFFF  }
0x361: {  	_ =	strace $0x90000047  }
0x362: {  	s0 =	stileid.u32;
	[bflag:$0x2] =	sbarrier.arrive $0xFFFF  }
0x363: {  	p0 =	sne.s32 s0, $0x0;
	s0 =	rddreg [dreg:$0x4]  }
0x364: {  	s0 =	sadd.s32 @!p0 $0x100000, s0  }
0x365: {  	[sflag:s0] =	ssyncadd.tile.s32 @!p0 $0x1;
	_ =	shalt  }
.Lfunc_end2:
_tile_overlayer_lowered:
.L_overlay_start_2:
0x366: {  	(tag) =	ssettag $0x2  }
0x367: {  	s0 =	rddreg [dreg:$0x0];
	s2 =	stileid.u32  }
0x368: {  	s1 =	rddreg [dreg:$0x1];
	p0 =	sne.s32 s2, $0x0  }
0x369: {  	s3 =	rddreg [dreg:$0x2];
	[bflag:$0x3] =	sbarrier.arrive $0xFFFF;
	s2 =	simm.s32 @!p0 $0x1C04  }
0x36a: {  	[timem:s3], [sflag:s2] =	dma.local @!p0 [hbm:s0], s1  }
0x36b: {  	s0 =	simm.s32 @!p0 $0x4  }
0x36c: {  	_ =	swait.ge @!p0 [sflag:s0], s1  }
0x36d: {  	s1 =	ssub.s32 @!p0 $0x0, s1;
	[sflag:s0] =	ssyncset.done @!p0 $0x0  }
0x36e: {  	[sflag:s0] =	ssyncadd.s32 @!p0 s1  }
0x36f: {  	[bflag:$0x3] =	sbarrier.arrive $0xFFFF  }
0x370: {  	_ =	shalt  }

</sc_bundles>
